<compile_context>
chip_gen: v7x
topology: tpu7x:2x2x1
jax: 0.10.2.dev20260603
libtpu: 0.0.44.dev20260713+nightly
codegen_flags: <defaults>
</compile_context>

<pallas_src>
import functools

import jax
import jax.numpy as jnp
from jax import lax
from jax.experimental import pallas as pl
from jax.experimental.pallas import tpu as pltpu
from jax.experimental.pallas import tpu_sc as plsc

N = 10000
E = 320000
D = 128
G = 64
NC = 2
NS = 16
NW = NC * NS
WIN = 128
NWIN = E // WIN
WIN_BASE = NWIN // NW
WIN_REM = NWIN % NW
ROWBLK = 640
NZWIN = (N + WIN - 1) // WIN
ZWPT = 5

_mesh = functools.partial(
    plsc.VectorSubcoreMesh, core_axis_name="c", subcore_axis_name="s")


def _wid():
  return lax.axis_index("s") * NC + lax.axis_index("c")


def _vconsts():
  lane = lax.iota(jnp.int32, 16)
  zero16 = plsc.bitcast(lane * 0, jnp.float32)
  one16 = plsc.bitcast(lane * 0 + 0x3F800000, jnp.float32)
  return lane, zero16, one16


def _sload(ref, i):
  return ref[pl.ds(i, 16)][0]


@functools.partial(
    pl.kernel,
    out_type=jax.ShapeDtypeStruct((NC * N,), jnp.float32),
    mesh=_mesh(),
    scratch_types=[
        pltpu.VMEM((WIN,), jnp.int32),
        pltpu.VMEM((WIN,), jnp.int32),
        pltpu.VMEM((WIN,), jnp.float32),
        pltpu.VMEM((WIN,), jnp.float32),
        pltpu.VMEM((ROWBLK,), jnp.float32),
        pltpu.VMEM_SHARED((N,), jnp.float32),
        pltpu.SemaphoreType.DMA,
        pltpu.SemaphoreType.DMA,
    ],
)
def _deg_kernel(dst2d, iidx2d, ones_hbm, zer_hbm, out,
                didxA, didxB, ones_v, zer_v, stage, acc, semA, semB):
  cid = lax.axis_index("c")
  sid = lax.axis_index("s")
  wid = _wid()
  pltpu.sync_copy(ones_hbm, ones_v)
  pltpu.sync_copy(zer_hbm, zer_v)

  @pl.loop(0, ZWPT)
  def _(j):
    pltpu.sync_copy(iidx2d.at[sid * ZWPT + j], didxA)
    pltpu.sync_copy(zer_v, acc.at[didxA])

  plsc.subcore_barrier()

  base = wid * WIN_BASE + jnp.minimum(wid, WIN_REM)
  nwin = WIN_BASE + jnp.where(wid < WIN_REM, 1, 0)

  pltpu.sync_copy(dst2d.at[base], didxA)

  @pl.when(nwin > 1)
  def _():
    pltpu.async_copy(dst2d.at[base + 1], didxB, semB)

  @pl.loop(0, nwin, step=2)
  def _(w):
    pltpu.sync_copy(ones_v, acc.at[didxA], add=True)

    @pl.when(w + 2 < nwin)
    def _():
      pltpu.async_copy(dst2d.at[base + w + 2], didxA, semA)

    @pl.when(w + 1 < nwin)
    def _():
      pltpu.make_async_copy(dst2d.at[base + w + 1], didxB, semB).wait()
      pltpu.sync_copy(ones_v, acc.at[didxB], add=True)

      @pl.when(w + 3 < nwin)
      def _():
        pltpu.async_copy(dst2d.at[base + w + 3], didxB, semB)

    @pl.when(w + 2 < nwin)
    def _():
      pltpu.make_async_copy(dst2d.at[base + w + 2], didxA, semA).wait()

  plsc.subcore_barrier()
  st = jnp.minimum(sid * ROWBLK, N - ROWBLK)
  off = pl.multiple_of(cid * N + st, 16)
  pltpu.sync_copy(acc.at[pl.ds(st, ROWBLK)], stage)
  pltpu.sync_copy(stage, out.at[pl.ds(off, ROWBLK)])


@functools.partial(
    pl.kernel,
    out_type=jax.ShapeDtypeStruct((NC, N, D), jnp.float32),
    mesh=_mesh(),
    scratch_types=[
        pltpu.VMEM((WIN,), jnp.int32),
        pltpu.VMEM((WIN,), jnp.int32),
        pltpu.VMEM((WIN,), jnp.int32),
        pltpu.VMEM((WIN,), jnp.int32),
        pltpu.VMEM((WIN, D), jnp.float32),
        pltpu.VMEM((WIN, D), jnp.float32),
        pltpu.VMEM_SHARED((N, D), jnp.float32),
        pltpu.SemaphoreType.DMA,
        pltpu.SemaphoreType.DMA,
        pltpu.SemaphoreType.DMA,
        pltpu.SemaphoreType.DMA,
    ],
)
def _scatter_kernel(u_hbm, src2d, dst2d, iidx2d, zrows_hbm, out,
                    sidxA, didxA, sidxB, didxB, rowsA, rowsB, sacc,
                    semGA, semGB, semIA, semIB):
  cid = lax.axis_index("c")
  sid = lax.axis_index("s")
  wid = _wid()

  pltpu.sync_copy(iidx2d.at[sid * ZWPT], sidxA)
  pltpu.async_copy(zrows_hbm.at[sidxA], rowsA, semGA).wait()

  @pl.loop(0, ZWPT)
  def _(j):
    pltpu.sync_copy(iidx2d.at[sid * ZWPT + j], sidxA)
    pltpu.sync_copy(rowsA, sacc.at[sidxA])

  plsc.subcore_barrier()

  base = wid * WIN_BASE + jnp.minimum(wid, WIN_REM)
  nwin = WIN_BASE + jnp.where(wid < WIN_REM, 1, 0)

  def start_idx(win, si, di, sem):
    pltpu.async_copy(src2d.at[win], si, sem)
    pltpu.async_copy(dst2d.at[win], di, sem)

  def wait_idx(win, si, di, sem):
    pltpu.make_async_copy(src2d.at[win], si, sem).wait()
    pltpu.make_async_copy(dst2d.at[win], di, sem).wait()

  def start_g(si, rows, sem):
    pltpu.async_copy(u_hbm.at[si], rows, sem)

  def wait_g(si, rows, sem):
    pltpu.make_async_copy(u_hbm.at[si], rows, sem).wait()

  pltpu.sync_copy(src2d.at[base], sidxA)
  pltpu.sync_copy(dst2d.at[base], didxA)
  start_g(sidxA, rowsA, semGA)

  @pl.when(nwin > 1)
  def _():
    pltpu.sync_copy(src2d.at[base + 1], sidxB)
    pltpu.sync_copy(dst2d.at[base + 1], didxB)
    start_g(sidxB, rowsB, semGB)

  @pl.loop(0, nwin, step=2)
  def _(w):
    wait_g(sidxA, rowsA, semGA)
    pltpu.sync_copy(rowsA, sacc.at[didxA], add=True)

    @pl.when(w + 2 < nwin)
    def _():
      start_idx(base + w + 2, sidxA, didxA, semIA)
      wait_idx(base + w + 2, sidxA, didxA, semIA)
      start_g(sidxA, rowsA, semGA)

    @pl.when(w + 1 < nwin)
    def _():
      wait_g(sidxB, rowsB, semGB)
      pltpu.sync_copy(rowsB, sacc.at[didxB], add=True)

      @pl.when(w + 3 < nwin)
      def _():
        start_idx(base + w + 3, sidxB, didxB, semIB)
        wait_idx(base + w + 3, sidxB, didxB, semIB)
        start_g(sidxB, rowsB, semGB)

  plsc.subcore_barrier()
  st = jnp.minimum(sid * ROWBLK, N - ROWBLK)
  pltpu.sync_copy(sacc.at[pl.ds(st, ROWBLK)], out.at[cid, pl.ds(st, ROWBLK)])


NPAD = N + 16


@functools.partial(
    pl.kernel,
    out_type=jax.ShapeDtypeStruct((G * D,), jnp.float32),
    mesh=_mesh(),
    scratch_types=[
        pltpu.VMEM((NPAD,), jnp.int32),
        pltpu.VMEM((NPAD,), jnp.float32),
        pltpu.VMEM((NPAD,), jnp.int32),
        pltpu.VMEM((WIN,), jnp.int32),
        pltpu.VMEM((WIN, D), jnp.float32),
        pltpu.VMEM((D,), jnp.float32),
        pltpu.SemaphoreType.DMA,
    ],
)
def _pool_kernel(batch_hbm, score_hbm, hp_hbm, iidx2d, zer_hbm, out,
                 bb, sb, fl, ridx, hb, ab, sem):
  wid = _wid()
  lane, _, _ = _vconsts()
  pltpu.sync_copy(batch_hbm, bb.at[pl.ds(0, N)])
  pltpu.sync_copy(score_hbm, sb.at[pl.ds(0, N)])
  bb[pl.ds(N, 16)] = lane * 0 + G
  pltpu.sync_copy(zer_hbm.at[pl.ds(0, 16)], sb.at[pl.ds(N, 16)])

  def lower_bound(val):
    def body(_, lohi):
      lo, hi = lohi
      mid = (lo + hi) // 2
      p = _sload(bb, mid) < val
      return jnp.where(p, mid + 1, lo), jnp.where(p, hi, mid)
    lo, _ = lax.fori_loop(0, 14, body, (jnp.int32(0), jnp.int32(N)))
    return lo

  for gg in range(2):
    g = wid * 2 + gg
    st = lower_bound(g)
    en = lower_bound(g + 1)
    c = en - st
    kk = (c + 1) // 2
    pltpu.sync_copy(zer_hbm, ab)

    @pl.when(c > 0)
    def _():
      nchunk = (c + 15) // 16

      @pl.loop(0, nchunk)
      def _(ic):
        ibase = st + ic * 16
        iv = ibase + lane
        si = sb[pl.ds(ibase, 16)]

        def jbody(j, cnt):
          sj = _sload(sb, j)
          hit = (sj > si) | ((sj == si) & (j < iv))
          return cnt + jnp.where(hit, 1, 0)

        cnt = lax.fori_loop(st, en, jbody, lane * 0)
        selv = (cnt < kk) & (iv < en)
        fl[pl.ds(ic * 16, 16)] = jnp.where(selv, 1, 0)

      wb = st // WIN
      nhw = (en - wb * WIN + WIN - 1) // WIN

      @pl.loop(0, nhw)
      def _(wj):
        pltpu.sync_copy(iidx2d.at[wb + wj], ridx)
        pltpu.async_copy(hp_hbm.at[ridx], hb, sem).wait()

        @pl.loop(0, WIN)
        def _(r):
          gr = (wb + wj) * WIN + r
          ok = (gr >= st) & (gr < en)

          @pl.when(ok)
          def _():
            @pl.when(_sload(fl, gr - st) > 0)
            def _():
              for v in range(D // 16):
                sl = pl.ds(v * 16, 16)
                ab[sl] = jnp.maximum(ab[sl], hb[r, sl])

    off = pl.multiple_of(g * D, 16)
    pltpu.sync_copy(ab, out.at[pl.ds(off, D)])


_BLK = 400
_DOT = dict(preferred_element_type=jnp.float32, precision=lax.Precision.HIGHEST)


def _tca_body(x_ref, w_ref, degt_ref, u_ref):
  h = jnp.dot(x_ref[...], w_ref[...], **_DOT)
  deg = degt_ref[:, 0:1] + degt_ref[:, 1:2] + 1.0
  dinv = jnp.where(deg > 0, lax.rsqrt(deg), 0.0)
  u_ref[...] = h * dinv


def _tcc_body(p_ref, wl_ref, bl_ref, o_ref):
  o_ref[...] = jnp.dot(p_ref[...], wl_ref[...], **_DOT) + bl_ref[...]


def _tcb_body(s_ref, u_ref, degt_ref, b_ref, w_ref, score_ref, hp_ref):
  s_sum = s_ref[0] + s_ref[1]
  deg = degt_ref[:, 0:1] + degt_ref[:, 1:2] + 1.0
  dinv = jnp.where(deg > 0, lax.rsqrt(deg), 0.0)
  htot = dinv * (s_sum + u_ref[...]) + b_ref[...]
  w = w_ref[...]
  nw = jnp.sqrt(jnp.sum(w * w))
  z = jnp.dot(htot, w, **_DOT) / nw
  sc = jnp.tanh(z)
  score_ref[...] = sc
  hp_ref[...] = jnp.maximum(htot * sc, 0.0)


def kernel(x, edge_index, batch, W_conv, b_conv, w_pool, W_lin, b_lin):
  src2d = edge_index[0].reshape(NWIN, WIN)
  dst2d = edge_index[1].reshape(NWIN, WIN)
  flat = jnp.minimum(jnp.arange((NZWIN + 1) * WIN, dtype=jnp.int32), N - 1)
  iidx2d = jnp.concatenate(
      [flat, jnp.arange(WIN, dtype=jnp.int32)]).reshape(NZWIN + 2, WIN)
  zrows = jnp.zeros((N, D), jnp.float32)
  ones1 = jnp.ones((WIN,), jnp.float32)
  zer1 = jnp.zeros((WIN,), jnp.float32)

  degp = _deg_kernel(dst2d, iidx2d, ones1, zer1).reshape(NC, N)
  degt = degp.T

  u = pl.pallas_call(
      _tca_body,
      grid=(N // _BLK,),
      in_specs=[
          pl.BlockSpec((_BLK, D), lambda i: (i, 0)),
          pl.BlockSpec((D, D), lambda i: (0, 0)),
          pl.BlockSpec((_BLK, 2), lambda i: (i, 0)),
      ],
      out_specs=pl.BlockSpec((_BLK, D), lambda i: (i, 0)),
      out_shape=jax.ShapeDtypeStruct((N, D), jnp.float32),
  )(x, W_conv, degt)

  s_partials = _scatter_kernel(u, src2d, dst2d, iidx2d, zrows)

  score2, hp = pl.pallas_call(
      _tcb_body,
      grid=(N // _BLK,),
      in_specs=[
          pl.BlockSpec((NC, _BLK, D), lambda i: (0, i, 0)),
          pl.BlockSpec((_BLK, D), lambda i: (i, 0)),
          pl.BlockSpec((_BLK, 2), lambda i: (i, 0)),
          pl.BlockSpec((1, D), lambda i: (0, 0)),
          pl.BlockSpec((D, 1), lambda i: (0, 0)),
      ],
      out_specs=[
          pl.BlockSpec((_BLK, 1), lambda i: (i, 0)),
          pl.BlockSpec((_BLK, D), lambda i: (i, 0)),
      ],
      out_shape=[
          jax.ShapeDtypeStruct((N, 1), jnp.float32),
          jax.ShapeDtypeStruct((N, D), jnp.float32),
      ],
  )(s_partials, u, degt, b_conv.reshape(1, D), w_pool.reshape(D, 1))

  pooled = _pool_kernel(
      batch, score2.reshape(N), hp, iidx2d, zer1).reshape(G, D)

  out = pl.pallas_call(
      _tcc_body,
      in_specs=[
          pl.BlockSpec((G, D), lambda: (0, 0)),
          pl.BlockSpec((D, D), lambda: (0, 0)),
          pl.BlockSpec((1, D), lambda: (0, 0)),
      ],
      out_specs=pl.BlockSpec((G, D), lambda: (0, 0)),
      out_shape=jax.ShapeDtypeStruct((G, D), jnp.float32),
  )(pooled, W_lin, b_lin.reshape(1, D))
  return out

# --- scband reference (transcript-rebuilt; emitter-appended) ---
"""Pipeline reference for scband-gnn-cluster-pooling-41059887350345 (READ-ONLY COPY).

The authoritative reference and input builder live on the scoring server;
editing this copy changes nothing except your own understanding.
"""

import jax, jax.numpy as jnp
import numpy as np

N = 10000
E = 320000
D_IN = 128
D_HID = 128
D_OUT = 128
G = 64
RATIO = 0.5


def setup_inputs(seed: int = 0):
    key = jax.random.key(seed)
    ks = jax.random.split(key, 10)
    x = jax.random.normal(ks[0], (N, D_IN), dtype=jnp.float32)
    edge_index = jax.random.randint(ks[1], (2, E), 0, N, dtype=jnp.int32)
    batch = jnp.sort(jax.random.randint(ks[2], (N,), 0, G, dtype=jnp.int32))
    W_conv = jax.random.normal(ks[3], (D_IN, D_HID), dtype=jnp.float32) * (1.0 / np.sqrt(D_IN))
    b_conv = jnp.zeros((D_HID,), dtype=jnp.float32)
    w_pool = jax.random.normal(ks[4], (D_HID,), dtype=jnp.float32) * (1.0 / np.sqrt(D_HID))
    W_lin = jax.random.normal(ks[5], (D_HID, D_OUT), dtype=jnp.float32) * (1.0 / np.sqrt(D_HID))
    b_lin = jnp.zeros((D_OUT,), dtype=jnp.float32)
    return {"x": x, "edge_index": edge_index, "batch": batch,
            "W_conv": W_conv, "b_conv": b_conv, "w_pool": w_pool,
            "W_lin": W_lin, "b_lin": b_lin}


def _forward(x, edge_index, batch, W_conv, b_conv, w_pool, W_lin, b_lin):
    n = x.shape[0]
    src = edge_index[0]
    dst = edge_index[1]
    # --- GCNConv: add self loops, symmetric normalization, sum aggregation ---
    loop = jnp.arange(n, dtype=src.dtype)
    s = jnp.concatenate([src, loop])
    d = jnp.concatenate([dst, loop])
    deg = jnp.zeros((n,), x.dtype).at[d].add(1.0)
    dinv = jnp.where(deg > 0, jax.lax.rsqrt(deg), 0.0)
    norm = dinv[s] * dinv[d]
    h = x @ W_conv
    agg = jnp.zeros((n, h.shape[1]), x.dtype).at[d].add(h[s] * norm[:, None])
    h = agg + b_conv
    # --- TopKPooling (ratio=0.5, tanh nonlinearity) ---
    score = jnp.tanh((h @ w_pool) / jnp.linalg.norm(w_pool))
    counts = jnp.bincount(batch, length=G)
    k = jnp.ceil(RATIO * counts.astype(jnp.float32)).astype(jnp.int32)
    # rank of each node within its graph, by descending score
    order = jnp.lexsort((-score, batch))
    starts = jnp.concatenate([jnp.zeros((1,), jnp.int32),
                              jnp.cumsum(counts)[:-1].astype(jnp.int32)])
    b_sorted = batch[order]
    rank = jnp.arange(n, dtype=jnp.int32) - starts[b_sorted]
    sel_sorted = rank < k[b_sorted]
    mask = jnp.zeros((n,), bool).at[order].set(sel_sorted)
    # x = x[perm] * score[perm]; then F.relu(x). Kept at static shape via mask
    # (edges are unused after pooling since layer=1, so this is exact).
    hp = jax.nn.relu(h * score[:, None])
    neg_inf = jnp.asarray(-jnp.inf, x.dtype)
    vals = jnp.where(mask[:, None], hp, neg_inf)
    # --- global_max_pool over surviving nodes per graph ---
    pooled = jax.ops.segment_max(vals, batch, num_segments=G)
    pooled = jnp.where(jnp.isfinite(pooled), pooled, 0.0)
    # dropout is identity in eval mode; final Linear
    return pooled @ W_lin + b_lin


def reference(x, edge_index, batch, W_conv, b_conv, w_pool, W_lin, b_lin):
    return _forward(x, edge_index, batch, W_conv, b_conv, w_pool, W_lin, b_lin)

if __name__ == "__main__":
    import jax
    _d = setup_inputs()
    print(jax.jit(kernel)(*tuple(_d.values())))

</pallas_src>

<mosaic_0001>
#map = affine_map<(d0, d1) -> (0, 0)>
#map1 = affine_map<(d0, d1) -> (0)>
module attributes {stable_mosaic.version = 14 : i64} {
  func.func @_deg_kernel(%arg0: i32, %arg1: i32, %arg2: memref<2500x128xi32, #tpu.memory_space<hbm>>, %arg3: memref<81x128xi32, #tpu.memory_space<hbm>>, %arg4: memref<128xf32, #tpu.memory_space<hbm>>, %arg5: memref<128xf32, #tpu.memory_space<hbm>>, %arg6: memref<20000xf32, #tpu.memory_space<hbm>>, %arg7: memref<128xi32, #tpu.memory_space<vmem>>, %arg8: memref<128xi32, #tpu.memory_space<vmem>>, %arg9: memref<128xf32, #tpu.memory_space<vmem>>, %arg10: memref<128xf32, #tpu.memory_space<vmem>>, %arg11: memref<640xf32, #tpu.memory_space<vmem>>, %arg12: memref<10000xf32, #tpu.memory_space<vmem_shared>>, %arg13: memref<!tpu.dma_semaphore, #tpu.memory_space<semaphore_mem>>, %arg14: memref<!tpu.dma_semaphore, #tpu.memory_space<semaphore_mem>>) attributes {dimension_semantics = [#tpu.dimension_semantics<core_parallel>, #tpu.dimension_semantics<subcore_parallel>], iteration_bounds = array<i64: 2, 16>, scalar_prefetch = 0 : i64, scratch_operands = 8 : i64, tpu.core_type = #tpu.core_type<sc_vector_subcore>, window_params = [{transform_indices = #map}, {transform_indices = #map}, {transform_indices = #map1}, {transform_indices = #map1}, {transform_indices = #map1}]} {
    %mul3A = arith.constant 2 : i32
    %mul3A_0 = arith.muli %arg1, %mul3A : i32
    %add3A = arith.addi %mul3A_0, %arg0 : i32
    "tpu.region"() ({
      %run_scoped3A = tpu.sem_alloc : memref<!tpu.dma_semaphore, #tpu.memory_space<semaphore_mem>>
      tpu.enqueue_dma source(%arg4 : memref<128xf32, #tpu.memory_space<hbm>>) target(%arg9 : memref<128xf32, #tpu.memory_space<vmem>>) target_semaphore(%run_scoped3A : memref<!tpu.dma_semaphore, #tpu.memory_space<semaphore_mem>>)
      tpu.wait_dma2 semaphore(%run_scoped3A : memref<!tpu.dma_semaphore, #tpu.memory_space<semaphore_mem>>) src(%arg4 : memref<128xf32, #tpu.memory_space<hbm>>) dst(%arg9 : memref<128xf32, #tpu.memory_space<vmem>>)
      tpu.yield
    }) : () -> ()
    "tpu.region"() ({
      %run_scoped3A = tpu.sem_alloc : memref<!tpu.dma_semaphore, #tpu.memory_space<semaphore_mem>>
      tpu.enqueue_dma source(%arg5 : memref<128xf32, #tpu.memory_space<hbm>>) target(%arg10 : memref<128xf32, #tpu.memory_space<vmem>>) target_semaphore(%run_scoped3A : memref<!tpu.dma_semaphore, #tpu.memory_space<semaphore_mem>>)
      tpu.wait_dma2 semaphore(%run_scoped3A : memref<!tpu.dma_semaphore, #tpu.memory_space<semaphore_mem>>) src(%arg5 : memref<128xf32, #tpu.memory_space<hbm>>) dst(%arg10 : memref<128xf32, #tpu.memory_space<vmem>>)
      tpu.yield
    }) : () -> ()
    %scan3A = arith.constant 0 : i32
    %scan3A_1 = arith.constant 5 : i32
    %scan3A_2 = arith.addi %scan3A, %scan3A_1 : i32
    %scan3A_3 = arith.constant 1 : i32
    scf.for %scan3A_39 = %scan3A to %scan3A_2 step %scan3A_3  : i32 {
      %mul3A_40 = arith.constant 1 : i32
      %mul3A_41 = arith.muli %scan3A_39, %mul3A_40 : i32
      %add3A_42 = arith.constant 0 : i32
      %add3A_43 = arith.addi %add3A_42, %mul3A_41 : i32
      %mul3A_44 = arith.constant 5 : i32
      %mul3A_45 = arith.muli %arg1, %mul3A_44 : i32
      %add3A_46 = arith.addi %mul3A_45, %add3A_43 : i32
      "tpu.region"() ({
        %run_scoped3A = tpu.sem_alloc : memref<!tpu.dma_semaphore, #tpu.memory_space<semaphore_mem>>
        %dma_start3A = arith.constant 0 : i32
        %dma_start3A_47 = tpu.memref_slice %arg3[%add3A_46, %dma_start3A] : memref<81x128xi32, #tpu.memory_space<hbm>> -> memref<1x128xi32, #tpu.memory_space<hbm>>
        %dma_start3A_48 = tpu.memref_squeeze %dma_start3A_47 : memref<1x128xi32, #tpu.memory_space<hbm>> -> memref<128xi32, #tpu.memory_space<hbm>>
        %dma_start3A_49 = arith.constant 0 : i32
        %dma_start3A_50 = tpu.memref_slice %arg3[%add3A_46, %dma_start3A_49] : memref<81x128xi32, #tpu.memory_space<hbm>> -> memref<1x128xi32, #tpu.memory_space<hbm>>
        %dma_start3A_51 = tpu.memref_squeeze %dma_start3A_50 : memref<1x128xi32, #tpu.memory_space<hbm>> -> memref<128xi32, #tpu.memory_space<hbm>>
        tpu.enqueue_dma source(%dma_start3A_51 : memref<128xi32, #tpu.memory_space<hbm>>) target(%arg7 : memref<128xi32, #tpu.memory_space<vmem>>) target_semaphore(%run_scoped3A : memref<!tpu.dma_semaphore, #tpu.memory_space<semaphore_mem>>)
        %dma_wait3A = arith.constant 0 : i32
        %dma_wait3A_52 = tpu.memref_slice %arg3[%add3A_46, %dma_wait3A] : memref<81x128xi32, #tpu.memory_space<hbm>> -> memref<1x128xi32, #tpu.memory_space<hbm>>
        %dma_wait3A_53 = tpu.memref_squeeze %dma_wait3A_52 : memref<1x128xi32, #tpu.memory_space<hbm>> -> memref<128xi32, #tpu.memory_space<hbm>>
        %dma_wait3A_54 = arith.constant 0 : i32
        %dma_wait3A_55 = tpu.memref_slice %arg3[%add3A_46, %dma_wait3A_54] : memref<81x128xi32, #tpu.memory_space<hbm>> -> memref<1x128xi32, #tpu.memory_space<hbm>>
        %dma_wait3A_56 = tpu.memref_squeeze %dma_wait3A_55 : memref<1x128xi32, #tpu.memory_space<hbm>> -> memref<128xi32, #tpu.memory_space<hbm>>
        tpu.wait_dma2 semaphore(%run_scoped3A : memref<!tpu.dma_semaphore, #tpu.memory_space<semaphore_mem>>) src(%dma_wait3A_56 : memref<128xi32, #tpu.memory_space<hbm>>) dst(%arg7 : memref<128xi32, #tpu.memory_space<vmem>>)
        tpu.yield
      }) : () -> ()
      "tpu.region"() ({
        %run_scoped3A = tpu.sem_alloc : memref<!tpu.dma_semaphore, #tpu.memory_space<semaphore_mem>>
        %dma_start3A = arith.constant 0 : i32
        %dma_start3A_47 = tpu.memref_slice %arg12[%dma_start3A] : memref<10000xf32, #tpu.memory_space<vmem_shared>> -> memref<10000xf32, #tpu.memory_space<vmem_shared>>
        tpu.enqueue_indirect_dma source(%arg10 : memref<128xf32, #tpu.memory_space<vmem>>) target(%dma_start3A_47 : memref<10000xf32, #tpu.memory_space<vmem_shared>>) offsets(%arg7 : memref<128xi32, #tpu.memory_space<vmem>>) semaphore(%run_scoped3A : memref<!tpu.dma_semaphore, #tpu.memory_space<semaphore_mem>>)
        %dma_wait3A = arith.constant 0 : i32
        %dma_wait3A_48 = tpu.memref_slice %arg12[%dma_wait3A] : memref<10000xf32, #tpu.memory_space<vmem_shared>> -> memref<10000xf32, #tpu.memory_space<vmem_shared>>
        tpu.wait_indirect_dma semaphore(%run_scoped3A : memref<!tpu.dma_semaphore, #tpu.memory_space<semaphore_mem>>) src(%arg10 : memref<128xf32, #tpu.memory_space<vmem>>) dst(%dma_wait3A_48 : memref<10000xf32, #tpu.memory_space<vmem_shared>>)
        tpu.yield
      }) : () -> ()
    }
    %scan3A_4 = arith.constant 5 : i32
    %barrier3A = arith.constant 0 : index
    tpu.barrier barrier_id(%barrier3A)
    %mul3A_5 = arith.constant 78 : i32
    %mul3A_6 = arith.muli %add3A, %mul3A_5 : i32
    %min3A = arith.constant 4 : i32
    %min3A_7 = arith.minsi %add3A, %min3A : i32
    %add3A_8 = arith.addi %mul3A_6, %min3A_7 : i32
    %lt3A = arith.constant 4 : i32
    %lt3A_9 = arith.cmpi slt, %add3A, %lt3A : i32
    %jit3A = arith.constant 1 : i32
    %jit3A_10 = arith.constant 0 : i32
    %select_n3A = arith.select %lt3A_9, %jit3A, %jit3A_10 : i32
    %add3A_11 = arith.constant 78 : i32
    %add3A_12 = arith.addi %add3A_11, %select_n3A : i32
    "tpu.region"() ({
      %run_scoped3A = tpu.sem_alloc : memref<!tpu.dma_semaphore, #tpu.memory_space<semaphore_mem>>
      %dma_start3A = arith.constant 0 : i32
      %dma_start3A_39 = tpu.memref_slice %arg2[%add3A_8, %dma_start3A] : memref<2500x128xi32, #tpu.memory_space<hbm>> -> memref<1x128xi32, #tpu.memory_space<hbm>>
      %dma_start3A_40 = tpu.memref_squeeze %dma_start3A_39 : memref<1x128xi32, #tpu.memory_space<hbm>> -> memref<128xi32, #tpu.memory_space<hbm>>
      %dma_start3A_41 = arith.constant 0 : i32
      %dma_start3A_42 = tpu.memref_slice %arg2[%add3A_8, %dma_start3A_41] : memref<2500x128xi32, #tpu.memory_space<hbm>> -> memref<1x128xi32, #tpu.memory_space<hbm>>
      %dma_start3A_43 = tpu.memref_squeeze %dma_start3A_42 : memref<1x128xi32, #tpu.memory_space<hbm>> -> memref<128xi32, #tpu.memory_space<hbm>>
      tpu.enqueue_dma source(%dma_start3A_43 : memref<128xi32, #tpu.memory_space<hbm>>) target(%arg7 : memref<128xi32, #tpu.memory_space<vmem>>) target_semaphore(%run_scoped3A : memref<!tpu.dma_semaphore, #tpu.memory_space<semaphore_mem>>)
      %dma_wait3A = arith.constant 0 : i32
      %dma_wait3A_44 = tpu.memref_slice %arg2[%add3A_8, %dma_wait3A] : memref<2500x128xi32, #tpu.memory_space<hbm>> -> memref<1x128xi32, #tpu.memory_space<hbm>>
      %dma_wait3A_45 = tpu.memref_squeeze %dma_wait3A_44 : memref<1x128xi32, #tpu.memory_space<hbm>> -> memref<128xi32, #tpu.memory_space<hbm>>
      %dma_wait3A_46 = arith.constant 0 : i32
      %dma_wait3A_47 = tpu.memref_slice %arg2[%add3A_8, %dma_wait3A_46] : memref<2500x128xi32, #tpu.memory_space<hbm>> -> memref<1x128xi32, #tpu.memory_space<hbm>>
      %dma_wait3A_48 = tpu.memref_squeeze %dma_wait3A_47 : memref<1x128xi32, #tpu.memory_space<hbm>> -> memref<128xi32, #tpu.memory_space<hbm>>
      tpu.wait_dma2 semaphore(%run_scoped3A : memref<!tpu.dma_semaphore, #tpu.memory_space<semaphore_mem>>) src(%dma_wait3A_48 : memref<128xi32, #tpu.memory_space<hbm>>) dst(%arg7 : memref<128xi32, #tpu.memory_space<vmem>>)
      tpu.yield
    }) : () -> ()
    %gt3A = arith.constant 1 : i32
    %gt3A_13 = arith.cmpi sgt, %add3A_12, %gt3A : i32
    %convert_element_type3A = arith.extui %gt3A_13 : i1 to i32
    %cond3A = arith.constant 0 : i32
    %cond3A_14 = arith.cmpi ne, %convert_element_type3A, %cond3A : i32
    scf.if %cond3A_14 {
      %add3A_39 = arith.constant 1 : i32
      %add3A_40 = arith.addi %add3A_8, %add3A_39 : i32
      %dma_start3A = arith.constant 0 : i32
      %dma_start3A_41 = tpu.memref_slice %arg2[%add3A_40, %dma_start3A] : memref<2500x128xi32, #tpu.memory_space<hbm>> -> memref<1x128xi32, #tpu.memory_space<hbm>>
      %dma_start3A_42 = tpu.memref_squeeze %dma_start3A_41 : memref<1x128xi32, #tpu.memory_space<hbm>> -> memref<128xi32, #tpu.memory_space<hbm>>
      %dma_start3A_43 = arith.constant 0 : i32
      %dma_start3A_44 = tpu.memref_slice %arg2[%add3A_40, %dma_start3A_43] : memref<2500x128xi32, #tpu.memory_space<hbm>> -> memref<1x128xi32, #tpu.memory_space<hbm>>
      %dma_start3A_45 = tpu.memref_squeeze %dma_start3A_44 : memref<1x128xi32, #tpu.memory_space<hbm>> -> memref<128xi32, #tpu.memory_space<hbm>>
      tpu.enqueue_dma source(%dma_start3A_45 : memref<128xi32, #tpu.memory_space<hbm>>) target(%arg8 : memref<128xi32, #tpu.memory_space<vmem>>) target_semaphore(%arg14 : memref<!tpu.dma_semaphore, #tpu.memory_space<semaphore_mem>>)
    } else {
    }
    %sub3A = arith.constant 0 : i32
    %sub3A_15 = arith.subi %add3A_12, %sub3A : i32
    %sub3A_16 = arith.constant 2 : i32
    %sub3A_17 = arith.constant 1 : i32
    %sub3A_18 = arith.subi %sub3A_16, %sub3A_17 : i32
    %add3A_19 = arith.addi %sub3A_15, %sub3A_18 : i32
    %div3A = arith.constant 2 : i32
    %div3A_20 = arith.divsi %add3A_19, %div3A : i32
    %while3A = arith.constant 2 : i32
    %while3A_21 = arith.constant 0 : i32
    %while3A_22 = arith.constant 0 : i32
    %while3A_23 = arith.subi %div3A_20, %while3A_22 : i32
    %while3A_24 = arith.addi %while3A_22, %while3A_23 : i32
    %while3A_25 = arith.constant 1 : i32
    %while3A_26 = arith.divsi %while3A_23, %while3A_25 : i32
    %while3A_27 = arith.muli %while3A_26, %while3A_25 : i32
    %while3A_28 = arith.addi %while3A_22, %while3A_27 : i32
    %while3A_29 = arith.constant 1 : i32
    scf.for %while3A_39 = %while3A_22 to %while3A_28 step %while3A_29  : i32 {
      %mul3A_40 = arith.muli %while3A_39, %while3A : i32
      %add3A_41 = arith.addi %while3A_21, %mul3A_40 : i32
      "tpu.region"() ({
        %run_scoped3A = tpu.sem_alloc : memref<!tpu.dma_semaphore, #tpu.memory_space<semaphore_mem>>
        %dma_start3A = arith.constant 0 : i32
        %dma_start3A_60 = tpu.memref_slice %arg12[%dma_start3A] : memref<10000xf32, #tpu.memory_space<vmem_shared>> -> memref<10000xf32, #tpu.memory_space<vmem_shared>>
        tpu.enqueue_indirect_dma source(%arg9 : memref<128xf32, #tpu.memory_space<vmem>>) target(%dma_start3A_60 : memref<10000xf32, #tpu.memory_space<vmem_shared>>) offsets(%arg7 : memref<128xi32, #tpu.memory_space<vmem>>) semaphore(%run_scoped3A : memref<!tpu.dma_semaphore, #tpu.memory_space<semaphore_mem>>) {add = true}
        %dma_wait3A = arith.constant 0 : i32
        %dma_wait3A_61 = tpu.memref_slice %arg12[%dma_wait3A] : memref<10000xf32, #tpu.memory_space<vmem_shared>> -> memref<10000xf32, #tpu.memory_space<vmem_shared>>
        tpu.wait_indirect_dma semaphore(%run_scoped3A : memref<!tpu.dma_semaphore, #tpu.memory_space<semaphore_mem>>) src(%arg9 : memref<128xf32, #tpu.memory_space<vmem>>) dst(%dma_wait3A_61 : memref<10000xf32, #tpu.memory_space<vmem_shared>>)
        tpu.yield
      }) : () -> ()
      %add3A_42 = arith.constant 2 : i32
      %add3A_43 = arith.addi %add3A_41, %add3A_42 : i32
      %lt3A_44 = arith.cmpi slt, %add3A_43, %add3A_12 : i32
      %convert_element_type3A_45 = arith.extui %lt3A_44 : i1 to i32
      %cond3A_46 = arith.constant 0 : i32
      %cond3A_47 = arith.cmpi ne, %convert_element_type3A_45, %cond3A_46 : i32
      scf.if %cond3A_47 {
        %add3A_60 = arith.addi %add3A_8, %add3A_41 : i32
        %add3A_61 = arith.constant 2 : i32
        %add3A_62 = arith.addi %add3A_60, %add3A_61 : i32
        %dma_start3A = arith.constant 0 : i32
        %dma_start3A_63 = tpu.memref_slice %arg2[%add3A_62, %dma_start3A] : memref<2500x128xi32, #tpu.memory_space<hbm>> -> memref<1x128xi32, #tpu.memory_space<hbm>>
        %dma_start3A_64 = tpu.memref_squeeze %dma_start3A_63 : memref<1x128xi32, #tpu.memory_space<hbm>> -> memref<128xi32, #tpu.memory_space<hbm>>
        %dma_start3A_65 = arith.constant 0 : i32
        %dma_start3A_66 = tpu.memref_slice %arg2[%add3A_62, %dma_start3A_65] : memref<2500x128xi32, #tpu.memory_space<hbm>> -> memref<1x128xi32, #tpu.memory_space<hbm>>
        %dma_start3A_67 = tpu.memref_squeeze %dma_start3A_66 : memref<1x128xi32, #tpu.memory_space<hbm>> -> memref<128xi32, #tpu.memory_space<hbm>>
        tpu.enqueue_dma source(%dma_start3A_67 : memref<128xi32, #tpu.memory_space<hbm>>) target(%arg7 : memref<128xi32, #tpu.memory_space<vmem>>) target_semaphore(%arg13 : memref<!tpu.dma_semaphore, #tpu.memory_space<semaphore_mem>>)
      } else {
      }
      %add3A_48 = arith.constant 1 : i32
      %add3A_49 = arith.addi %add3A_41, %add3A_48 : i32
      %lt3A_50 = arith.cmpi slt, %add3A_49, %add3A_12 : i32
      %convert_element_type3A_51 = arith.extui %lt3A_50 : i1 to i32
      %cond3A_52 = arith.constant 0 : i32
      %cond3A_53 = arith.cmpi ne, %convert_element_type3A_51, %cond3A_52 : i32
      scf.if %cond3A_53 {
        %add3A_60 = arith.addi %add3A_8, %add3A_41 : i32
        %add3A_61 = arith.constant 1 : i32
        %add3A_62 = arith.addi %add3A_60, %add3A_61 : i32
        %dma_wait3A = arith.constant 0 : i32
        %dma_wait3A_63 = tpu.memref_slice %arg2[%add3A_62, %dma_wait3A] : memref<2500x128xi32, #tpu.memory_space<hbm>> -> memref<1x128xi32, #tpu.memory_space<hbm>>
        %dma_wait3A_64 = tpu.memref_squeeze %dma_wait3A_63 : memref<1x128xi32, #tpu.memory_space<hbm>> -> memref<128xi32, #tpu.memory_space<hbm>>
        %dma_wait3A_65 = arith.constant 0 : i32
        %dma_wait3A_66 = tpu.memref_slice %arg2[%add3A_62, %dma_wait3A_65] : memref<2500x128xi32, #tpu.memory_space<hbm>> -> memref<1x128xi32, #tpu.memory_space<hbm>>
        %dma_wait3A_67 = tpu.memref_squeeze %dma_wait3A_66 : memref<1x128xi32, #tpu.memory_space<hbm>> -> memref<128xi32, #tpu.memory_space<hbm>>
        tpu.wait_dma2 semaphore(%arg14 : memref<!tpu.dma_semaphore, #tpu.memory_space<semaphore_mem>>) src(%dma_wait3A_67 : memref<128xi32, #tpu.memory_space<hbm>>) dst(%arg8 : memref<128xi32, #tpu.memory_space<vmem>>)
        "tpu.region"() ({
          %run_scoped3A = tpu.sem_alloc : memref<!tpu.dma_semaphore, #tpu.memory_space<semaphore_mem>>
          %dma_start3A = arith.constant 0 : i32
          %dma_start3A_74 = tpu.memref_slice %arg12[%dma_start3A] : memref<10000xf32, #tpu.memory_space<vmem_shared>> -> memref<10000xf32, #tpu.memory_space<vmem_shared>>
          tpu.enqueue_indirect_dma source(%arg9 : memref<128xf32, #tpu.memory_space<vmem>>) target(%dma_start3A_74 : memref<10000xf32, #tpu.memory_space<vmem_shared>>) offsets(%arg8 : memref<128xi32, #tpu.memory_space<vmem>>) semaphore(%run_scoped3A : memref<!tpu.dma_semaphore, #tpu.memory_space<semaphore_mem>>) {add = true}
          %dma_wait3A_75 = arith.constant 0 : i32
          %dma_wait3A_76 = tpu.memref_slice %arg12[%dma_wait3A_75] : memref<10000xf32, #tpu.memory_space<vmem_shared>> -> memref<10000xf32, #tpu.memory_space<vmem_shared>>
          tpu.wait_indirect_dma semaphore(%run_scoped3A : memref<!tpu.dma_semaphore, #tpu.memory_space<semaphore_mem>>) src(%arg9 : memref<128xf32, #tpu.memory_space<vmem>>) dst(%dma_wait3A_76 : memref<10000xf32, #tpu.memory_space<vmem_shared>>)
          tpu.yield
        }) : () -> ()
        %add3A_68 = arith.constant 3 : i32
        %add3A_69 = arith.addi %add3A_41, %add3A_68 : i32
        %lt3A_70 = arith.cmpi slt, %add3A_69, %add3A_12 : i32
        %convert_element_type3A_71 = arith.extui %lt3A_70 : i1 to i32
        %cond3A_72 = arith.constant 0 : i32
        %cond3A_73 = arith.cmpi ne, %convert_element_type3A_71, %cond3A_72 : i32
        scf.if %cond3A_73 {
          %add3A_74 = arith.addi %add3A_8, %add3A_41 : i32
          %add3A_75 = arith.constant 3 : i32
          %add3A_76 = arith.addi %add3A_74, %add3A_75 : i32
          %dma_start3A = arith.constant 0 : i32
          %dma_start3A_77 = tpu.memref_slice %arg2[%add3A_76, %dma_start3A] : memref<2500x128xi32, #tpu.memory_space<hbm>> -> memref<1x128xi32, #tpu.memory_space<hbm>>
          %dma_start3A_78 = tpu.memref_squeeze %dma_start3A_77 : memref<1x128xi32, #tpu.memory_space<hbm>> -> memref<128xi32, #tpu.memory_space<hbm>>
          %dma_start3A_79 = arith.constant 0 : i32
          %dma_start3A_80 = tpu.memref_slice %arg2[%add3A_76, %dma_start3A_79] : memref<2500x128xi32, #tpu.memory_space<hbm>> -> memref<1x128xi32, #tpu.memory_space<hbm>>
          %dma_start3A_81 = tpu.memref_squeeze %dma_start3A_80 : memref<1x128xi32, #tpu.memory_space<hbm>> -> memref<128xi32, #tpu.memory_space<hbm>>
          tpu.enqueue_dma source(%dma_start3A_81 : memref<128xi32, #tpu.memory_space<hbm>>) target(%arg8 : memref<128xi32, #tpu.memory_space<vmem>>) target_semaphore(%arg14 : memref<!tpu.dma_semaphore, #tpu.memory_space<semaphore_mem>>)
        } else {
        }
      } else {
      }
      %add3A_54 = arith.constant 2 : i32
      %add3A_55 = arith.addi %add3A_41, %add3A_54 : i32
      %lt3A_56 = arith.cmpi slt, %add3A_55, %add3A_12 : i32
      %convert_element_type3A_57 = arith.extui %lt3A_56 : i1 to i32
      %cond3A_58 = arith.constant 0 : i32
      %cond3A_59 = arith.cmpi ne, %convert_element_type3A_57, %cond3A_58 : i32
      scf.if %cond3A_59 {
        %add3A_60 = arith.addi %add3A_8, %add3A_41 : i32
        %add3A_61 = arith.constant 2 : i32
        %add3A_62 = arith.addi %add3A_60, %add3A_61 : i32
        %dma_wait3A = arith.constant 0 : i32
        %dma_wait3A_63 = tpu.memref_slice %arg2[%add3A_62, %dma_wait3A] : memref<2500x128xi32, #tpu.memory_space<hbm>> -> memref<1x128xi32, #tpu.memory_space<hbm>>
        %dma_wait3A_64 = tpu.memref_squeeze %dma_wait3A_63 : memref<1x128xi32, #tpu.memory_space<hbm>> -> memref<128xi32, #tpu.memory_space<hbm>>
        %dma_wait3A_65 = arith.constant 0 : i32
        %dma_wait3A_66 = tpu.memref_slice %arg2[%add3A_62, %dma_wait3A_65] : memref<2500x128xi32, #tpu.memory_space<hbm>> -> memref<1x128xi32, #tpu.memory_space<hbm>>
        %dma_wait3A_67 = tpu.memref_squeeze %dma_wait3A_66 : memref<1x128xi32, #tpu.memory_space<hbm>> -> memref<128xi32, #tpu.memory_space<hbm>>
        tpu.wait_dma2 semaphore(%arg13 : memref<!tpu.dma_semaphore, #tpu.memory_space<semaphore_mem>>) src(%dma_wait3A_67 : memref<128xi32, #tpu.memory_space<hbm>>) dst(%arg7 : memref<128xi32, #tpu.memory_space<vmem>>)
      } else {
      }
    }
    %while3A_30 = arith.constant 1 : i32
    scf.for %while3A_39 = %while3A_28 to %while3A_24 step %while3A_30  : i32 {
      %mul3A_40 = arith.muli %while3A_39, %while3A : i32
      %add3A_41 = arith.addi %while3A_21, %mul3A_40 : i32
      "tpu.region"() ({
        %run_scoped3A = tpu.sem_alloc : memref<!tpu.dma_semaphore, #tpu.memory_space<semaphore_mem>>
        %dma_start3A = arith.constant 0 : i32
        %dma_start3A_60 = tpu.memref_slice %arg12[%dma_start3A] : memref<10000xf32, #tpu.memory_space<vmem_shared>> -> memref<10000xf32, #tpu.memory_space<vmem_shared>>
        tpu.enqueue_indirect_dma source(%arg9 : memref<128xf32, #tpu.memory_space<vmem>>) target(%dma_start3A_60 : memref<10000xf32, #tpu.memory_space<vmem_shared>>) offsets(%arg7 : memref<128xi32, #tpu.memory_space<vmem>>) semaphore(%run_scoped3A : memref<!tpu.dma_semaphore, #tpu.memory_space<semaphore_mem>>) {add = true}
        %dma_wait3A = arith.constant 0 : i32
        %dma_wait3A_61 = tpu.memref_slice %arg12[%dma_wait3A] : memref<10000xf32, #tpu.memory_space<vmem_shared>> -> memref<10000xf32, #tpu.memory_space<vmem_shared>>
        tpu.wait_indirect_dma semaphore(%run_scoped3A : memref<!tpu.dma_semaphore, #tpu.memory_space<semaphore_mem>>) src(%arg9 : memref<128xf32, #tpu.memory_space<vmem>>) dst(%dma_wait3A_61 : memref<10000xf32, #tpu.memory_space<vmem_shared>>)
        tpu.yield
      }) : () -> ()
      %add3A_42 = arith.constant 2 : i32
      %add3A_43 = arith.addi %add3A_41, %add3A_42 : i32
      %lt3A_44 = arith.cmpi slt, %add3A_43, %add3A_12 : i32
      %convert_element_type3A_45 = arith.extui %lt3A_44 : i1 to i32
      %cond3A_46 = arith.constant 0 : i32
      %cond3A_47 = arith.cmpi ne, %convert_element_type3A_45, %cond3A_46 : i32
      scf.if %cond3A_47 {
        %add3A_60 = arith.addi %add3A_8, %add3A_41 : i32
        %add3A_61 = arith.constant 2 : i32
        %add3A_62 = arith.addi %add3A_60, %add3A_61 : i32
        %dma_start3A = arith.constant 0 : i32
        %dma_start3A_63 = tpu.memref_slice %arg2[%add3A_62, %dma_start3A] : memref<2500x128xi32, #tpu.memory_space<hbm>> -> memref<1x128xi32, #tpu.memory_space<hbm>>
        %dma_start3A_64 = tpu.memref_squeeze %dma_start3A_63 : memref<1x128xi32, #tpu.memory_space<hbm>> -> memref<128xi32, #tpu.memory_space<hbm>>
        %dma_start3A_65 = arith.constant 0 : i32
        %dma_start3A_66 = tpu.memref_slice %arg2[%add3A_62, %dma_start3A_65] : memref<2500x128xi32, #tpu.memory_space<hbm>> -> memref<1x128xi32, #tpu.memory_space<hbm>>
        %dma_start3A_67 = tpu.memref_squeeze %dma_start3A_66 : memref<1x128xi32, #tpu.memory_space<hbm>> -> memref<128xi32, #tpu.memory_space<hbm>>
        tpu.enqueue_dma source(%dma_start3A_67 : memref<128xi32, #tpu.memory_space<hbm>>) target(%arg7 : memref<128xi32, #tpu.memory_space<vmem>>) target_semaphore(%arg13 : memref<!tpu.dma_semaphore, #tpu.memory_space<semaphore_mem>>)
      } else {
      }
      %add3A_48 = arith.constant 1 : i32
      %add3A_49 = arith.addi %add3A_41, %add3A_48 : i32
      %lt3A_50 = arith.cmpi slt, %add3A_49, %add3A_12 : i32
      %convert_element_type3A_51 = arith.extui %lt3A_50 : i1 to i32
      %cond3A_52 = arith.constant 0 : i32
      %cond3A_53 = arith.cmpi ne, %convert_element_type3A_51, %cond3A_52 : i32
      scf.if %cond3A_53 {
        %add3A_60 = arith.addi %add3A_8, %add3A_41 : i32
        %add3A_61 = arith.constant 1 : i32
        %add3A_62 = arith.addi %add3A_60, %add3A_61 : i32
        %dma_wait3A = arith.constant 0 : i32
        %dma_wait3A_63 = tpu.memref_slice %arg2[%add3A_62, %dma_wait3A] : memref<2500x128xi32, #tpu.memory_space<hbm>> -> memref<1x128xi32, #tpu.memory_space<hbm>>
        %dma_wait3A_64 = tpu.memref_squeeze %dma_wait3A_63 : memref<1x128xi32, #tpu.memory_space<hbm>> -> memref<128xi32, #tpu.memory_space<hbm>>
        %dma_wait3A_65 = arith.constant 0 : i32
        %dma_wait3A_66 = tpu.memref_slice %arg2[%add3A_62, %dma_wait3A_65] : memref<2500x128xi32, #tpu.memory_space<hbm>> -> memref<1x128xi32, #tpu.memory_space<hbm>>
        %dma_wait3A_67 = tpu.memref_squeeze %dma_wait3A_66 : memref<1x128xi32, #tpu.memory_space<hbm>> -> memref<128xi32, #tpu.memory_space<hbm>>
        tpu.wait_dma2 semaphore(%arg14 : memref<!tpu.dma_semaphore, #tpu.memory_space<semaphore_mem>>) src(%dma_wait3A_67 : memref<128xi32, #tpu.memory_space<hbm>>) dst(%arg8 : memref<128xi32, #tpu.memory_space<vmem>>)
        "tpu.region"() ({
          %run_scoped3A = tpu.sem_alloc : memref<!tpu.dma_semaphore, #tpu.memory_space<semaphore_mem>>
          %dma_start3A = arith.constant 0 : i32
          %dma_start3A_74 = tpu.memref_slice %arg12[%dma_start3A] : memref<10000xf32, #tpu.memory_space<vmem_shared>> -> memref<10000xf32, #tpu.memory_space<vmem_shared>>
          tpu.enqueue_indirect_dma source(%arg9 : memref<128xf32, #tpu.memory_space<vmem>>) target(%dma_start3A_74 : memref<10000xf32, #tpu.memory_space<vmem_shared>>) offsets(%arg8 : memref<128xi32, #tpu.memory_space<vmem>>) semaphore(%run_scoped3A : memref<!tpu.dma_semaphore, #tpu.memory_space<semaphore_mem>>) {add = true}
          %dma_wait3A_75 = arith.constant 0 : i32
          %dma_wait3A_76 = tpu.memref_slice %arg12[%dma_wait3A_75] : memref<10000xf32, #tpu.memory_space<vmem_shared>> -> memref<10000xf32, #tpu.memory_space<vmem_shared>>
          tpu.wait_indirect_dma semaphore(%run_scoped3A : memref<!tpu.dma_semaphore, #tpu.memory_space<semaphore_mem>>) src(%arg9 : memref<128xf32, #tpu.memory_space<vmem>>) dst(%dma_wait3A_76 : memref<10000xf32, #tpu.memory_space<vmem_shared>>)
          tpu.yield
        }) : () -> ()
        %add3A_68 = arith.constant 3 : i32
        %add3A_69 = arith.addi %add3A_41, %add3A_68 : i32
        %lt3A_70 = arith.cmpi slt, %add3A_69, %add3A_12 : i32
        %convert_element_type3A_71 = arith.extui %lt3A_70 : i1 to i32
        %cond3A_72 = arith.constant 0 : i32
        %cond3A_73 = arith.cmpi ne, %convert_element_type3A_71, %cond3A_72 : i32
        scf.if %cond3A_73 {
          %add3A_74 = arith.addi %add3A_8, %add3A_41 : i32
          %add3A_75 = arith.constant 3 : i32
          %add3A_76 = arith.addi %add3A_74, %add3A_75 : i32
          %dma_start3A = arith.constant 0 : i32
          %dma_start3A_77 = tpu.memref_slice %arg2[%add3A_76, %dma_start3A] : memref<2500x128xi32, #tpu.memory_space<hbm>> -> memref<1x128xi32, #tpu.memory_space<hbm>>
          %dma_start3A_78 = tpu.memref_squeeze %dma_start3A_77 : memref<1x128xi32, #tpu.memory_space<hbm>> -> memref<128xi32, #tpu.memory_space<hbm>>
          %dma_start3A_79 = arith.constant 0 : i32
          %dma_start3A_80 = tpu.memref_slice %arg2[%add3A_76, %dma_start3A_79] : memref<2500x128xi32, #tpu.memory_space<hbm>> -> memref<1x128xi32, #tpu.memory_space<hbm>>
          %dma_start3A_81 = tpu.memref_squeeze %dma_start3A_80 : memref<1x128xi32, #tpu.memory_space<hbm>> -> memref<128xi32, #tpu.memory_space<hbm>>
          tpu.enqueue_dma source(%dma_start3A_81 : memref<128xi32, #tpu.memory_space<hbm>>) target(%arg8 : memref<128xi32, #tpu.memory_space<vmem>>) target_semaphore(%arg14 : memref<!tpu.dma_semaphore, #tpu.memory_space<semaphore_mem>>)
        } else {
        }
      } else {
      }
      %add3A_54 = arith.constant 2 : i32
      %add3A_55 = arith.addi %add3A_41, %add3A_54 : i32
      %lt3A_56 = arith.cmpi slt, %add3A_55, %add3A_12 : i32
      %convert_element_type3A_57 = arith.extui %lt3A_56 : i1 to i32
      %cond3A_58 = arith.constant 0 : i32
      %cond3A_59 = arith.cmpi ne, %convert_element_type3A_57, %cond3A_58 : i32
      scf.if %cond3A_59 {
        %add3A_60 = arith.addi %add3A_8, %add3A_41 : i32
        %add3A_61 = arith.constant 2 : i32
        %add3A_62 = arith.addi %add3A_60, %add3A_61 : i32
        %dma_wait3A = arith.constant 0 : i32
        %dma_wait3A_63 = tpu.memref_slice %arg2[%add3A_62, %dma_wait3A] : memref<2500x128xi32, #tpu.memory_space<hbm>> -> memref<1x128xi32, #tpu.memory_space<hbm>>
        %dma_wait3A_64 = tpu.memref_squeeze %dma_wait3A_63 : memref<1x128xi32, #tpu.memory_space<hbm>> -> memref<128xi32, #tpu.memory_space<hbm>>
        %dma_wait3A_65 = arith.constant 0 : i32
        %dma_wait3A_66 = tpu.memref_slice %arg2[%add3A_62, %dma_wait3A_65] : memref<2500x128xi32, #tpu.memory_space<hbm>> -> memref<1x128xi32, #tpu.memory_space<hbm>>
        %dma_wait3A_67 = tpu.memref_squeeze %dma_wait3A_66 : memref<1x128xi32, #tpu.memory_space<hbm>> -> memref<128xi32, #tpu.memory_space<hbm>>
        tpu.wait_dma2 semaphore(%arg13 : memref<!tpu.dma_semaphore, #tpu.memory_space<semaphore_mem>>) src(%dma_wait3A_67 : memref<128xi32, #tpu.memory_space<hbm>>) dst(%arg7 : memref<128xi32, #tpu.memory_space<vmem>>)
      } else {
      }
    }
    %barrier3A_31 = arith.constant 0 : index
    tpu.barrier barrier_id(%barrier3A_31)
    %mul3A_32 = arith.constant 640 : i32
    %mul3A_33 = arith.muli %arg1, %mul3A_32 : i32
    %min3A_34 = arith.constant 9360 : i32
    %min3A_35 = arith.minsi %mul3A_33, %min3A_34 : i32
    %mul3A_36 = arith.constant 10000 : i32
    %mul3A_37 = arith.muli %arg0, %mul3A_36 : i32
    %add3A_38 = arith.addi %mul3A_37, %min3A_35 : i32
    %multiple_of3A = tpu.assume_multiple %add3A_38, 16 : i32
    "tpu.region"() ({
      %run_scoped3A = tpu.sem_alloc : memref<!tpu.dma_semaphore, #tpu.memory_space<semaphore_mem>>
      %dma_start3A = tpu.memref_slice %arg12[%min3A_35] : memref<10000xf32, #tpu.memory_space<vmem_shared>> -> memref<640xf32, #tpu.memory_space<vmem_shared>>
      %dma_start3A_39 = tpu.memref_slice %arg12[%min3A_35] : memref<10000xf32, #tpu.memory_space<vmem_shared>> -> memref<640xf32, #tpu.memory_space<vmem_shared>>
      tpu.enqueue_dma source(%dma_start3A_39 : memref<640xf32, #tpu.memory_space<vmem_shared>>) target(%arg11 : memref<640xf32, #tpu.memory_space<vmem>>) target_semaphore(%run_scoped3A : memref<!tpu.dma_semaphore, #tpu.memory_space<semaphore_mem>>)
      %dma_wait3A = tpu.memref_slice %arg12[%min3A_35] : memref<10000xf32, #tpu.memory_space<vmem_shared>> -> memref<640xf32, #tpu.memory_space<vmem_shared>>
      %dma_wait3A_40 = tpu.memref_slice %arg12[%min3A_35] : memref<10000xf32, #tpu.memory_space<vmem_shared>> -> memref<640xf32, #tpu.memory_space<vmem_shared>>
      tpu.wait_dma2 semaphore(%run_scoped3A : memref<!tpu.dma_semaphore, #tpu.memory_space<semaphore_mem>>) src(%dma_wait3A_40 : memref<640xf32, #tpu.memory_space<vmem_shared>>) dst(%arg11 : memref<640xf32, #tpu.memory_space<vmem>>)
      tpu.yield
    }) : () -> ()
    "tpu.region"() ({
      %run_scoped3A = tpu.sem_alloc : memref<!tpu.dma_semaphore, #tpu.memory_space<semaphore_mem>>
      %dma_start3A = tpu.memref_slice %arg6[%multiple_of3A] : memref<20000xf32, #tpu.memory_space<hbm>> -> memref<640xf32, #tpu.memory_space<hbm>>
      %dma_start3A_39 = tpu.memref_slice %arg6[%multiple_of3A] : memref<20000xf32, #tpu.memory_space<hbm>> -> memref<640xf32, #tpu.memory_space<hbm>>
      tpu.enqueue_dma source(%arg11 : memref<640xf32, #tpu.memory_space<vmem>>) target(%dma_start3A_39 : memref<640xf32, #tpu.memory_space<hbm>>) target_semaphore(%run_scoped3A : memref<!tpu.dma_semaphore, #tpu.memory_space<semaphore_mem>>)
      %dma_wait3A = tpu.memref_slice %arg6[%multiple_of3A] : memref<20000xf32, #tpu.memory_space<hbm>> -> memref<640xf32, #tpu.memory_space<hbm>>
      %dma_wait3A_40 = tpu.memref_slice %arg6[%multiple_of3A] : memref<20000xf32, #tpu.memory_space<hbm>> -> memref<640xf32, #tpu.memory_space<hbm>>
      tpu.wait_dma2 semaphore(%run_scoped3A : memref<!tpu.dma_semaphore, #tpu.memory_space<semaphore_mem>>) src(%arg11 : memref<640xf32, #tpu.memory_space<vmem>>) dst(%dma_wait3A_40 : memref<640xf32, #tpu.memory_space<hbm>>)
      tpu.yield
    }) : () -> ()
    return
  }
}

#map = affine_map<(d0, d1) -> (0)>
#map1 = affine_map<(d0, d1) -> (0, 0)>
module attributes {stable_mosaic.version = 14 : i64} {
  func.func @_pool_kernel(%arg0: i32, %arg1: i32, %arg2: memref<10000xi32, #tpu.memory_space<hbm>>, %arg3: memref<10000xf32, #tpu.memory_space<hbm>>, %arg4: memref<10000x128xf32, #tpu.memory_space<hbm>>, %arg5: memref<81x128xi32, #tpu.memory_space<hbm>>, %arg6: memref<128xf32, #tpu.memory_space<hbm>>, %arg7: memref<8192xf32, #tpu.memory_space<hbm>>, %arg8: memref<10016xi32, #tpu.memory_space<vmem>>, %arg9: memref<10016xf32, #tpu.memory_space<vmem>>, %arg10: memref<10016xi32, #tpu.memory_space<vmem>>, %arg11: memref<128xi32, #tpu.memory_space<vmem>>, %arg12: memref<128x128xf32, #tpu.memory_space<vmem>>, %arg13: memref<128xf32, #tpu.memory_space<vmem>>, %arg14: memref<!tpu.dma_semaphore, #tpu.memory_space<semaphore_mem>>) attributes {dimension_semantics = [#tpu.dimension_semantics<core_parallel>, #tpu.dimension_semantics<subcore_parallel>], iteration_bounds = array<i64: 2, 16>, scalar_prefetch = 0 : i64, scratch_operands = 7 : i64, tpu.core_type = #tpu.core_type<sc_vector_subcore>, window_params = [{transform_indices = #map}, {transform_indices = #map}, {transform_indices = #map1}, {transform_indices = #map1}, {transform_indices = #map}, {transform_indices = #map}]} {
    %mul3A = arith.constant 2 : i32
    %mul3A_0 = arith.muli %arg1, %mul3A : i32
    %add3A = arith.addi %mul3A_0, %arg0 : i32
    %iota3A = tpu.iota {dimensions = array<i32: 0>} : vector<16xi32>
    %mul3A_1 = arith.constant 0 : i32
    %mul3A_2 = vector.broadcast %mul3A_1 : i32 to vector<16xi32>
    %mul3A_3 = arith.muli %iota3A, %mul3A_2 : vector<16xi32>
    %bitcast3A = vector.bitcast %mul3A_3 : vector<16xi32> to vector<16xf32>
    %mul3A_4 = arith.constant 0 : i32
    %mul3A_5 = vector.broadcast %mul3A_4 : i32 to vector<16xi32>
    %mul3A_6 = arith.muli %iota3A, %mul3A_5 : vector<16xi32>
    %add3A_7 = arith.constant 1065353216 : i32
    %add3A_8 = vector.broadcast %add3A_7 : i32 to vector<16xi32>
    %add3A_9 = arith.addi %mul3A_6, %add3A_8 : vector<16xi32>
    %bitcast3A_10 = vector.bitcast %add3A_9 : vector<16xi32> to vector<16xf32>
    "tpu.region"() ({
      %run_scoped3A = tpu.sem_alloc : memref<!tpu.dma_semaphore, #tpu.memory_space<semaphore_mem>>
      %dma_start3A = arith.constant 0 : i32
      %dma_start3A_121 = tpu.memref_slice %arg8[%dma_start3A] : memref<10016xi32, #tpu.memory_space<vmem>> -> memref<10000xi32, #tpu.memory_space<vmem>>
      %dma_start3A_122 = arith.constant 0 : i32
      %dma_start3A_123 = tpu.memref_slice %arg8[%dma_start3A_122] : memref<10016xi32, #tpu.memory_space<vmem>> -> memref<10000xi32, #tpu.memory_space<vmem>>
      tpu.enqueue_dma source(%arg2 : memref<10000xi32, #tpu.memory_space<hbm>>) target(%dma_start3A_123 : memref<10000xi32, #tpu.memory_space<vmem>>) target_semaphore(%run_scoped3A : memref<!tpu.dma_semaphore, #tpu.memory_space<semaphore_mem>>)
      %dma_wait3A = arith.constant 0 : i32
      %dma_wait3A_124 = tpu.memref_slice %arg8[%dma_wait3A] : memref<10016xi32, #tpu.memory_space<vmem>> -> memref<10000xi32, #tpu.memory_space<vmem>>
      %dma_wait3A_125 = arith.constant 0 : i32
      %dma_wait3A_126 = tpu.memref_slice %arg8[%dma_wait3A_125] : memref<10016xi32, #tpu.memory_space<vmem>> -> memref<10000xi32, #tpu.memory_space<vmem>>
      tpu.wait_dma2 semaphore(%run_scoped3A : memref<!tpu.dma_semaphore, #tpu.memory_space<semaphore_mem>>) src(%arg2 : memref<10000xi32, #tpu.memory_space<hbm>>) dst(%dma_wait3A_126 : memref<10000xi32, #tpu.memory_space<vmem>>)
      tpu.yield
    }) : () -> ()
    "tpu.region"() ({
      %run_scoped3A = tpu.sem_alloc : memref<!tpu.dma_semaphore, #tpu.memory_space<semaphore_mem>>
      %dma_start3A = arith.constant 0 : i32
      %dma_start3A_121 = tpu.memref_slice %arg9[%dma_start3A] : memref<10016xf32, #tpu.memory_space<vmem>> -> memref<10000xf32, #tpu.memory_space<vmem>>
      %dma_start3A_122 = arith.constant 0 : i32
      %dma_start3A_123 = tpu.memref_slice %arg9[%dma_start3A_122] : memref<10016xf32, #tpu.memory_space<vmem>> -> memref<10000xf32, #tpu.memory_space<vmem>>
      tpu.enqueue_dma source(%arg3 : memref<10000xf32, #tpu.memory_space<hbm>>) target(%dma_start3A_123 : memref<10000xf32, #tpu.memory_space<vmem>>) target_semaphore(%run_scoped3A : memref<!tpu.dma_semaphore, #tpu.memory_space<semaphore_mem>>)
      %dma_wait3A = arith.constant 0 : i32
      %dma_wait3A_124 = tpu.memref_slice %arg9[%dma_wait3A] : memref<10016xf32, #tpu.memory_space<vmem>> -> memref<10000xf32, #tpu.memory_space<vmem>>
      %dma_wait3A_125 = arith.constant 0 : i32
      %dma_wait3A_126 = tpu.memref_slice %arg9[%dma_wait3A_125] : memref<10016xf32, #tpu.memory_space<vmem>> -> memref<10000xf32, #tpu.memory_space<vmem>>
      tpu.wait_dma2 semaphore(%run_scoped3A : memref<!tpu.dma_semaphore, #tpu.memory_space<semaphore_mem>>) src(%arg3 : memref<10000xf32, #tpu.memory_space<hbm>>) dst(%dma_wait3A_126 : memref<10000xf32, #tpu.memory_space<vmem>>)
      tpu.yield
    }) : () -> ()
    %mul3A_11 = arith.constant 0 : i32
    %mul3A_12 = vector.broadcast %mul3A_11 : i32 to vector<16xi32>
    %mul3A_13 = arith.muli %iota3A, %mul3A_12 : vector<16xi32>
    %add3A_14 = arith.constant 64 : i32
    %add3A_15 = vector.broadcast %add3A_14 : i32 to vector<16xi32>
    %add3A_16 = arith.addi %mul3A_13, %add3A_15 : vector<16xi32>
    %swap3A = arith.constant 10000 : index
    %swap3A_17 = tpu.vector_load %arg8[%swap3A] {strides = array<i32>} : memref<10016xi32, #tpu.memory_space<vmem>>, vector<16xi32>,
    %swap3A_18 = vector.shape_cast %swap3A_17 : vector<16xi32> to vector<16xi32>
    %swap3A_19 = vector.shape_cast %add3A_16 : vector<16xi32> to vector<16xi32>
    tpu.vector_store %arg8[%swap3A], %swap3A_19 {strides = array<i32>} : memref<10016xi32, #tpu.memory_space<vmem>>, vector<16xi32>,
    "tpu.region"() ({
      %run_scoped3A = tpu.sem_alloc : memref<!tpu.dma_semaphore, #tpu.memory_space<semaphore_mem>>
      %dma_start3A = arith.constant 10000 : i32
      %dma_start3A_121 = tpu.memref_slice %arg9[%dma_start3A] : memref<10016xf32, #tpu.memory_space<vmem>> -> memref<16xf32, #tpu.memory_space<vmem>>
      %dma_start3A_122 = arith.constant 0 : i32
      %dma_start3A_123 = tpu.memref_slice %arg6[%dma_start3A_122] : memref<128xf32, #tpu.memory_space<hbm>> -> memref<16xf32, #tpu.memory_space<hbm>>
      %dma_start3A_124 = arith.constant 10000 : i32
      %dma_start3A_125 = tpu.memref_slice %arg9[%dma_start3A_124] : memref<10016xf32, #tpu.memory_space<vmem>> -> memref<16xf32, #tpu.memory_space<vmem>>
      %dma_start3A_126 = arith.constant 0 : i32
      %dma_start3A_127 = tpu.memref_slice %arg6[%dma_start3A_126] : memref<128xf32, #tpu.memory_space<hbm>> -> memref<16xf32, #tpu.memory_space<hbm>>
      tpu.enqueue_dma source(%dma_start3A_127 : memref<16xf32, #tpu.memory_space<hbm>>) target(%dma_start3A_125 : memref<16xf32, #tpu.memory_space<vmem>>) target_semaphore(%run_scoped3A : memref<!tpu.dma_semaphore, #tpu.memory_space<semaphore_mem>>)
      %dma_wait3A = arith.constant 10000 : i32
      %dma_wait3A_128 = tpu.memref_slice %arg9[%dma_wait3A] : memref<10016xf32, #tpu.memory_space<vmem>> -> memref<16xf32, #tpu.memory_space<vmem>>
      %dma_wait3A_129 = arith.constant 0 : i32
      %dma_wait3A_130 = tpu.memref_slice %arg6[%dma_wait3A_129] : memref<128xf32, #tpu.memory_space<hbm>> -> memref<16xf32, #tpu.memory_space<hbm>>
      %dma_wait3A_131 = arith.constant 10000 : i32
      %dma_wait3A_132 = tpu.memref_slice %arg9[%dma_wait3A_131] : memref<10016xf32, #tpu.memory_space<vmem>> -> memref<16xf32, #tpu.memory_space<vmem>>
      %dma_wait3A_133 = arith.constant 0 : i32
      %dma_wait3A_134 = tpu.memref_slice %arg6[%dma_wait3A_133] : memref<128xf32, #tpu.memory_space<hbm>> -> memref<16xf32, #tpu.memory_space<hbm>>
      tpu.wait_dma2 semaphore(%run_scoped3A : memref<!tpu.dma_semaphore, #tpu.memory_space<semaphore_mem>>) src(%dma_wait3A_134 : memref<16xf32, #tpu.memory_space<hbm>>) dst(%dma_wait3A_132 : memref<16xf32, #tpu.memory_space<vmem>>)
      tpu.yield
    }) : () -> ()
    %mul3A_20 = arith.constant 2 : i32
    %mul3A_21 = arith.muli %add3A, %mul3A_20 : i32
    %add3A_22 = arith.constant 0 : i32
    %add3A_23 = arith.addi %mul3A_21, %add3A_22 : i32
    %scan3A = arith.constant 0 : i32
    %scan3A_24 = arith.constant 10000 : i32
    %scan3A_25 = arith.constant 0 : i32
    %scan3A_26 = arith.constant 14 : i32
    %scan3A_27 = arith.addi %scan3A_25, %scan3A_26 : i32
    %scan3A_28 = arith.constant 1 : i32
    %scan3A_29:2 = scf.for %scan3A_121 = %scan3A_25 to %scan3A_27 step %scan3A_28 iter_args(%scan3A_122 = %scan3A, %scan3A_123 = %scan3A_24) -> (i32, i32)  : i32 {
      %add3A_124 = arith.addi %scan3A_122, %scan3A_123 : i32
      %jit3A_125 = arith.constant 2 : i32
      %div3A_126 = arith.divsi %add3A_124, %jit3A_125 : i32
      %sign3A_127 = arith.constant 0 : i32
      %sign3A_128 = arith.cmpi sgt, %add3A_124, %sign3A_127 : i32
      %sign3A_129 = arith.extui %sign3A_128 : i1 to i32
      %sign3A_130 = arith.constant 0 : i32
      %sign3A_131 = arith.cmpi slt, %add3A_124, %sign3A_130 : i32
      %sign3A_132 = arith.extui %sign3A_131 : i1 to i32
      %sign3A_133 = arith.subi %sign3A_129, %sign3A_132 : i32
      %sign3A_134 = arith.constant 0 : i32
      %sign3A_135 = arith.cmpi sgt, %jit3A_125, %sign3A_134 : i32
      %sign3A_136 = arith.extui %sign3A_135 : i1 to i32
      %sign3A_137 = arith.constant 0 : i32
      %sign3A_138 = arith.cmpi slt, %jit3A_125, %sign3A_137 : i32
      %sign3A_139 = arith.extui %sign3A_138 : i1 to i32
      %sign3A_140 = arith.subi %sign3A_136, %sign3A_139 : i32
      %ne3A_141 = arith.cmpi ne, %sign3A_133, %sign3A_140 : i32
      %rem3A_142 = arith.remsi %add3A_124, %jit3A_125 : i32
      %ne3A_143 = arith.constant 0 : i32
      %ne3A_144 = arith.cmpi ne, %rem3A_142, %ne3A_143 : i32
      %and3A_145 = arith.andi %ne3A_141, %ne3A_144 : i1
      %sub3A_146 = arith.constant 1 : i32
      %sub3A_147 = arith.subi %div3A_126, %sub3A_146 : i32
      %select_n3A_148 = arith.select %and3A_145, %sub3A_147, %div3A_126 : i32
      %get3A = arith.index_cast %select_n3A_148 : i32 to index
      %get3A_149 = tpu.vector_load %arg8[%get3A] {strides = array<i32>} : memref<10016xi32, #tpu.memory_space<vmem>>, vector<16xi32>,
      %get3A_150 = vector.shape_cast %get3A_149 : vector<16xi32> to vector<16xi32>
      %slice3A = vector.extract_strided_slice %get3A_150 {offsets = [0], sizes = [1], strides = [1]} : vector<16xi32> to vector<1xi32>
      %squeeze3A = vector.extract %slice3A[0] : i32 from vector<1xi32>
      %lt3A = arith.cmpi slt, %squeeze3A, %add3A_23 : i32
      %add3A_151 = arith.constant 1 : i32
      %add3A_152 = arith.addi %select_n3A_148, %add3A_151 : i32
      %select_n3A_153 = arith.select %lt3A, %add3A_152, %scan3A_122 : i32
      %select_n3A_154 = arith.select %lt3A, %scan3A_123, %select_n3A_148 : i32
      scf.yield %select_n3A_153, %select_n3A_154 : i32, i32
    }
    %scan3A_30 = arith.constant 14 : i32
    %add3A_31 = arith.constant 1 : i32
    %add3A_32 = arith.addi %add3A_23, %add3A_31 : i32
    %scan3A_33 = arith.constant 0 : i32
    %scan3A_34 = arith.constant 10000 : i32
    %scan3A_35 = arith.constant 0 : i32
    %scan3A_36 = arith.constant 14 : i32
    %scan3A_37 = arith.addi %scan3A_35, %scan3A_36 : i32
    %scan3A_38 = arith.constant 1 : i32
    %scan3A_39:2 = scf.for %scan3A_121 = %scan3A_35 to %scan3A_37 step %scan3A_38 iter_args(%scan3A_122 = %scan3A_33, %scan3A_123 = %scan3A_34) -> (i32, i32)  : i32 {
      %add3A_124 = arith.addi %scan3A_122, %scan3A_123 : i32
      %jit3A_125 = arith.constant 2 : i32
      %div3A_126 = arith.divsi %add3A_124, %jit3A_125 : i32
      %sign3A_127 = arith.constant 0 : i32
      %sign3A_128 = arith.cmpi sgt, %add3A_124, %sign3A_127 : i32
      %sign3A_129 = arith.extui %sign3A_128 : i1 to i32
      %sign3A_130 = arith.constant 0 : i32
      %sign3A_131 = arith.cmpi slt, %add3A_124, %sign3A_130 : i32
      %sign3A_132 = arith.extui %sign3A_131 : i1 to i32
      %sign3A_133 = arith.subi %sign3A_129, %sign3A_132 : i32
      %sign3A_134 = arith.constant 0 : i32
      %sign3A_135 = arith.cmpi sgt, %jit3A_125, %sign3A_134 : i32
      %sign3A_136 = arith.extui %sign3A_135 : i1 to i32
      %sign3A_137 = arith.constant 0 : i32
      %sign3A_138 = arith.cmpi slt, %jit3A_125, %sign3A_137 : i32
      %sign3A_139 = arith.extui %sign3A_138 : i1 to i32
      %sign3A_140 = arith.subi %sign3A_136, %sign3A_139 : i32
      %ne3A_141 = arith.cmpi ne, %sign3A_133, %sign3A_140 : i32
      %rem3A_142 = arith.remsi %add3A_124, %jit3A_125 : i32
      %ne3A_143 = arith.constant 0 : i32
      %ne3A_144 = arith.cmpi ne, %rem3A_142, %ne3A_143 : i32
      %and3A_145 = arith.andi %ne3A_141, %ne3A_144 : i1
      %sub3A_146 = arith.constant 1 : i32
      %sub3A_147 = arith.subi %div3A_126, %sub3A_146 : i32
      %select_n3A_148 = arith.select %and3A_145, %sub3A_147, %div3A_126 : i32
      %get3A = arith.index_cast %select_n3A_148 : i32 to index
      %get3A_149 = tpu.vector_load %arg8[%get3A] {strides = array<i32>} : memref<10016xi32, #tpu.memory_space<vmem>>, vector<16xi32>,
      %get3A_150 = vector.shape_cast %get3A_149 : vector<16xi32> to vector<16xi32>
      %slice3A = vector.extract_strided_slice %get3A_150 {offsets = [0], sizes = [1], strides = [1]} : vector<16xi32> to vector<1xi32>
      %squeeze3A = vector.extract %slice3A[0] : i32 from vector<1xi32>
      %lt3A = arith.cmpi slt, %squeeze3A, %add3A_32 : i32
      %add3A_151 = arith.constant 1 : i32
      %add3A_152 = arith.addi %select_n3A_148, %add3A_151 : i32
      %select_n3A_153 = arith.select %lt3A, %add3A_152, %scan3A_122 : i32
      %select_n3A_154 = arith.select %lt3A, %scan3A_123, %select_n3A_148 : i32
      scf.yield %select_n3A_153, %select_n3A_154 : i32, i32
    }
    %scan3A_40 = arith.constant 14 : i32
    %sub3A = arith.subi %scan3A_39#0, %scan3A_29#0 : i32
    %add3A_41 = arith.constant 1 : i32
    %add3A_42 = arith.addi %sub3A, %add3A_41 : i32
    %jit3A = arith.constant 2 : i32
    %div3A = arith.divsi %add3A_42, %jit3A : i32
    %sign3A = arith.constant 0 : i32
    %sign3A_43 = arith.cmpi sgt, %add3A_42, %sign3A : i32
    %sign3A_44 = arith.extui %sign3A_43 : i1 to i32
    %sign3A_45 = arith.constant 0 : i32
    %sign3A_46 = arith.cmpi slt, %add3A_42, %sign3A_45 : i32
    %sign3A_47 = arith.extui %sign3A_46 : i1 to i32
    %sign3A_48 = arith.subi %sign3A_44, %sign3A_47 : i32
    %sign3A_49 = arith.constant 0 : i32
    %sign3A_50 = arith.cmpi sgt, %jit3A, %sign3A_49 : i32
    %sign3A_51 = arith.extui %sign3A_50 : i1 to i32
    %sign3A_52 = arith.constant 0 : i32
    %sign3A_53 = arith.cmpi slt, %jit3A, %sign3A_52 : i32
    %sign3A_54 = arith.extui %sign3A_53 : i1 to i32
    %sign3A_55 = arith.subi %sign3A_51, %sign3A_54 : i32
    %ne3A = arith.cmpi ne, %sign3A_48, %sign3A_55 : i32
    %rem3A = arith.remsi %add3A_42, %jit3A : i32
    %ne3A_56 = arith.constant 0 : i32
    %ne3A_57 = arith.cmpi ne, %rem3A, %ne3A_56 : i32
    %and3A = arith.andi %ne3A, %ne3A_57 : i1
    %sub3A_58 = arith.constant 1 : i32
    %sub3A_59 = arith.subi %div3A, %sub3A_58 : i32
    %select_n3A = arith.select %and3A, %sub3A_59, %div3A : i32
    "tpu.region"() ({
      %run_scoped3A = tpu.sem_alloc : memref<!tpu.dma_semaphore, #tpu.memory_space<semaphore_mem>>
      tpu.enqueue_dma source(%arg6 : memref<128xf32, #tpu.memory_space<hbm>>) target(%arg13 : memref<128xf32, #tpu.memory_space<vmem>>) target_semaphore(%run_scoped3A : memref<!tpu.dma_semaphore, #tpu.memory_space<semaphore_mem>>)
      tpu.wait_dma2 semaphore(%run_scoped3A : memref<!tpu.dma_semaphore, #tpu.memory_space<semaphore_mem>>) src(%arg6 : memref<128xf32, #tpu.memory_space<hbm>>) dst(%arg13 : memref<128xf32, #tpu.memory_space<vmem>>)
      tpu.yield
    }) : () -> ()
    %gt3A = arith.constant 0 : i32
    %gt3A_60 = arith.cmpi sgt, %sub3A, %gt3A : i32
    %convert_element_type3A = arith.extui %gt3A_60 : i1 to i32
    %cond3A = arith.constant 0 : i32
    %cond3A_61 = arith.cmpi ne, %convert_element_type3A, %cond3A : i32
    scf.if %cond3A_61 {
      %add3A_121 = arith.constant 15 : i32
      %add3A_122 = arith.addi %sub3A, %add3A_121 : i32
      %jit3A_123 = arith.constant 16 : i32
      %div3A_124 = arith.divsi %add3A_122, %jit3A_123 : i32
      %sign3A_125 = arith.constant 0 : i32
      %sign3A_126 = arith.cmpi sgt, %add3A_122, %sign3A_125 : i32
      %sign3A_127 = arith.extui %sign3A_126 : i1 to i32
      %sign3A_128 = arith.constant 0 : i32
      %sign3A_129 = arith.cmpi slt, %add3A_122, %sign3A_128 : i32
      %sign3A_130 = arith.extui %sign3A_129 : i1 to i32
      %sign3A_131 = arith.subi %sign3A_127, %sign3A_130 : i32
      %sign3A_132 = arith.constant 0 : i32
      %sign3A_133 = arith.cmpi sgt, %jit3A_123, %sign3A_132 : i32
      %sign3A_134 = arith.extui %sign3A_133 : i1 to i32
      %sign3A_135 = arith.constant 0 : i32
      %sign3A_136 = arith.cmpi slt, %jit3A_123, %sign3A_135 : i32
      %sign3A_137 = arith.extui %sign3A_136 : i1 to i32
      %sign3A_138 = arith.subi %sign3A_134, %sign3A_137 : i32
      %ne3A_139 = arith.cmpi ne, %sign3A_131, %sign3A_138 : i32
      %rem3A_140 = arith.remsi %add3A_122, %jit3A_123 : i32
      %ne3A_141 = arith.constant 0 : i32
      %ne3A_142 = arith.cmpi ne, %rem3A_140, %ne3A_141 : i32
      %and3A_143 = arith.andi %ne3A_139, %ne3A_142 : i1
      %sub3A_144 = arith.constant 1 : i32
      %sub3A_145 = arith.subi %div3A_124, %sub3A_144 : i32
      %select_n3A_146 = arith.select %and3A_143, %sub3A_145, %div3A_124 : i32
      %sub3A_147 = arith.constant 0 : i32
      %sub3A_148 = arith.subi %select_n3A_146, %sub3A_147 : i32
      %sub3A_149 = arith.constant 1 : i32
      %sub3A_150 = arith.constant 1 : i32
      %sub3A_151 = arith.subi %sub3A_149, %sub3A_150 : i32
      %add3A_152 = arith.addi %sub3A_148, %sub3A_151 : i32
      %div3A_153 = arith.constant 1 : i32
      %div3A_154 = arith.divsi %add3A_152, %div3A_153 : i32
      %while3A = arith.constant 1 : i32
      %while3A_155 = arith.constant 0 : i32
      %while3A_156 = arith.constant 0 : i32
      %while3A_157 = arith.subi %div3A_154, %while3A_156 : i32
      %while3A_158 = arith.addi %while3A_156, %while3A_157 : i32
      %while3A_159 = arith.constant 1 : i32
      %while3A_160 = arith.divsi %while3A_157, %while3A_159 : i32
      %while3A_161 = arith.muli %while3A_160, %while3A_159 : i32
      %while3A_162 = arith.addi %while3A_156, %while3A_161 : i32
      %while3A_163 = arith.constant 1 : i32
      scf.for %while3A_239 = %while3A_156 to %while3A_162 step %while3A_163  : i32 {
        %mul3A_240 = arith.muli %while3A_239, %while3A : i32
        %add3A_241 = arith.addi %while3A_155, %mul3A_240 : i32
        %mul3A_242 = arith.constant 16 : i32
        %mul3A_243 = arith.muli %add3A_241, %mul3A_242 : i32
        %add3A_244 = arith.addi %scan3A_29#0, %mul3A_243 : i32
        %add3A_245 = vector.broadcast %add3A_244 : i32 to vector<16xi32>
        %add3A_246 = arith.addi %add3A_245, %iota3A : vector<16xi32>
        %get3A = arith.index_cast %add3A_244 : i32 to index
        %get3A_247 = tpu.vector_load %arg9[%get3A] {strides = array<i32>} : memref<10016xf32, #tpu.memory_space<vmem>>, vector<16xf32>,
        %get3A_248 = vector.shape_cast %get3A_247 : vector<16xf32> to vector<16xf32>
        %mul3A_249 = arith.constant 0 : i32
        %mul3A_250 = vector.broadcast %mul3A_249 : i32 to vector<16xi32>
        %mul3A_251 = arith.muli %iota3A, %mul3A_250 : vector<16xi32>
        %while3A_252 = arith.subi %scan3A_39#0, %scan3A_29#0 : i32
        %while3A_253 = arith.addi %scan3A_29#0, %while3A_252 : i32
        %while3A_254 = arith.constant 1 : i32
        %while3A_255 = arith.divsi %while3A_252, %while3A_254 : i32
        %while3A_256 = arith.muli %while3A_255, %while3A_254 : i32
        %while3A_257 = arith.addi %scan3A_29#0, %while3A_256 : i32
        %while3A_258 = arith.constant 1 : i32
        %while3A_259 = scf.for %while3A_276 = %scan3A_29#0 to %while3A_257 step %while3A_258 iter_args(%while3A_277 = %mul3A_251) -> (vector<16xi32>)  : i32 {
          %get3A_278 = arith.index_cast %while3A_276 : i32 to index
          %get3A_279 = tpu.vector_load %arg9[%get3A_278] {strides = array<i32>} : memref<10016xf32, #tpu.memory_space<vmem>>, vector<16xf32>,
          %get3A_280 = vector.shape_cast %get3A_279 : vector<16xf32> to vector<16xf32>
          %slice3A = vector.extract_strided_slice %get3A_280 {offsets = [0], sizes = [1], strides = [1]} : vector<16xf32> to vector<1xf32>
          %squeeze3A = vector.extract %slice3A[0] : f32 from vector<1xf32>
          %gt3A_281 = vector.broadcast %squeeze3A : f32 to vector<16xf32>
          %gt3A_282 = arith.cmpf ogt, %gt3A_281, %get3A_248 : vector<16xf32>
          %eq3A = vector.broadcast %squeeze3A : f32 to vector<16xf32>
          %eq3A_283 = arith.cmpf oeq, %eq3A, %get3A_248 : vector<16xf32>
          %lt3A_284 = vector.broadcast %while3A_276 : i32 to vector<16xi32>
          %lt3A_285 = arith.cmpi slt, %lt3A_284, %add3A_246 : vector<16xi32>
          %and3A_286 = arith.andi %eq3A_283, %lt3A_285 : vector<16xi1>
          %or3A = arith.ori %gt3A_282, %and3A_286 : vector<16xi1>
          %jit3A_287 = arith.constant 1 : i32
          %jit3A_288 = arith.constant 0 : i32
          %broadcast_in_dim3A_289 = vector.broadcast %jit3A_287 : i32 to vector<16xi32>
          %broadcast_in_dim3A_290 = vector.broadcast %jit3A_288 : i32 to vector<16xi32>
          %select_n3A_291 = arith.select %or3A, %broadcast_in_dim3A_289, %broadcast_in_dim3A_290 : vector<16xi1>, vector<16xi32>
          %add3A_292 = arith.addi %while3A_277, %select_n3A_291 : vector<16xi32>
          scf.yield %add3A_292 : vector<16xi32>
        }
        %while3A_260 = arith.constant 1 : i32
        %while3A_261 = scf.for %while3A_276 = %while3A_257 to %while3A_253 step %while3A_260 iter_args(%while3A_277 = %while3A_259) -> (vector<16xi32>)  : i32 {
          %get3A_278 = arith.index_cast %while3A_276 : i32 to index
          %get3A_279 = tpu.vector_load %arg9[%get3A_278] {strides = array<i32>} : memref<10016xf32, #tpu.memory_space<vmem>>, vector<16xf32>,
          %get3A_280 = vector.shape_cast %get3A_279 : vector<16xf32> to vector<16xf32>
          %slice3A = vector.extract_strided_slice %get3A_280 {offsets = [0], sizes = [1], strides = [1]} : vector<16xf32> to vector<1xf32>
          %squeeze3A = vector.extract %slice3A[0] : f32 from vector<1xf32>
          %gt3A_281 = vector.broadcast %squeeze3A : f32 to vector<16xf32>
          %gt3A_282 = arith.cmpf ogt, %gt3A_281, %get3A_248 : vector<16xf32>
          %eq3A = vector.broadcast %squeeze3A : f32 to vector<16xf32>
          %eq3A_283 = arith.cmpf oeq, %eq3A, %get3A_248 : vector<16xf32>
          %lt3A_284 = vector.broadcast %while3A_276 : i32 to vector<16xi32>
          %lt3A_285 = arith.cmpi slt, %lt3A_284, %add3A_246 : vector<16xi32>
          %and3A_286 = arith.andi %eq3A_283, %lt3A_285 : vector<16xi1>
          %or3A = arith.ori %gt3A_282, %and3A_286 : vector<16xi1>
          %jit3A_287 = arith.constant 1 : i32
          %jit3A_288 = arith.constant 0 : i32
          %broadcast_in_dim3A_289 = vector.broadcast %jit3A_287 : i32 to vector<16xi32>
          %broadcast_in_dim3A_290 = vector.broadcast %jit3A_288 : i32 to vector<16xi32>
          %select_n3A_291 = arith.select %or3A, %broadcast_in_dim3A_289, %broadcast_in_dim3A_290 : vector<16xi1>, vector<16xi32>
          %add3A_292 = arith.addi %while3A_277, %select_n3A_291 : vector<16xi32>
          scf.yield %add3A_292 : vector<16xi32>
        }
        %lt3A = vector.broadcast %select_n3A : i32 to vector<16xi32>
        %lt3A_262 = arith.cmpi slt, %while3A_261, %lt3A : vector<16xi32>
        %lt3A_263 = vector.broadcast %scan3A_39#0 : i32 to vector<16xi32>
        %lt3A_264 = arith.cmpi slt, %add3A_246, %lt3A_263 : vector<16xi32>
        %and3A_265 = arith.andi %lt3A_262, %lt3A_264 : vector<16xi1>
        %jit3A_266 = arith.constant 1 : i32
        %jit3A_267 = arith.constant 0 : i32
        %broadcast_in_dim3A = vector.broadcast %jit3A_266 : i32 to vector<16xi32>
        %broadcast_in_dim3A_268 = vector.broadcast %jit3A_267 : i32 to vector<16xi32>
        %select_n3A_269 = arith.select %and3A_265, %broadcast_in_dim3A, %broadcast_in_dim3A_268 : vector<16xi1>, vector<16xi32>
        %mul3A_270 = arith.constant 16 : i32
        %mul3A_271 = arith.muli %add3A_241, %mul3A_270 : i32
        %swap3A_272 = arith.index_cast %mul3A_271 : i32 to index
        %swap3A_273 = tpu.vector_load %arg10[%swap3A_272] {strides = array<i32>} : memref<10016xi32, #tpu.memory_space<vmem>>, vector<16xi32>,
        %swap3A_274 = vector.shape_cast %swap3A_273 : vector<16xi32> to vector<16xi32>
        %swap3A_275 = vector.shape_cast %select_n3A_269 : vector<16xi32> to vector<16xi32>
        tpu.vector_store %arg10[%swap3A_272], %swap3A_275 {strides = array<i32>} : memref<10016xi32, #tpu.memory_space<vmem>>, vector<16xi32>,
      }
      %while3A_164 = arith.constant 1 : i32
      scf.for %while3A_239 = %while3A_162 to %while3A_158 step %while3A_164  : i32 {
        %mul3A_240 = arith.muli %while3A_239, %while3A : i32
        %add3A_241 = arith.addi %while3A_155, %mul3A_240 : i32
        %mul3A_242 = arith.constant 16 : i32
        %mul3A_243 = arith.muli %add3A_241, %mul3A_242 : i32
        %add3A_244 = arith.addi %scan3A_29#0, %mul3A_243 : i32
        %add3A_245 = vector.broadcast %add3A_244 : i32 to vector<16xi32>
        %add3A_246 = arith.addi %add3A_245, %iota3A : vector<16xi32>
        %get3A = arith.index_cast %add3A_244 : i32 to index
        %get3A_247 = tpu.vector_load %arg9[%get3A] {strides = array<i32>} : memref<10016xf32, #tpu.memory_space<vmem>>, vector<16xf32>,
        %get3A_248 = vector.shape_cast %get3A_247 : vector<16xf32> to vector<16xf32>
        %mul3A_249 = arith.constant 0 : i32
        %mul3A_250 = vector.broadcast %mul3A_249 : i32 to vector<16xi32>
        %mul3A_251 = arith.muli %iota3A, %mul3A_250 : vector<16xi32>
        %while3A_252 = arith.subi %scan3A_39#0, %scan3A_29#0 : i32
        %while3A_253 = arith.addi %scan3A_29#0, %while3A_252 : i32
        %while3A_254 = arith.constant 1 : i32
        %while3A_255 = arith.divsi %while3A_252, %while3A_254 : i32
        %while3A_256 = arith.muli %while3A_255, %while3A_254 : i32
        %while3A_257 = arith.addi %scan3A_29#0, %while3A_256 : i32
        %while3A_258 = arith.constant 1 : i32
        %while3A_259 = scf.for %while3A_276 = %scan3A_29#0 to %while3A_257 step %while3A_258 iter_args(%while3A_277 = %mul3A_251) -> (vector<16xi32>)  : i32 {
          %get3A_278 = arith.index_cast %while3A_276 : i32 to index
          %get3A_279 = tpu.vector_load %arg9[%get3A_278] {strides = array<i32>} : memref<10016xf32, #tpu.memory_space<vmem>>, vector<16xf32>,
          %get3A_280 = vector.shape_cast %get3A_279 : vector<16xf32> to vector<16xf32>
          %slice3A = vector.extract_strided_slice %get3A_280 {offsets = [0], sizes = [1], strides = [1]} : vector<16xf32> to vector<1xf32>
          %squeeze3A = vector.extract %slice3A[0] : f32 from vector<1xf32>
          %gt3A_281 = vector.broadcast %squeeze3A : f32 to vector<16xf32>
          %gt3A_282 = arith.cmpf ogt, %gt3A_281, %get3A_248 : vector<16xf32>
          %eq3A = vector.broadcast %squeeze3A : f32 to vector<16xf32>
          %eq3A_283 = arith.cmpf oeq, %eq3A, %get3A_248 : vector<16xf32>
          %lt3A_284 = vector.broadcast %while3A_276 : i32 to vector<16xi32>
          %lt3A_285 = arith.cmpi slt, %lt3A_284, %add3A_246 : vector<16xi32>
          %and3A_286 = arith.andi %eq3A_283, %lt3A_285 : vector<16xi1>
          %or3A = arith.ori %gt3A_282, %and3A_286 : vector<16xi1>
          %jit3A_287 = arith.constant 1 : i32
          %jit3A_288 = arith.constant 0 : i32
          %broadcast_in_dim3A_289 = vector.broadcast %jit3A_287 : i32 to vector<16xi32>
          %broadcast_in_dim3A_290 = vector.broadcast %jit3A_288 : i32 to vector<16xi32>
          %select_n3A_291 = arith.select %or3A, %broadcast_in_dim3A_289, %broadcast_in_dim3A_290 : vector<16xi1>, vector<16xi32>
          %add3A_292 = arith.addi %while3A_277, %select_n3A_291 : vector<16xi32>
          scf.yield %add3A_292 : vector<16xi32>
        }
        %while3A_260 = arith.constant 1 : i32
        %while3A_261 = scf.for %while3A_276 = %while3A_257 to %while3A_253 step %while3A_260 iter_args(%while3A_277 = %while3A_259) -> (vector<16xi32>)  : i32 {
          %get3A_278 = arith.index_cast %while3A_276 : i32 to index
          %get3A_279 = tpu.vector_load %arg9[%get3A_278] {strides = array<i32>} : memref<10016xf32, #tpu.memory_space<vmem>>, vector<16xf32>,
          %get3A_280 = vector.shape_cast %get3A_279 : vector<16xf32> to vector<16xf32>
          %slice3A = vector.extract_strided_slice %get3A_280 {offsets = [0], sizes = [1], strides = [1]} : vector<16xf32> to vector<1xf32>
          %squeeze3A = vector.extract %slice3A[0] : f32 from vector<1xf32>
          %gt3A_281 = vector.broadcast %squeeze3A : f32 to vector<16xf32>
          %gt3A_282 = arith.cmpf ogt, %gt3A_281, %get3A_248 : vector<16xf32>
          %eq3A = vector.broadcast %squeeze3A : f32 to vector<16xf32>
          %eq3A_283 = arith.cmpf oeq, %eq3A, %get3A_248 : vector<16xf32>
          %lt3A_284 = vector.broadcast %while3A_276 : i32 to vector<16xi32>
          %lt3A_285 = arith.cmpi slt, %lt3A_284, %add3A_246 : vector<16xi32>
          %and3A_286 = arith.andi %eq3A_283, %lt3A_285 : vector<16xi1>
          %or3A = arith.ori %gt3A_282, %and3A_286 : vector<16xi1>
          %jit3A_287 = arith.constant 1 : i32
          %jit3A_288 = arith.constant 0 : i32
          %broadcast_in_dim3A_289 = vector.broadcast %jit3A_287 : i32 to vector<16xi32>
          %broadcast_in_dim3A_290 = vector.broadcast %jit3A_288 : i32 to vector<16xi32>
          %select_n3A_291 = arith.select %or3A, %broadcast_in_dim3A_289, %broadcast_in_dim3A_290 : vector<16xi1>, vector<16xi32>
          %add3A_292 = arith.addi %while3A_277, %select_n3A_291 : vector<16xi32>
          scf.yield %add3A_292 : vector<16xi32>
        }
        %lt3A = vector.broadcast %select_n3A : i32 to vector<16xi32>
        %lt3A_262 = arith.cmpi slt, %while3A_261, %lt3A : vector<16xi32>
        %lt3A_263 = vector.broadcast %scan3A_39#0 : i32 to vector<16xi32>
        %lt3A_264 = arith.cmpi slt, %add3A_246, %lt3A_263 : vector<16xi32>
        %and3A_265 = arith.andi %lt3A_262, %lt3A_264 : vector<16xi1>
        %jit3A_266 = arith.constant 1 : i32
        %jit3A_267 = arith.constant 0 : i32
        %broadcast_in_dim3A = vector.broadcast %jit3A_266 : i32 to vector<16xi32>
        %broadcast_in_dim3A_268 = vector.broadcast %jit3A_267 : i32 to vector<16xi32>
        %select_n3A_269 = arith.select %and3A_265, %broadcast_in_dim3A, %broadcast_in_dim3A_268 : vector<16xi1>, vector<16xi32>
        %mul3A_270 = arith.constant 16 : i32
        %mul3A_271 = arith.muli %add3A_241, %mul3A_270 : i32
        %swap3A_272 = arith.index_cast %mul3A_271 : i32 to index
        %swap3A_273 = tpu.vector_load %arg10[%swap3A_272] {strides = array<i32>} : memref<10016xi32, #tpu.memory_space<vmem>>, vector<16xi32>,
        %swap3A_274 = vector.shape_cast %swap3A_273 : vector<16xi32> to vector<16xi32>
        %swap3A_275 = vector.shape_cast %select_n3A_269 : vector<16xi32> to vector<16xi32>
        tpu.vector_store %arg10[%swap3A_272], %swap3A_275 {strides = array<i32>} : memref<10016xi32, #tpu.memory_space<vmem>>, vector<16xi32>,
      }
      %jit3A_165 = arith.constant 128 : i32
      %div3A_166 = arith.divsi %scan3A_29#0, %jit3A_165 : i32
      %sign3A_167 = arith.constant 0 : i32
      %sign3A_168 = arith.cmpi sgt, %scan3A_29#0, %sign3A_167 : i32
      %sign3A_169 = arith.extui %sign3A_168 : i1 to i32
      %sign3A_170 = arith.constant 0 : i32
      %sign3A_171 = arith.cmpi slt, %scan3A_29#0, %sign3A_170 : i32
      %sign3A_172 = arith.extui %sign3A_171 : i1 to i32
      %sign3A_173 = arith.subi %sign3A_169, %sign3A_172 : i32
      %sign3A_174 = arith.constant 0 : i32
      %sign3A_175 = arith.cmpi sgt, %jit3A_165, %sign3A_174 : i32
      %sign3A_176 = arith.extui %sign3A_175 : i1 to i32
      %sign3A_177 = arith.constant 0 : i32
      %sign3A_178 = arith.cmpi slt, %jit3A_165, %sign3A_177 : i32
      %sign3A_179 = arith.extui %sign3A_178 : i1 to i32
      %sign3A_180 = arith.subi %sign3A_176, %sign3A_179 : i32
      %ne3A_181 = arith.cmpi ne, %sign3A_173, %sign3A_180 : i32
      %rem3A_182 = arith.remsi %scan3A_29#0, %jit3A_165 : i32
      %ne3A_183 = arith.constant 0 : i32
      %ne3A_184 = arith.cmpi ne, %rem3A_182, %ne3A_183 : i32
      %and3A_185 = arith.andi %ne3A_181, %ne3A_184 : i1
      %sub3A_186 = arith.constant 1 : i32
      %sub3A_187 = arith.subi %div3A_166, %sub3A_186 : i32
      %select_n3A_188 = arith.select %and3A_185, %sub3A_187, %div3A_166 : i32
      %mul3A_189 = arith.constant 128 : i32
      %mul3A_190 = arith.muli %select_n3A_188, %mul3A_189 : i32
      %sub3A_191 = arith.subi %scan3A_39#0, %mul3A_190 : i32
      %add3A_192 = arith.constant 128 : i32
      %add3A_193 = arith.addi %sub3A_191, %add3A_192 : i32
      %sub3A_194 = arith.constant 1 : i32
      %sub3A_195 = arith.subi %add3A_193, %sub3A_194 : i32
      %jit3A_196 = arith.constant 128 : i32
      %div3A_197 = arith.divsi %sub3A_195, %jit3A_196 : i32
      %sign3A_198 = arith.constant 0 : i32
      %sign3A_199 = arith.cmpi sgt, %sub3A_195, %sign3A_198 : i32
      %sign3A_200 = arith.extui %sign3A_199 : i1 to i32
      %sign3A_201 = arith.constant 0 : i32
      %sign3A_202 = arith.cmpi slt, %sub3A_195, %sign3A_201 : i32
      %sign3A_203 = arith.extui %sign3A_202 : i1 to i32
      %sign3A_204 = arith.subi %sign3A_200, %sign3A_203 : i32
      %sign3A_205 = arith.constant 0 : i32
      %sign3A_206 = arith.cmpi sgt, %jit3A_196, %sign3A_205 : i32
      %sign3A_207 = arith.extui %sign3A_206 : i1 to i32
      %sign3A_208 = arith.constant 0 : i32
      %sign3A_209 = arith.cmpi slt, %jit3A_196, %sign3A_208 : i32
      %sign3A_210 = arith.extui %sign3A_209 : i1 to i32
      %sign3A_211 = arith.subi %sign3A_207, %sign3A_210 : i32
      %ne3A_212 = arith.cmpi ne, %sign3A_204, %sign3A_211 : i32
      %rem3A_213 = arith.remsi %sub3A_195, %jit3A_196 : i32
      %ne3A_214 = arith.constant 0 : i32
      %ne3A_215 = arith.cmpi ne, %rem3A_213, %ne3A_214 : i32
      %and3A_216 = arith.andi %ne3A_212, %ne3A_215 : i1
      %sub3A_217 = arith.constant 1 : i32
      %sub3A_218 = arith.subi %div3A_197, %sub3A_217 : i32
      %select_n3A_219 = arith.select %and3A_216, %sub3A_218, %div3A_197 : i32
      %sub3A_220 = arith.constant 0 : i32
      %sub3A_221 = arith.subi %select_n3A_219, %sub3A_220 : i32
      %sub3A_222 = arith.constant 1 : i32
      %sub3A_223 = arith.constant 1 : i32
      %sub3A_224 = arith.subi %sub3A_222, %sub3A_223 : i32
      %add3A_225 = arith.addi %sub3A_221, %sub3A_224 : i32
      %div3A_226 = arith.constant 1 : i32
      %div3A_227 = arith.divsi %add3A_225, %div3A_226 : i32
      %while3A_228 = arith.constant 1 : i32
      %while3A_229 = arith.constant 0 : i32
      %while3A_230 = arith.constant 0 : i32
      %while3A_231 = arith.subi %div3A_227, %while3A_230 : i32
      %while3A_232 = arith.addi %while3A_230, %while3A_231 : i32
      %while3A_233 = arith.constant 1 : i32
      %while3A_234 = arith.divsi %while3A_231, %while3A_233 : i32
      %while3A_235 = arith.muli %while3A_234, %while3A_233 : i32
      %while3A_236 = arith.addi %while3A_230, %while3A_235 : i32
      %while3A_237 = arith.constant 1 : i32
      scf.for %while3A_239 = %while3A_230 to %while3A_236 step %while3A_237  : i32 {
        %mul3A_240 = arith.muli %while3A_239, %while3A_228 : i32
        %add3A_241 = arith.addi %while3A_229, %mul3A_240 : i32
        %add3A_242 = arith.addi %select_n3A_188, %add3A_241 : i32
        "tpu.region"() ({
          %run_scoped3A = tpu.sem_alloc : memref<!tpu.dma_semaphore, #tpu.memory_space<semaphore_mem>>
          %dma_start3A_252 = arith.constant 0 : i32
          %dma_start3A_253 = tpu.memref_slice %arg5[%add3A_242, %dma_start3A_252] : memref<81x128xi32, #tpu.memory_space<hbm>> -> memref<1x128xi32, #tpu.memory_space<hbm>>
          %dma_start3A_254 = tpu.memref_squeeze %dma_start3A_253 : memref<1x128xi32, #tpu.memory_space<hbm>> -> memref<128xi32, #tpu.memory_space<hbm>>
          %dma_start3A_255 = arith.constant 0 : i32
          %dma_start3A_256 = tpu.memref_slice %arg5[%add3A_242, %dma_start3A_255] : memref<81x128xi32, #tpu.memory_space<hbm>> -> memref<1x128xi32, #tpu.memory_space<hbm>>
          %dma_start3A_257 = tpu.memref_squeeze %dma_start3A_256 : memref<1x128xi32, #tpu.memory_space<hbm>> -> memref<128xi32, #tpu.memory_space<hbm>>
          tpu.enqueue_dma source(%dma_start3A_257 : memref<128xi32, #tpu.memory_space<hbm>>) target(%arg11 : memref<128xi32, #tpu.memory_space<vmem>>) target_semaphore(%run_scoped3A : memref<!tpu.dma_semaphore, #tpu.memory_space<semaphore_mem>>)
          %dma_wait3A_258 = arith.constant 0 : i32
          %dma_wait3A_259 = tpu.memref_slice %arg5[%add3A_242, %dma_wait3A_258] : memref<81x128xi32, #tpu.memory_space<hbm>> -> memref<1x128xi32, #tpu.memory_space<hbm>>
          %dma_wait3A_260 = tpu.memref_squeeze %dma_wait3A_259 : memref<1x128xi32, #tpu.memory_space<hbm>> -> memref<128xi32, #tpu.memory_space<hbm>>
          %dma_wait3A_261 = arith.constant 0 : i32
          %dma_wait3A_262 = tpu.memref_slice %arg5[%add3A_242, %dma_wait3A_261] : memref<81x128xi32, #tpu.memory_space<hbm>> -> memref<1x128xi32, #tpu.memory_space<hbm>>
          %dma_wait3A_263 = tpu.memref_squeeze %dma_wait3A_262 : memref<1x128xi32, #tpu.memory_space<hbm>> -> memref<128xi32, #tpu.memory_space<hbm>>
          tpu.wait_dma2 semaphore(%run_scoped3A : memref<!tpu.dma_semaphore, #tpu.memory_space<semaphore_mem>>) src(%dma_wait3A_263 : memref<128xi32, #tpu.memory_space<hbm>>) dst(%arg11 : memref<128xi32, #tpu.memory_space<vmem>>)
          tpu.yield
        }) : () -> ()
        %dma_start3A = arith.constant 0 : i32
        %dma_start3A_243 = arith.constant 0 : i32
        %dma_start3A_244 = tpu.memref_slice %arg4[%dma_start3A, %dma_start3A_243] : memref<10000x128xf32, #tpu.memory_space<hbm>> -> memref<10000x128xf32, #tpu.memory_space<hbm>>
        tpu.enqueue_indirect_dma source(%dma_start3A_244 : memref<10000x128xf32, #tpu.memory_space<hbm>>) target(%arg12 : memref<128x128xf32, #tpu.memory_space<vmem>>) offsets(%arg11 : memref<128xi32, #tpu.memory_space<vmem>>) semaphore(%arg14 : memref<!tpu.dma_semaphore, #tpu.memory_space<semaphore_mem>>)
        %dma_wait3A = arith.constant 0 : i32
        %dma_wait3A_245 = arith.constant 0 : i32
        %dma_wait3A_246 = tpu.memref_slice %arg4[%dma_wait3A, %dma_wait3A_245] : memref<10000x128xf32, #tpu.memory_space<hbm>> -> memref<10000x128xf32, #tpu.memory_space<hbm>>
        tpu.wait_indirect_dma semaphore(%arg14 : memref<!tpu.dma_semaphore, #tpu.memory_space<semaphore_mem>>) src(%dma_wait3A_246 : memref<10000x128xf32, #tpu.memory_space<hbm>>) dst(%arg12 : memref<128x128xf32, #tpu.memory_space<vmem>>)
        %scan3A_247 = arith.constant 0 : i32
        %scan3A_248 = arith.constant 128 : i32
        %scan3A_249 = arith.addi %scan3A_247, %scan3A_248 : i32
        %scan3A_250 = arith.constant 1 : i32
        scf.for %scan3A_252 = %scan3A_247 to %scan3A_249 step %scan3A_250  : i32 {
          %mul3A_253 = arith.constant 1 : i32
          %mul3A_254 = arith.muli %scan3A_252, %mul3A_253 : i32
          %add3A_255 = arith.constant 0 : i32
          %add3A_256 = arith.addi %add3A_255, %mul3A_254 : i32
          %add3A_257 = arith.addi %select_n3A_188, %add3A_241 : i32
          %mul3A_258 = arith.constant 128 : i32
          %mul3A_259 = arith.muli %add3A_257, %mul3A_258 : i32
          %add3A_260 = arith.addi %mul3A_259, %add3A_256 : i32
          %ge3A = arith.cmpi sge, %add3A_260, %scan3A_29#0 : i32
          %lt3A = arith.cmpi slt, %add3A_260, %scan3A_39#0 : i32
          %and3A_261 = arith.andi %ge3A, %lt3A : i1
          %convert_element_type3A_262 = arith.extui %and3A_261 : i1 to i32
          %cond3A_263 = arith.constant 0 : i32
          %cond3A_264 = arith.cmpi ne, %convert_element_type3A_262, %cond3A_263 : i32
          scf.if %cond3A_264 {
            %sub3A_265 = arith.subi %add3A_260, %scan3A_29#0 : i32
            %get3A = arith.index_cast %sub3A_265 : i32 to index
            %get3A_266 = tpu.vector_load %arg10[%get3A] {strides = array<i32>} : memref<10016xi32, #tpu.memory_space<vmem>>, vector<16xi32>,
            %get3A_267 = vector.shape_cast %get3A_266 : vector<16xi32> to vector<16xi32>
            %slice3A = vector.extract_strided_slice %get3A_267 {offsets = [0], sizes = [1], strides = [1]} : vector<16xi32> to vector<1xi32>
            %squeeze3A = vector.extract %slice3A[0] : i32 from vector<1xi32>
            %gt3A_268 = arith.constant 0 : i32
            %gt3A_269 = arith.cmpi sgt, %squeeze3A, %gt3A_268 : i32
            %convert_element_type3A_270 = arith.extui %gt3A_269 : i1 to i32
            %cond3A_271 = arith.constant 0 : i32
            %cond3A_272 = arith.cmpi ne, %convert_element_type3A_270, %cond3A_271 : i32
            scf.if %cond3A_272 {
              %get3A_273 = arith.constant 0 : index
              %get3A_274 = tpu.vector_load %arg13[%get3A_273] {strides = array<i32>} : memref<128xf32, #tpu.memory_space<vmem>>, vector<16xf32>,
              %get3A_275 = vector.shape_cast %get3A_274 : vector<16xf32> to vector<16xf32>
              %get3A_276 = arith.index_cast %add3A_256 : i32 to index
              %get3A_277 = arith.constant 0 : index
              %get3A_278 = tpu.vector_load %arg12[%get3A_276, %get3A_277] {strides = array<i32>} : memref<128x128xf32, #tpu.memory_space<vmem>>, vector<1x16xf32>,
              %get3A_279 = vector.shape_cast %get3A_278 : vector<1x16xf32> to vector<16xf32>
              %max3A = arith.maximumf %get3A_275, %get3A_279 : vector<16xf32>
              %swap3A_280 = arith.constant 0 : index
              %swap3A_281 = tpu.vector_load %arg13[%swap3A_280] {strides = array<i32>} : memref<128xf32, #tpu.memory_space<vmem>>, vector<16xf32>,
              %swap3A_282 = vector.shape_cast %swap3A_281 : vector<16xf32> to vector<16xf32>
              %swap3A_283 = vector.shape_cast %max3A : vector<16xf32> to vector<16xf32>
              tpu.vector_store %arg13[%swap3A_280], %swap3A_283 {strides = array<i32>} : memref<128xf32, #tpu.memory_space<vmem>>, vector<16xf32>,
              %get3A_284 = arith.constant 16 : index
              %get3A_285 = tpu.vector_load %arg13[%get3A_284] {strides = array<i32>} : memref<128xf32, #tpu.memory_space<vmem>>, vector<16xf32>,
              %get3A_286 = vector.shape_cast %get3A_285 : vector<16xf32> to vector<16xf32>
              %get3A_287 = arith.index_cast %add3A_256 : i32 to index
              %get3A_288 = arith.constant 16 : index
              %get3A_289 = tpu.vector_load %arg12[%get3A_287, %get3A_288] {strides = array<i32>} : memref<128x128xf32, #tpu.memory_space<vmem>>, vector<1x16xf32>,
              %get3A_290 = vector.shape_cast %get3A_289 : vector<1x16xf32> to vector<16xf32>
              %max3A_291 = arith.maximumf %get3A_286, %get3A_290 : vector<16xf32>
              %swap3A_292 = arith.constant 16 : index
              %swap3A_293 = tpu.vector_load %arg13[%swap3A_292] {strides = array<i32>} : memref<128xf32, #tpu.memory_space<vmem>>, vector<16xf32>,
              %swap3A_294 = vector.shape_cast %swap3A_293 : vector<16xf32> to vector<16xf32>
              %swap3A_295 = vector.shape_cast %max3A_291 : vector<16xf32> to vector<16xf32>
              tpu.vector_store %arg13[%swap3A_292], %swap3A_295 {strides = array<i32>} : memref<128xf32, #tpu.memory_space<vmem>>, vector<16xf32>,
              %get3A_296 = arith.constant 32 : index
              %get3A_297 = tpu.vector_load %arg13[%get3A_296] {strides = array<i32>} : memref<128xf32, #tpu.memory_space<vmem>>, vector<16xf32>,
              %get3A_298 = vector.shape_cast %get3A_297 : vector<16xf32> to vector<16xf32>
              %get3A_299 = arith.index_cast %add3A_256 : i32 to index
              %get3A_300 = arith.constant 32 : index
              %get3A_301 = tpu.vector_load %arg12[%get3A_299, %get3A_300] {strides = array<i32>} : memref<128x128xf32, #tpu.memory_space<vmem>>, vector<1x16xf32>,
              %get3A_302 = vector.shape_cast %get3A_301 : vector<1x16xf32> to vector<16xf32>
              %max3A_303 = arith.maximumf %get3A_298, %get3A_302 : vector<16xf32>
              %swap3A_304 = arith.constant 32 : index
              %swap3A_305 = tpu.vector_load %arg13[%swap3A_304] {strides = array<i32>} : memref<128xf32, #tpu.memory_space<vmem>>, vector<16xf32>,
              %swap3A_306 = vector.shape_cast %swap3A_305 : vector<16xf32> to vector<16xf32>
              %swap3A_307 = vector.shape_cast %max3A_303 : vector<16xf32> to vector<16xf32>
              tpu.vector_store %arg13[%swap3A_304], %swap3A_307 {strides = array<i32>} : memref<128xf32, #tpu.memory_space<vmem>>, vector<16xf32>,
              %get3A_308 = arith.constant 48 : index
              %get3A_309 = tpu.vector_load %arg13[%get3A_308] {strides = array<i32>} : memref<128xf32, #tpu.memory_space<vmem>>, vector<16xf32>,
              %get3A_310 = vector.shape_cast %get3A_309 : vector<16xf32> to vector<16xf32>
              %get3A_311 = arith.index_cast %add3A_256 : i32 to index
              %get3A_312 = arith.constant 48 : index
              %get3A_313 = tpu.vector_load %arg12[%get3A_311, %get3A_312] {strides = array<i32>} : memref<128x128xf32, #tpu.memory_space<vmem>>, vector<1x16xf32>,
              %get3A_314 = vector.shape_cast %get3A_313 : vector<1x16xf32> to vector<16xf32>
              %max3A_315 = arith.maximumf %get3A_310, %get3A_314 : vector<16xf32>
              %swap3A_316 = arith.constant 48 : index
              %swap3A_317 = tpu.vector_load %arg13[%swap3A_316] {strides = array<i32>} : memref<128xf32, #tpu.memory_space<vmem>>, vector<16xf32>,
              %swap3A_318 = vector.shape_cast %swap3A_317 : vector<16xf32> to vector<16xf32>
              %swap3A_319 = vector.shape_cast %max3A_315 : vector<16xf32> to vector<16xf32>
              tpu.vector_store %arg13[%swap3A_316], %swap3A_319 {strides = array<i32>} : memref<128xf32, #tpu.memory_space<vmem>>, vector<16xf32>,
              %get3A_320 = arith.constant 64 : index
              %get3A_321 = tpu.vector_load %arg13[%get3A_320] {strides = array<i32>} : memref<128xf32, #tpu.memory_space<vmem>>, vector<16xf32>,
              %get3A_322 = vector.shape_cast %get3A_321 : vector<16xf32> to vector<16xf32>
              %get3A_323 = arith.index_cast %add3A_256 : i32 to index
              %get3A_324 = arith.constant 64 : index
              %get3A_325 = tpu.vector_load %arg12[%get3A_323, %get3A_324] {strides = array<i32>} : memref<128x128xf32, #tpu.memory_space<vmem>>, vector<1x16xf32>,
              %get3A_326 = vector.shape_cast %get3A_325 : vector<1x16xf32> to vector<16xf32>
              %max3A_327 = arith.maximumf %get3A_322, %get3A_326 : vector<16xf32>
              %swap3A_328 = arith.constant 64 : index
              %swap3A_329 = tpu.vector_load %arg13[%swap3A_328] {strides = array<i32>} : memref<128xf32, #tpu.memory_space<vmem>>, vector<16xf32>,
              %swap3A_330 = vector.shape_cast %swap3A_329 : vector<16xf32> to vector<16xf32>
              %swap3A_331 = vector.shape_cast %max3A_327 : vector<16xf32> to vector<16xf32>
              tpu.vector_store %arg13[%swap3A_328], %swap3A_331 {strides = array<i32>} : memref<128xf32, #tpu.memory_space<vmem>>, vector<16xf32>,
              %get3A_332 = arith.constant 80 : index
              %get3A_333 = tpu.vector_load %arg13[%get3A_332] {strides = array<i32>} : memref<128xf32, #tpu.memory_space<vmem>>, vector<16xf32>,
              %get3A_334 = vector.shape_cast %get3A_333 : vector<16xf32> to vector<16xf32>
              %get3A_335 = arith.index_cast %add3A_256 : i32 to index
              %get3A_336 = arith.constant 80 : index
              %get3A_337 = tpu.vector_load %arg12[%get3A_335, %get3A_336] {strides = array<i32>} : memref<128x128xf32, #tpu.memory_space<vmem>>, vector<1x16xf32>,
              %get3A_338 = vector.shape_cast %get3A_337 : vector<1x16xf32> to vector<16xf32>
              %max3A_339 = arith.maximumf %get3A_334, %get3A_338 : vector<16xf32>
              %swap3A_340 = arith.constant 80 : index
              %swap3A_341 = tpu.vector_load %arg13[%swap3A_340] {strides = array<i32>} : memref<128xf32, #tpu.memory_space<vmem>>, vector<16xf32>,
              %swap3A_342 = vector.shape_cast %swap3A_341 : vector<16xf32> to vector<16xf32>
              %swap3A_343 = vector.shape_cast %max3A_339 : vector<16xf32> to vector<16xf32>
              tpu.vector_store %arg13[%swap3A_340], %swap3A_343 {strides = array<i32>} : memref<128xf32, #tpu.memory_space<vmem>>, vector<16xf32>,
              %get3A_344 = arith.constant 96 : index
              %get3A_345 = tpu.vector_load %arg13[%get3A_344] {strides = array<i32>} : memref<128xf32, #tpu.memory_space<vmem>>, vector<16xf32>,
              %get3A_346 = vector.shape_cast %get3A_345 : vector<16xf32> to vector<16xf32>
              %get3A_347 = arith.index_cast %add3A_256 : i32 to index
              %get3A_348 = arith.constant 96 : index
              %get3A_349 = tpu.vector_load %arg12[%get3A_347, %get3A_348] {strides = array<i32>} : memref<128x128xf32, #tpu.memory_space<vmem>>, vector<1x16xf32>,
              %get3A_350 = vector.shape_cast %get3A_349 : vector<1x16xf32> to vector<16xf32>
              %max3A_351 = arith.maximumf %get3A_346, %get3A_350 : vector<16xf32>
              %swap3A_352 = arith.constant 96 : index
              %swap3A_353 = tpu.vector_load %arg13[%swap3A_352] {strides = array<i32>} : memref<128xf32, #tpu.memory_space<vmem>>, vector<16xf32>,
              %swap3A_354 = vector.shape_cast %swap3A_353 : vector<16xf32> to vector<16xf32>
              %swap3A_355 = vector.shape_cast %max3A_351 : vector<16xf32> to vector<16xf32>
              tpu.vector_store %arg13[%swap3A_352], %swap3A_355 {strides = array<i32>} : memref<128xf32, #tpu.memory_space<vmem>>, vector<16xf32>,
              %get3A_356 = arith.constant 112 : index
              %get3A_357 = tpu.vector_load %arg13[%get3A_356] {strides = array<i32>} : memref<128xf32, #tpu.memory_space<vmem>>, vector<16xf32>,
              %get3A_358 = vector.shape_cast %get3A_357 : vector<16xf32> to vector<16xf32>
              %get3A_359 = arith.index_cast %add3A_256 : i32 to index
              %get3A_360 = arith.constant 112 : index
              %get3A_361 = tpu.vector_load %arg12[%get3A_359, %get3A_360] {strides = array<i32>} : memref<128x128xf32, #tpu.memory_space<vmem>>, vector<1x16xf32>,
              %get3A_362 = vector.shape_cast %get3A_361 : vector<1x16xf32> to vector<16xf32>
              %max3A_363 = arith.maximumf %get3A_358, %get3A_362 : vector<16xf32>
              %swap3A_364 = arith.constant 112 : index
              %swap3A_365 = tpu.vector_load %arg13[%swap3A_364] {strides = array<i32>} : memref<128xf32, #tpu.memory_space<vmem>>, vector<16xf32>,
              %swap3A_366 = vector.shape_cast %swap3A_365 : vector<16xf32> to vector<16xf32>
              %swap3A_367 = vector.shape_cast %max3A_363 : vector<16xf32> to vector<16xf32>
              tpu.vector_store %arg13[%swap3A_364], %swap3A_367 {strides = array<i32>} : memref<128xf32, #tpu.memory_space<vmem>>, vector<16xf32>,
            } else {
            }
          } else {
          }
        }
        %scan3A_251 = arith.constant 128 : i32
      }
      %while3A_238 = arith.constant 1 : i32
      scf.for %while3A_239 = %while3A_236 to %while3A_232 step %while3A_238  : i32 {
        %mul3A_240 = arith.muli %while3A_239, %while3A_228 : i32
        %add3A_241 = arith.addi %while3A_229, %mul3A_240 : i32
        %add3A_242 = arith.addi %select_n3A_188, %add3A_241 : i32
        "tpu.region"() ({
          %run_scoped3A = tpu.sem_alloc : memref<!tpu.dma_semaphore, #tpu.memory_space<semaphore_mem>>
          %dma_start3A_252 = arith.constant 0 : i32
          %dma_start3A_253 = tpu.memref_slice %arg5[%add3A_242, %dma_start3A_252] : memref<81x128xi32, #tpu.memory_space<hbm>> -> memref<1x128xi32, #tpu.memory_space<hbm>>
          %dma_start3A_254 = tpu.memref_squeeze %dma_start3A_253 : memref<1x128xi32, #tpu.memory_space<hbm>> -> memref<128xi32, #tpu.memory_space<hbm>>
          %dma_start3A_255 = arith.constant 0 : i32
          %dma_start3A_256 = tpu.memref_slice %arg5[%add3A_242, %dma_start3A_255] : memref<81x128xi32, #tpu.memory_space<hbm>> -> memref<1x128xi32, #tpu.memory_space<hbm>>
          %dma_start3A_257 = tpu.memref_squeeze %dma_start3A_256 : memref<1x128xi32, #tpu.memory_space<hbm>> -> memref<128xi32, #tpu.memory_space<hbm>>
          tpu.enqueue_dma source(%dma_start3A_257 : memref<128xi32, #tpu.memory_space<hbm>>) target(%arg11 : memref<128xi32, #tpu.memory_space<vmem>>) target_semaphore(%run_scoped3A : memref<!tpu.dma_semaphore, #tpu.memory_space<semaphore_mem>>)
          %dma_wait3A_258 = arith.constant 0 : i32
          %dma_wait3A_259 = tpu.memref_slice %arg5[%add3A_242, %dma_wait3A_258] : memref<81x128xi32, #tpu.memory_space<hbm>> -> memref<1x128xi32, #tpu.memory_space<hbm>>
          %dma_wait3A_260 = tpu.memref_squeeze %dma_wait3A_259 : memref<1x128xi32, #tpu.memory_space<hbm>> -> memref<128xi32, #tpu.memory_space<hbm>>
          %dma_wait3A_261 = arith.constant 0 : i32
          %dma_wait3A_262 = tpu.memref_slice %arg5[%add3A_242, %dma_wait3A_261] : memref<81x128xi32, #tpu.memory_space<hbm>> -> memref<1x128xi32, #tpu.memory_space<hbm>>
          %dma_wait3A_263 = tpu.memref_squeeze %dma_wait3A_262 : memref<1x128xi32, #tpu.memory_space<hbm>> -> memref<128xi32, #tpu.memory_space<hbm>>
          tpu.wait_dma2 semaphore(%run_scoped3A : memref<!tpu.dma_semaphore, #tpu.memory_space<semaphore_mem>>) src(%dma_wait3A_263 : memref<128xi32, #tpu.memory_space<hbm>>) dst(%arg11 : memref<128xi32, #tpu.memory_space<vmem>>)
          tpu.yield
        }) : () -> ()
        %dma_start3A = arith.constant 0 : i32
        %dma_start3A_243 = arith.constant 0 : i32
        %dma_start3A_244 = tpu.memref_slice %arg4[%dma_start3A, %dma_start3A_243] : memref<10000x128xf32, #tpu.memory_space<hbm>> -> memref<10000x128xf32, #tpu.memory_space<hbm>>
        tpu.enqueue_indirect_dma source(%dma_start3A_244 : memref<10000x128xf32, #tpu.memory_space<hbm>>) target(%arg12 : memref<128x128xf32, #tpu.memory_space<vmem>>) offsets(%arg11 : memref<128xi32, #tpu.memory_space<vmem>>) semaphore(%arg14 : memref<!tpu.dma_semaphore, #tpu.memory_space<semaphore_mem>>)
        %dma_wait3A = arith.constant 0 : i32
        %dma_wait3A_245 = arith.constant 0 : i32
        %dma_wait3A_246 = tpu.memref_slice %arg4[%dma_wait3A, %dma_wait3A_245] : memref<10000x128xf32, #tpu.memory_space<hbm>> -> memref<10000x128xf32, #tpu.memory_space<hbm>>
        tpu.wait_indirect_dma semaphore(%arg14 : memref<!tpu.dma_semaphore, #tpu.memory_space<semaphore_mem>>) src(%dma_wait3A_246 : memref<10000x128xf32, #tpu.memory_space<hbm>>) dst(%arg12 : memref<128x128xf32, #tpu.memory_space<vmem>>)
        %scan3A_247 = arith.constant 0 : i32
        %scan3A_248 = arith.constant 128 : i32
        %scan3A_249 = arith.addi %scan3A_247, %scan3A_248 : i32
        %scan3A_250 = arith.constant 1 : i32
        scf.for %scan3A_252 = %scan3A_247 to %scan3A_249 step %scan3A_250  : i32 {
          %mul3A_253 = arith.constant 1 : i32
          %mul3A_254 = arith.muli %scan3A_252, %mul3A_253 : i32
          %add3A_255 = arith.constant 0 : i32
          %add3A_256 = arith.addi %add3A_255, %mul3A_254 : i32
          %add3A_257 = arith.addi %select_n3A_188, %add3A_241 : i32
          %mul3A_258 = arith.constant 128 : i32
          %mul3A_259 = arith.muli %add3A_257, %mul3A_258 : i32
          %add3A_260 = arith.addi %mul3A_259, %add3A_256 : i32
          %ge3A = arith.cmpi sge, %add3A_260, %scan3A_29#0 : i32
          %lt3A = arith.cmpi slt, %add3A_260, %scan3A_39#0 : i32
          %and3A_261 = arith.andi %ge3A, %lt3A : i1
          %convert_element_type3A_262 = arith.extui %and3A_261 : i1 to i32
          %cond3A_263 = arith.constant 0 : i32
          %cond3A_264 = arith.cmpi ne, %convert_element_type3A_262, %cond3A_263 : i32
          scf.if %cond3A_264 {
            %sub3A_265 = arith.subi %add3A_260, %scan3A_29#0 : i32
            %get3A = arith.index_cast %sub3A_265 : i32 to index
            %get3A_266 = tpu.vector_load %arg10[%get3A] {strides = array<i32>} : memref<10016xi32, #tpu.memory_space<vmem>>, vector<16xi32>,
            %get3A_267 = vector.shape_cast %get3A_266 : vector<16xi32> to vector<16xi32>
            %slice3A = vector.extract_strided_slice %get3A_267 {offsets = [0], sizes = [1], strides = [1]} : vector<16xi32> to vector<1xi32>
            %squeeze3A = vector.extract %slice3A[0] : i32 from vector<1xi32>
            %gt3A_268 = arith.constant 0 : i32
            %gt3A_269 = arith.cmpi sgt, %squeeze3A, %gt3A_268 : i32
            %convert_element_type3A_270 = arith.extui %gt3A_269 : i1 to i32
            %cond3A_271 = arith.constant 0 : i32
            %cond3A_272 = arith.cmpi ne, %convert_element_type3A_270, %cond3A_271 : i32
            scf.if %cond3A_272 {
              %get3A_273 = arith.constant 0 : index
              %get3A_274 = tpu.vector_load %arg13[%get3A_273] {strides = array<i32>} : memref<128xf32, #tpu.memory_space<vmem>>, vector<16xf32>,
              %get3A_275 = vector.shape_cast %get3A_274 : vector<16xf32> to vector<16xf32>
              %get3A_276 = arith.index_cast %add3A_256 : i32 to index
              %get3A_277 = arith.constant 0 : index
              %get3A_278 = tpu.vector_load %arg12[%get3A_276, %get3A_277] {strides = array<i32>} : memref<128x128xf32, #tpu.memory_space<vmem>>, vector<1x16xf32>,
              %get3A_279 = vector.shape_cast %get3A_278 : vector<1x16xf32> to vector<16xf32>
              %max3A = arith.maximumf %get3A_275, %get3A_279 : vector<16xf32>
              %swap3A_280 = arith.constant 0 : index
              %swap3A_281 = tpu.vector_load %arg13[%swap3A_280] {strides = array<i32>} : memref<128xf32, #tpu.memory_space<vmem>>, vector<16xf32>,
              %swap3A_282 = vector.shape_cast %swap3A_281 : vector<16xf32> to vector<16xf32>
              %swap3A_283 = vector.shape_cast %max3A : vector<16xf32> to vector<16xf32>
              tpu.vector_store %arg13[%swap3A_280], %swap3A_283 {strides = array<i32>} : memref<128xf32, #tpu.memory_space<vmem>>, vector<16xf32>,
              %get3A_284 = arith.constant 16 : index
              %get3A_285 = tpu.vector_load %arg13[%get3A_284] {strides = array<i32>} : memref<128xf32, #tpu.memory_space<vmem>>, vector<16xf32>,
              %get3A_286 = vector.shape_cast %get3A_285 : vector<16xf32> to vector<16xf32>
              %get3A_287 = arith.index_cast %add3A_256 : i32 to index
              %get3A_288 = arith.constant 16 : index
              %get3A_289 = tpu.vector_load %arg12[%get3A_287, %get3A_288] {strides = array<i32>} : memref<128x128xf32, #tpu.memory_space<vmem>>, vector<1x16xf32>,
              %get3A_290 = vector.shape_cast %get3A_289 : vector<1x16xf32> to vector<16xf32>
              %max3A_291 = arith.maximumf %get3A_286, %get3A_290 : vector<16xf32>
              %swap3A_292 = arith.constant 16 : index
              %swap3A_293 = tpu.vector_load %arg13[%swap3A_292] {strides = array<i32>} : memref<128xf32, #tpu.memory_space<vmem>>, vector<16xf32>,
              %swap3A_294 = vector.shape_cast %swap3A_293 : vector<16xf32> to vector<16xf32>
              %swap3A_295 = vector.shape_cast %max3A_291 : vector<16xf32> to vector<16xf32>
              tpu.vector_store %arg13[%swap3A_292], %swap3A_295 {strides = array<i32>} : memref<128xf32, #tpu.memory_space<vmem>>, vector<16xf32>,
              %get3A_296 = arith.constant 32 : index
              %get3A_297 = tpu.vector_load %arg13[%get3A_296] {strides = array<i32>} : memref<128xf32, #tpu.memory_space<vmem>>, vector<16xf32>,
              %get3A_298 = vector.shape_cast %get3A_297 : vector<16xf32> to vector<16xf32>
              %get3A_299 = arith.index_cast %add3A_256 : i32 to index
              %get3A_300 = arith.constant 32 : index
              %get3A_301 = tpu.vector_load %arg12[%get3A_299, %get3A_300] {strides = array<i32>} : memref<128x128xf32, #tpu.memory_space<vmem>>, vector<1x16xf32>,
              %get3A_302 = vector.shape_cast %get3A_301 : vector<1x16xf32> to vector<16xf32>
              %max3A_303 = arith.maximumf %get3A_298, %get3A_302 : vector<16xf32>
              %swap3A_304 = arith.constant 32 : index
              %swap3A_305 = tpu.vector_load %arg13[%swap3A_304] {strides = array<i32>} : memref<128xf32, #tpu.memory_space<vmem>>, vector<16xf32>,
              %swap3A_306 = vector.shape_cast %swap3A_305 : vector<16xf32> to vector<16xf32>
              %swap3A_307 = vector.shape_cast %max3A_303 : vector<16xf32> to vector<16xf32>
              tpu.vector_store %arg13[%swap3A_304], %swap3A_307 {strides = array<i32>} : memref<128xf32, #tpu.memory_space<vmem>>, vector<16xf32>,
              %get3A_308 = arith.constant 48 : index
              %get3A_309 = tpu.vector_load %arg13[%get3A_308] {strides = array<i32>} : memref<128xf32, #tpu.memory_space<vmem>>, vector<16xf32>,
              %get3A_310 = vector.shape_cast %get3A_309 : vector<16xf32> to vector<16xf32>
              %get3A_311 = arith.index_cast %add3A_256 : i32 to index
              %get3A_312 = arith.constant 48 : index
              %get3A_313 = tpu.vector_load %arg12[%get3A_311, %get3A_312] {strides = array<i32>} : memref<128x128xf32, #tpu.memory_space<vmem>>, vector<1x16xf32>,
              %get3A_314 = vector.shape_cast %get3A_313 : vector<1x16xf32> to vector<16xf32>
              %max3A_315 = arith.maximumf %get3A_310, %get3A_314 : vector<16xf32>
              %swap3A_316 = arith.constant 48 : index
              %swap3A_317 = tpu.vector_load %arg13[%swap3A_316] {strides = array<i32>} : memref<128xf32, #tpu.memory_space<vmem>>, vector<16xf32>,
              %swap3A_318 = vector.shape_cast %swap3A_317 : vector<16xf32> to vector<16xf32>
              %swap3A_319 = vector.shape_cast %max3A_315 : vector<16xf32> to vector<16xf32>
              tpu.vector_store %arg13[%swap3A_316], %swap3A_319 {strides = array<i32>} : memref<128xf32, #tpu.memory_space<vmem>>, vector<16xf32>,
              %get3A_320 = arith.constant 64 : index
              %get3A_321 = tpu.vector_load %arg13[%get3A_320] {strides = array<i32>} : memref<128xf32, #tpu.memory_space<vmem>>, vector<16xf32>,
              %get3A_322 = vector.shape_cast %get3A_321 : vector<16xf32> to vector<16xf32>
              %get3A_323 = arith.index_cast %add3A_256 : i32 to index
              %get3A_324 = arith.constant 64 : index
              %get3A_325 = tpu.vector_load %arg12[%get3A_323, %get3A_324] {strides = array<i32>} : memref<128x128xf32, #tpu.memory_space<vmem>>, vector<1x16xf32>,
              %get3A_326 = vector.shape_cast %get3A_325 : vector<1x16xf32> to vector<16xf32>
              %max3A_327 = arith.maximumf %get3A_322, %get3A_326 : vector<16xf32>
              %swap3A_328 = arith.constant 64 : index
              %swap3A_329 = tpu.vector_load %arg13[%swap3A_328] {strides = array<i32>} : memref<128xf32, #tpu.memory_space<vmem>>, vector<16xf32>,
              %swap3A_330 = vector.shape_cast %swap3A_329 : vector<16xf32> to vector<16xf32>
              %swap3A_331 = vector.shape_cast %max3A_327 : vector<16xf32> to vector<16xf32>
              tpu.vector_store %arg13[%swap3A_328], %swap3A_331 {strides = array<i32>} : memref<128xf32, #tpu.memory_space<vmem>>, vector<16xf32>,
              %get3A_332 = arith.constant 80 : index
              %get3A_333 = tpu.vector_load %arg13[%get3A_332] {strides = array<i32>} : memref<128xf32, #tpu.memory_space<vmem>>, vector<16xf32>,
              %get3A_334 = vector.shape_cast %get3A_333 : vector<16xf32> to vector<16xf32>
              %get3A_335 = arith.index_cast %add3A_256 : i32 to index
              %get3A_336 = arith.constant 80 : index
              %get3A_337 = tpu.vector_load %arg12[%get3A_335, %get3A_336] {strides = array<i32>} : memref<128x128xf32, #tpu.memory_space<vmem>>, vector<1x16xf32>,
              %get3A_338 = vector.shape_cast %get3A_337 : vector<1x16xf32> to vector<16xf32>
              %max3A_339 = arith.maximumf %get3A_334, %get3A_338 : vector<16xf32>
              %swap3A_340 = arith.constant 80 : index
              %swap3A_341 = tpu.vector_load %arg13[%swap3A_340] {strides = array<i32>} : memref<128xf32, #tpu.memory_space<vmem>>, vector<16xf32>,
              %swap3A_342 = vector.shape_cast %swap3A_341 : vector<16xf32> to vector<16xf32>
              %swap3A_343 = vector.shape_cast %max3A_339 : vector<16xf32> to vector<16xf32>
              tpu.vector_store %arg13[%swap3A_340], %swap3A_343 {strides = array<i32>} : memref<128xf32, #tpu.memory_space<vmem>>, vector<16xf32>,
              %get3A_344 = arith.constant 96 : index
              %get3A_345 = tpu.vector_load %arg13[%get3A_344] {strides = array<i32>} : memref<128xf32, #tpu.memory_space<vmem>>, vector<16xf32>,
              %get3A_346 = vector.shape_cast %get3A_345 : vector<16xf32> to vector<16xf32>
              %get3A_347 = arith.index_cast %add3A_256 : i32 to index
              %get3A_348 = arith.constant 96 : index
              %get3A_349 = tpu.vector_load %arg12[%get3A_347, %get3A_348] {strides = array<i32>} : memref<128x128xf32, #tpu.memory_space<vmem>>, vector<1x16xf32>,
              %get3A_350 = vector.shape_cast %get3A_349 : vector<1x16xf32> to vector<16xf32>
              %max3A_351 = arith.maximumf %get3A_346, %get3A_350 : vector<16xf32>
              %swap3A_352 = arith.constant 96 : index
              %swap3A_353 = tpu.vector_load %arg13[%swap3A_352] {strides = array<i32>} : memref<128xf32, #tpu.memory_space<vmem>>, vector<16xf32>,
              %swap3A_354 = vector.shape_cast %swap3A_353 : vector<16xf32> to vector<16xf32>
              %swap3A_355 = vector.shape_cast %max3A_351 : vector<16xf32> to vector<16xf32>
              tpu.vector_store %arg13[%swap3A_352], %swap3A_355 {strides = array<i32>} : memref<128xf32, #tpu.memory_space<vmem>>, vector<16xf32>,
              %get3A_356 = arith.constant 112 : index
              %get3A_357 = tpu.vector_load %arg13[%get3A_356] {strides = array<i32>} : memref<128xf32, #tpu.memory_space<vmem>>, vector<16xf32>,
              %get3A_358 = vector.shape_cast %get3A_357 : vector<16xf32> to vector<16xf32>
              %get3A_359 = arith.index_cast %add3A_256 : i32 to index
              %get3A_360 = arith.constant 112 : index
              %get3A_361 = tpu.vector_load %arg12[%get3A_359, %get3A_360] {strides = array<i32>} : memref<128x128xf32, #tpu.memory_space<vmem>>, vector<1x16xf32>,
              %get3A_362 = vector.shape_cast %get3A_361 : vector<1x16xf32> to vector<16xf32>
              %max3A_363 = arith.maximumf %get3A_358, %get3A_362 : vector<16xf32>
              %swap3A_364 = arith.constant 112 : index
              %swap3A_365 = tpu.vector_load %arg13[%swap3A_364] {strides = array<i32>} : memref<128xf32, #tpu.memory_space<vmem>>, vector<16xf32>,
              %swap3A_366 = vector.shape_cast %swap3A_365 : vector<16xf32> to vector<16xf32>
              %swap3A_367 = vector.shape_cast %max3A_363 : vector<16xf32> to vector<16xf32>
              tpu.vector_store %arg13[%swap3A_364], %swap3A_367 {strides = array<i32>} : memref<128xf32, #tpu.memory_space<vmem>>, vector<16xf32>,
            } else {
            }
          } else {
          }
        }
        %scan3A_251 = arith.constant 128 : i32
      }
    } else {
    }
    %mul3A_62 = arith.constant 128 : i32
    %mul3A_63 = arith.muli %add3A_23, %mul3A_62 : i32
    %multiple_of3A = tpu.assume_multiple %mul3A_63, 16 : i32
    "tpu.region"() ({
      %run_scoped3A = tpu.sem_alloc : memref<!tpu.dma_semaphore, #tpu.memory_space<semaphore_mem>>
      %dma_start3A = tpu.memref_slice %arg7[%multiple_of3A] : memref<8192xf32, #tpu.memory_space<hbm>> -> memref<128xf32, #tpu.memory_space<hbm>>
      %dma_start3A_121 = tpu.memref_slice %arg7[%multiple_of3A] : memref<8192xf32, #tpu.memory_space<hbm>> -> memref<128xf32, #tpu.memory_space<hbm>>
      tpu.enqueue_dma source(%arg13 : memref<128xf32, #tpu.memory_space<vmem>>) target(%dma_start3A_121 : memref<128xf32, #tpu.memory_space<hbm>>) target_semaphore(%run_scoped3A : memref<!tpu.dma_semaphore, #tpu.memory_space<semaphore_mem>>)
      %dma_wait3A = tpu.memref_slice %arg7[%multiple_of3A] : memref<8192xf32, #tpu.memory_space<hbm>> -> memref<128xf32, #tpu.memory_space<hbm>>
      %dma_wait3A_122 = tpu.memref_slice %arg7[%multiple_of3A] : memref<8192xf32, #tpu.memory_space<hbm>> -> memref<128xf32, #tpu.memory_space<hbm>>
      tpu.wait_dma2 semaphore(%run_scoped3A : memref<!tpu.dma_semaphore, #tpu.memory_space<semaphore_mem>>) src(%arg13 : memref<128xf32, #tpu.memory_space<vmem>>) dst(%dma_wait3A_122 : memref<128xf32, #tpu.memory_space<hbm>>)
      tpu.yield
    }) : () -> ()
    %mul3A_64 = arith.constant 2 : i32
    %mul3A_65 = arith.muli %add3A, %mul3A_64 : i32
    %add3A_66 = arith.constant 1 : i32
    %add3A_67 = arith.addi %mul3A_65, %add3A_66 : i32
    %scan3A_68 = arith.constant 0 : i32
    %scan3A_69 = arith.constant 10000 : i32
    %scan3A_70 = arith.constant 0 : i32
    %scan3A_71 = arith.constant 14 : i32
    %scan3A_72 = arith.addi %scan3A_70, %scan3A_71 : i32
    %scan3A_73 = arith.constant 1 : i32
    %scan3A_74:2 = scf.for %scan3A_121 = %scan3A_70 to %scan3A_72 step %scan3A_73 iter_args(%scan3A_122 = %scan3A_68, %scan3A_123 = %scan3A_69) -> (i32, i32)  : i32 {
      %add3A_124 = arith.addi %scan3A_122, %scan3A_123 : i32
      %jit3A_125 = arith.constant 2 : i32
      %div3A_126 = arith.divsi %add3A_124, %jit3A_125 : i32
      %sign3A_127 = arith.constant 0 : i32
      %sign3A_128 = arith.cmpi sgt, %add3A_124, %sign3A_127 : i32
      %sign3A_129 = arith.extui %sign3A_128 : i1 to i32
      %sign3A_130 = arith.constant 0 : i32
      %sign3A_131 = arith.cmpi slt, %add3A_124, %sign3A_130 : i32
      %sign3A_132 = arith.extui %sign3A_131 : i1 to i32
      %sign3A_133 = arith.subi %sign3A_129, %sign3A_132 : i32
      %sign3A_134 = arith.constant 0 : i32
      %sign3A_135 = arith.cmpi sgt, %jit3A_125, %sign3A_134 : i32
      %sign3A_136 = arith.extui %sign3A_135 : i1 to i32
      %sign3A_137 = arith.constant 0 : i32
      %sign3A_138 = arith.cmpi slt, %jit3A_125, %sign3A_137 : i32
      %sign3A_139 = arith.extui %sign3A_138 : i1 to i32
      %sign3A_140 = arith.subi %sign3A_136, %sign3A_139 : i32
      %ne3A_141 = arith.cmpi ne, %sign3A_133, %sign3A_140 : i32
      %rem3A_142 = arith.remsi %add3A_124, %jit3A_125 : i32
      %ne3A_143 = arith.constant 0 : i32
      %ne3A_144 = arith.cmpi ne, %rem3A_142, %ne3A_143 : i32
      %and3A_145 = arith.andi %ne3A_141, %ne3A_144 : i1
      %sub3A_146 = arith.constant 1 : i32
      %sub3A_147 = arith.subi %div3A_126, %sub3A_146 : i32
      %select_n3A_148 = arith.select %and3A_145, %sub3A_147, %div3A_126 : i32
      %get3A = arith.index_cast %select_n3A_148 : i32 to index
      %get3A_149 = tpu.vector_load %arg8[%get3A] {strides = array<i32>} : memref<10016xi32, #tpu.memory_space<vmem>>, vector<16xi32>,
      %get3A_150 = vector.shape_cast %get3A_149 : vector<16xi32> to vector<16xi32>
      %slice3A = vector.extract_strided_slice %get3A_150 {offsets = [0], sizes = [1], strides = [1]} : vector<16xi32> to vector<1xi32>
      %squeeze3A = vector.extract %slice3A[0] : i32 from vector<1xi32>
      %lt3A = arith.cmpi slt, %squeeze3A, %add3A_67 : i32
      %add3A_151 = arith.constant 1 : i32
      %add3A_152 = arith.addi %select_n3A_148, %add3A_151 : i32
      %select_n3A_153 = arith.select %lt3A, %add3A_152, %scan3A_122 : i32
      %select_n3A_154 = arith.select %lt3A, %scan3A_123, %select_n3A_148 : i32
      scf.yield %select_n3A_153, %select_n3A_154 : i32, i32
    }
    %scan3A_75 = arith.constant 14 : i32
    %add3A_76 = arith.constant 1 : i32
    %add3A_77 = arith.addi %add3A_67, %add3A_76 : i32
    %scan3A_78 = arith.constant 0 : i32
    %scan3A_79 = arith.constant 10000 : i32
    %scan3A_80 = arith.constant 0 : i32
    %scan3A_81 = arith.constant 14 : i32
    %scan3A_82 = arith.addi %scan3A_80, %scan3A_81 : i32
    %scan3A_83 = arith.constant 1 : i32
    %scan3A_84:2 = scf.for %scan3A_121 = %scan3A_80 to %scan3A_82 step %scan3A_83 iter_args(%scan3A_122 = %scan3A_78, %scan3A_123 = %scan3A_79) -> (i32, i32)  : i32 {
      %add3A_124 = arith.addi %scan3A_122, %scan3A_123 : i32
      %jit3A_125 = arith.constant 2 : i32
      %div3A_126 = arith.divsi %add3A_124, %jit3A_125 : i32
      %sign3A_127 = arith.constant 0 : i32
      %sign3A_128 = arith.cmpi sgt, %add3A_124, %sign3A_127 : i32
      %sign3A_129 = arith.extui %sign3A_128 : i1 to i32
      %sign3A_130 = arith.constant 0 : i32
      %sign3A_131 = arith.cmpi slt, %add3A_124, %sign3A_130 : i32
      %sign3A_132 = arith.extui %sign3A_131 : i1 to i32
      %sign3A_133 = arith.subi %sign3A_129, %sign3A_132 : i32
      %sign3A_134 = arith.constant 0 : i32
      %sign3A_135 = arith.cmpi sgt, %jit3A_125, %sign3A_134 : i32
      %sign3A_136 = arith.extui %sign3A_135 : i1 to i32
      %sign3A_137 = arith.constant 0 : i32
      %sign3A_138 = arith.cmpi slt, %jit3A_125, %sign3A_137 : i32
      %sign3A_139 = arith.extui %sign3A_138 : i1 to i32
      %sign3A_140 = arith.subi %sign3A_136, %sign3A_139 : i32
      %ne3A_141 = arith.cmpi ne, %sign3A_133, %sign3A_140 : i32
      %rem3A_142 = arith.remsi %add3A_124, %jit3A_125 : i32
      %ne3A_143 = arith.constant 0 : i32
      %ne3A_144 = arith.cmpi ne, %rem3A_142, %ne3A_143 : i32
      %and3A_145 = arith.andi %ne3A_141, %ne3A_144 : i1
      %sub3A_146 = arith.constant 1 : i32
      %sub3A_147 = arith.subi %div3A_126, %sub3A_146 : i32
      %select_n3A_148 = arith.select %and3A_145, %sub3A_147, %div3A_126 : i32
      %get3A = arith.index_cast %select_n3A_148 : i32 to index
      %get3A_149 = tpu.vector_load %arg8[%get3A] {strides = array<i32>} : memref<10016xi32, #tpu.memory_space<vmem>>, vector<16xi32>,
      %get3A_150 = vector.shape_cast %get3A_149 : vector<16xi32> to vector<16xi32>
      %slice3A = vector.extract_strided_slice %get3A_150 {offsets = [0], sizes = [1], strides = [1]} : vector<16xi32> to vector<1xi32>
      %squeeze3A = vector.extract %slice3A[0] : i32 from vector<1xi32>
      %lt3A = arith.cmpi slt, %squeeze3A, %add3A_77 : i32
      %add3A_151 = arith.constant 1 : i32
      %add3A_152 = arith.addi %select_n3A_148, %add3A_151 : i32
      %select_n3A_153 = arith.select %lt3A, %add3A_152, %scan3A_122 : i32
      %select_n3A_154 = arith.select %lt3A, %scan3A_123, %select_n3A_148 : i32
      scf.yield %select_n3A_153, %select_n3A_154 : i32, i32
    }
    %scan3A_85 = arith.constant 14 : i32
    %sub3A_86 = arith.subi %scan3A_84#0, %scan3A_74#0 : i32
    %add3A_87 = arith.constant 1 : i32
    %add3A_88 = arith.addi %sub3A_86, %add3A_87 : i32
    %jit3A_89 = arith.constant 2 : i32
    %div3A_90 = arith.divsi %add3A_88, %jit3A_89 : i32
    %sign3A_91 = arith.constant 0 : i32
    %sign3A_92 = arith.cmpi sgt, %add3A_88, %sign3A_91 : i32
    %sign3A_93 = arith.extui %sign3A_92 : i1 to i32
    %sign3A_94 = arith.constant 0 : i32
    %sign3A_95 = arith.cmpi slt, %add3A_88, %sign3A_94 : i32
    %sign3A_96 = arith.extui %sign3A_95 : i1 to i32
    %sign3A_97 = arith.subi %sign3A_93, %sign3A_96 : i32
    %sign3A_98 = arith.constant 0 : i32
    %sign3A_99 = arith.cmpi sgt, %jit3A_89, %sign3A_98 : i32
    %sign3A_100 = arith.extui %sign3A_99 : i1 to i32
    %sign3A_101 = arith.constant 0 : i32
    %sign3A_102 = arith.cmpi slt, %jit3A_89, %sign3A_101 : i32
    %sign3A_103 = arith.extui %sign3A_102 : i1 to i32
    %sign3A_104 = arith.subi %sign3A_100, %sign3A_103 : i32
    %ne3A_105 = arith.cmpi ne, %sign3A_97, %sign3A_104 : i32
    %rem3A_106 = arith.remsi %add3A_88, %jit3A_89 : i32
    %ne3A_107 = arith.constant 0 : i32
    %ne3A_108 = arith.cmpi ne, %rem3A_106, %ne3A_107 : i32
    %and3A_109 = arith.andi %ne3A_105, %ne3A_108 : i1
    %sub3A_110 = arith.constant 1 : i32
    %sub3A_111 = arith.subi %div3A_90, %sub3A_110 : i32
    %select_n3A_112 = arith.select %and3A_109, %sub3A_111, %div3A_90 : i32
    "tpu.region"() ({
      %run_scoped3A = tpu.sem_alloc : memref<!tpu.dma_semaphore, #tpu.memory_space<semaphore_mem>>
      tpu.enqueue_dma source(%arg6 : memref<128xf32, #tpu.memory_space<hbm>>) target(%arg13 : memref<128xf32, #tpu.memory_space<vmem>>) target_semaphore(%run_scoped3A : memref<!tpu.dma_semaphore, #tpu.memory_space<semaphore_mem>>)
      tpu.wait_dma2 semaphore(%run_scoped3A : memref<!tpu.dma_semaphore, #tpu.memory_space<semaphore_mem>>) src(%arg6 : memref<128xf32, #tpu.memory_space<hbm>>) dst(%arg13 : memref<128xf32, #tpu.memory_space<vmem>>)
      tpu.yield
    }) : () -> ()
    %gt3A_113 = arith.constant 0 : i32
    %gt3A_114 = arith.cmpi sgt, %sub3A_86, %gt3A_113 : i32
    %convert_element_type3A_115 = arith.extui %gt3A_114 : i1 to i32
    %cond3A_116 = arith.constant 0 : i32
    %cond3A_117 = arith.cmpi ne, %convert_element_type3A_115, %cond3A_116 : i32
    scf.if %cond3A_117 {
      %add3A_121 = arith.constant 15 : i32
      %add3A_122 = arith.addi %sub3A_86, %add3A_121 : i32
      %jit3A_123 = arith.constant 16 : i32
      %div3A_124 = arith.divsi %add3A_122, %jit3A_123 : i32
      %sign3A_125 = arith.constant 0 : i32
      %sign3A_126 = arith.cmpi sgt, %add3A_122, %sign3A_125 : i32
      %sign3A_127 = arith.extui %sign3A_126 : i1 to i32
      %sign3A_128 = arith.constant 0 : i32
      %sign3A_129 = arith.cmpi slt, %add3A_122, %sign3A_128 : i32
      %sign3A_130 = arith.extui %sign3A_129 : i1 to i32
      %sign3A_131 = arith.subi %sign3A_127, %sign3A_130 : i32
      %sign3A_132 = arith.constant 0 : i32
      %sign3A_133 = arith.cmpi sgt, %jit3A_123, %sign3A_132 : i32
      %sign3A_134 = arith.extui %sign3A_133 : i1 to i32
      %sign3A_135 = arith.constant 0 : i32
      %sign3A_136 = arith.cmpi slt, %jit3A_123, %sign3A_135 : i32
      %sign3A_137 = arith.extui %sign3A_136 : i1 to i32
      %sign3A_138 = arith.subi %sign3A_134, %sign3A_137 : i32
      %ne3A_139 = arith.cmpi ne, %sign3A_131, %sign3A_138 : i32
      %rem3A_140 = arith.remsi %add3A_122, %jit3A_123 : i32
      %ne3A_141 = arith.constant 0 : i32
      %ne3A_142 = arith.cmpi ne, %rem3A_140, %ne3A_141 : i32
      %and3A_143 = arith.andi %ne3A_139, %ne3A_142 : i1
      %sub3A_144 = arith.constant 1 : i32
      %sub3A_145 = arith.subi %div3A_124, %sub3A_144 : i32
      %select_n3A_146 = arith.select %and3A_143, %sub3A_145, %div3A_124 : i32
      %sub3A_147 = arith.constant 0 : i32
      %sub3A_148 = arith.subi %select_n3A_146, %sub3A_147 : i32
      %sub3A_149 = arith.constant 1 : i32
      %sub3A_150 = arith.constant 1 : i32
      %sub3A_151 = arith.subi %sub3A_149, %sub3A_150 : i32
      %add3A_152 = arith.addi %sub3A_148, %sub3A_151 : i32
      %div3A_153 = arith.constant 1 : i32
      %div3A_154 = arith.divsi %add3A_152, %div3A_153 : i32
      %while3A = arith.constant 1 : i32
      %while3A_155 = arith.constant 0 : i32
      %while3A_156 = arith.constant 0 : i32
      %while3A_157 = arith.subi %div3A_154, %while3A_156 : i32
      %while3A_158 = arith.addi %while3A_156, %while3A_157 : i32
      %while3A_159 = arith.constant 1 : i32
      %while3A_160 = arith.divsi %while3A_157, %while3A_159 : i32
      %while3A_161 = arith.muli %while3A_160, %while3A_159 : i32
      %while3A_162 = arith.addi %while3A_156, %while3A_161 : i32
      %while3A_163 = arith.constant 1 : i32
      scf.for %while3A_239 = %while3A_156 to %while3A_162 step %while3A_163  : i32 {
        %mul3A_240 = arith.muli %while3A_239, %while3A : i32
        %add3A_241 = arith.addi %while3A_155, %mul3A_240 : i32
        %mul3A_242 = arith.constant 16 : i32
        %mul3A_243 = arith.muli %add3A_241, %mul3A_242 : i32
        %add3A_244 = arith.addi %scan3A_74#0, %mul3A_243 : i32
        %add3A_245 = vector.broadcast %add3A_244 : i32 to vector<16xi32>
        %add3A_246 = arith.addi %add3A_245, %iota3A : vector<16xi32>
        %get3A = arith.index_cast %add3A_244 : i32 to index
        %get3A_247 = tpu.vector_load %arg9[%get3A] {strides = array<i32>} : memref<10016xf32, #tpu.memory_space<vmem>>, vector<16xf32>,
        %get3A_248 = vector.shape_cast %get3A_247 : vector<16xf32> to vector<16xf32>
        %mul3A_249 = arith.constant 0 : i32
        %mul3A_250 = vector.broadcast %mul3A_249 : i32 to vector<16xi32>
        %mul3A_251 = arith.muli %iota3A, %mul3A_250 : vector<16xi32>
        %while3A_252 = arith.subi %scan3A_84#0, %scan3A_74#0 : i32
        %while3A_253 = arith.addi %scan3A_74#0, %while3A_252 : i32
        %while3A_254 = arith.constant 1 : i32
        %while3A_255 = arith.divsi %while3A_252, %while3A_254 : i32
        %while3A_256 = arith.muli %while3A_255, %while3A_254 : i32
        %while3A_257 = arith.addi %scan3A_74#0, %while3A_256 : i32
        %while3A_258 = arith.constant 1 : i32
        %while3A_259 = scf.for %while3A_276 = %scan3A_74#0 to %while3A_257 step %while3A_258 iter_args(%while3A_277 = %mul3A_251) -> (vector<16xi32>)  : i32 {
          %get3A_278 = arith.index_cast %while3A_276 : i32 to index
          %get3A_279 = tpu.vector_load %arg9[%get3A_278] {strides = array<i32>} : memref<10016xf32, #tpu.memory_space<vmem>>, vector<16xf32>,
          %get3A_280 = vector.shape_cast %get3A_279 : vector<16xf32> to vector<16xf32>
          %slice3A = vector.extract_strided_slice %get3A_280 {offsets = [0], sizes = [1], strides = [1]} : vector<16xf32> to vector<1xf32>
          %squeeze3A = vector.extract %slice3A[0] : f32 from vector<1xf32>
          %gt3A_281 = vector.broadcast %squeeze3A : f32 to vector<16xf32>
          %gt3A_282 = arith.cmpf ogt, %gt3A_281, %get3A_248 : vector<16xf32>
          %eq3A = vector.broadcast %squeeze3A : f32 to vector<16xf32>
          %eq3A_283 = arith.cmpf oeq, %eq3A, %get3A_248 : vector<16xf32>
          %lt3A_284 = vector.broadcast %while3A_276 : i32 to vector<16xi32>
          %lt3A_285 = arith.cmpi slt, %lt3A_284, %add3A_246 : vector<16xi32>
          %and3A_286 = arith.andi %eq3A_283, %lt3A_285 : vector<16xi1>
          %or3A = arith.ori %gt3A_282, %and3A_286 : vector<16xi1>
          %jit3A_287 = arith.constant 1 : i32
          %jit3A_288 = arith.constant 0 : i32
          %broadcast_in_dim3A_289 = vector.broadcast %jit3A_287 : i32 to vector<16xi32>
          %broadcast_in_dim3A_290 = vector.broadcast %jit3A_288 : i32 to vector<16xi32>
          %select_n3A_291 = arith.select %or3A, %broadcast_in_dim3A_289, %broadcast_in_dim3A_290 : vector<16xi1>, vector<16xi32>
          %add3A_292 = arith.addi %while3A_277, %select_n3A_291 : vector<16xi32>
          scf.yield %add3A_292 : vector<16xi32>
        }
        %while3A_260 = arith.constant 1 : i32
        %while3A_261 = scf.for %while3A_276 = %while3A_257 to %while3A_253 step %while3A_260 iter_args(%while3A_277 = %while3A_259) -> (vector<16xi32>)  : i32 {
          %get3A_278 = arith.index_cast %while3A_276 : i32 to index
          %get3A_279 = tpu.vector_load %arg9[%get3A_278] {strides = array<i32>} : memref<10016xf32, #tpu.memory_space<vmem>>, vector<16xf32>,
          %get3A_280 = vector.shape_cast %get3A_279 : vector<16xf32> to vector<16xf32>
          %slice3A = vector.extract_strided_slice %get3A_280 {offsets = [0], sizes = [1], strides = [1]} : vector<16xf32> to vector<1xf32>
          %squeeze3A = vector.extract %slice3A[0] : f32 from vector<1xf32>
          %gt3A_281 = vector.broadcast %squeeze3A : f32 to vector<16xf32>
          %gt3A_282 = arith.cmpf ogt, %gt3A_281, %get3A_248 : vector<16xf32>
          %eq3A = vector.broadcast %squeeze3A : f32 to vector<16xf32>
          %eq3A_283 = arith.cmpf oeq, %eq3A, %get3A_248 : vector<16xf32>
          %lt3A_284 = vector.broadcast %while3A_276 : i32 to vector<16xi32>
          %lt3A_285 = arith.cmpi slt, %lt3A_284, %add3A_246 : vector<16xi32>
          %and3A_286 = arith.andi %eq3A_283, %lt3A_285 : vector<16xi1>
          %or3A = arith.ori %gt3A_282, %and3A_286 : vector<16xi1>
          %jit3A_287 = arith.constant 1 : i32
          %jit3A_288 = arith.constant 0 : i32
          %broadcast_in_dim3A_289 = vector.broadcast %jit3A_287 : i32 to vector<16xi32>
          %broadcast_in_dim3A_290 = vector.broadcast %jit3A_288 : i32 to vector<16xi32>
          %select_n3A_291 = arith.select %or3A, %broadcast_in_dim3A_289, %broadcast_in_dim3A_290 : vector<16xi1>, vector<16xi32>
          %add3A_292 = arith.addi %while3A_277, %select_n3A_291 : vector<16xi32>
          scf.yield %add3A_292 : vector<16xi32>
        }
        %lt3A = vector.broadcast %select_n3A_112 : i32 to vector<16xi32>
        %lt3A_262 = arith.cmpi slt, %while3A_261, %lt3A : vector<16xi32>
        %lt3A_263 = vector.broadcast %scan3A_84#0 : i32 to vector<16xi32>
        %lt3A_264 = arith.cmpi slt, %add3A_246, %lt3A_263 : vector<16xi32>
        %and3A_265 = arith.andi %lt3A_262, %lt3A_264 : vector<16xi1>
        %jit3A_266 = arith.constant 1 : i32
        %jit3A_267 = arith.constant 0 : i32
        %broadcast_in_dim3A = vector.broadcast %jit3A_266 : i32 to vector<16xi32>
        %broadcast_in_dim3A_268 = vector.broadcast %jit3A_267 : i32 to vector<16xi32>
        %select_n3A_269 = arith.select %and3A_265, %broadcast_in_dim3A, %broadcast_in_dim3A_268 : vector<16xi1>, vector<16xi32>
        %mul3A_270 = arith.constant 16 : i32
        %mul3A_271 = arith.muli %add3A_241, %mul3A_270 : i32
        %swap3A_272 = arith.index_cast %mul3A_271 : i32 to index
        %swap3A_273 = tpu.vector_load %arg10[%swap3A_272] {strides = array<i32>} : memref<10016xi32, #tpu.memory_space<vmem>>, vector<16xi32>,
        %swap3A_274 = vector.shape_cast %swap3A_273 : vector<16xi32> to vector<16xi32>
        %swap3A_275 = vector.shape_cast %select_n3A_269 : vector<16xi32> to vector<16xi32>
        tpu.vector_store %arg10[%swap3A_272], %swap3A_275 {strides = array<i32>} : memref<10016xi32, #tpu.memory_space<vmem>>, vector<16xi32>,
      }
      %while3A_164 = arith.constant 1 : i32
      scf.for %while3A_239 = %while3A_162 to %while3A_158 step %while3A_164  : i32 {
        %mul3A_240 = arith.muli %while3A_239, %while3A : i32
        %add3A_241 = arith.addi %while3A_155, %mul3A_240 : i32
        %mul3A_242 = arith.constant 16 : i32
        %mul3A_243 = arith.muli %add3A_241, %mul3A_242 : i32
        %add3A_244 = arith.addi %scan3A_74#0, %mul3A_243 : i32
        %add3A_245 = vector.broadcast %add3A_244 : i32 to vector<16xi32>
        %add3A_246 = arith.addi %add3A_245, %iota3A : vector<16xi32>
        %get3A = arith.index_cast %add3A_244 : i32 to index
        %get3A_247 = tpu.vector_load %arg9[%get3A] {strides = array<i32>} : memref<10016xf32, #tpu.memory_space<vmem>>, vector<16xf32>,
        %get3A_248 = vector.shape_cast %get3A_247 : vector<16xf32> to vector<16xf32>
        %mul3A_249 = arith.constant 0 : i32
        %mul3A_250 = vector.broadcast %mul3A_249 : i32 to vector<16xi32>
        %mul3A_251 = arith.muli %iota3A, %mul3A_250 : vector<16xi32>
        %while3A_252 = arith.subi %scan3A_84#0, %scan3A_74#0 : i32
        %while3A_253 = arith.addi %scan3A_74#0, %while3A_252 : i32
        %while3A_254 = arith.constant 1 : i32
        %while3A_255 = arith.divsi %while3A_252, %while3A_254 : i32
        %while3A_256 = arith.muli %while3A_255, %while3A_254 : i32
        %while3A_257 = arith.addi %scan3A_74#0, %while3A_256 : i32
        %while3A_258 = arith.constant 1 : i32
        %while3A_259 = scf.for %while3A_276 = %scan3A_74#0 to %while3A_257 step %while3A_258 iter_args(%while3A_277 = %mul3A_251) -> (vector<16xi32>)  : i32 {
          %get3A_278 = arith.index_cast %while3A_276 : i32 to index
          %get3A_279 = tpu.vector_load %arg9[%get3A_278] {strides = array<i32>} : memref<10016xf32, #tpu.memory_space<vmem>>, vector<16xf32>,
          %get3A_280 = vector.shape_cast %get3A_279 : vector<16xf32> to vector<16xf32>
          %slice3A = vector.extract_strided_slice %get3A_280 {offsets = [0], sizes = [1], strides = [1]} : vector<16xf32> to vector<1xf32>
          %squeeze3A = vector.extract %slice3A[0] : f32 from vector<1xf32>
          %gt3A_281 = vector.broadcast %squeeze3A : f32 to vector<16xf32>
          %gt3A_282 = arith.cmpf ogt, %gt3A_281, %get3A_248 : vector<16xf32>
          %eq3A = vector.broadcast %squeeze3A : f32 to vector<16xf32>
          %eq3A_283 = arith.cmpf oeq, %eq3A, %get3A_248 : vector<16xf32>
          %lt3A_284 = vector.broadcast %while3A_276 : i32 to vector<16xi32>
          %lt3A_285 = arith.cmpi slt, %lt3A_284, %add3A_246 : vector<16xi32>
          %and3A_286 = arith.andi %eq3A_283, %lt3A_285 : vector<16xi1>
          %or3A = arith.ori %gt3A_282, %and3A_286 : vector<16xi1>
          %jit3A_287 = arith.constant 1 : i32
          %jit3A_288 = arith.constant 0 : i32
          %broadcast_in_dim3A_289 = vector.broadcast %jit3A_287 : i32 to vector<16xi32>
          %broadcast_in_dim3A_290 = vector.broadcast %jit3A_288 : i32 to vector<16xi32>
          %select_n3A_291 = arith.select %or3A, %broadcast_in_dim3A_289, %broadcast_in_dim3A_290 : vector<16xi1>, vector<16xi32>
          %add3A_292 = arith.addi %while3A_277, %select_n3A_291 : vector<16xi32>
          scf.yield %add3A_292 : vector<16xi32>
        }
        %while3A_260 = arith.constant 1 : i32
        %while3A_261 = scf.for %while3A_276 = %while3A_257 to %while3A_253 step %while3A_260 iter_args(%while3A_277 = %while3A_259) -> (vector<16xi32>)  : i32 {
          %get3A_278 = arith.index_cast %while3A_276 : i32 to index
          %get3A_279 = tpu.vector_load %arg9[%get3A_278] {strides = array<i32>} : memref<10016xf32, #tpu.memory_space<vmem>>, vector<16xf32>,
          %get3A_280 = vector.shape_cast %get3A_279 : vector<16xf32> to vector<16xf32>
          %slice3A = vector.extract_strided_slice %get3A_280 {offsets = [0], sizes = [1], strides = [1]} : vector<16xf32> to vector<1xf32>
          %squeeze3A = vector.extract %slice3A[0] : f32 from vector<1xf32>
          %gt3A_281 = vector.broadcast %squeeze3A : f32 to vector<16xf32>
          %gt3A_282 = arith.cmpf ogt, %gt3A_281, %get3A_248 : vector<16xf32>
          %eq3A = vector.broadcast %squeeze3A : f32 to vector<16xf32>
          %eq3A_283 = arith.cmpf oeq, %eq3A, %get3A_248 : vector<16xf32>
          %lt3A_284 = vector.broadcast %while3A_276 : i32 to vector<16xi32>
          %lt3A_285 = arith.cmpi slt, %lt3A_284, %add3A_246 : vector<16xi32>
          %and3A_286 = arith.andi %eq3A_283, %lt3A_285 : vector<16xi1>
          %or3A = arith.ori %gt3A_282, %and3A_286 : vector<16xi1>
          %jit3A_287 = arith.constant 1 : i32
          %jit3A_288 = arith.constant 0 : i32
          %broadcast_in_dim3A_289 = vector.broadcast %jit3A_287 : i32 to vector<16xi32>
          %broadcast_in_dim3A_290 = vector.broadcast %jit3A_288 : i32 to vector<16xi32>
          %select_n3A_291 = arith.select %or3A, %broadcast_in_dim3A_289, %broadcast_in_dim3A_290 : vector<16xi1>, vector<16xi32>
          %add3A_292 = arith.addi %while3A_277, %select_n3A_291 : vector<16xi32>
          scf.yield %add3A_292 : vector<16xi32>
        }
        %lt3A = vector.broadcast %select_n3A_112 : i32 to vector<16xi32>
        %lt3A_262 = arith.cmpi slt, %while3A_261, %lt3A : vector<16xi32>
        %lt3A_263 = vector.broadcast %scan3A_84#0 : i32 to vector<16xi32>
        %lt3A_264 = arith.cmpi slt, %add3A_246, %lt3A_263 : vector<16xi32>
        %and3A_265 = arith.andi %lt3A_262, %lt3A_264 : vector<16xi1>
        %jit3A_266 = arith.constant 1 : i32
        %jit3A_267 = arith.constant 0 : i32
        %broadcast_in_dim3A = vector.broadcast %jit3A_266 : i32 to vector<16xi32>
        %broadcast_in_dim3A_268 = vector.broadcast %jit3A_267 : i32 to vector<16xi32>
        %select_n3A_269 = arith.select %and3A_265, %broadcast_in_dim3A, %broadcast_in_dim3A_268 : vector<16xi1>, vector<16xi32>
        %mul3A_270 = arith.constant 16 : i32
        %mul3A_271 = arith.muli %add3A_241, %mul3A_270 : i32
        %swap3A_272 = arith.index_cast %mul3A_271 : i32 to index
        %swap3A_273 = tpu.vector_load %arg10[%swap3A_272] {strides = array<i32>} : memref<10016xi32, #tpu.memory_space<vmem>>, vector<16xi32>,
        %swap3A_274 = vector.shape_cast %swap3A_273 : vector<16xi32> to vector<16xi32>
        %swap3A_275 = vector.shape_cast %select_n3A_269 : vector<16xi32> to vector<16xi32>
        tpu.vector_store %arg10[%swap3A_272], %swap3A_275 {strides = array<i32>} : memref<10016xi32, #tpu.memory_space<vmem>>, vector<16xi32>,
      }
      %jit3A_165 = arith.constant 128 : i32
      %div3A_166 = arith.divsi %scan3A_74#0, %jit3A_165 : i32
      %sign3A_167 = arith.constant 0 : i32
      %sign3A_168 = arith.cmpi sgt, %scan3A_74#0, %sign3A_167 : i32
      %sign3A_169 = arith.extui %sign3A_168 : i1 to i32
      %sign3A_170 = arith.constant 0 : i32
      %sign3A_171 = arith.cmpi slt, %scan3A_74#0, %sign3A_170 : i32
      %sign3A_172 = arith.extui %sign3A_171 : i1 to i32
      %sign3A_173 = arith.subi %sign3A_169, %sign3A_172 : i32
      %sign3A_174 = arith.constant 0 : i32
      %sign3A_175 = arith.cmpi sgt, %jit3A_165, %sign3A_174 : i32
      %sign3A_176 = arith.extui %sign3A_175 : i1 to i32
      %sign3A_177 = arith.constant 0 : i32
      %sign3A_178 = arith.cmpi slt, %jit3A_165, %sign3A_177 : i32
      %sign3A_179 = arith.extui %sign3A_178 : i1 to i32
      %sign3A_180 = arith.subi %sign3A_176, %sign3A_179 : i32
      %ne3A_181 = arith.cmpi ne, %sign3A_173, %sign3A_180 : i32
      %rem3A_182 = arith.remsi %scan3A_74#0, %jit3A_165 : i32
      %ne3A_183 = arith.constant 0 : i32
      %ne3A_184 = arith.cmpi ne, %rem3A_182, %ne3A_183 : i32
      %and3A_185 = arith.andi %ne3A_181, %ne3A_184 : i1
      %sub3A_186 = arith.constant 1 : i32
      %sub3A_187 = arith.subi %div3A_166, %sub3A_186 : i32
      %select_n3A_188 = arith.select %and3A_185, %sub3A_187, %div3A_166 : i32
      %mul3A_189 = arith.constant 128 : i32
      %mul3A_190 = arith.muli %select_n3A_188, %mul3A_189 : i32
      %sub3A_191 = arith.subi %scan3A_84#0, %mul3A_190 : i32
      %add3A_192 = arith.constant 128 : i32
      %add3A_193 = arith.addi %sub3A_191, %add3A_192 : i32
      %sub3A_194 = arith.constant 1 : i32
      %sub3A_195 = arith.subi %add3A_193, %sub3A_194 : i32
      %jit3A_196 = arith.constant 128 : i32
      %div3A_197 = arith.divsi %sub3A_195, %jit3A_196 : i32
      %sign3A_198 = arith.constant 0 : i32
      %sign3A_199 = arith.cmpi sgt, %sub3A_195, %sign3A_198 : i32
      %sign3A_200 = arith.extui %sign3A_199 : i1 to i32
      %sign3A_201 = arith.constant 0 : i32
      %sign3A_202 = arith.cmpi slt, %sub3A_195, %sign3A_201 : i32
      %sign3A_203 = arith.extui %sign3A_202 : i1 to i32
      %sign3A_204 = arith.subi %sign3A_200, %sign3A_203 : i32
      %sign3A_205 = arith.constant 0 : i32
      %sign3A_206 = arith.cmpi sgt, %jit3A_196, %sign3A_205 : i32
      %sign3A_207 = arith.extui %sign3A_206 : i1 to i32
      %sign3A_208 = arith.constant 0 : i32
      %sign3A_209 = arith.cmpi slt, %jit3A_196, %sign3A_208 : i32
      %sign3A_210 = arith.extui %sign3A_209 : i1 to i32
      %sign3A_211 = arith.subi %sign3A_207, %sign3A_210 : i32
      %ne3A_212 = arith.cmpi ne, %sign3A_204, %sign3A_211 : i32
      %rem3A_213 = arith.remsi %sub3A_195, %jit3A_196 : i32
      %ne3A_214 = arith.constant 0 : i32
      %ne3A_215 = arith.cmpi ne, %rem3A_213, %ne3A_214 : i32
      %and3A_216 = arith.andi %ne3A_212, %ne3A_215 : i1
      %sub3A_217 = arith.constant 1 : i32
      %sub3A_218 = arith.subi %div3A_197, %sub3A_217 : i32
      %select_n3A_219 = arith.select %and3A_216, %sub3A_218, %div3A_197 : i32
      %sub3A_220 = arith.constant 0 : i32
      %sub3A_221 = arith.subi %select_n3A_219, %sub3A_220 : i32
      %sub3A_222 = arith.constant 1 : i32
      %sub3A_223 = arith.constant 1 : i32
      %sub3A_224 = arith.subi %sub3A_222, %sub3A_223 : i32
      %add3A_225 = arith.addi %sub3A_221, %sub3A_224 : i32
      %div3A_226 = arith.constant 1 : i32
      %div3A_227 = arith.divsi %add3A_225, %div3A_226 : i32
      %while3A_228 = arith.constant 1 : i32
      %while3A_229 = arith.constant 0 : i32
      %while3A_230 = arith.constant 0 : i32
      %while3A_231 = arith.subi %div3A_227, %while3A_230 : i32
      %while3A_232 = arith.addi %while3A_230, %while3A_231 : i32
      %while3A_233 = arith.constant 1 : i32
      %while3A_234 = arith.divsi %while3A_231, %while3A_233 : i32
      %while3A_235 = arith.muli %while3A_234, %while3A_233 : i32
      %while3A_236 = arith.addi %while3A_230, %while3A_235 : i32
      %while3A_237 = arith.constant 1 : i32
      scf.for %while3A_239 = %while3A_230 to %while3A_236 step %while3A_237  : i32 {
        %mul3A_240 = arith.muli %while3A_239, %while3A_228 : i32
        %add3A_241 = arith.addi %while3A_229, %mul3A_240 : i32
        %add3A_242 = arith.addi %select_n3A_188, %add3A_241 : i32
        "tpu.region"() ({
          %run_scoped3A = tpu.sem_alloc : memref<!tpu.dma_semaphore, #tpu.memory_space<semaphore_mem>>
          %dma_start3A_252 = arith.constant 0 : i32
          %dma_start3A_253 = tpu.memref_slice %arg5[%add3A_242, %dma_start3A_252] : memref<81x128xi32, #tpu.memory_space<hbm>> -> memref<1x128xi32, #tpu.memory_space<hbm>>
          %dma_start3A_254 = tpu.memref_squeeze %dma_start3A_253 : memref<1x128xi32, #tpu.memory_space<hbm>> -> memref<128xi32, #tpu.memory_space<hbm>>
          %dma_start3A_255 = arith.constant 0 : i32
          %dma_start3A_256 = tpu.memref_slice %arg5[%add3A_242, %dma_start3A_255] : memref<81x128xi32, #tpu.memory_space<hbm>> -> memref<1x128xi32, #tpu.memory_space<hbm>>
          %dma_start3A_257 = tpu.memref_squeeze %dma_start3A_256 : memref<1x128xi32, #tpu.memory_space<hbm>> -> memref<128xi32, #tpu.memory_space<hbm>>
          tpu.enqueue_dma source(%dma_start3A_257 : memref<128xi32, #tpu.memory_space<hbm>>) target(%arg11 : memref<128xi32, #tpu.memory_space<vmem>>) target_semaphore(%run_scoped3A : memref<!tpu.dma_semaphore, #tpu.memory_space<semaphore_mem>>)
          %dma_wait3A_258 = arith.constant 0 : i32
          %dma_wait3A_259 = tpu.memref_slice %arg5[%add3A_242, %dma_wait3A_258] : memref<81x128xi32, #tpu.memory_space<hbm>> -> memref<1x128xi32, #tpu.memory_space<hbm>>
          %dma_wait3A_260 = tpu.memref_squeeze %dma_wait3A_259 : memref<1x128xi32, #tpu.memory_space<hbm>> -> memref<128xi32, #tpu.memory_space<hbm>>
          %dma_wait3A_261 = arith.constant 0 : i32
          %dma_wait3A_262 = tpu.memref_slice %arg5[%add3A_242, %dma_wait3A_261] : memref<81x128xi32, #tpu.memory_space<hbm>> -> memref<1x128xi32, #tpu.memory_space<hbm>>
          %dma_wait3A_263 = tpu.memref_squeeze %dma_wait3A_262 : memref<1x128xi32, #tpu.memory_space<hbm>> -> memref<128xi32, #tpu.memory_space<hbm>>
          tpu.wait_dma2 semaphore(%run_scoped3A : memref<!tpu.dma_semaphore, #tpu.memory_space<semaphore_mem>>) src(%dma_wait3A_263 : memref<128xi32, #tpu.memory_space<hbm>>) dst(%arg11 : memref<128xi32, #tpu.memory_space<vmem>>)
          tpu.yield
        }) : () -> ()
        %dma_start3A = arith.constant 0 : i32
        %dma_start3A_243 = arith.constant 0 : i32
        %dma_start3A_244 = tpu.memref_slice %arg4[%dma_start3A, %dma_start3A_243] : memref<10000x128xf32, #tpu.memory_space<hbm>> -> memref<10000x128xf32, #tpu.memory_space<hbm>>
        tpu.enqueue_indirect_dma source(%dma_start3A_244 : memref<10000x128xf32, #tpu.memory_space<hbm>>) target(%arg12 : memref<128x128xf32, #tpu.memory_space<vmem>>) offsets(%arg11 : memref<128xi32, #tpu.memory_space<vmem>>) semaphore(%arg14 : memref<!tpu.dma_semaphore, #tpu.memory_space<semaphore_mem>>)
        %dma_wait3A = arith.constant 0 : i32
        %dma_wait3A_245 = arith.constant 0 : i32
        %dma_wait3A_246 = tpu.memref_slice %arg4[%dma_wait3A, %dma_wait3A_245] : memref<10000x128xf32, #tpu.memory_space<hbm>> -> memref<10000x128xf32, #tpu.memory_space<hbm>>
        tpu.wait_indirect_dma semaphore(%arg14 : memref<!tpu.dma_semaphore, #tpu.memory_space<semaphore_mem>>) src(%dma_wait3A_246 : memref<10000x128xf32, #tpu.memory_space<hbm>>) dst(%arg12 : memref<128x128xf32, #tpu.memory_space<vmem>>)
        %scan3A_247 = arith.constant 0 : i32
        %scan3A_248 = arith.constant 128 : i32
        %scan3A_249 = arith.addi %scan3A_247, %scan3A_248 : i32
        %scan3A_250 = arith.constant 1 : i32
        scf.for %scan3A_252 = %scan3A_247 to %scan3A_249 step %scan3A_250  : i32 {
          %mul3A_253 = arith.constant 1 : i32
          %mul3A_254 = arith.muli %scan3A_252, %mul3A_253 : i32
          %add3A_255 = arith.constant 0 : i32
          %add3A_256 = arith.addi %add3A_255, %mul3A_254 : i32
          %add3A_257 = arith.addi %select_n3A_188, %add3A_241 : i32
          %mul3A_258 = arith.constant 128 : i32
          %mul3A_259 = arith.muli %add3A_257, %mul3A_258 : i32
          %add3A_260 = arith.addi %mul3A_259, %add3A_256 : i32
          %ge3A = arith.cmpi sge, %add3A_260, %scan3A_74#0 : i32
          %lt3A = arith.cmpi slt, %add3A_260, %scan3A_84#0 : i32
          %and3A_261 = arith.andi %ge3A, %lt3A : i1
          %convert_element_type3A_262 = arith.extui %and3A_261 : i1 to i32
          %cond3A_263 = arith.constant 0 : i32
          %cond3A_264 = arith.cmpi ne, %convert_element_type3A_262, %cond3A_263 : i32
          scf.if %cond3A_264 {
            %sub3A_265 = arith.subi %add3A_260, %scan3A_74#0 : i32
            %get3A = arith.index_cast %sub3A_265 : i32 to index
            %get3A_266 = tpu.vector_load %arg10[%get3A] {strides = array<i32>} : memref<10016xi32, #tpu.memory_space<vmem>>, vector<16xi32>,
            %get3A_267 = vector.shape_cast %get3A_266 : vector<16xi32> to vector<16xi32>
            %slice3A = vector.extract_strided_slice %get3A_267 {offsets = [0], sizes = [1], strides = [1]} : vector<16xi32> to vector<1xi32>
            %squeeze3A = vector.extract %slice3A[0] : i32 from vector<1xi32>
            %gt3A_268 = arith.constant 0 : i32
            %gt3A_269 = arith.cmpi sgt, %squeeze3A, %gt3A_268 : i32
            %convert_element_type3A_270 = arith.extui %gt3A_269 : i1 to i32
            %cond3A_271 = arith.constant 0 : i32
            %cond3A_272 = arith.cmpi ne, %convert_element_type3A_270, %cond3A_271 : i32
            scf.if %cond3A_272 {
              %get3A_273 = arith.constant 0 : index
              %get3A_274 = tpu.vector_load %arg13[%get3A_273] {strides = array<i32>} : memref<128xf32, #tpu.memory_space<vmem>>, vector<16xf32>,
              %get3A_275 = vector.shape_cast %get3A_274 : vector<16xf32> to vector<16xf32>
              %get3A_276 = arith.index_cast %add3A_256 : i32 to index
              %get3A_277 = arith.constant 0 : index
              %get3A_278 = tpu.vector_load %arg12[%get3A_276, %get3A_277] {strides = array<i32>} : memref<128x128xf32, #tpu.memory_space<vmem>>, vector<1x16xf32>,
              %get3A_279 = vector.shape_cast %get3A_278 : vector<1x16xf32> to vector<16xf32>
              %max3A = arith.maximumf %get3A_275, %get3A_279 : vector<16xf32>
              %swap3A_280 = arith.constant 0 : index
              %swap3A_281 = tpu.vector_load %arg13[%swap3A_280] {strides = array<i32>} : memref<128xf32, #tpu.memory_space<vmem>>, vector<16xf32>,
              %swap3A_282 = vector.shape_cast %swap3A_281 : vector<16xf32> to vector<16xf32>
              %swap3A_283 = vector.shape_cast %max3A : vector<16xf32> to vector<16xf32>
              tpu.vector_store %arg13[%swap3A_280], %swap3A_283 {strides = array<i32>} : memref<128xf32, #tpu.memory_space<vmem>>, vector<16xf32>,
              %get3A_284 = arith.constant 16 : index
              %get3A_285 = tpu.vector_load %arg13[%get3A_284] {strides = array<i32>} : memref<128xf32, #tpu.memory_space<vmem>>, vector<16xf32>,
              %get3A_286 = vector.shape_cast %get3A_285 : vector<16xf32> to vector<16xf32>
              %get3A_287 = arith.index_cast %add3A_256 : i32 to index
              %get3A_288 = arith.constant 16 : index
              %get3A_289 = tpu.vector_load %arg12[%get3A_287, %get3A_288] {strides = array<i32>} : memref<128x128xf32, #tpu.memory_space<vmem>>, vector<1x16xf32>,
              %get3A_290 = vector.shape_cast %get3A_289 : vector<1x16xf32> to vector<16xf32>
              %max3A_291 = arith.maximumf %get3A_286, %get3A_290 : vector<16xf32>
              %swap3A_292 = arith.constant 16 : index
              %swap3A_293 = tpu.vector_load %arg13[%swap3A_292] {strides = array<i32>} : memref<128xf32, #tpu.memory_space<vmem>>, vector<16xf32>,
              %swap3A_294 = vector.shape_cast %swap3A_293 : vector<16xf32> to vector<16xf32>
              %swap3A_295 = vector.shape_cast %max3A_291 : vector<16xf32> to vector<16xf32>
              tpu.vector_store %arg13[%swap3A_292], %swap3A_295 {strides = array<i32>} : memref<128xf32, #tpu.memory_space<vmem>>, vector<16xf32>,
              %get3A_296 = arith.constant 32 : index
              %get3A_297 = tpu.vector_load %arg13[%get3A_296] {strides = array<i32>} : memref<128xf32, #tpu.memory_space<vmem>>, vector<16xf32>,
              %get3A_298 = vector.shape_cast %get3A_297 : vector<16xf32> to vector<16xf32>
              %get3A_299 = arith.index_cast %add3A_256 : i32 to index
              %get3A_300 = arith.constant 32 : index
              %get3A_301 = tpu.vector_load %arg12[%get3A_299, %get3A_300] {strides = array<i32>} : memref<128x128xf32, #tpu.memory_space<vmem>>, vector<1x16xf32>,
              %get3A_302 = vector.shape_cast %get3A_301 : vector<1x16xf32> to vector<16xf32>
              %max3A_303 = arith.maximumf %get3A_298, %get3A_302 : vector<16xf32>
              %swap3A_304 = arith.constant 32 : index
              %swap3A_305 = tpu.vector_load %arg13[%swap3A_304] {strides = array<i32>} : memref<128xf32, #tpu.memory_space<vmem>>, vector<16xf32>,
              %swap3A_306 = vector.shape_cast %swap3A_305 : vector<16xf32> to vector<16xf32>
              %swap3A_307 = vector.shape_cast %max3A_303 : vector<16xf32> to vector<16xf32>
              tpu.vector_store %arg13[%swap3A_304], %swap3A_307 {strides = array<i32>} : memref<128xf32, #tpu.memory_space<vmem>>, vector<16xf32>,
              %get3A_308 = arith.constant 48 : index
              %get3A_309 = tpu.vector_load %arg13[%get3A_308] {strides = array<i32>} : memref<128xf32, #tpu.memory_space<vmem>>, vector<16xf32>,
              %get3A_310 = vector.shape_cast %get3A_309 : vector<16xf32> to vector<16xf32>
              %get3A_311 = arith.index_cast %add3A_256 : i32 to index
              %get3A_312 = arith.constant 48 : index
              %get3A_313 = tpu.vector_load %arg12[%get3A_311, %get3A_312] {strides = array<i32>} : memref<128x128xf32, #tpu.memory_space<vmem>>, vector<1x16xf32>,
              %get3A_314 = vector.shape_cast %get3A_313 : vector<1x16xf32> to vector<16xf32>
              %max3A_315 = arith.maximumf %get3A_310, %get3A_314 : vector<16xf32>
              %swap3A_316 = arith.constant 48 : index
              %swap3A_317 = tpu.vector_load %arg13[%swap3A_316] {strides = array<i32>} : memref<128xf32, #tpu.memory_space<vmem>>, vector<16xf32>,
              %swap3A_318 = vector.shape_cast %swap3A_317 : vector<16xf32> to vector<16xf32>
              %swap3A_319 = vector.shape_cast %max3A_315 : vector<16xf32> to vector<16xf32>
              tpu.vector_store %arg13[%swap3A_316], %swap3A_319 {strides = array<i32>} : memref<128xf32, #tpu.memory_space<vmem>>, vector<16xf32>,
              %get3A_320 = arith.constant 64 : index
              %get3A_321 = tpu.vector_load %arg13[%get3A_320] {strides = array<i32>} : memref<128xf32, #tpu.memory_space<vmem>>, vector<16xf32>,
              %get3A_322 = vector.shape_cast %get3A_321 : vector<16xf32> to vector<16xf32>
              %get3A_323 = arith.index_cast %add3A_256 : i32 to index
              %get3A_324 = arith.constant 64 : index
              %get3A_325 = tpu.vector_load %arg12[%get3A_323, %get3A_324] {strides = array<i32>} : memref<128x128xf32, #tpu.memory_space<vmem>>, vector<1x16xf32>,
              %get3A_326 = vector.shape_cast %get3A_325 : vector<1x16xf32> to vector<16xf32>
              %max3A_327 = arith.maximumf %get3A_322, %get3A_326 : vector<16xf32>
              %swap3A_328 = arith.constant 64 : index
              %swap3A_329 = tpu.vector_load %arg13[%swap3A_328] {strides = array<i32>} : memref<128xf32, #tpu.memory_space<vmem>>, vector<16xf32>,
              %swap3A_330 = vector.shape_cast %swap3A_329 : vector<16xf32> to vector<16xf32>
              %swap3A_331 = vector.shape_cast %max3A_327 : vector<16xf32> to vector<16xf32>
              tpu.vector_store %arg13[%swap3A_328], %swap3A_331 {strides = array<i32>} : memref<128xf32, #tpu.memory_space<vmem>>, vector<16xf32>,
              %get3A_332 = arith.constant 80 : index
              %get3A_333 = tpu.vector_load %arg13[%get3A_332] {strides = array<i32>} : memref<128xf32, #tpu.memory_space<vmem>>, vector<16xf32>,
              %get3A_334 = vector.shape_cast %get3A_333 : vector<16xf32> to vector<16xf32>
              %get3A_335 = arith.index_cast %add3A_256 : i32 to index
              %get3A_336 = arith.constant 80 : index
              %get3A_337 = tpu.vector_load %arg12[%get3A_335, %get3A_336] {strides = array<i32>} : memref<128x128xf32, #tpu.memory_space<vmem>>, vector<1x16xf32>,
              %get3A_338 = vector.shape_cast %get3A_337 : vector<1x16xf32> to vector<16xf32>
              %max3A_339 = arith.maximumf %get3A_334, %get3A_338 : vector<16xf32>
              %swap3A_340 = arith.constant 80 : index
              %swap3A_341 = tpu.vector_load %arg13[%swap3A_340] {strides = array<i32>} : memref<128xf32, #tpu.memory_space<vmem>>, vector<16xf32>,
              %swap3A_342 = vector.shape_cast %swap3A_341 : vector<16xf32> to vector<16xf32>
              %swap3A_343 = vector.shape_cast %max3A_339 : vector<16xf32> to vector<16xf32>
              tpu.vector_store %arg13[%swap3A_340], %swap3A_343 {strides = array<i32>} : memref<128xf32, #tpu.memory_space<vmem>>, vector<16xf32>,
              %get3A_344 = arith.constant 96 : index
              %get3A_345 = tpu.vector_load %arg13[%get3A_344] {strides = array<i32>} : memref<128xf32, #tpu.memory_space<vmem>>, vector<16xf32>,
              %get3A_346 = vector.shape_cast %get3A_345 : vector<16xf32> to vector<16xf32>
              %get3A_347 = arith.index_cast %add3A_256 : i32 to index
              %get3A_348 = arith.constant 96 : index
              %get3A_349 = tpu.vector_load %arg12[%get3A_347, %get3A_348] {strides = array<i32>} : memref<128x128xf32, #tpu.memory_space<vmem>>, vector<1x16xf32>,
              %get3A_350 = vector.shape_cast %get3A_349 : vector<1x16xf32> to vector<16xf32>
              %max3A_351 = arith.maximumf %get3A_346, %get3A_350 : vector<16xf32>
              %swap3A_352 = arith.constant 96 : index
              %swap3A_353 = tpu.vector_load %arg13[%swap3A_352] {strides = array<i32>} : memref<128xf32, #tpu.memory_space<vmem>>, vector<16xf32>,
              %swap3A_354 = vector.shape_cast %swap3A_353 : vector<16xf32> to vector<16xf32>
              %swap3A_355 = vector.shape_cast %max3A_351 : vector<16xf32> to vector<16xf32>
              tpu.vector_store %arg13[%swap3A_352], %swap3A_355 {strides = array<i32>} : memref<128xf32, #tpu.memory_space<vmem>>, vector<16xf32>,
              %get3A_356 = arith.constant 112 : index
              %get3A_357 = tpu.vector_load %arg13[%get3A_356] {strides = array<i32>} : memref<128xf32, #tpu.memory_space<vmem>>, vector<16xf32>,
              %get3A_358 = vector.shape_cast %get3A_357 : vector<16xf32> to vector<16xf32>
              %get3A_359 = arith.index_cast %add3A_256 : i32 to index
              %get3A_360 = arith.constant 112 : index
              %get3A_361 = tpu.vector_load %arg12[%get3A_359, %get3A_360] {strides = array<i32>} : memref<128x128xf32, #tpu.memory_space<vmem>>, vector<1x16xf32>,
              %get3A_362 = vector.shape_cast %get3A_361 : vector<1x16xf32> to vector<16xf32>
              %max3A_363 = arith.maximumf %get3A_358, %get3A_362 : vector<16xf32>
              %swap3A_364 = arith.constant 112 : index
              %swap3A_365 = tpu.vector_load %arg13[%swap3A_364] {strides = array<i32>} : memref<128xf32, #tpu.memory_space<vmem>>, vector<16xf32>,
              %swap3A_366 = vector.shape_cast %swap3A_365 : vector<16xf32> to vector<16xf32>
              %swap3A_367 = vector.shape_cast %max3A_363 : vector<16xf32> to vector<16xf32>
              tpu.vector_store %arg13[%swap3A_364], %swap3A_367 {strides = array<i32>} : memref<128xf32, #tpu.memory_space<vmem>>, vector<16xf32>,
            } else {
            }
          } else {
          }
        }
        %scan3A_251 = arith.constant 128 : i32
      }
      %while3A_238 = arith.constant 1 : i32
      scf.for %while3A_239 = %while3A_236 to %while3A_232 step %while3A_238  : i32 {
        %mul3A_240 = arith.muli %while3A_239, %while3A_228 : i32
        %add3A_241 = arith.addi %while3A_229, %mul3A_240 : i32
        %add3A_242 = arith.addi %select_n3A_188, %add3A_241 : i32
        "tpu.region"() ({
          %run_scoped3A = tpu.sem_alloc : memref<!tpu.dma_semaphore, #tpu.memory_space<semaphore_mem>>
          %dma_start3A_252 = arith.constant 0 : i32
          %dma_start3A_253 = tpu.memref_slice %arg5[%add3A_242, %dma_start3A_252] : memref<81x128xi32, #tpu.memory_space<hbm>> -> memref<1x128xi32, #tpu.memory_space<hbm>>
          %dma_start3A_254 = tpu.memref_squeeze %dma_start3A_253 : memref<1x128xi32, #tpu.memory_space<hbm>> -> memref<128xi32, #tpu.memory_space<hbm>>
          %dma_start3A_255 = arith.constant 0 : i32
          %dma_start3A_256 = tpu.memref_slice %arg5[%add3A_242, %dma_start3A_255] : memref<81x128xi32, #tpu.memory_space<hbm>> -> memref<1x128xi32, #tpu.memory_space<hbm>>
          %dma_start3A_257 = tpu.memref_squeeze %dma_start3A_256 : memref<1x128xi32, #tpu.memory_space<hbm>> -> memref<128xi32, #tpu.memory_space<hbm>>
          tpu.enqueue_dma source(%dma_start3A_257 : memref<128xi32, #tpu.memory_space<hbm>>) target(%arg11 : memref<128xi32, #tpu.memory_space<vmem>>) target_semaphore(%run_scoped3A : memref<!tpu.dma_semaphore, #tpu.memory_space<semaphore_mem>>)
          %dma_wait3A_258 = arith.constant 0 : i32
          %dma_wait3A_259 = tpu.memref_slice %arg5[%add3A_242, %dma_wait3A_258] : memref<81x128xi32, #tpu.memory_space<hbm>> -> memref<1x128xi32, #tpu.memory_space<hbm>>
          %dma_wait3A_260 = tpu.memref_squeeze %dma_wait3A_259 : memref<1x128xi32, #tpu.memory_space<hbm>> -> memref<128xi32, #tpu.memory_space<hbm>>
          %dma_wait3A_261 = arith.constant 0 : i32
          %dma_wait3A_262 = tpu.memref_slice %arg5[%add3A_242, %dma_wait3A_261] : memref<81x128xi32, #tpu.memory_space<hbm>> -> memref<1x128xi32, #tpu.memory_space<hbm>>
          %dma_wait3A_263 = tpu.memref_squeeze %dma_wait3A_262 : memref<1x128xi32, #tpu.memory_space<hbm>> -> memref<128xi32, #tpu.memory_space<hbm>>
          tpu.wait_dma2 semaphore(%run_scoped3A : memref<!tpu.dma_semaphore, #tpu.memory_space<semaphore_mem>>) src(%dma_wait3A_263 : memref<128xi32, #tpu.memory_space<hbm>>) dst(%arg11 : memref<128xi32, #tpu.memory_space<vmem>>)
          tpu.yield
        }) : () -> ()
        %dma_start3A = arith.constant 0 : i32
        %dma_start3A_243 = arith.constant 0 : i32
        %dma_start3A_244 = tpu.memref_slice %arg4[%dma_start3A, %dma_start3A_243] : memref<10000x128xf32, #tpu.memory_space<hbm>> -> memref<10000x128xf32, #tpu.memory_space<hbm>>
        tpu.enqueue_indirect_dma source(%dma_start3A_244 : memref<10000x128xf32, #tpu.memory_space<hbm>>) target(%arg12 : memref<128x128xf32, #tpu.memory_space<vmem>>) offsets(%arg11 : memref<128xi32, #tpu.memory_space<vmem>>) semaphore(%arg14 : memref<!tpu.dma_semaphore, #tpu.memory_space<semaphore_mem>>)
        %dma_wait3A = arith.constant 0 : i32
        %dma_wait3A_245 = arith.constant 0 : i32
        %dma_wait3A_246 = tpu.memref_slice %arg4[%dma_wait3A, %dma_wait3A_245] : memref<10000x128xf32, #tpu.memory_space<hbm>> -> memref<10000x128xf32, #tpu.memory_space<hbm>>
        tpu.wait_indirect_dma semaphore(%arg14 : memref<!tpu.dma_semaphore, #tpu.memory_space<semaphore_mem>>) src(%dma_wait3A_246 : memref<10000x128xf32, #tpu.memory_space<hbm>>) dst(%arg12 : memref<128x128xf32, #tpu.memory_space<vmem>>)
        %scan3A_247 = arith.constant 0 : i32
        %scan3A_248 = arith.constant 128 : i32
        %scan3A_249 = arith.addi %scan3A_247, %scan3A_248 : i32
        %scan3A_250 = arith.constant 1 : i32
        scf.for %scan3A_252 = %scan3A_247 to %scan3A_249 step %scan3A_250  : i32 {
          %mul3A_253 = arith.constant 1 : i32
          %mul3A_254 = arith.muli %scan3A_252, %mul3A_253 : i32
          %add3A_255 = arith.constant 0 : i32
          %add3A_256 = arith.addi %add3A_255, %mul3A_254 : i32
          %add3A_257 = arith.addi %select_n3A_188, %add3A_241 : i32
          %mul3A_258 = arith.constant 128 : i32
          %mul3A_259 = arith.muli %add3A_257, %mul3A_258 : i32
          %add3A_260 = arith.addi %mul3A_259, %add3A_256 : i32
          %ge3A = arith.cmpi sge, %add3A_260, %scan3A_74#0 : i32
          %lt3A = arith.cmpi slt, %add3A_260, %scan3A_84#0 : i32
          %and3A_261 = arith.andi %ge3A, %lt3A : i1
          %convert_element_type3A_262 = arith.extui %and3A_261 : i1 to i32
          %cond3A_263 = arith.constant 0 : i32
          %cond3A_264 = arith.cmpi ne, %convert_element_type3A_262, %cond3A_263 : i32
          scf.if %cond3A_264 {
            %sub3A_265 = arith.subi %add3A_260, %scan3A_74#0 : i32
            %get3A = arith.index_cast %sub3A_265 : i32 to index
            %get3A_266 = tpu.vector_load %arg10[%get3A] {strides = array<i32>} : memref<10016xi32, #tpu.memory_space<vmem>>, vector<16xi32>,
            %get3A_267 = vector.shape_cast %get3A_266 : vector<16xi32> to vector<16xi32>
            %slice3A = vector.extract_strided_slice %get3A_267 {offsets = [0], sizes = [1], strides = [1]} : vector<16xi32> to vector<1xi32>
            %squeeze3A = vector.extract %slice3A[0] : i32 from vector<1xi32>
            %gt3A_268 = arith.constant 0 : i32
            %gt3A_269 = arith.cmpi sgt, %squeeze3A, %gt3A_268 : i32
            %convert_element_type3A_270 = arith.extui %gt3A_269 : i1 to i32
            %cond3A_271 = arith.constant 0 : i32
            %cond3A_272 = arith.cmpi ne, %convert_element_type3A_270, %cond3A_271 : i32
            scf.if %cond3A_272 {
              %get3A_273 = arith.constant 0 : index
              %get3A_274 = tpu.vector_load %arg13[%get3A_273] {strides = array<i32>} : memref<128xf32, #tpu.memory_space<vmem>>, vector<16xf32>,
              %get3A_275 = vector.shape_cast %get3A_274 : vector<16xf32> to vector<16xf32>
              %get3A_276 = arith.index_cast %add3A_256 : i32 to index
              %get3A_277 = arith.constant 0 : index
              %get3A_278 = tpu.vector_load %arg12[%get3A_276, %get3A_277] {strides = array<i32>} : memref<128x128xf32, #tpu.memory_space<vmem>>, vector<1x16xf32>,
              %get3A_279 = vector.shape_cast %get3A_278 : vector<1x16xf32> to vector<16xf32>
              %max3A = arith.maximumf %get3A_275, %get3A_279 : vector<16xf32>
              %swap3A_280 = arith.constant 0 : index
              %swap3A_281 = tpu.vector_load %arg13[%swap3A_280] {strides = array<i32>} : memref<128xf32, #tpu.memory_space<vmem>>, vector<16xf32>,
              %swap3A_282 = vector.shape_cast %swap3A_281 : vector<16xf32> to vector<16xf32>
              %swap3A_283 = vector.shape_cast %max3A : vector<16xf32> to vector<16xf32>
              tpu.vector_store %arg13[%swap3A_280], %swap3A_283 {strides = array<i32>} : memref<128xf32, #tpu.memory_space<vmem>>, vector<16xf32>,
              %get3A_284 = arith.constant 16 : index
              %get3A_285 = tpu.vector_load %arg13[%get3A_284] {strides = array<i32>} : memref<128xf32, #tpu.memory_space<vmem>>, vector<16xf32>,
              %get3A_286 = vector.shape_cast %get3A_285 : vector<16xf32> to vector<16xf32>
              %get3A_287 = arith.index_cast %add3A_256 : i32 to index
              %get3A_288 = arith.constant 16 : index
              %get3A_289 = tpu.vector_load %arg12[%get3A_287, %get3A_288] {strides = array<i32>} : memref<128x128xf32, #tpu.memory_space<vmem>>, vector<1x16xf32>,
              %get3A_290 = vector.shape_cast %get3A_289 : vector<1x16xf32> to vector<16xf32>
              %max3A_291 = arith.maximumf %get3A_286, %get3A_290 : vector<16xf32>
              %swap3A_292 = arith.constant 16 : index
              %swap3A_293 = tpu.vector_load %arg13[%swap3A_292] {strides = array<i32>} : memref<128xf32, #tpu.memory_space<vmem>>, vector<16xf32>,
              %swap3A_294 = vector.shape_cast %swap3A_293 : vector<16xf32> to vector<16xf32>
              %swap3A_295 = vector.shape_cast %max3A_291 : vector<16xf32> to vector<16xf32>
              tpu.vector_store %arg13[%swap3A_292], %swap3A_295 {strides = array<i32>} : memref<128xf32, #tpu.memory_space<vmem>>, vector<16xf32>,
              %get3A_296 = arith.constant 32 : index
              %get3A_297 = tpu.vector_load %arg13[%get3A_296] {strides = array<i32>} : memref<128xf32, #tpu.memory_space<vmem>>, vector<16xf32>,
              %get3A_298 = vector.shape_cast %get3A_297 : vector<16xf32> to vector<16xf32>
              %get3A_299 = arith.index_cast %add3A_256 : i32 to index
              %get3A_300 = arith.constant 32 : index
              %get3A_301 = tpu.vector_load %arg12[%get3A_299, %get3A_300] {strides = array<i32>} : memref<128x128xf32, #tpu.memory_space<vmem>>, vector<1x16xf32>,
              %get3A_302 = vector.shape_cast %get3A_301 : vector<1x16xf32> to vector<16xf32>
              %max3A_303 = arith.maximumf %get3A_298, %get3A_302 : vector<16xf32>
              %swap3A_304 = arith.constant 32 : index
              %swap3A_305 = tpu.vector_load %arg13[%swap3A_304] {strides = array<i32>} : memref<128xf32, #tpu.memory_space<vmem>>, vector<16xf32>,
              %swap3A_306 = vector.shape_cast %swap3A_305 : vector<16xf32> to vector<16xf32>
              %swap3A_307 = vector.shape_cast %max3A_303 : vector<16xf32> to vector<16xf32>
              tpu.vector_store %arg13[%swap3A_304], %swap3A_307 {strides = array<i32>} : memref<128xf32, #tpu.memory_space<vmem>>, vector<16xf32>,
              %get3A_308 = arith.constant 48 : index
              %get3A_309 = tpu.vector_load %arg13[%get3A_308] {strides = array<i32>} : memref<128xf32, #tpu.memory_space<vmem>>, vector<16xf32>,
              %get3A_310 = vector.shape_cast %get3A_309 : vector<16xf32> to vector<16xf32>
              %get3A_311 = arith.index_cast %add3A_256 : i32 to index
              %get3A_312 = arith.constant 48 : index
              %get3A_313 = tpu.vector_load %arg12[%get3A_311, %get3A_312] {strides = array<i32>} : memref<128x128xf32, #tpu.memory_space<vmem>>, vector<1x16xf32>,
              %get3A_314 = vector.shape_cast %get3A_313 : vector<1x16xf32> to vector<16xf32>
              %max3A_315 = arith.maximumf %get3A_310, %get3A_314 : vector<16xf32>
              %swap3A_316 = arith.constant 48 : index
              %swap3A_317 = tpu.vector_load %arg13[%swap3A_316] {strides = array<i32>} : memref<128xf32, #tpu.memory_space<vmem>>, vector<16xf32>,
              %swap3A_318 = vector.shape_cast %swap3A_317 : vector<16xf32> to vector<16xf32>
              %swap3A_319 = vector.shape_cast %max3A_315 : vector<16xf32> to vector<16xf32>
              tpu.vector_store %arg13[%swap3A_316], %swap3A_319 {strides = array<i32>} : memref<128xf32, #tpu.memory_space<vmem>>, vector<16xf32>,
              %get3A_320 = arith.constant 64 : index
              %get3A_321 = tpu.vector_load %arg13[%get3A_320] {strides = array<i32>} : memref<128xf32, #tpu.memory_space<vmem>>, vector<16xf32>,
              %get3A_322 = vector.shape_cast %get3A_321 : vector<16xf32> to vector<16xf32>
              %get3A_323 = arith.index_cast %add3A_256 : i32 to index
              %get3A_324 = arith.constant 64 : index
              %get3A_325 = tpu.vector_load %arg12[%get3A_323, %get3A_324] {strides = array<i32>} : memref<128x128xf32, #tpu.memory_space<vmem>>, vector<1x16xf32>,
              %get3A_326 = vector.shape_cast %get3A_325 : vector<1x16xf32> to vector<16xf32>
              %max3A_327 = arith.maximumf %get3A_322, %get3A_326 : vector<16xf32>
              %swap3A_328 = arith.constant 64 : index
              %swap3A_329 = tpu.vector_load %arg13[%swap3A_328] {strides = array<i32>} : memref<128xf32, #tpu.memory_space<vmem>>, vector<16xf32>,
              %swap3A_330 = vector.shape_cast %swap3A_329 : vector<16xf32> to vector<16xf32>
              %swap3A_331 = vector.shape_cast %max3A_327 : vector<16xf32> to vector<16xf32>
              tpu.vector_store %arg13[%swap3A_328], %swap3A_331 {strides = array<i32>} : memref<128xf32, #tpu.memory_space<vmem>>, vector<16xf32>,
              %get3A_332 = arith.constant 80 : index
              %get3A_333 = tpu.vector_load %arg13[%get3A_332] {strides = array<i32>} : memref<128xf32, #tpu.memory_space<vmem>>, vector<16xf32>,
              %get3A_334 = vector.shape_cast %get3A_333 : vector<16xf32> to vector<16xf32>
              %get3A_335 = arith.index_cast %add3A_256 : i32 to index
              %get3A_336 = arith.constant 80 : index
              %get3A_337 = tpu.vector_load %arg12[%get3A_335, %get3A_336] {strides = array<i32>} : memref<128x128xf32, #tpu.memory_space<vmem>>, vector<1x16xf32>,
              %get3A_338 = vector.shape_cast %get3A_337 : vector<1x16xf32> to vector<16xf32>
              %max3A_339 = arith.maximumf %get3A_334, %get3A_338 : vector<16xf32>
              %swap3A_340 = arith.constant 80 : index
              %swap3A_341 = tpu.vector_load %arg13[%swap3A_340] {strides = array<i32>} : memref<128xf32, #tpu.memory_space<vmem>>, vector<16xf32>,
              %swap3A_342 = vector.shape_cast %swap3A_341 : vector<16xf32> to vector<16xf32>
              %swap3A_343 = vector.shape_cast %max3A_339 : vector<16xf32> to vector<16xf32>
              tpu.vector_store %arg13[%swap3A_340], %swap3A_343 {strides = array<i32>} : memref<128xf32, #tpu.memory_space<vmem>>, vector<16xf32>,
              %get3A_344 = arith.constant 96 : index
              %get3A_345 = tpu.vector_load %arg13[%get3A_344] {strides = array<i32>} : memref<128xf32, #tpu.memory_space<vmem>>, vector<16xf32>,
              %get3A_346 = vector.shape_cast %get3A_345 : vector<16xf32> to vector<16xf32>
              %get3A_347 = arith.index_cast %add3A_256 : i32 to index
              %get3A_348 = arith.constant 96 : index
              %get3A_349 = tpu.vector_load %arg12[%get3A_347, %get3A_348] {strides = array<i32>} : memref<128x128xf32, #tpu.memory_space<vmem>>, vector<1x16xf32>,
              %get3A_350 = vector.shape_cast %get3A_349 : vector<1x16xf32> to vector<16xf32>
              %max3A_351 = arith.maximumf %get3A_346, %get3A_350 : vector<16xf32>
              %swap3A_352 = arith.constant 96 : index
              %swap3A_353 = tpu.vector_load %arg13[%swap3A_352] {strides = array<i32>} : memref<128xf32, #tpu.memory_space<vmem>>, vector<16xf32>,
              %swap3A_354 = vector.shape_cast %swap3A_353 : vector<16xf32> to vector<16xf32>
              %swap3A_355 = vector.shape_cast %max3A_351 : vector<16xf32> to vector<16xf32>
              tpu.vector_store %arg13[%swap3A_352], %swap3A_355 {strides = array<i32>} : memref<128xf32, #tpu.memory_space<vmem>>, vector<16xf32>,
              %get3A_356 = arith.constant 112 : index
              %get3A_357 = tpu.vector_load %arg13[%get3A_356] {strides = array<i32>} : memref<128xf32, #tpu.memory_space<vmem>>, vector<16xf32>,
              %get3A_358 = vector.shape_cast %get3A_357 : vector<16xf32> to vector<16xf32>
              %get3A_359 = arith.index_cast %add3A_256 : i32 to index
              %get3A_360 = arith.constant 112 : index
              %get3A_361 = tpu.vector_load %arg12[%get3A_359, %get3A_360] {strides = array<i32>} : memref<128x128xf32, #tpu.memory_space<vmem>>, vector<1x16xf32>,
              %get3A_362 = vector.shape_cast %get3A_361 : vector<1x16xf32> to vector<16xf32>
              %max3A_363 = arith.maximumf %get3A_358, %get3A_362 : vector<16xf32>
              %swap3A_364 = arith.constant 112 : index
              %swap3A_365 = tpu.vector_load %arg13[%swap3A_364] {strides = array<i32>} : memref<128xf32, #tpu.memory_space<vmem>>, vector<16xf32>,
              %swap3A_366 = vector.shape_cast %swap3A_365 : vector<16xf32> to vector<16xf32>
              %swap3A_367 = vector.shape_cast %max3A_363 : vector<16xf32> to vector<16xf32>
              tpu.vector_store %arg13[%swap3A_364], %swap3A_367 {strides = array<i32>} : memref<128xf32, #tpu.memory_space<vmem>>, vector<16xf32>,
            } else {
            }
          } else {
          }
        }
        %scan3A_251 = arith.constant 128 : i32
      }
    } else {
    }
    %mul3A_118 = arith.constant 128 : i32
    %mul3A_119 = arith.muli %add3A_67, %mul3A_118 : i32
    %multiple_of3A_120 = tpu.assume_multiple %mul3A_119, 16 : i32
    "tpu.region"() ({
      %run_scoped3A = tpu.sem_alloc : memref<!tpu.dma_semaphore, #tpu.memory_space<semaphore_mem>>
      %dma_start3A = tpu.memref_slice %arg7[%multiple_of3A_120] : memref<8192xf32, #tpu.memory_space<hbm>> -> memref<128xf32, #tpu.memory_space<hbm>>
      %dma_start3A_121 = tpu.memref_slice %arg7[%multiple_of3A_120] : memref<8192xf32, #tpu.memory_space<hbm>> -> memref<128xf32, #tpu.memory_space<hbm>>
      tpu.enqueue_dma source(%arg13 : memref<128xf32, #tpu.memory_space<vmem>>) target(%dma_start3A_121 : memref<128xf32, #tpu.memory_space<hbm>>) target_semaphore(%run_scoped3A : memref<!tpu.dma_semaphore, #tpu.memory_space<semaphore_mem>>)
      %dma_wait3A = tpu.memref_slice %arg7[%multiple_of3A_120] : memref<8192xf32, #tpu.memory_space<hbm>> -> memref<128xf32, #tpu.memory_space<hbm>>
      %dma_wait3A_122 = tpu.memref_slice %arg7[%multiple_of3A_120] : memref<8192xf32, #tpu.memory_space<hbm>> -> memref<128xf32, #tpu.memory_space<hbm>>
      tpu.wait_dma2 semaphore(%run_scoped3A : memref<!tpu.dma_semaphore, #tpu.memory_space<semaphore_mem>>) src(%arg13 : memref<128xf32, #tpu.memory_space<vmem>>) dst(%dma_wait3A_122 : memref<128xf32, #tpu.memory_space<hbm>>)
      tpu.yield
    }) : () -> ()
    return
  }
}

#map = affine_map<(d0, d1) -> (0, 0)>
#map1 = affine_map<(d0, d1) -> (0, 0, 0)>
module attributes {stable_mosaic.version = 14 : i64} {
  func.func @_scatter_kernel(%arg0: i32, %arg1: i32, %arg2: memref<10000x128xf32, #tpu.memory_space<hbm>>, %arg3: memref<2500x128xi32, #tpu.memory_space<hbm>>, %arg4: memref<2500x128xi32, #tpu.memory_space<hbm>>, %arg5: memref<81x128xi32, #tpu.memory_space<hbm>>, %arg6: memref<10000x128xf32, #tpu.memory_space<hbm>>, %arg7: memref<2x10000x128xf32, #tpu.memory_space<hbm>>, %arg8: memref<128xi32, #tpu.memory_space<vmem>>, %arg9: memref<128xi32, #tpu.memory_space<vmem>>, %arg10: memref<128xi32, #tpu.memory_space<vmem>>, %arg11: memref<128xi32, #tpu.memory_space<vmem>>, %arg12: memref<128x128xf32, #tpu.memory_space<vmem>>, %arg13: memref<128x128xf32, #tpu.memory_space<vmem>>, %arg14: memref<10000x128xf32, #tpu.memory_space<vmem_shared>>, %arg15: memref<!tpu.dma_semaphore, #tpu.memory_space<semaphore_mem>>, %arg16: memref<!tpu.dma_semaphore, #tpu.memory_space<semaphore_mem>>, %arg17: memref<!tpu.dma_semaphore, #tpu.memory_space<semaphore_mem>>, %arg18: memref<!tpu.dma_semaphore, #tpu.memory_space<semaphore_mem>>) attributes {dimension_semantics = [#tpu.dimension_semantics<core_parallel>, #tpu.dimension_semantics<subcore_parallel>], iteration_bounds = array<i64: 2, 16>, scalar_prefetch = 0 : i64, scratch_operands = 11 : i64, tpu.core_type = #tpu.core_type<sc_vector_subcore>, window_params = [{transform_indices = #map}, {transform_indices = #map}, {transform_indices = #map}, {transform_indices = #map}, {transform_indices = #map}, {transform_indices = #map1}]} {
    %mul3A = arith.constant 2 : i32
    %mul3A_0 = arith.muli %arg1, %mul3A : i32
    %add3A = arith.addi %mul3A_0, %arg0 : i32
    %mul3A_1 = arith.constant 5 : i32
    %mul3A_2 = arith.muli %arg1, %mul3A_1 : i32
    "tpu.region"() ({
      %run_scoped3A = tpu.sem_alloc : memref<!tpu.dma_semaphore, #tpu.memory_space<semaphore_mem>>
      %dma_start3A_45 = arith.constant 0 : i32
      %dma_start3A_46 = tpu.memref_slice %arg5[%mul3A_2, %dma_start3A_45] : memref<81x128xi32, #tpu.memory_space<hbm>> -> memref<1x128xi32, #tpu.memory_space<hbm>>
      %dma_start3A_47 = tpu.memref_squeeze %dma_start3A_46 : memref<1x128xi32, #tpu.memory_space<hbm>> -> memref<128xi32, #tpu.memory_space<hbm>>
      %dma_start3A_48 = arith.constant 0 : i32
      %dma_start3A_49 = tpu.memref_slice %arg5[%mul3A_2, %dma_start3A_48] : memref<81x128xi32, #tpu.memory_space<hbm>> -> memref<1x128xi32, #tpu.memory_space<hbm>>
      %dma_start3A_50 = tpu.memref_squeeze %dma_start3A_49 : memref<1x128xi32, #tpu.memory_space<hbm>> -> memref<128xi32, #tpu.memory_space<hbm>>
      tpu.enqueue_dma source(%dma_start3A_50 : memref<128xi32, #tpu.memory_space<hbm>>) target(%arg8 : memref<128xi32, #tpu.memory_space<vmem>>) target_semaphore(%run_scoped3A : memref<!tpu.dma_semaphore, #tpu.memory_space<semaphore_mem>>)
      %dma_wait3A_51 = arith.constant 0 : i32
      %dma_wait3A_52 = tpu.memref_slice %arg5[%mul3A_2, %dma_wait3A_51] : memref<81x128xi32, #tpu.memory_space<hbm>> -> memref<1x128xi32, #tpu.memory_space<hbm>>
      %dma_wait3A_53 = tpu.memref_squeeze %dma_wait3A_52 : memref<1x128xi32, #tpu.memory_space<hbm>> -> memref<128xi32, #tpu.memory_space<hbm>>
      %dma_wait3A_54 = arith.constant 0 : i32
      %dma_wait3A_55 = tpu.memref_slice %arg5[%mul3A_2, %dma_wait3A_54] : memref<81x128xi32, #tpu.memory_space<hbm>> -> memref<1x128xi32, #tpu.memory_space<hbm>>
      %dma_wait3A_56 = tpu.memref_squeeze %dma_wait3A_55 : memref<1x128xi32, #tpu.memory_space<hbm>> -> memref<128xi32, #tpu.memory_space<hbm>>
      tpu.wait_dma2 semaphore(%run_scoped3A : memref<!tpu.dma_semaphore, #tpu.memory_space<semaphore_mem>>) src(%dma_wait3A_56 : memref<128xi32, #tpu.memory_space<hbm>>) dst(%arg8 : memref<128xi32, #tpu.memory_space<vmem>>)
      tpu.yield
    }) : () -> ()
    %dma_start3A = arith.constant 0 : i32
    %dma_start3A_3 = arith.constant 0 : i32
    %dma_start3A_4 = tpu.memref_slice %arg6[%dma_start3A, %dma_start3A_3] : memref<10000x128xf32, #tpu.memory_space<hbm>> -> memref<10000x128xf32, #tpu.memory_space<hbm>>
    tpu.enqueue_indirect_dma source(%dma_start3A_4 : memref<10000x128xf32, #tpu.memory_space<hbm>>) target(%arg12 : memref<128x128xf32, #tpu.memory_space<vmem>>) offsets(%arg8 : memref<128xi32, #tpu.memory_space<vmem>>) semaphore(%arg15 : memref<!tpu.dma_semaphore, #tpu.memory_space<semaphore_mem>>)
    %dma_wait3A = arith.constant 0 : i32
    %dma_wait3A_5 = arith.constant 0 : i32
    %dma_wait3A_6 = tpu.memref_slice %arg6[%dma_wait3A, %dma_wait3A_5] : memref<10000x128xf32, #tpu.memory_space<hbm>> -> memref<10000x128xf32, #tpu.memory_space<hbm>>
    tpu.wait_indirect_dma semaphore(%arg15 : memref<!tpu.dma_semaphore, #tpu.memory_space<semaphore_mem>>) src(%dma_wait3A_6 : memref<10000x128xf32, #tpu.memory_space<hbm>>) dst(%arg12 : memref<128x128xf32, #tpu.memory_space<vmem>>)
    %scan3A = arith.constant 0 : i32
    %scan3A_7 = arith.constant 5 : i32
    %scan3A_8 = arith.addi %scan3A, %scan3A_7 : i32
    %scan3A_9 = arith.constant 1 : i32
    scf.for %scan3A_45 = %scan3A to %scan3A_8 step %scan3A_9  : i32 {
      %mul3A_46 = arith.constant 1 : i32
      %mul3A_47 = arith.muli %scan3A_45, %mul3A_46 : i32
      %add3A_48 = arith.constant 0 : i32
      %add3A_49 = arith.addi %add3A_48, %mul3A_47 : i32
      %mul3A_50 = arith.constant 5 : i32
      %mul3A_51 = arith.muli %arg1, %mul3A_50 : i32
      %add3A_52 = arith.addi %mul3A_51, %add3A_49 : i32
      "tpu.region"() ({
        %run_scoped3A = tpu.sem_alloc : memref<!tpu.dma_semaphore, #tpu.memory_space<semaphore_mem>>
        %dma_start3A_53 = arith.constant 0 : i32
        %dma_start3A_54 = tpu.memref_slice %arg5[%add3A_52, %dma_start3A_53] : memref<81x128xi32, #tpu.memory_space<hbm>> -> memref<1x128xi32, #tpu.memory_space<hbm>>
        %dma_start3A_55 = tpu.memref_squeeze %dma_start3A_54 : memref<1x128xi32, #tpu.memory_space<hbm>> -> memref<128xi32, #tpu.memory_space<hbm>>
        %dma_start3A_56 = arith.constant 0 : i32
        %dma_start3A_57 = tpu.memref_slice %arg5[%add3A_52, %dma_start3A_56] : memref<81x128xi32, #tpu.memory_space<hbm>> -> memref<1x128xi32, #tpu.memory_space<hbm>>
        %dma_start3A_58 = tpu.memref_squeeze %dma_start3A_57 : memref<1x128xi32, #tpu.memory_space<hbm>> -> memref<128xi32, #tpu.memory_space<hbm>>
        tpu.enqueue_dma source(%dma_start3A_58 : memref<128xi32, #tpu.memory_space<hbm>>) target(%arg8 : memref<128xi32, #tpu.memory_space<vmem>>) target_semaphore(%run_scoped3A : memref<!tpu.dma_semaphore, #tpu.memory_space<semaphore_mem>>)
        %dma_wait3A_59 = arith.constant 0 : i32
        %dma_wait3A_60 = tpu.memref_slice %arg5[%add3A_52, %dma_wait3A_59] : memref<81x128xi32, #tpu.memory_space<hbm>> -> memref<1x128xi32, #tpu.memory_space<hbm>>
        %dma_wait3A_61 = tpu.memref_squeeze %dma_wait3A_60 : memref<1x128xi32, #tpu.memory_space<hbm>> -> memref<128xi32, #tpu.memory_space<hbm>>
        %dma_wait3A_62 = arith.constant 0 : i32
        %dma_wait3A_63 = tpu.memref_slice %arg5[%add3A_52, %dma_wait3A_62] : memref<81x128xi32, #tpu.memory_space<hbm>> -> memref<1x128xi32, #tpu.memory_space<hbm>>
        %dma_wait3A_64 = tpu.memref_squeeze %dma_wait3A_63 : memref<1x128xi32, #tpu.memory_space<hbm>> -> memref<128xi32, #tpu.memory_space<hbm>>
        tpu.wait_dma2 semaphore(%run_scoped3A : memref<!tpu.dma_semaphore, #tpu.memory_space<semaphore_mem>>) src(%dma_wait3A_64 : memref<128xi32, #tpu.memory_space<hbm>>) dst(%arg8 : memref<128xi32, #tpu.memory_space<vmem>>)
        tpu.yield
      }) : () -> ()
      "tpu.region"() ({
        %run_scoped3A = tpu.sem_alloc : memref<!tpu.dma_semaphore, #tpu.memory_space<semaphore_mem>>
        %dma_start3A_53 = arith.constant 0 : i32
        %dma_start3A_54 = arith.constant 0 : i32
        %dma_start3A_55 = tpu.memref_slice %arg14[%dma_start3A_53, %dma_start3A_54] : memref<10000x128xf32, #tpu.memory_space<vmem_shared>> -> memref<10000x128xf32, #tpu.memory_space<vmem_shared>>
        tpu.enqueue_indirect_dma source(%arg12 : memref<128x128xf32, #tpu.memory_space<vmem>>) target(%dma_start3A_55 : memref<10000x128xf32, #tpu.memory_space<vmem_shared>>) offsets(%arg8 : memref<128xi32, #tpu.memory_space<vmem>>) semaphore(%run_scoped3A : memref<!tpu.dma_semaphore, #tpu.memory_space<semaphore_mem>>)
        %dma_wait3A_56 = arith.constant 0 : i32
        %dma_wait3A_57 = arith.constant 0 : i32
        %dma_wait3A_58 = tpu.memref_slice %arg14[%dma_wait3A_56, %dma_wait3A_57] : memref<10000x128xf32, #tpu.memory_space<vmem_shared>> -> memref<10000x128xf32, #tpu.memory_space<vmem_shared>>
        tpu.wait_indirect_dma semaphore(%run_scoped3A : memref<!tpu.dma_semaphore, #tpu.memory_space<semaphore_mem>>) src(%arg12 : memref<128x128xf32, #tpu.memory_space<vmem>>) dst(%dma_wait3A_58 : memref<10000x128xf32, #tpu.memory_space<vmem_shared>>)
        tpu.yield
      }) : () -> ()
    }
    %scan3A_10 = arith.constant 5 : i32
    %barrier3A = arith.constant 0 : index
    tpu.barrier barrier_id(%barrier3A)
    %mul3A_11 = arith.constant 78 : i32
    %mul3A_12 = arith.muli %add3A, %mul3A_11 : i32
    %min3A = arith.constant 4 : i32
    %min3A_13 = arith.minsi %add3A, %min3A : i32
    %add3A_14 = arith.addi %mul3A_12, %min3A_13 : i32
    %lt3A = arith.constant 4 : i32
    %lt3A_15 = arith.cmpi slt, %add3A, %lt3A : i32
    %jit3A = arith.constant 1 : i32
    %jit3A_16 = arith.constant 0 : i32
    %select_n3A = arith.select %lt3A_15, %jit3A, %jit3A_16 : i32
    %add3A_17 = arith.constant 78 : i32
    %add3A_18 = arith.addi %add3A_17, %select_n3A : i32
    "tpu.region"() ({
      %run_scoped3A = tpu.sem_alloc : memref<!tpu.dma_semaphore, #tpu.memory_space<semaphore_mem>>
      %dma_start3A_45 = arith.constant 0 : i32
      %dma_start3A_46 = tpu.memref_slice %arg3[%add3A_14, %dma_start3A_45] : memref<2500x128xi32, #tpu.memory_space<hbm>> -> memref<1x128xi32, #tpu.memory_space<hbm>>
      %dma_start3A_47 = tpu.memref_squeeze %dma_start3A_46 : memref<1x128xi32, #tpu.memory_space<hbm>> -> memref<128xi32, #tpu.memory_space<hbm>>
      %dma_start3A_48 = arith.constant 0 : i32
      %dma_start3A_49 = tpu.memref_slice %arg3[%add3A_14, %dma_start3A_48] : memref<2500x128xi32, #tpu.memory_space<hbm>> -> memref<1x128xi32, #tpu.memory_space<hbm>>
      %dma_start3A_50 = tpu.memref_squeeze %dma_start3A_49 : memref<1x128xi32, #tpu.memory_space<hbm>> -> memref<128xi32, #tpu.memory_space<hbm>>
      tpu.enqueue_dma source(%dma_start3A_50 : memref<128xi32, #tpu.memory_space<hbm>>) target(%arg8 : memref<128xi32, #tpu.memory_space<vmem>>) target_semaphore(%run_scoped3A : memref<!tpu.dma_semaphore, #tpu.memory_space<semaphore_mem>>)
      %dma_wait3A_51 = arith.constant 0 : i32
      %dma_wait3A_52 = tpu.memref_slice %arg3[%add3A_14, %dma_wait3A_51] : memref<2500x128xi32, #tpu.memory_space<hbm>> -> memref<1x128xi32, #tpu.memory_space<hbm>>
      %dma_wait3A_53 = tpu.memref_squeeze %dma_wait3A_52 : memref<1x128xi32, #tpu.memory_space<hbm>> -> memref<128xi32, #tpu.memory_space<hbm>>
      %dma_wait3A_54 = arith.constant 0 : i32
      %dma_wait3A_55 = tpu.memref_slice %arg3[%add3A_14, %dma_wait3A_54] : memref<2500x128xi32, #tpu.memory_space<hbm>> -> memref<1x128xi32, #tpu.memory_space<hbm>>
      %dma_wait3A_56 = tpu.memref_squeeze %dma_wait3A_55 : memref<1x128xi32, #tpu.memory_space<hbm>> -> memref<128xi32, #tpu.memory_space<hbm>>
      tpu.wait_dma2 semaphore(%run_scoped3A : memref<!tpu.dma_semaphore, #tpu.memory_space<semaphore_mem>>) src(%dma_wait3A_56 : memref<128xi32, #tpu.memory_space<hbm>>) dst(%arg8 : memref<128xi32, #tpu.memory_space<vmem>>)
      tpu.yield
    }) : () -> ()
    "tpu.region"() ({
      %run_scoped3A = tpu.sem_alloc : memref<!tpu.dma_semaphore, #tpu.memory_space<semaphore_mem>>
      %dma_start3A_45 = arith.constant 0 : i32
      %dma_start3A_46 = tpu.memref_slice %arg4[%add3A_14, %dma_start3A_45] : memref<2500x128xi32, #tpu.memory_space<hbm>> -> memref<1x128xi32, #tpu.memory_space<hbm>>
      %dma_start3A_47 = tpu.memref_squeeze %dma_start3A_46 : memref<1x128xi32, #tpu.memory_space<hbm>> -> memref<128xi32, #tpu.memory_space<hbm>>
      %dma_start3A_48 = arith.constant 0 : i32
      %dma_start3A_49 = tpu.memref_slice %arg4[%add3A_14, %dma_start3A_48] : memref<2500x128xi32, #tpu.memory_space<hbm>> -> memref<1x128xi32, #tpu.memory_space<hbm>>
      %dma_start3A_50 = tpu.memref_squeeze %dma_start3A_49 : memref<1x128xi32, #tpu.memory_space<hbm>> -> memref<128xi32, #tpu.memory_space<hbm>>
      tpu.enqueue_dma source(%dma_start3A_50 : memref<128xi32, #tpu.memory_space<hbm>>) target(%arg9 : memref<128xi32, #tpu.memory_space<vmem>>) target_semaphore(%run_scoped3A : memref<!tpu.dma_semaphore, #tpu.memory_space<semaphore_mem>>)
      %dma_wait3A_51 = arith.constant 0 : i32
      %dma_wait3A_52 = tpu.memref_slice %arg4[%add3A_14, %dma_wait3A_51] : memref<2500x128xi32, #tpu.memory_space<hbm>> -> memref<1x128xi32, #tpu.memory_space<hbm>>
      %dma_wait3A_53 = tpu.memref_squeeze %dma_wait3A_52 : memref<1x128xi32, #tpu.memory_space<hbm>> -> memref<128xi32, #tpu.memory_space<hbm>>
      %dma_wait3A_54 = arith.constant 0 : i32
      %dma_wait3A_55 = tpu.memref_slice %arg4[%add3A_14, %dma_wait3A_54] : memref<2500x128xi32, #tpu.memory_space<hbm>> -> memref<1x128xi32, #tpu.memory_space<hbm>>
      %dma_wait3A_56 = tpu.memref_squeeze %dma_wait3A_55 : memref<1x128xi32, #tpu.memory_space<hbm>> -> memref<128xi32, #tpu.memory_space<hbm>>
      tpu.wait_dma2 semaphore(%run_scoped3A : memref<!tpu.dma_semaphore, #tpu.memory_space<semaphore_mem>>) src(%dma_wait3A_56 : memref<128xi32, #tpu.memory_space<hbm>>) dst(%arg9 : memref<128xi32, #tpu.memory_space<vmem>>)
      tpu.yield
    }) : () -> ()
    %dma_start3A_19 = arith.constant 0 : i32
    %dma_start3A_20 = arith.constant 0 : i32
    %dma_start3A_21 = tpu.memref_slice %arg2[%dma_start3A_19, %dma_start3A_20] : memref<10000x128xf32, #tpu.memory_space<hbm>> -> memref<10000x128xf32, #tpu.memory_space<hbm>>
    tpu.enqueue_indirect_dma source(%dma_start3A_21 : memref<10000x128xf32, #tpu.memory_space<hbm>>) target(%arg12 : memref<128x128xf32, #tpu.memory_space<vmem>>) offsets(%arg8 : memref<128xi32, #tpu.memory_space<vmem>>) semaphore(%arg15 : memref<!tpu.dma_semaphore, #tpu.memory_space<semaphore_mem>>)
    %gt3A = arith.constant 1 : i32
    %gt3A_22 = arith.cmpi sgt, %add3A_18, %gt3A : i32
    %convert_element_type3A = arith.extui %gt3A_22 : i1 to i32
    %cond3A = arith.constant 0 : i32
    %cond3A_23 = arith.cmpi ne, %convert_element_type3A, %cond3A : i32
    scf.if %cond3A_23 {
      %add3A_45 = arith.constant 1 : i32
      %add3A_46 = arith.addi %add3A_14, %add3A_45 : i32
      "tpu.region"() ({
        %run_scoped3A = tpu.sem_alloc : memref<!tpu.dma_semaphore, #tpu.memory_space<semaphore_mem>>
        %dma_start3A_52 = arith.constant 0 : i32
        %dma_start3A_53 = tpu.memref_slice %arg3[%add3A_46, %dma_start3A_52] : memref<2500x128xi32, #tpu.memory_space<hbm>> -> memref<1x128xi32, #tpu.memory_space<hbm>>
        %dma_start3A_54 = tpu.memref_squeeze %dma_start3A_53 : memref<1x128xi32, #tpu.memory_space<hbm>> -> memref<128xi32, #tpu.memory_space<hbm>>
        %dma_start3A_55 = arith.constant 0 : i32
        %dma_start3A_56 = tpu.memref_slice %arg3[%add3A_46, %dma_start3A_55] : memref<2500x128xi32, #tpu.memory_space<hbm>> -> memref<1x128xi32, #tpu.memory_space<hbm>>
        %dma_start3A_57 = tpu.memref_squeeze %dma_start3A_56 : memref<1x128xi32, #tpu.memory_space<hbm>> -> memref<128xi32, #tpu.memory_space<hbm>>
        tpu.enqueue_dma source(%dma_start3A_57 : memref<128xi32, #tpu.memory_space<hbm>>) target(%arg10 : memref<128xi32, #tpu.memory_space<vmem>>) target_semaphore(%run_scoped3A : memref<!tpu.dma_semaphore, #tpu.memory_space<semaphore_mem>>)
        %dma_wait3A_58 = arith.constant 0 : i32
        %dma_wait3A_59 = tpu.memref_slice %arg3[%add3A_46, %dma_wait3A_58] : memref<2500x128xi32, #tpu.memory_space<hbm>> -> memref<1x128xi32, #tpu.memory_space<hbm>>
        %dma_wait3A_60 = tpu.memref_squeeze %dma_wait3A_59 : memref<1x128xi32, #tpu.memory_space<hbm>> -> memref<128xi32, #tpu.memory_space<hbm>>
        %dma_wait3A_61 = arith.constant 0 : i32
        %dma_wait3A_62 = tpu.memref_slice %arg3[%add3A_46, %dma_wait3A_61] : memref<2500x128xi32, #tpu.memory_space<hbm>> -> memref<1x128xi32, #tpu.memory_space<hbm>>
        %dma_wait3A_63 = tpu.memref_squeeze %dma_wait3A_62 : memref<1x128xi32, #tpu.memory_space<hbm>> -> memref<128xi32, #tpu.memory_space<hbm>>
        tpu.wait_dma2 semaphore(%run_scoped3A : memref<!tpu.dma_semaphore, #tpu.memory_space<semaphore_mem>>) src(%dma_wait3A_63 : memref<128xi32, #tpu.memory_space<hbm>>) dst(%arg10 : memref<128xi32, #tpu.memory_space<vmem>>)
        tpu.yield
      }) : () -> ()
      %add3A_47 = arith.constant 1 : i32
      %add3A_48 = arith.addi %add3A_14, %add3A_47 : i32
      "tpu.region"() ({
        %run_scoped3A = tpu.sem_alloc : memref<!tpu.dma_semaphore, #tpu.memory_space<semaphore_mem>>
        %dma_start3A_52 = arith.constant 0 : i32
        %dma_start3A_53 = tpu.memref_slice %arg4[%add3A_48, %dma_start3A_52] : memref<2500x128xi32, #tpu.memory_space<hbm>> -> memref<1x128xi32, #tpu.memory_space<hbm>>
        %dma_start3A_54 = tpu.memref_squeeze %dma_start3A_53 : memref<1x128xi32, #tpu.memory_space<hbm>> -> memref<128xi32, #tpu.memory_space<hbm>>
        %dma_start3A_55 = arith.constant 0 : i32
        %dma_start3A_56 = tpu.memref_slice %arg4[%add3A_48, %dma_start3A_55] : memref<2500x128xi32, #tpu.memory_space<hbm>> -> memref<1x128xi32, #tpu.memory_space<hbm>>
        %dma_start3A_57 = tpu.memref_squeeze %dma_start3A_56 : memref<1x128xi32, #tpu.memory_space<hbm>> -> memref<128xi32, #tpu.memory_space<hbm>>
        tpu.enqueue_dma source(%dma_start3A_57 : memref<128xi32, #tpu.memory_space<hbm>>) target(%arg11 : memref<128xi32, #tpu.memory_space<vmem>>) target_semaphore(%run_scoped3A : memref<!tpu.dma_semaphore, #tpu.memory_space<semaphore_mem>>)
        %dma_wait3A_58 = arith.constant 0 : i32
        %dma_wait3A_59 = tpu.memref_slice %arg4[%add3A_48, %dma_wait3A_58] : memref<2500x128xi32, #tpu.memory_space<hbm>> -> memref<1x128xi32, #tpu.memory_space<hbm>>
        %dma_wait3A_60 = tpu.memref_squeeze %dma_wait3A_59 : memref<1x128xi32, #tpu.memory_space<hbm>> -> memref<128xi32, #tpu.memory_space<hbm>>
        %dma_wait3A_61 = arith.constant 0 : i32
        %dma_wait3A_62 = tpu.memref_slice %arg4[%add3A_48, %dma_wait3A_61] : memref<2500x128xi32, #tpu.memory_space<hbm>> -> memref<1x128xi32, #tpu.memory_space<hbm>>
        %dma_wait3A_63 = tpu.memref_squeeze %dma_wait3A_62 : memref<1x128xi32, #tpu.memory_space<hbm>> -> memref<128xi32, #tpu.memory_space<hbm>>
        tpu.wait_dma2 semaphore(%run_scoped3A : memref<!tpu.dma_semaphore, #tpu.memory_space<semaphore_mem>>) src(%dma_wait3A_63 : memref<128xi32, #tpu.memory_space<hbm>>) dst(%arg11 : memref<128xi32, #tpu.memory_space<vmem>>)
        tpu.yield
      }) : () -> ()
      %dma_start3A_49 = arith.constant 0 : i32
      %dma_start3A_50 = arith.constant 0 : i32
      %dma_start3A_51 = tpu.memref_slice %arg2[%dma_start3A_49, %dma_start3A_50] : memref<10000x128xf32, #tpu.memory_space<hbm>> -> memref<10000x128xf32, #tpu.memory_space<hbm>>
      tpu.enqueue_indirect_dma source(%dma_start3A_51 : memref<10000x128xf32, #tpu.memory_space<hbm>>) target(%arg13 : memref<128x128xf32, #tpu.memory_space<vmem>>) offsets(%arg10 : memref<128xi32, #tpu.memory_space<vmem>>) semaphore(%arg16 : memref<!tpu.dma_semaphore, #tpu.memory_space<semaphore_mem>>)
    } else {
    }
    %sub3A = arith.constant 0 : i32
    %sub3A_24 = arith.subi %add3A_18, %sub3A : i32
    %sub3A_25 = arith.constant 2 : i32
    %sub3A_26 = arith.constant 1 : i32
    %sub3A_27 = arith.subi %sub3A_25, %sub3A_26 : i32
    %add3A_28 = arith.addi %sub3A_24, %sub3A_27 : i32
    %div3A = arith.constant 2 : i32
    %div3A_29 = arith.divsi %add3A_28, %div3A : i32
    %while3A = arith.constant 2 : i32
    %while3A_30 = arith.constant 0 : i32
    %while3A_31 = arith.constant 0 : i32
    %while3A_32 = arith.subi %div3A_29, %while3A_31 : i32
    %while3A_33 = arith.addi %while3A_31, %while3A_32 : i32
    %while3A_34 = arith.constant 1 : i32
    %while3A_35 = arith.divsi %while3A_32, %while3A_34 : i32
    %while3A_36 = arith.muli %while3A_35, %while3A_34 : i32
    %while3A_37 = arith.addi %while3A_31, %while3A_36 : i32
    %while3A_38 = arith.constant 1 : i32
    scf.for %while3A_45 = %while3A_31 to %while3A_37 step %while3A_38  : i32 {
      %mul3A_46 = arith.muli %while3A_45, %while3A : i32
      %add3A_47 = arith.addi %while3A_30, %mul3A_46 : i32
      %dma_wait3A_48 = arith.constant 0 : i32
      %dma_wait3A_49 = arith.constant 0 : i32
      %dma_wait3A_50 = tpu.memref_slice %arg2[%dma_wait3A_48, %dma_wait3A_49] : memref<10000x128xf32, #tpu.memory_space<hbm>> -> memref<10000x128xf32, #tpu.memory_space<hbm>>
      tpu.wait_indirect_dma semaphore(%arg15 : memref<!tpu.dma_semaphore, #tpu.memory_space<semaphore_mem>>) src(%dma_wait3A_50 : memref<10000x128xf32, #tpu.memory_space<hbm>>) dst(%arg12 : memref<128x128xf32, #tpu.memory_space<vmem>>)
      "tpu.region"() ({
        %run_scoped3A = tpu.sem_alloc : memref<!tpu.dma_semaphore, #tpu.memory_space<semaphore_mem>>
        %dma_start3A_63 = arith.constant 0 : i32
        %dma_start3A_64 = arith.constant 0 : i32
        %dma_start3A_65 = tpu.memref_slice %arg14[%dma_start3A_63, %dma_start3A_64] : memref<10000x128xf32, #tpu.memory_space<vmem_shared>> -> memref<10000x128xf32, #tpu.memory_space<vmem_shared>>
        tpu.enqueue_indirect_dma source(%arg12 : memref<128x128xf32, #tpu.memory_space<vmem>>) target(%dma_start3A_65 : memref<10000x128xf32, #tpu.memory_space<vmem_shared>>) offsets(%arg9 : memref<128xi32, #tpu.memory_space<vmem>>) semaphore(%run_scoped3A : memref<!tpu.dma_semaphore, #tpu.memory_space<semaphore_mem>>) {add = true}
        %dma_wait3A_66 = arith.constant 0 : i32
        %dma_wait3A_67 = arith.constant 0 : i32
        %dma_wait3A_68 = tpu.memref_slice %arg14[%dma_wait3A_66, %dma_wait3A_67] : memref<10000x128xf32, #tpu.memory_space<vmem_shared>> -> memref<10000x128xf32, #tpu.memory_space<vmem_shared>>
        tpu.wait_indirect_dma semaphore(%run_scoped3A : memref<!tpu.dma_semaphore, #tpu.memory_space<semaphore_mem>>) src(%arg12 : memref<128x128xf32, #tpu.memory_space<vmem>>) dst(%dma_wait3A_68 : memref<10000x128xf32, #tpu.memory_space<vmem_shared>>)
        tpu.yield
      }) : () -> ()
      %add3A_51 = arith.constant 2 : i32
      %add3A_52 = arith.addi %add3A_47, %add3A_51 : i32
      %lt3A_53 = arith.cmpi slt, %add3A_52, %add3A_18 : i32
      %convert_element_type3A_54 = arith.extui %lt3A_53 : i1 to i32
      %cond3A_55 = arith.constant 0 : i32
      %cond3A_56 = arith.cmpi ne, %convert_element_type3A_54, %cond3A_55 : i32
      scf.if %cond3A_56 {
        %add3A_63 = arith.addi %add3A_14, %add3A_47 : i32
        %add3A_64 = arith.constant 2 : i32
        %add3A_65 = arith.addi %add3A_63, %add3A_64 : i32
        %dma_start3A_66 = arith.constant 0 : i32
        %dma_start3A_67 = tpu.memref_slice %arg3[%add3A_65, %dma_start3A_66] : memref<2500x128xi32, #tpu.memory_space<hbm>> -> memref<1x128xi32, #tpu.memory_space<hbm>>
        %dma_start3A_68 = tpu.memref_squeeze %dma_start3A_67 : memref<1x128xi32, #tpu.memory_space<hbm>> -> memref<128xi32, #tpu.memory_space<hbm>>
        %dma_start3A_69 = arith.constant 0 : i32
        %dma_start3A_70 = tpu.memref_slice %arg3[%add3A_65, %dma_start3A_69] : memref<2500x128xi32, #tpu.memory_space<hbm>> -> memref<1x128xi32, #tpu.memory_space<hbm>>
        %dma_start3A_71 = tpu.memref_squeeze %dma_start3A_70 : memref<1x128xi32, #tpu.memory_space<hbm>> -> memref<128xi32, #tpu.memory_space<hbm>>
        tpu.enqueue_dma source(%dma_start3A_71 : memref<128xi32, #tpu.memory_space<hbm>>) target(%arg8 : memref<128xi32, #tpu.memory_space<vmem>>) target_semaphore(%arg17 : memref<!tpu.dma_semaphore, #tpu.memory_space<semaphore_mem>>)
        %dma_start3A_72 = arith.constant 0 : i32
        %dma_start3A_73 = tpu.memref_slice %arg4[%add3A_65, %dma_start3A_72] : memref<2500x128xi32, #tpu.memory_space<hbm>> -> memref<1x128xi32, #tpu.memory_space<hbm>>
        %dma_start3A_74 = tpu.memref_squeeze %dma_start3A_73 : memref<1x128xi32, #tpu.memory_space<hbm>> -> memref<128xi32, #tpu.memory_space<hbm>>
        %dma_start3A_75 = arith.constant 0 : i32
        %dma_start3A_76 = tpu.memref_slice %arg4[%add3A_65, %dma_start3A_75] : memref<2500x128xi32, #tpu.memory_space<hbm>> -> memref<1x128xi32, #tpu.memory_space<hbm>>
        %dma_start3A_77 = tpu.memref_squeeze %dma_start3A_76 : memref<1x128xi32, #tpu.memory_space<hbm>> -> memref<128xi32, #tpu.memory_space<hbm>>
        tpu.enqueue_dma source(%dma_start3A_77 : memref<128xi32, #tpu.memory_space<hbm>>) target(%arg9 : memref<128xi32, #tpu.memory_space<vmem>>) target_semaphore(%arg17 : memref<!tpu.dma_semaphore, #tpu.memory_space<semaphore_mem>>)
        %add3A_78 = arith.addi %add3A_14, %add3A_47 : i32
        %add3A_79 = arith.constant 2 : i32
        %add3A_80 = arith.addi %add3A_78, %add3A_79 : i32
        %dma_wait3A_81 = arith.constant 0 : i32
        %dma_wait3A_82 = tpu.memref_slice %arg3[%add3A_80, %dma_wait3A_81] : memref<2500x128xi32, #tpu.memory_space<hbm>> -> memref<1x128xi32, #tpu.memory_space<hbm>>
        %dma_wait3A_83 = tpu.memref_squeeze %dma_wait3A_82 : memref<1x128xi32, #tpu.memory_space<hbm>> -> memref<128xi32, #tpu.memory_space<hbm>>
        %dma_wait3A_84 = arith.constant 0 : i32
        %dma_wait3A_85 = tpu.memref_slice %arg3[%add3A_80, %dma_wait3A_84] : memref<2500x128xi32, #tpu.memory_space<hbm>> -> memref<1x128xi32, #tpu.memory_space<hbm>>
        %dma_wait3A_86 = tpu.memref_squeeze %dma_wait3A_85 : memref<1x128xi32, #tpu.memory_space<hbm>> -> memref<128xi32, #tpu.memory_space<hbm>>
        tpu.wait_dma2 semaphore(%arg17 : memref<!tpu.dma_semaphore, #tpu.memory_space<semaphore_mem>>) src(%dma_wait3A_86 : memref<128xi32, #tpu.memory_space<hbm>>) dst(%arg8 : memref<128xi32, #tpu.memory_space<vmem>>)
        %dma_wait3A_87 = arith.constant 0 : i32
        %dma_wait3A_88 = tpu.memref_slice %arg4[%add3A_80, %dma_wait3A_87] : memref<2500x128xi32, #tpu.memory_space<hbm>> -> memref<1x128xi32, #tpu.memory_space<hbm>>
        %dma_wait3A_89 = tpu.memref_squeeze %dma_wait3A_88 : memref<1x128xi32, #tpu.memory_space<hbm>> -> memref<128xi32, #tpu.memory_space<hbm>>
        %dma_wait3A_90 = arith.constant 0 : i32
        %dma_wait3A_91 = tpu.memref_slice %arg4[%add3A_80, %dma_wait3A_90] : memref<2500x128xi32, #tpu.memory_space<hbm>> -> memref<1x128xi32, #tpu.memory_space<hbm>>
        %dma_wait3A_92 = tpu.memref_squeeze %dma_wait3A_91 : memref<1x128xi32, #tpu.memory_space<hbm>> -> memref<128xi32, #tpu.memory_space<hbm>>
        tpu.wait_dma2 semaphore(%arg17 : memref<!tpu.dma_semaphore, #tpu.memory_space<semaphore_mem>>) src(%dma_wait3A_92 : memref<128xi32, #tpu.memory_space<hbm>>) dst(%arg9 : memref<128xi32, #tpu.memory_space<vmem>>)
        %dma_start3A_93 = arith.constant 0 : i32
        %dma_start3A_94 = arith.constant 0 : i32
        %dma_start3A_95 = tpu.memref_slice %arg2[%dma_start3A_93, %dma_start3A_94] : memref<10000x128xf32, #tpu.memory_space<hbm>> -> memref<10000x128xf32, #tpu.memory_space<hbm>>
        tpu.enqueue_indirect_dma source(%dma_start3A_95 : memref<10000x128xf32, #tpu.memory_space<hbm>>) target(%arg12 : memref<128x128xf32, #tpu.memory_space<vmem>>) offsets(%arg8 : memref<128xi32, #tpu.memory_space<vmem>>) semaphore(%arg15 : memref<!tpu.dma_semaphore, #tpu.memory_space<semaphore_mem>>)
      } else {
      }
      %add3A_57 = arith.constant 1 : i32
      %add3A_58 = arith.addi %add3A_47, %add3A_57 : i32
      %lt3A_59 = arith.cmpi slt, %add3A_58, %add3A_18 : i32
      %convert_element_type3A_60 = arith.extui %lt3A_59 : i1 to i32
      %cond3A_61 = arith.constant 0 : i32
      %cond3A_62 = arith.cmpi ne, %convert_element_type3A_60, %cond3A_61 : i32
      scf.if %cond3A_62 {
        %dma_wait3A_63 = arith.constant 0 : i32
        %dma_wait3A_64 = arith.constant 0 : i32
        %dma_wait3A_65 = tpu.memref_slice %arg2[%dma_wait3A_63, %dma_wait3A_64] : memref<10000x128xf32, #tpu.memory_space<hbm>> -> memref<10000x128xf32, #tpu.memory_space<hbm>>
        tpu.wait_indirect_dma semaphore(%arg16 : memref<!tpu.dma_semaphore, #tpu.memory_space<semaphore_mem>>) src(%dma_wait3A_65 : memref<10000x128xf32, #tpu.memory_space<hbm>>) dst(%arg13 : memref<128x128xf32, #tpu.memory_space<vmem>>)
        "tpu.region"() ({
          %run_scoped3A = tpu.sem_alloc : memref<!tpu.dma_semaphore, #tpu.memory_space<semaphore_mem>>
          %dma_start3A_72 = arith.constant 0 : i32
          %dma_start3A_73 = arith.constant 0 : i32
          %dma_start3A_74 = tpu.memref_slice %arg14[%dma_start3A_72, %dma_start3A_73] : memref<10000x128xf32, #tpu.memory_space<vmem_shared>> -> memref<10000x128xf32, #tpu.memory_space<vmem_shared>>
          tpu.enqueue_indirect_dma source(%arg13 : memref<128x128xf32, #tpu.memory_space<vmem>>) target(%dma_start3A_74 : memref<10000x128xf32, #tpu.memory_space<vmem_shared>>) offsets(%arg11 : memref<128xi32, #tpu.memory_space<vmem>>) semaphore(%run_scoped3A : memref<!tpu.dma_semaphore, #tpu.memory_space<semaphore_mem>>) {add = true}
          %dma_wait3A_75 = arith.constant 0 : i32
          %dma_wait3A_76 = arith.constant 0 : i32
          %dma_wait3A_77 = tpu.memref_slice %arg14[%dma_wait3A_75, %dma_wait3A_76] : memref<10000x128xf32, #tpu.memory_space<vmem_shared>> -> memref<10000x128xf32, #tpu.memory_space<vmem_shared>>
          tpu.wait_indirect_dma semaphore(%run_scoped3A : memref<!tpu.dma_semaphore, #tpu.memory_space<semaphore_mem>>) src(%arg13 : memref<128x128xf32, #tpu.memory_space<vmem>>) dst(%dma_wait3A_77 : memref<10000x128xf32, #tpu.memory_space<vmem_shared>>)
          tpu.yield
        }) : () -> ()
        %add3A_66 = arith.constant 3 : i32
        %add3A_67 = arith.addi %add3A_47, %add3A_66 : i32
        %lt3A_68 = arith.cmpi slt, %add3A_67, %add3A_18 : i32
        %convert_element_type3A_69 = arith.extui %lt3A_68 : i1 to i32
        %cond3A_70 = arith.constant 0 : i32
        %cond3A_71 = arith.cmpi ne, %convert_element_type3A_69, %cond3A_70 : i32
        scf.if %cond3A_71 {
          %add3A_72 = arith.addi %add3A_14, %add3A_47 : i32
          %add3A_73 = arith.constant 3 : i32
          %add3A_74 = arith.addi %add3A_72, %add3A_73 : i32
          %dma_start3A_75 = arith.constant 0 : i32
          %dma_start3A_76 = tpu.memref_slice %arg3[%add3A_74, %dma_start3A_75] : memref<2500x128xi32, #tpu.memory_space<hbm>> -> memref<1x128xi32, #tpu.memory_space<hbm>>
          %dma_start3A_77 = tpu.memref_squeeze %dma_start3A_76 : memref<1x128xi32, #tpu.memory_space<hbm>> -> memref<128xi32, #tpu.memory_space<hbm>>
          %dma_start3A_78 = arith.constant 0 : i32
          %dma_start3A_79 = tpu.memref_slice %arg3[%add3A_74, %dma_start3A_78] : memref<2500x128xi32, #tpu.memory_space<hbm>> -> memref<1x128xi32, #tpu.memory_space<hbm>>
          %dma_start3A_80 = tpu.memref_squeeze %dma_start3A_79 : memref<1x128xi32, #tpu.memory_space<hbm>> -> memref<128xi32, #tpu.memory_space<hbm>>
          tpu.enqueue_dma source(%dma_start3A_80 : memref<128xi32, #tpu.memory_space<hbm>>) target(%arg10 : memref<128xi32, #tpu.memory_space<vmem>>) target_semaphore(%arg18 : memref<!tpu.dma_semaphore, #tpu.memory_space<semaphore_mem>>)
          %dma_start3A_81 = arith.constant 0 : i32
          %dma_start3A_82 = tpu.memref_slice %arg4[%add3A_74, %dma_start3A_81] : memref<2500x128xi32, #tpu.memory_space<hbm>> -> memref<1x128xi32, #tpu.memory_space<hbm>>
          %dma_start3A_83 = tpu.memref_squeeze %dma_start3A_82 : memref<1x128xi32, #tpu.memory_space<hbm>> -> memref<128xi32, #tpu.memory_space<hbm>>
          %dma_start3A_84 = arith.constant 0 : i32
          %dma_start3A_85 = tpu.memref_slice %arg4[%add3A_74, %dma_start3A_84] : memref<2500x128xi32, #tpu.memory_space<hbm>> -> memref<1x128xi32, #tpu.memory_space<hbm>>
          %dma_start3A_86 = tpu.memref_squeeze %dma_start3A_85 : memref<1x128xi32, #tpu.memory_space<hbm>> -> memref<128xi32, #tpu.memory_space<hbm>>
          tpu.enqueue_dma source(%dma_start3A_86 : memref<128xi32, #tpu.memory_space<hbm>>) target(%arg11 : memref<128xi32, #tpu.memory_space<vmem>>) target_semaphore(%arg18 : memref<!tpu.dma_semaphore, #tpu.memory_space<semaphore_mem>>)
          %add3A_87 = arith.addi %add3A_14, %add3A_47 : i32
          %add3A_88 = arith.constant 3 : i32
          %add3A_89 = arith.addi %add3A_87, %add3A_88 : i32
          %dma_wait3A_90 = arith.constant 0 : i32
          %dma_wait3A_91 = tpu.memref_slice %arg3[%add3A_89, %dma_wait3A_90] : memref<2500x128xi32, #tpu.memory_space<hbm>> -> memref<1x128xi32, #tpu.memory_space<hbm>>
          %dma_wait3A_92 = tpu.memref_squeeze %dma_wait3A_91 : memref<1x128xi32, #tpu.memory_space<hbm>> -> memref<128xi32, #tpu.memory_space<hbm>>
          %dma_wait3A_93 = arith.constant 0 : i32
          %dma_wait3A_94 = tpu.memref_slice %arg3[%add3A_89, %dma_wait3A_93] : memref<2500x128xi32, #tpu.memory_space<hbm>> -> memref<1x128xi32, #tpu.memory_space<hbm>>
          %dma_wait3A_95 = tpu.memref_squeeze %dma_wait3A_94 : memref<1x128xi32, #tpu.memory_space<hbm>> -> memref<128xi32, #tpu.memory_space<hbm>>
          tpu.wait_dma2 semaphore(%arg18 : memref<!tpu.dma_semaphore, #tpu.memory_space<semaphore_mem>>) src(%dma_wait3A_95 : memref<128xi32, #tpu.memory_space<hbm>>) dst(%arg10 : memref<128xi32, #tpu.memory_space<vmem>>)
          %dma_wait3A_96 = arith.constant 0 : i32
          %dma_wait3A_97 = tpu.memref_slice %arg4[%add3A_89, %dma_wait3A_96] : memref<2500x128xi32, #tpu.memory_space<hbm>> -> memref<1x128xi32, #tpu.memory_space<hbm>>
          %dma_wait3A_98 = tpu.memref_squeeze %dma_wait3A_97 : memref<1x128xi32, #tpu.memory_space<hbm>> -> memref<128xi32, #tpu.memory_space<hbm>>
          %dma_wait3A_99 = arith.constant 0 : i32
          %dma_wait3A_100 = tpu.memref_slice %arg4[%add3A_89, %dma_wait3A_99] : memref<2500x128xi32, #tpu.memory_space<hbm>> -> memref<1x128xi32, #tpu.memory_space<hbm>>
          %dma_wait3A_101 = tpu.memref_squeeze %dma_wait3A_100 : memref<1x128xi32, #tpu.memory_space<hbm>> -> memref<128xi32, #tpu.memory_space<hbm>>
          tpu.wait_dma2 semaphore(%arg18 : memref<!tpu.dma_semaphore, #tpu.memory_space<semaphore_mem>>) src(%dma_wait3A_101 : memref<128xi32, #tpu.memory_space<hbm>>) dst(%arg11 : memref<128xi32, #tpu.memory_space<vmem>>)
          %dma_start3A_102 = arith.constant 0 : i32
          %dma_start3A_103 = arith.constant 0 : i32
          %dma_start3A_104 = tpu.memref_slice %arg2[%dma_start3A_102, %dma_start3A_103] : memref<10000x128xf32, #tpu.memory_space<hbm>> -> memref<10000x128xf32, #tpu.memory_space<hbm>>
          tpu.enqueue_indirect_dma source(%dma_start3A_104 : memref<10000x128xf32, #tpu.memory_space<hbm>>) target(%arg13 : memref<128x128xf32, #tpu.memory_space<vmem>>) offsets(%arg10 : memref<128xi32, #tpu.memory_space<vmem>>) semaphore(%arg16 : memref<!tpu.dma_semaphore, #tpu.memory_space<semaphore_mem>>)
        } else {
        }
      } else {
      }
    }
    %while3A_39 = arith.constant 1 : i32
    scf.for %while3A_45 = %while3A_37 to %while3A_33 step %while3A_39  : i32 {
      %mul3A_46 = arith.muli %while3A_45, %while3A : i32
      %add3A_47 = arith.addi %while3A_30, %mul3A_46 : i32
      %dma_wait3A_48 = arith.constant 0 : i32
      %dma_wait3A_49 = arith.constant 0 : i32
      %dma_wait3A_50 = tpu.memref_slice %arg2[%dma_wait3A_48, %dma_wait3A_49] : memref<10000x128xf32, #tpu.memory_space<hbm>> -> memref<10000x128xf32, #tpu.memory_space<hbm>>
      tpu.wait_indirect_dma semaphore(%arg15 : memref<!tpu.dma_semaphore, #tpu.memory_space<semaphore_mem>>) src(%dma_wait3A_50 : memref<10000x128xf32, #tpu.memory_space<hbm>>) dst(%arg12 : memref<128x128xf32, #tpu.memory_space<vmem>>)
      "tpu.region"() ({
        %run_scoped3A = tpu.sem_alloc : memref<!tpu.dma_semaphore, #tpu.memory_space<semaphore_mem>>
        %dma_start3A_63 = arith.constant 0 : i32
        %dma_start3A_64 = arith.constant 0 : i32
        %dma_start3A_65 = tpu.memref_slice %arg14[%dma_start3A_63, %dma_start3A_64] : memref<10000x128xf32, #tpu.memory_space<vmem_shared>> -> memref<10000x128xf32, #tpu.memory_space<vmem_shared>>
        tpu.enqueue_indirect_dma source(%arg12 : memref<128x128xf32, #tpu.memory_space<vmem>>) target(%dma_start3A_65 : memref<10000x128xf32, #tpu.memory_space<vmem_shared>>) offsets(%arg9 : memref<128xi32, #tpu.memory_space<vmem>>) semaphore(%run_scoped3A : memref<!tpu.dma_semaphore, #tpu.memory_space<semaphore_mem>>) {add = true}
        %dma_wait3A_66 = arith.constant 0 : i32
        %dma_wait3A_67 = arith.constant 0 : i32
        %dma_wait3A_68 = tpu.memref_slice %arg14[%dma_wait3A_66, %dma_wait3A_67] : memref<10000x128xf32, #tpu.memory_space<vmem_shared>> -> memref<10000x128xf32, #tpu.memory_space<vmem_shared>>
        tpu.wait_indirect_dma semaphore(%run_scoped3A : memref<!tpu.dma_semaphore, #tpu.memory_space<semaphore_mem>>) src(%arg12 : memref<128x128xf32, #tpu.memory_space<vmem>>) dst(%dma_wait3A_68 : memref<10000x128xf32, #tpu.memory_space<vmem_shared>>)
        tpu.yield
      }) : () -> ()
      %add3A_51 = arith.constant 2 : i32
      %add3A_52 = arith.addi %add3A_47, %add3A_51 : i32
      %lt3A_53 = arith.cmpi slt, %add3A_52, %add3A_18 : i32
      %convert_element_type3A_54 = arith.extui %lt3A_53 : i1 to i32
      %cond3A_55 = arith.constant 0 : i32
      %cond3A_56 = arith.cmpi ne, %convert_element_type3A_54, %cond3A_55 : i32
      scf.if %cond3A_56 {
        %add3A_63 = arith.addi %add3A_14, %add3A_47 : i32
        %add3A_64 = arith.constant 2 : i32
        %add3A_65 = arith.addi %add3A_63, %add3A_64 : i32
        %dma_start3A_66 = arith.constant 0 : i32
        %dma_start3A_67 = tpu.memref_slice %arg3[%add3A_65, %dma_start3A_66] : memref<2500x128xi32, #tpu.memory_space<hbm>> -> memref<1x128xi32, #tpu.memory_space<hbm>>
        %dma_start3A_68 = tpu.memref_squeeze %dma_start3A_67 : memref<1x128xi32, #tpu.memory_space<hbm>> -> memref<128xi32, #tpu.memory_space<hbm>>
        %dma_start3A_69 = arith.constant 0 : i32
        %dma_start3A_70 = tpu.memref_slice %arg3[%add3A_65, %dma_start3A_69] : memref<2500x128xi32, #tpu.memory_space<hbm>> -> memref<1x128xi32, #tpu.memory_space<hbm>>
        %dma_start3A_71 = tpu.memref_squeeze %dma_start3A_70 : memref<1x128xi32, #tpu.memory_space<hbm>> -> memref<128xi32, #tpu.memory_space<hbm>>
        tpu.enqueue_dma source(%dma_start3A_71 : memref<128xi32, #tpu.memory_space<hbm>>) target(%arg8 : memref<128xi32, #tpu.memory_space<vmem>>) target_semaphore(%arg17 : memref<!tpu.dma_semaphore, #tpu.memory_space<semaphore_mem>>)
        %dma_start3A_72 = arith.constant 0 : i32
        %dma_start3A_73 = tpu.memref_slice %arg4[%add3A_65, %dma_start3A_72] : memref<2500x128xi32, #tpu.memory_space<hbm>> -> memref<1x128xi32, #tpu.memory_space<hbm>>
        %dma_start3A_74 = tpu.memref_squeeze %dma_start3A_73 : memref<1x128xi32, #tpu.memory_space<hbm>> -> memref<128xi32, #tpu.memory_space<hbm>>
        %dma_start3A_75 = arith.constant 0 : i32
        %dma_start3A_76 = tpu.memref_slice %arg4[%add3A_65, %dma_start3A_75] : memref<2500x128xi32, #tpu.memory_space<hbm>> -> memref<1x128xi32, #tpu.memory_space<hbm>>
        %dma_start3A_77 = tpu.memref_squeeze %dma_start3A_76 : memref<1x128xi32, #tpu.memory_space<hbm>> -> memref<128xi32, #tpu.memory_space<hbm>>
        tpu.enqueue_dma source(%dma_start3A_77 : memref<128xi32, #tpu.memory_space<hbm>>) target(%arg9 : memref<128xi32, #tpu.memory_space<vmem>>) target_semaphore(%arg17 : memref<!tpu.dma_semaphore, #tpu.memory_space<semaphore_mem>>)
        %add3A_78 = arith.addi %add3A_14, %add3A_47 : i32
        %add3A_79 = arith.constant 2 : i32
        %add3A_80 = arith.addi %add3A_78, %add3A_79 : i32
        %dma_wait3A_81 = arith.constant 0 : i32
        %dma_wait3A_82 = tpu.memref_slice %arg3[%add3A_80, %dma_wait3A_81] : memref<2500x128xi32, #tpu.memory_space<hbm>> -> memref<1x128xi32, #tpu.memory_space<hbm>>
        %dma_wait3A_83 = tpu.memref_squeeze %dma_wait3A_82 : memref<1x128xi32, #tpu.memory_space<hbm>> -> memref<128xi32, #tpu.memory_space<hbm>>
        %dma_wait3A_84 = arith.constant 0 : i32
        %dma_wait3A_85 = tpu.memref_slice %arg3[%add3A_80, %dma_wait3A_84] : memref<2500x128xi32, #tpu.memory_space<hbm>> -> memref<1x128xi32, #tpu.memory_space<hbm>>
        %dma_wait3A_86 = tpu.memref_squeeze %dma_wait3A_85 : memref<1x128xi32, #tpu.memory_space<hbm>> -> memref<128xi32, #tpu.memory_space<hbm>>
        tpu.wait_dma2 semaphore(%arg17 : memref<!tpu.dma_semaphore, #tpu.memory_space<semaphore_mem>>) src(%dma_wait3A_86 : memref<128xi32, #tpu.memory_space<hbm>>) dst(%arg8 : memref<128xi32, #tpu.memory_space<vmem>>)
        %dma_wait3A_87 = arith.constant 0 : i32
        %dma_wait3A_88 = tpu.memref_slice %arg4[%add3A_80, %dma_wait3A_87] : memref<2500x128xi32, #tpu.memory_space<hbm>> -> memref<1x128xi32, #tpu.memory_space<hbm>>
        %dma_wait3A_89 = tpu.memref_squeeze %dma_wait3A_88 : memref<1x128xi32, #tpu.memory_space<hbm>> -> memref<128xi32, #tpu.memory_space<hbm>>
        %dma_wait3A_90 = arith.constant 0 : i32
        %dma_wait3A_91 = tpu.memref_slice %arg4[%add3A_80, %dma_wait3A_90] : memref<2500x128xi32, #tpu.memory_space<hbm>> -> memref<1x128xi32, #tpu.memory_space<hbm>>
        %dma_wait3A_92 = tpu.memref_squeeze %dma_wait3A_91 : memref<1x128xi32, #tpu.memory_space<hbm>> -> memref<128xi32, #tpu.memory_space<hbm>>
        tpu.wait_dma2 semaphore(%arg17 : memref<!tpu.dma_semaphore, #tpu.memory_space<semaphore_mem>>) src(%dma_wait3A_92 : memref<128xi32, #tpu.memory_space<hbm>>) dst(%arg9 : memref<128xi32, #tpu.memory_space<vmem>>)
        %dma_start3A_93 = arith.constant 0 : i32
        %dma_start3A_94 = arith.constant 0 : i32
        %dma_start3A_95 = tpu.memref_slice %arg2[%dma_start3A_93, %dma_start3A_94] : memref<10000x128xf32, #tpu.memory_space<hbm>> -> memref<10000x128xf32, #tpu.memory_space<hbm>>
        tpu.enqueue_indirect_dma source(%dma_start3A_95 : memref<10000x128xf32, #tpu.memory_space<hbm>>) target(%arg12 : memref<128x128xf32, #tpu.memory_space<vmem>>) offsets(%arg8 : memref<128xi32, #tpu.memory_space<vmem>>) semaphore(%arg15 : memref<!tpu.dma_semaphore, #tpu.memory_space<semaphore_mem>>)
      } else {
      }
      %add3A_57 = arith.constant 1 : i32
      %add3A_58 = arith.addi %add3A_47, %add3A_57 : i32
      %lt3A_59 = arith.cmpi slt, %add3A_58, %add3A_18 : i32
      %convert_element_type3A_60 = arith.extui %lt3A_59 : i1 to i32
      %cond3A_61 = arith.constant 0 : i32
      %cond3A_62 = arith.cmpi ne, %convert_element_type3A_60, %cond3A_61 : i32
      scf.if %cond3A_62 {
        %dma_wait3A_63 = arith.constant 0 : i32
        %dma_wait3A_64 = arith.constant 0 : i32
        %dma_wait3A_65 = tpu.memref_slice %arg2[%dma_wait3A_63, %dma_wait3A_64] : memref<10000x128xf32, #tpu.memory_space<hbm>> -> memref<10000x128xf32, #tpu.memory_space<hbm>>
        tpu.wait_indirect_dma semaphore(%arg16 : memref<!tpu.dma_semaphore, #tpu.memory_space<semaphore_mem>>) src(%dma_wait3A_65 : memref<10000x128xf32, #tpu.memory_space<hbm>>) dst(%arg13 : memref<128x128xf32, #tpu.memory_space<vmem>>)
        "tpu.region"() ({
          %run_scoped3A = tpu.sem_alloc : memref<!tpu.dma_semaphore, #tpu.memory_space<semaphore_mem>>
          %dma_start3A_72 = arith.constant 0 : i32
          %dma_start3A_73 = arith.constant 0 : i32
          %dma_start3A_74 = tpu.memref_slice %arg14[%dma_start3A_72, %dma_start3A_73] : memref<10000x128xf32, #tpu.memory_space<vmem_shared>> -> memref<10000x128xf32, #tpu.memory_space<vmem_shared>>
          tpu.enqueue_indirect_dma source(%arg13 : memref<128x128xf32, #tpu.memory_space<vmem>>) target(%dma_start3A_74 : memref<10000x128xf32, #tpu.memory_space<vmem_shared>>) offsets(%arg11 : memref<128xi32, #tpu.memory_space<vmem>>) semaphore(%run_scoped3A : memref<!tpu.dma_semaphore, #tpu.memory_space<semaphore_mem>>) {add = true}
          %dma_wait3A_75 = arith.constant 0 : i32
          %dma_wait3A_76 = arith.constant 0 : i32
          %dma_wait3A_77 = tpu.memref_slice %arg14[%dma_wait3A_75, %dma_wait3A_76] : memref<10000x128xf32, #tpu.memory_space<vmem_shared>> -> memref<10000x128xf32, #tpu.memory_space<vmem_shared>>
          tpu.wait_indirect_dma semaphore(%run_scoped3A : memref<!tpu.dma_semaphore, #tpu.memory_space<semaphore_mem>>) src(%arg13 : memref<128x128xf32, #tpu.memory_space<vmem>>) dst(%dma_wait3A_77 : memref<10000x128xf32, #tpu.memory_space<vmem_shared>>)
          tpu.yield
        }) : () -> ()
        %add3A_66 = arith.constant 3 : i32
        %add3A_67 = arith.addi %add3A_47, %add3A_66 : i32
        %lt3A_68 = arith.cmpi slt, %add3A_67, %add3A_18 : i32
        %convert_element_type3A_69 = arith.extui %lt3A_68 : i1 to i32
        %cond3A_70 = arith.constant 0 : i32
        %cond3A_71 = arith.cmpi ne, %convert_element_type3A_69, %cond3A_70 : i32
        scf.if %cond3A_71 {
          %add3A_72 = arith.addi %add3A_14, %add3A_47 : i32
          %add3A_73 = arith.constant 3 : i32
          %add3A_74 = arith.addi %add3A_72, %add3A_73 : i32
          %dma_start3A_75 = arith.constant 0 : i32
          %dma_start3A_76 = tpu.memref_slice %arg3[%add3A_74, %dma_start3A_75] : memref<2500x128xi32, #tpu.memory_space<hbm>> -> memref<1x128xi32, #tpu.memory_space<hbm>>
          %dma_start3A_77 = tpu.memref_squeeze %dma_start3A_76 : memref<1x128xi32, #tpu.memory_space<hbm>> -> memref<128xi32, #tpu.memory_space<hbm>>
          %dma_start3A_78 = arith.constant 0 : i32
          %dma_start3A_79 = tpu.memref_slice %arg3[%add3A_74, %dma_start3A_78] : memref<2500x128xi32, #tpu.memory_space<hbm>> -> memref<1x128xi32, #tpu.memory_space<hbm>>
          %dma_start3A_80 = tpu.memref_squeeze %dma_start3A_79 : memref<1x128xi32, #tpu.memory_space<hbm>> -> memref<128xi32, #tpu.memory_space<hbm>>
          tpu.enqueue_dma source(%dma_start3A_80 : memref<128xi32, #tpu.memory_space<hbm>>) target(%arg10 : memref<128xi32, #tpu.memory_space<vmem>>) target_semaphore(%arg18 : memref<!tpu.dma_semaphore, #tpu.memory_space<semaphore_mem>>)
          %dma_start3A_81 = arith.constant 0 : i32
          %dma_start3A_82 = tpu.memref_slice %arg4[%add3A_74, %dma_start3A_81] : memref<2500x128xi32, #tpu.memory_space<hbm>> -> memref<1x128xi32, #tpu.memory_space<hbm>>
          %dma_start3A_83 = tpu.memref_squeeze %dma_start3A_82 : memref<1x128xi32, #tpu.memory_space<hbm>> -> memref<128xi32, #tpu.memory_space<hbm>>
          %dma_start3A_84 = arith.constant 0 : i32
          %dma_start3A_85 = tpu.memref_slice %arg4[%add3A_74, %dma_start3A_84] : memref<2500x128xi32, #tpu.memory_space<hbm>> -> memref<1x128xi32, #tpu.memory_space<hbm>>
          %dma_start3A_86 = tpu.memref_squeeze %dma_start3A_85 : memref<1x128xi32, #tpu.memory_space<hbm>> -> memref<128xi32, #tpu.memory_space<hbm>>
          tpu.enqueue_dma source(%dma_start3A_86 : memref<128xi32, #tpu.memory_space<hbm>>) target(%arg11 : memref<128xi32, #tpu.memory_space<vmem>>) target_semaphore(%arg18 : memref<!tpu.dma_semaphore, #tpu.memory_space<semaphore_mem>>)
          %add3A_87 = arith.addi %add3A_14, %add3A_47 : i32
          %add3A_88 = arith.constant 3 : i32
          %add3A_89 = arith.addi %add3A_87, %add3A_88 : i32
          %dma_wait3A_90 = arith.constant 0 : i32
          %dma_wait3A_91 = tpu.memref_slice %arg3[%add3A_89, %dma_wait3A_90] : memref<2500x128xi32, #tpu.memory_space<hbm>> -> memref<1x128xi32, #tpu.memory_space<hbm>>
          %dma_wait3A_92 = tpu.memref_squeeze %dma_wait3A_91 : memref<1x128xi32, #tpu.memory_space<hbm>> -> memref<128xi32, #tpu.memory_space<hbm>>
          %dma_wait3A_93 = arith.constant 0 : i32
          %dma_wait3A_94 = tpu.memref_slice %arg3[%add3A_89, %dma_wait3A_93] : memref<2500x128xi32, #tpu.memory_space<hbm>> -> memref<1x128xi32, #tpu.memory_space<hbm>>
          %dma_wait3A_95 = tpu.memref_squeeze %dma_wait3A_94 : memref<1x128xi32, #tpu.memory_space<hbm>> -> memref<128xi32, #tpu.memory_space<hbm>>
          tpu.wait_dma2 semaphore(%arg18 : memref<!tpu.dma_semaphore, #tpu.memory_space<semaphore_mem>>) src(%dma_wait3A_95 : memref<128xi32, #tpu.memory_space<hbm>>) dst(%arg10 : memref<128xi32, #tpu.memory_space<vmem>>)
          %dma_wait3A_96 = arith.constant 0 : i32
          %dma_wait3A_97 = tpu.memref_slice %arg4[%add3A_89, %dma_wait3A_96] : memref<2500x128xi32, #tpu.memory_space<hbm>> -> memref<1x128xi32, #tpu.memory_space<hbm>>
          %dma_wait3A_98 = tpu.memref_squeeze %dma_wait3A_97 : memref<1x128xi32, #tpu.memory_space<hbm>> -> memref<128xi32, #tpu.memory_space<hbm>>
          %dma_wait3A_99 = arith.constant 0 : i32
          %dma_wait3A_100 = tpu.memref_slice %arg4[%add3A_89, %dma_wait3A_99] : memref<2500x128xi32, #tpu.memory_space<hbm>> -> memref<1x128xi32, #tpu.memory_space<hbm>>
          %dma_wait3A_101 = tpu.memref_squeeze %dma_wait3A_100 : memref<1x128xi32, #tpu.memory_space<hbm>> -> memref<128xi32, #tpu.memory_space<hbm>>
          tpu.wait_dma2 semaphore(%arg18 : memref<!tpu.dma_semaphore, #tpu.memory_space<semaphore_mem>>) src(%dma_wait3A_101 : memref<128xi32, #tpu.memory_space<hbm>>) dst(%arg11 : memref<128xi32, #tpu.memory_space<vmem>>)
          %dma_start3A_102 = arith.constant 0 : i32
          %dma_start3A_103 = arith.constant 0 : i32
          %dma_start3A_104 = tpu.memref_slice %arg2[%dma_start3A_102, %dma_start3A_103] : memref<10000x128xf32, #tpu.memory_space<hbm>> -> memref<10000x128xf32, #tpu.memory_space<hbm>>
          tpu.enqueue_indirect_dma source(%dma_start3A_104 : memref<10000x128xf32, #tpu.memory_space<hbm>>) target(%arg13 : memref<128x128xf32, #tpu.memory_space<vmem>>) offsets(%arg10 : memref<128xi32, #tpu.memory_space<vmem>>) semaphore(%arg16 : memref<!tpu.dma_semaphore, #tpu.memory_space<semaphore_mem>>)
        } else {
        }
      } else {
      }
    }
    %barrier3A_40 = arith.constant 0 : index
    tpu.barrier barrier_id(%barrier3A_40)
    %mul3A_41 = arith.constant 640 : i32
    %mul3A_42 = arith.muli %arg1, %mul3A_41 : i32
    %min3A_43 = arith.constant 9360 : i32
    %min3A_44 = arith.minsi %mul3A_42, %min3A_43 : i32
    "tpu.region"() ({
      %run_scoped3A = tpu.sem_alloc : memref<!tpu.dma_semaphore, #tpu.memory_space<semaphore_mem>>
      %dma_start3A_45 = arith.constant 0 : i32
      %dma_start3A_46 = tpu.memref_slice %arg7[%arg0, %min3A_44, %dma_start3A_45] : memref<2x10000x128xf32, #tpu.memory_space<hbm>> -> memref<1x640x128xf32, #tpu.memory_space<hbm>>
      %dma_start3A_47 = tpu.memref_squeeze %dma_start3A_46 : memref<1x640x128xf32, #tpu.memory_space<hbm>> -> memref<640x128xf32, #tpu.memory_space<hbm>>
      %dma_start3A_48 = arith.constant 0 : i32
      %dma_start3A_49 = tpu.memref_slice %arg14[%min3A_44, %dma_start3A_48] : memref<10000x128xf32, #tpu.memory_space<vmem_shared>> -> memref<640x128xf32, #tpu.memory_space<vmem_shared>>
      tpu.enqueue_dma source(%dma_start3A_49 : memref<640x128xf32, #tpu.memory_space<vmem_shared>>) target(%dma_start3A_47 : memref<640x128xf32, #tpu.memory_space<hbm>>) target_semaphore(%run_scoped3A : memref<!tpu.dma_semaphore, #tpu.memory_space<semaphore_mem>>)
      %dma_wait3A_50 = arith.constant 0 : i32
      %dma_wait3A_51 = tpu.memref_slice %arg7[%arg0, %min3A_44, %dma_wait3A_50] : memref<2x10000x128xf32, #tpu.memory_space<hbm>> -> memref<1x640x128xf32, #tpu.memory_space<hbm>>
      %dma_wait3A_52 = tpu.memref_squeeze %dma_wait3A_51 : memref<1x640x128xf32, #tpu.memory_space<hbm>> -> memref<640x128xf32, #tpu.memory_space<hbm>>
      %dma_wait3A_53 = arith.constant 0 : i32
      %dma_wait3A_54 = tpu.memref_slice %arg14[%min3A_44, %dma_wait3A_53] : memref<10000x128xf32, #tpu.memory_space<vmem_shared>> -> memref<640x128xf32, #tpu.memory_space<vmem_shared>>
      tpu.wait_dma2 semaphore(%run_scoped3A : memref<!tpu.dma_semaphore, #tpu.memory_space<semaphore_mem>>) src(%dma_wait3A_54 : memref<640x128xf32, #tpu.memory_space<vmem_shared>>) dst(%dma_wait3A_52 : memref<640x128xf32, #tpu.memory_space<hbm>>)
      tpu.yield
    }) : () -> ()
    return
  }
}

module attributes {stable_mosaic.version = 14 : i64} {
  func.func @_tca_body(%arg0: i32, %arg1: memref<400x128xf32, #tpu.memory_space<vmem>>, %arg2: memref<128x128xf32, #tpu.memory_space<vmem>>, %arg3: memref<400x2xf32, #tpu.memory_space<vmem>>, %arg4: memref<400x128xf32, #tpu.memory_space<vmem>>) attributes {dimension_semantics = [#tpu.dimension_semantics<arbitrary>], iteration_bounds = array<i64: 25>, scalar_prefetch = 0 : i64, scratch_operands = 0 : i64, tpu.core_type = #tpu.core_type<tc>, window_params = [{transform_indices = @transform_0, window_bounds = array<i64: 400, 128>}, {pipeline_mode = #tpu.pipeline_mode<synchronous>, transform_indices = @transform_1, window_bounds = array<i64: 128, 128>}, {transform_indices = @transform_2, window_bounds = array<i64: 400, 2>}, {transform_indices = @transform_3, window_bounds = array<i64: 400, 128>}]} {
    %get3A = arith.constant 0 : index
    %get3A_0 = arith.constant 0 : index
    %get3A_1 = vector.load %arg1[%get3A, %get3A_0] : memref<400x128xf32, #tpu.memory_space<vmem>>, vector<400x128xf32>
    %get3A_2 = arith.constant 0 : index
    %get3A_3 = arith.constant 0 : index
    %get3A_4 = vector.load %arg2[%get3A_2, %get3A_3] : memref<128x128xf32, #tpu.memory_space<vmem>>, vector<128x128xf32>
    %dot_general3A = arith.constant dense<0.000000e+00> : vector<400x128xf32>
    %dot_general3A_5 = tpu.matmul %get3A_1, %get3A_4, %dot_general3A {dimension_numbers = #tpu.dot_dimension_numbers<[1], [0], [0], [1], [0, 0, 1, 1], [], []>, precision = #tpu.contract_precision<fp32>, transpose_lhs_hint = false} : vector<400x128xf32>, vector<128x128xf32>, vector<400x128xf32> -> vector<400x128xf32>
    %get3A_6 = arith.constant 0 : index
    %get3A_7 = arith.constant 0 : index
    %get3A_8 = vector.load %arg3[%get3A_6, %get3A_7] : memref<400x2xf32, #tpu.memory_space<vmem>>, vector<400x1xf32>
    %get3A_9 = arith.constant 0 : index
    %get3A_10 = arith.constant 1 : index
    %get3A_11 = vector.load %arg3[%get3A_9, %get3A_10] : memref<400x2xf32, #tpu.memory_space<vmem>>, vector<400x1xf32>
    %add3A = arith.addf %get3A_8, %get3A_11 : vector<400x1xf32>
    %add3A_12 = arith.constant 1.000000e+00 : f32
    %add3A_13 = vector.broadcast %add3A_12 : f32 to vector<400x1xf32>
    %add3A_14 = arith.addf %add3A, %add3A_13 : vector<400x1xf32>
    %gt3A = arith.constant 0.000000e+00 : f32
    %gt3A_15 = vector.broadcast %gt3A : f32 to vector<400x1xf32>
    %gt3A_16 = arith.cmpf ogt, %add3A_14, %gt3A_15 : vector<400x1xf32>
    %rsqrt3A = math.rsqrt %add3A_14 : vector<400x1xf32>
    %jit3A = arith.constant 0.000000e+00 : f32
    %broadcast_in_dim3A = vector.broadcast %jit3A : f32 to vector<400x1xf32>
    %select_n3A = arith.select %gt3A_16, %rsqrt3A, %broadcast_in_dim3A : vector<400x1xi1>, vector<400x1xf32>
    %mul3A = vector.broadcast %select_n3A : vector<400x1xf32> to vector<400x128xf32>
    %mul3A_17 = arith.mulf %dot_general3A_5, %mul3A : vector<400x128xf32>
    %swap3A = arith.constant 0 : index
    %swap3A_18 = arith.constant 0 : index
    %swap3A_19 = vector.load %arg4[%swap3A, %swap3A_18] : memref<400x128xf32, #tpu.memory_space<vmem>>, vector<400x128xf32>
    tpu.vector_store %arg4[%swap3A, %swap3A_18], %mul3A_17 {strides = array<i32>} : memref<400x128xf32, #tpu.memory_space<vmem>>, vector<400x128xf32>,
    return
  }
  func.func @transform_0(%arg0: i32) -> (i32, i32) {
    %c0_i32 = arith.constant 0 : i32
    %c0_i32_0 = arith.constant 0 : i32
    return %arg0, %c0_i32 : i32, i32
  }
  func.func @transform_1(%arg0: i32) -> (i32, i32) {
    %c0_i32 = arith.constant 0 : i32
    %c0_i32_0 = arith.constant 0 : i32
    %c0_i32_1 = arith.constant 0 : i32
    return %c0_i32, %c0_i32_0 : i32, i32
  }
  func.func @transform_2(%arg0: i32) -> (i32, i32) {
    %c0_i32 = arith.constant 0 : i32
    %c0_i32_0 = arith.constant 0 : i32
    return %arg0, %c0_i32 : i32, i32
  }
  func.func @transform_3(%arg0: i32) -> (i32, i32) {
    %c0_i32 = arith.constant 0 : i32
    %c0_i32_0 = arith.constant 0 : i32
    return %arg0, %c0_i32 : i32, i32
  }
}

module attributes {stable_mosaic.version = 14 : i64} {
  func.func @_tcb_body(%arg0: i32, %arg1: memref<2x400x128xf32, #tpu.memory_space<vmem>>, %arg2: memref<400x128xf32, #tpu.memory_space<vmem>>, %arg3: memref<400x2xf32, #tpu.memory_space<vmem>>, %arg4: memref<1x128xf32, #tpu.memory_space<vmem>>, %arg5: memref<128x1xf32, #tpu.memory_space<vmem>>, %arg6: memref<400x1xf32, #tpu.memory_space<vmem>>, %arg7: memref<400x128xf32, #tpu.memory_space<vmem>>) attributes {dimension_semantics = [#tpu.dimension_semantics<arbitrary>], iteration_bounds = array<i64: 25>, scalar_prefetch = 0 : i64, scratch_operands = 0 : i64, tpu.core_type = #tpu.core_type<tc>, window_params = [{transform_indices = @transform_0, window_bounds = array<i64: 2, 400, 128>}, {transform_indices = @transform_1, window_bounds = array<i64: 400, 128>}, {transform_indices = @transform_2, window_bounds = array<i64: 400, 2>}, {pipeline_mode = #tpu.pipeline_mode<synchronous>, transform_indices = @transform_3, window_bounds = array<i64: 1, 128>}, {pipeline_mode = #tpu.pipeline_mode<synchronous>, transform_indices = @transform_4, window_bounds = array<i64: 128, 1>}, {transform_indices = @transform_5, window_bounds = array<i64: 400, 1>}, {transform_indices = @transform_6, window_bounds = array<i64: 400, 128>}]} {
    %get3A = arith.constant 0 : index
    %get3A_0 = arith.constant 0 : index
    %get3A_1 = arith.constant 0 : index
    %get3A_2 = vector.load %arg1[%get3A, %get3A_0, %get3A_1] : memref<2x400x128xf32, #tpu.memory_space<vmem>>, vector<1x400x128xf32>
    %get3A_3 = vector.shape_cast %get3A_2 : vector<1x400x128xf32> to vector<400x128xf32>
    %get3A_4 = arith.constant 1 : index
    %get3A_5 = arith.constant 0 : index
    %get3A_6 = arith.constant 0 : index
    %get3A_7 = vector.load %arg1[%get3A_4, %get3A_5, %get3A_6] : memref<2x400x128xf32, #tpu.memory_space<vmem>>, vector<1x400x128xf32>
    %get3A_8 = vector.shape_cast %get3A_7 : vector<1x400x128xf32> to vector<400x128xf32>
    %add3A = arith.addf %get3A_3, %get3A_8 : vector<400x128xf32>
    %get3A_9 = arith.constant 0 : index
    %get3A_10 = arith.constant 0 : index
    %get3A_11 = vector.load %arg3[%get3A_9, %get3A_10] : memref<400x2xf32, #tpu.memory_space<vmem>>, vector<400x1xf32>
    %get3A_12 = arith.constant 0 : index
    %get3A_13 = arith.constant 1 : index
    %get3A_14 = vector.load %arg3[%get3A_12, %get3A_13] : memref<400x2xf32, #tpu.memory_space<vmem>>, vector<400x1xf32>
    %add3A_15 = arith.addf %get3A_11, %get3A_14 : vector<400x1xf32>
    %add3A_16 = arith.constant 1.000000e+00 : f32
    %add3A_17 = vector.broadcast %add3A_16 : f32 to vector<400x1xf32>
    %add3A_18 = arith.addf %add3A_15, %add3A_17 : vector<400x1xf32>
    %gt3A = arith.constant 0.000000e+00 : f32
    %gt3A_19 = vector.broadcast %gt3A : f32 to vector<400x1xf32>
    %gt3A_20 = arith.cmpf ogt, %add3A_18, %gt3A_19 : vector<400x1xf32>
    %rsqrt3A = math.rsqrt %add3A_18 : vector<400x1xf32>
    %jit3A = arith.constant 0.000000e+00 : f32
    %broadcast_in_dim3A = vector.broadcast %jit3A : f32 to vector<400x1xf32>
    %select_n3A = arith.select %gt3A_20, %rsqrt3A, %broadcast_in_dim3A : vector<400x1xi1>, vector<400x1xf32>
    %get3A_21 = arith.constant 0 : index
    %get3A_22 = arith.constant 0 : index
    %get3A_23 = vector.load %arg2[%get3A_21, %get3A_22] : memref<400x128xf32, #tpu.memory_space<vmem>>, vector<400x128xf32>
    %add3A_24 = arith.addf %add3A, %get3A_23 : vector<400x128xf32>
    %mul3A = vector.broadcast %select_n3A : vector<400x1xf32> to vector<400x128xf32>
    %mul3A_25 = arith.mulf %mul3A, %add3A_24 : vector<400x128xf32>
    %get3A_26 = arith.constant 0 : index
    %get3A_27 = arith.constant 0 : index
    %get3A_28 = vector.load %arg4[%get3A_26, %get3A_27] : memref<1x128xf32, #tpu.memory_space<vmem>>, vector<1x128xf32>
    %add3A_29 = vector.broadcast %get3A_28 : vector<1x128xf32> to vector<400x128xf32>
    %add3A_30 = arith.addf %mul3A_25, %add3A_29 : vector<400x128xf32>
    %get3A_31 = arith.constant 0 : index
    %get3A_32 = arith.constant 0 : index
    %get3A_33 = vector.load %arg5[%get3A_31, %get3A_32] : memref<128x1xf32, #tpu.memory_space<vmem>>, vector<128x1xf32>
    %mul3A_34 = arith.mulf %get3A_33, %get3A_33 : vector<128x1xf32>
    %reduce_sum3A = vector.shape_cast %mul3A_34 : vector<128x1xf32> to vector<1x128x1xf32>
    %reduce_sum3A_35 = arith.constant dense<0.000000e+00> : vector<1xf32>
    %reduce_sum3A_36 = vector.multi_reduction <add>, %reduce_sum3A, %reduce_sum3A_35 [1, 2] : vector<1x128x1xf32> to vector<1xf32>
    %reduce_sum3A_37 = vector.shape_cast %reduce_sum3A_36 : vector<1xf32> to vector<1x1x1xf32>
    %reduce_sum3A_38 = vector.extract %reduce_sum3A_37[0, 0, 0] : f32 from vector<1x1x1xf32>
    %sqrt3A = math.sqrt %reduce_sum3A_38 : f32
    %dot_general3A = arith.constant dense<0.000000e+00> : vector<400x1xf32>
    %dot_general3A_39 = tpu.matmul %add3A_30, %get3A_33, %dot_general3A {dimension_numbers = #tpu.dot_dimension_numbers<[1], [0], [0], [1], [0, 0, 1, 1], [], []>, precision = #tpu.contract_precision<fp32>, transpose_lhs_hint = false} : vector<400x128xf32>, vector<128x1xf32>, vector<400x1xf32> -> vector<400x1xf32>
    %div3A = vector.broadcast %sqrt3A : f32 to vector<400x1xf32>
    %div3A_40 = arith.divf %dot_general3A_39, %div3A : vector<400x1xf32>
    %tanh3A = math.tanh %div3A_40 : vector<400x1xf32>
    %swap3A = arith.constant 0 : index
    %swap3A_41 = arith.constant 0 : index
    %swap3A_42 = vector.load %arg6[%swap3A, %swap3A_41] : memref<400x1xf32, #tpu.memory_space<vmem>>, vector<400x1xf32>
    tpu.vector_store %arg6[%swap3A, %swap3A_41], %tanh3A {strides = array<i32>} : memref<400x1xf32, #tpu.memory_space<vmem>>, vector<400x1xf32>,
    %mul3A_43 = vector.broadcast %tanh3A : vector<400x1xf32> to vector<400x128xf32>
    %mul3A_44 = arith.mulf %add3A_30, %mul3A_43 : vector<400x128xf32>
    %max3A = arith.constant 0.000000e+00 : f32
    %max3A_45 = vector.broadcast %max3A : f32 to vector<400x128xf32>
    %max3A_46 = arith.maximumf %mul3A_44, %max3A_45 : vector<400x128xf32>
    %swap3A_47 = arith.constant 0 : index
    %swap3A_48 = arith.constant 0 : index
    %swap3A_49 = vector.load %arg7[%swap3A_47, %swap3A_48] : memref<400x128xf32, #tpu.memory_space<vmem>>, vector<400x128xf32>
    tpu.vector_store %arg7[%swap3A_47, %swap3A_48], %max3A_46 {strides = array<i32>} : memref<400x128xf32, #tpu.memory_space<vmem>>, vector<400x128xf32>,
    return
  }
  func.func @transform_0(%arg0: i32) -> (i32, i32, i32) {
    %c0_i32 = arith.constant 0 : i32
    %c0_i32_0 = arith.constant 0 : i32
    %c0_i32_1 = arith.constant 0 : i32
    return %c0_i32, %arg0, %c0_i32_0 : i32, i32, i32
  }
  func.func @transform_1(%arg0: i32) -> (i32, i32) {
    %c0_i32 = arith.constant 0 : i32
    %c0_i32_0 = arith.constant 0 : i32
    return %arg0, %c0_i32 : i32, i32
  }
  func.func @transform_2(%arg0: i32) -> (i32, i32) {
    %c0_i32 = arith.constant 0 : i32
    %c0_i32_0 = arith.constant 0 : i32
    return %arg0, %c0_i32 : i32, i32
  }
  func.func @transform_3(%arg0: i32) -> (i32, i32) {
    %c0_i32 = arith.constant 0 : i32
    %c0_i32_0 = arith.constant 0 : i32
    %c0_i32_1 = arith.constant 0 : i32
    return %c0_i32, %c0_i32_0 : i32, i32
  }
  func.func @transform_4(%arg0: i32) -> (i32, i32) {
    %c0_i32 = arith.constant 0 : i32
    %c0_i32_0 = arith.constant 0 : i32
    %c0_i32_1 = arith.constant 0 : i32
    return %c0_i32, %c0_i32_0 : i32, i32
  }
  func.func @transform_5(%arg0: i32) -> (i32, i32) {
    %c0_i32 = arith.constant 0 : i32
    %c0_i32_0 = arith.constant 0 : i32
    return %arg0, %c0_i32 : i32, i32
  }
  func.func @transform_6(%arg0: i32) -> (i32, i32) {
    %c0_i32 = arith.constant 0 : i32
    %c0_i32_0 = arith.constant 0 : i32
    return %arg0, %c0_i32 : i32, i32
  }
}

module attributes {stable_mosaic.version = 14 : i64} {
  func.func @_tcc_body(%arg0: memref<64x128xf32, #tpu.memory_space<vmem>>, %arg1: memref<128x128xf32, #tpu.memory_space<vmem>>, %arg2: memref<1x128xf32, #tpu.memory_space<vmem>>, %arg3: memref<64x128xf32, #tpu.memory_space<vmem>>) attributes {dimension_semantics = [], scalar_prefetch = 0 : i64, scratch_operands = 0 : i64, tpu.core_type = #tpu.core_type<tc>} {
    %get3A = arith.constant 0 : index
    %get3A_0 = arith.constant 0 : index
    %get3A_1 = vector.load %arg0[%get3A, %get3A_0] : memref<64x128xf32, #tpu.memory_space<vmem>>, vector<64x128xf32>
    %get3A_2 = arith.constant 0 : index
    %get3A_3 = arith.constant 0 : index
    %get3A_4 = vector.load %arg1[%get3A_2, %get3A_3] : memref<128x128xf32, #tpu.memory_space<vmem>>, vector<128x128xf32>
    %dot_general3A = arith.constant dense<0.000000e+00> : vector<64x128xf32>
    %dot_general3A_5 = tpu.matmul %get3A_1, %get3A_4, %dot_general3A {dimension_numbers = #tpu.dot_dimension_numbers<[1], [0], [0], [1], [0, 0, 1, 1], [], []>, precision = #tpu.contract_precision<fp32>, transpose_lhs_hint = false} : vector<64x128xf32>, vector<128x128xf32>, vector<64x128xf32> -> vector<64x128xf32>
    %get3A_6 = arith.constant 0 : index
    %get3A_7 = arith.constant 0 : index
    %get3A_8 = vector.load %arg2[%get3A_6, %get3A_7] : memref<1x128xf32, #tpu.memory_space<vmem>>, vector<1x128xf32>
    %add3A = vector.broadcast %get3A_8 : vector<1x128xf32> to vector<64x128xf32>
    %add3A_9 = arith.addf %dot_general3A_5, %add3A : vector<64x128xf32>
    %swap3A = arith.constant 0 : index
    %swap3A_10 = arith.constant 0 : index
    %swap3A_11 = vector.load %arg3[%swap3A, %swap3A_10] : memref<64x128xf32, #tpu.memory_space<vmem>>, vector<64x128xf32>
    tpu.vector_store %arg3[%swap3A, %swap3A_10], %add3A_9 {strides = array<i32>} : memref<64x128xf32, #tpu.memory_space<vmem>>, vector<64x128xf32>,
    return
  }
}

</mosaic_0001>

<sc_bundles>
// kernel: kernel.11.cloned.1.call-start
scs
__scs_entry_jumppad:
0x0: {  	(pc) =	sbr.rel $0x88, $3  }
0x1: {  	(tag) =	ssettag $0x0;
	lr =	simm.s32 $0x1  }
0x2: {  	[smem:$0x3F99] =	sst lr;
	_ =	strace $0xD0000000  }
0x3: {  	_ = 	snop  }
0x4: {  	_ = 	snop  }
0x5: {  	_ = 	snop  }
0x6: {  	_ = 	snop  }
0x7: {  	_ = 	snop  }
__scs_overlays_trampoline_lowered:
0x8: {  	[smem:$0x3FA8] =	sst s0  }
0x9: {  	[smem:$0x3FA9] =	sst s1  }
0xa: {  	[smem:$0x3FAA] =	sst s2  }
0xb: {  	[smem:$0x3FAB] =	sst s3  }
0xc: {  	[smem:$0x3FAC] =	sst s4  }
0xd: {  	[smem:$0x3FAD] =	sst s5  }
0xe: {  	[smem:$0x3FAE] =	sst s6  }
0xf: {  	[smem:$0x3FAF] =	sst s7  }
0x10: {  	[smem:$0x3FB0] =	sst s8  }
0x11: {  	[smem:$0x3FB1] =	sst s9;
	s0 =	simm.s32 @!p0 $0x0  }
0x12: {  	s1 =	sld [smem:$0x3F97];
	s0 =	simm.s32 @p0 $0x1  }
0x13: {  	[smem:$0x3FB2] =	sst s0;
	s0 =	simm.s32 @!p1 $0x0  }
0x14: {  	s2 =	sld [smem:$0x3F96];
	s0 =	simm.s32 @p1 $0x1  }
0x15: {  	[smem:$0x3FB3] =	sst s0;
	s0 =	simm.s32 @!p2 $0x0  }
0x16: {  	s3 =	sld [smem:$0x3FDB];
	s0 =	simm.s32 @p2 $0x1  }
0x17: {  	s4 =	simm.s32 $0x1BF5;
	[smem:$0x3FB5] =	sst s0  }
0x18: {  	s0 =	sld [smem:$0x3F98];
	_ =	swait.ge [sflag:s4], $0x0  }
0x19: {  	s7 =	sld [smem:$0x3F99]  }
0x1a: {  	s8 =	sadd.s32 $0xFFFFE003, lr  }
0x1b: {  	s9 =	sadd.s32 $0xFFFFFEF7, lr;
	s5 =	simm.s32 $0xFFFFFFFF;
	p2 =	slt.u32 s8, $0xFFFFF086  }
0x1c: {  	p1 =	slt.u32 s9, $0xF7A;
	s5 =	simm.s32 @!p2 $0x0  }
0x1d: {  	s5 =	simm.s32 @p1 $0x1;
	p0 =	seq.s32 s7, s2  }
0x1e: {  	s7 =	smul.u32 @!p0 $0xF7A, s2;
	p2 =	seq.s32 @!p0 s5, $0x0  }
0x1f: {  	s9 =	smul.u32 $0xF7A, s1;
	s8 =	simm.s32 @!p0 $0x1BF5;
	p2 =	por !p2, p0  }
0x20: {  	[sflag:s8] =	ssyncset.s32 @!p0 $0xFFFFF086;
	s6 =	sadd.s32 @!p0 s3, s7;
	s7 =	simm.s32 @!p0 $0x108  }
0x21: {  	s3 =	sadd.s32 s3, s9;
	s6 =	sadd.s32 @!p0 $0x88, s6;
	s7 =	simm.s32 @p2 $0x1082  }
0x22: {  	[simem:s7], [sflag:s8] =	dma.local @!p0 [hbm:s6], $0xF7A  }
0x23: {  	s9 =	sor.u32 $0xD0000000, s2;
	s6 =	simm.s32 $0x108;
	_ =	swait.ge @!p0 [sflag:s8], $0x0  }
0x24: {  	s3 =	sadd.s32 $0x88, s3;
	s6 =	simm.s32 @!p1 $0x1082;
	[sflag:s4] =	ssyncset.s32 $0xFFFFF086  }
0x25: {  	[simem:s6], [sflag:s4] =	dma.local [hbm:s3], $0xF7A  }
0x26: {  	[smem:$0x3F99] =	sst s1;
	(tag) =	ssettag s2;
	_ =	strace s9  }
0x27: {  	s1 =	sld [smem:$0x3FA9]  }
0x28: {  	s2 =	sld [smem:$0x3FAA]  }
0x29: {  	s4 =	sld [smem:$0x3FAC]  }
0x2a: {  	p0 =	seq.s32 s5, $0x0;
	s5 =	sld [smem:$0x3FAD]  }
0x2b: {  	s6 =	sld [smem:$0x3FAE]  }
0x2c: {  	s7 =	sld [smem:$0x3FAF]  }
0x2d: {  	s3 =	simm.s32 $0x108;
	s8 =	sld [smem:$0x3FB0]  }
0x2e: {  	s3 =	simm.s32 @!p0 $0x1082;
	s9 =	sld [smem:$0x3FB1]  }
0x2f: {  	lr =	sadd.s32 s0, s3;
	s0 =	sld [smem:$0x3FA8]  }
0x30: {  	s3 =	sld [smem:$0x3FAB]  }
0x31: {  	[smem:$0x3FB4] =	sst s10  }
0x32: {  	s10 =	sld [smem:$0x3FB2];
	_ =	sdelay $0x3  }
0x33: {  	p0 =	seq.s32 s10, $0x1;
	s10 =	sld [smem:$0x3FB4];
	_ =	sdelay $0x3  }
0x34: {  	[smem:$0x3FB4] =	sst s10  }
0x35: {  	s10 =	sld [smem:$0x3FB3];
	_ =	sdelay $0x3  }
0x36: {  	p1 =	seq.s32 s10, $0x1;
	s10 =	sld [smem:$0x3FB4];
	_ =	sdelay $0x3  }
0x37: {  	[smem:$0x3FB4] =	sst s10  }
0x38: {  	s10 =	sld [smem:$0x3FB5]  }
0x39: {  	_ = 	snop;
	(pc) =	sbr.ind lr, $3  }
0x3a: {  	_ = 	snop  }
0x3b: {  	_ = 	snop  }
0x3c: {  	p2 =	seq.s32 s10, $0x1;
	s10 =	sld [smem:$0x3FB4]  }
0x3d: {  	_ =	shalt  }
0x3e: {  	_ =	shalt  }
0x3f: {  	_ =	shalt  }
0x40: {  	_ =	shalt  }
0x41: {  	_ =	shalt  }
0x42: {  	_ =	shalt  }
0x43: {  	_ =	shalt  }
0x44: {  	_ =	shalt  }
0x45: {  	_ =	shalt  }
0x46: {  	_ =	shalt  }
0x47: {  	_ =	shalt  }
0x48: {  	_ =	shalt  }
0x49: {  	_ =	shalt  }
0x4a: {  	_ =	shalt  }
0x4b: {  	_ =	shalt  }
0x4c: {  	_ =	shalt  }
0x4d: {  	_ =	shalt  }
0x4e: {  	_ =	shalt  }
0x4f: {  	_ =	shalt  }
0x50: {  	_ =	shalt  }
0x51: {  	_ =	shalt  }
0x52: {  	_ =	shalt  }
0x53: {  	_ =	shalt  }
0x54: {  	_ =	shalt  }
0x55: {  	_ =	shalt  }
0x56: {  	_ =	shalt  }
0x57: {  	_ =	shalt  }
0x58: {  	_ =	shalt  }
0x59: {  	_ =	shalt  }
0x5a: {  	_ =	shalt  }
0x5b: {  	_ =	shalt  }
0x5c: {  	_ =	shalt  }
0x5d: {  	_ =	shalt  }
0x5e: {  	_ =	shalt  }
0x5f: {  	_ =	shalt  }
0x60: {  	_ =	shalt  }
0x61: {  	_ =	shalt  }
0x62: {  	_ =	shalt  }
0x63: {  	_ =	shalt  }
0x64: {  	_ =	shalt  }
0x65: {  	_ =	shalt  }
0x66: {  	_ =	shalt  }
0x67: {  	_ =	shalt  }
0x68: {  	_ =	shalt  }
0x69: {  	_ =	shalt  }
0x6a: {  	_ =	shalt  }
0x6b: {  	_ =	shalt  }
0x6c: {  	_ =	shalt  }
0x6d: {  	_ =	shalt  }
0x6e: {  	_ =	shalt  }
0x6f: {  	_ =	shalt  }
0x70: {  	_ =	shalt  }
0x71: {  	_ =	shalt  }
0x72: {  	_ =	shalt  }
0x73: {  	_ =	shalt  }
0x74: {  	_ =	shalt  }
0x75: {  	_ =	shalt  }
0x76: {  	_ =	shalt  }
0x77: {  	_ =	shalt  }
0x78: {  	_ =	shalt  }
0x79: {  	_ =	shalt  }
0x7a: {  	_ =	shalt  }
0x7b: {  	_ =	shalt  }
0x7c: {  	_ =	shalt  }
0x7d: {  	_ =	shalt  }
0x7e: {  	_ =	shalt  }
0x7f: {  	_ =	shalt  }
0x80: {  	_ =	shalt  }
0x81: {  	_ =	shalt  }
0x82: {  	_ =	shalt  }
0x83: {  	_ =	shalt  }
0x84: {  	_ =	shalt  }
0x85: {  	_ =	shalt  }
0x86: {  	_ =	shalt  }
0x87: {  	_ =	shalt  }
.Lfunc_end0:
.L_simem_size_0:
called_computation.1_lowered:
.L_overlay_start_0:
0x88: {  	s2 =	sld [smem:$0x3FD9]  }
0x89: {  	s3 =	sld [smem:$0x3FFE];
	_ =	sdelay $0x1  }
0x8a: {  	s1 =	srdreg.scid  }
0x8b: {  	s0 =	sand.u32 $0x1, s1  }
0x8c: {  	s16 =	sshll.u32 s0, $0xA;
	s2 =	sadd.s32 s3, s2  }
0x8d: {  	s2 =	sadd.s32 s2, s16  }
0x8e: {  	[smem:$0x3FC0] =	sst s2  }
0x8f: {  	_ = 	snop  }
0x90: {  	(tm) =	ssettm $0x1  }
0x91: {  	s17 =	sld [smem:$0x3FFB];
	_ =	sdelay $0x3  }
0x92: {  	_ =	strace s17  }
0x93: {  	s2 =	sld [smem:$0x3FFC];
	_ =	sdelay $0x3  }
0x94: {  	_ =	strace s2  }
0x95: {  	s2 =	sld [smem:$0x3FFD];
	_ =	sdelay $0x3  }
0x96: {  	_ =	strace s2  }
0x97: {  	_ =	strace $0x8FFFFFFF  }
0x98: {  	s18 =	sld [smem:$0x3FDB];
	_ =	sdelay $0x1  }
0x99: {  	s19 =	simm.s32 $_scs_section_size  }
0x9a: {  	s4 =	simm.s32 $_size__tile_overlayer_lowered;
	s5 =	simm.s32 $_tile_overlayer_lowered  }
0x9b: {  	s22 =	simm.s32 $0x1BFF;
	s21 =	sshll.u32 s5, $0x1;
	s2 =	sadd.s32 s19, s18  }
0x9c: {  	s6 =	simm.s32 $0x0;
	s20 =	sshll.u32 s4, $0x1;
	s4 =	sadd.s32 s21, s2  }
0x9d: {  	[timem:s6], [sflag:s22] =	dma.local [hbm:s4], s20  }
0x9e: {  	_ =	swait.ge [sflag:s22], s20  }
0x9f: {  	s3 =	ssub.s32 $0x0, s20;
	[sflag:s22] =	ssyncset.done $0x0  }
0xa0: {  	[sflag:s22] =	ssyncadd.s32 s3;
	_ =	sdelay $0x1  }
0xa1: {  	s23 =	simm.s32 $0x1B8B  }
0xa2: {  	_ =	swait.ge [sflag:s23], $0x1  }
0xa3: {  	[sflag:s23] =	ssyncset.done $0x0  }
0xa4: {  	s25 =	simm.s32 $0x1B8E;
	s24 =	sld [smem:$0x3FFE];
	[sflag:s23] =	ssyncadd.s32 $0xFFFFFFFF  }
0xa5: {  	s26 =	simm.s32 $execute0_lowered;
	[smem:$0x3FD2] =	sst s25  }
0xa6: {  	s4 =	sshll.u32 s26, $0x1;
	_ =	strace $0x80000049;
	[dreg:$0x1] =	wrdreg $0xFFFFFFFF  }
0xa7: {  	s28 =	simm.s32 $_size_execute0_lowered;
	s2 =	sadd.s32 s2, s4;
	[dreg:$0x0] =	wrdreg $0x0  }
0xa8: {  	s4 =	sshll.u32 s28, $0x1;
	[dreg:$0x2] =	wrdreg s2  }
0xa9: {  	[dreg:$0x3] =	wrdreg s4  }
0xaa: {  	[dreg:$0x4] =	wrdreg $0xC0  }
0xab: {  	_ =	task [dreg:s6], $0x5FFFF  }
0xac: {  	[dreg:$0x1] =	wrdreg $0xFFFFFFFF  }
0xad: {  	[dreg:$0x0] =	wrdreg $0x60  }
0xae: {  	[dreg:$0x2] =	wrdreg s24  }
0xaf: {  	[dreg:$0x3] =	wrdreg $0x82000  }
0xb0: {  	[dreg:$0x4] =	wrdreg $0x9  }
0xb1: {  	_ =	task.clear_ibuf [dreg:s6], $0x5FFFF;
	_ =	strace $0x90000049  }
0xb2: {  	s29 =	simm.s32 $0x9;
	_ =	strace $0x8000004B  }
0xb3: {  	_ =	swait.ge [sflag:s29], $0x1  }
0xb4: {  	[sflag:s29] =	ssyncadd.s32 $0xFFFFFFFF  }
0xb5: {  	_ =	strace $0x9000004B  }
0xb6: {  	_ =	sfence  }
0xb7: {  	s30 =	sld [smem:$0x0];
	_ =	sdelay $0x2  }
0xb8: {  	s31 =	sshll.u32 s1, $0xD;
	s1 =	sshrl.u32 s1, $0x2  }
0xb9: {  	s3 =	sand.u32 $0x4000, s31;
	s1 =	sadd.s32 s1, s30  }
0xba: {  	s0 =	sor.u32 s3, s0;
	s1 =	sshll.u32 s1, $0x11  }
0xbb: {  	s0 =	sor.u32 s1, s0  }
0xbc: {  	s0 =	sadd.s32 $0x8F2B, s0  }
0xbd: {  	[sflag:s0] =	ssyncadd.remote.s32 $0x1  }
0xbe: {  	_ =	sfence.sel $0xFFFF  }
0xbf: {  	[dreg:$0x0] =	wrdreg $0xFFFFFFFF;
	(pc) =	sbr.abs _section_cstart, $3  }
0xc0: {  	[dreg:$0x1] =	wrdreg $0xFFFFFFFF  }
0xc1: {  	_ =	task.clear_ibuf [dreg:s6], $0x2FFFF;
	_ =	strace $0x9FFFFFFF  }
0xc2: {  	(tm) =	ssettm $0x7FFFFFFF  }
0xc3: {  	_ =	shalt  }
tec
execute0_lowered:
.L_overlay_start_1:
0x0: {  	(tag) =	ssettag $0x1  }
0x1: {  	s0 =	rddreg [dreg:$0x0]  }
0x2: {  	s2 =	rddreg [dreg:$0x1];
	s3 =	simm.s32 $0x0  }
0x3: {  	s13 =	stileid.u32;
	s1 =	srdreg.scid;
	s21 =	simm.s32 $0x4F  }
0x4: {  	s28 =	simm.s32 $0x200;
	s29 =	simm.s32 $0x1;
	s30 =	simm.s32 $0x100  }
0x5: {  	[smem:$0x7FF] =	sst s3;
	s5 =	smul.u32 $0x280, s13;
	s4 =	sadd.s32 $0x15E00, s0  }
0x6: {  	s6 =	sadd.s32 $0x1A00, s0;
	s1 =	sand.u32 $0x1, s1;
	s7 =	sadd.s32 $0xB800, s0  }
0x7: {  	s15 =	sadd.s32 $0x15600, s0;
	s10 =	sshll.u32 s13, $0x1;
	s24 =	smul.u32 $0x50, s13  }
0x8: {  	s11 =	sadd.s32 $0x3D000, s0;
	p0 =	slt.u32 s13, $0x2;
	s17 =	smul.u32 $0x9C, s13  }
0x9: {  	_ =	strace $0x8000004A;
	s8 =	smul.u32 $0x138800, s1;
	[dreg:$0x3] =	wrdreg s11  }
0xa: {  	s10 =	sor.u32 s1, s10;
	s18 =	ssub.s32 $0x2, s1;
	s21 =	simm.s32 @!p0 $0x4E  }
0xb: {  	s11 =	simm.s32 $0x50;
	s1 =	smul.u32 $0x4E, s1;
	s9 =	smin.u32 s5, $0x2490  }
0xc: {  	s12 =	smul.u32 $0x4E, s10;
	s19 =	sshrl.u32 s18, $0x1;
	s16 =	smin.u32 s10, $0x4  }
0xd: {  	s5 =	sshrl.u32 s5, $0x3;
	s11 =	simm.s32 @!p0 $0x4E;
	s9 =	sshll.u32 s9, $0x7  }
0xe: {  	s5 =	sadd.s32 s15, s5;
	s15 =	sadd.s32 s15, s24;
	s26 =	sadd.s32 s17, s16  }
0xf: {  	s24 =	simm.s32 $0x5;
	s8 =	sadd.s32 s8, s9;
	s10 =	sadd.s32 s16, s12  }
0x10: {  	[dreg:$0x4] =	wrdreg s5;
	s12 =	sadd.s32 $0xFFFFFFFF, s21;
	s25 =	sadd.s32 s9, s2  }
0x11: {  	s16 =	sadd.s32 $0x10, s15;
	s17 =	sadd.s32 $0x20, s15;
	s1 =	sadd.s32 s1, s26  }
0x12: {  	s26 =	simm.s32 $0x80;
	s8 =	sshrl.u32 s8, $0x3;
	s10 =	sshll.u32 s10, $0x4  }
0x13: {  	s1 =	sshll.u32 s1, $0x4;
	s25 =	sshrl.u32 s25, $0x3;
	s0 =	sadd.s32 s8, s0  }
0x14: {  	s8 =	ssub.s32 s18, s19;
	s20 =	sadd.s32 $0x10, s10;
	s22 =	sadd.s32 s6, s10  }
0x15: {  	s10 =	sadd.s32 s7, s10;
	s18 =	sadd.s32 $0x30, s15;
	s19 =	sadd.s32 $0x40, s15  }
0x16: {  	s31 =	sadd.s32 s1, s7;
	s1 =	sadd.s32 s1, s6;
	[dreg:$0x5] =	wrdreg s22  }
0x17: {  	[dreg:$0x6] =	wrdreg s10;
	s23 =	sadd.s32 s6, s20;
	s5 =	sadd.s32 s7, s20  }
0x18: {  	s13 =	sadd.s32 $0x64200, s0;
	s14 =	smax.u32 s8, $0x1;
	[dreg:$0x7] =	wrdreg s23  }
0x19: {  	s20 =	sadd.s32 $0xFFFFFFFE, s21;
	s21 =	sadd.s32 $0xFFFFFFFD, s21;
	[dreg:$0x8] =	wrdreg s5  }
0x1a: {  	s5 =	sadd.s32 $0x30, s31;
	s23 =	sadd.s32 $0x30, s1;
	s1 =	simm.s32 $0x0  }
.LBB2_1:
0x1b: {  	s0 =	rddreg [dreg:$0x4]  }
0x1c: {  	[tilespmem:s3], [sflag:$0x5] =	stream.linear.gather [hbm4b:s0+s3], $0x80, $0x38;
	[tilespmem:$0x1BA80] =	vst v63  }
0x1d: {  	_ =	swait.ge [sflag:s24], $0x80  }
0x1e: {  	[sflag:s24] =	ssyncset.done $0x0  }
0x1f: {  	s6 =	rddreg [dreg:$0x3];
	[sflag:s24] =	ssyncadd.s32 $0xFFFFFF80  }
0x20: {  	[tilespmem:s28], [sflag:$0x1] =	stream.indirect.gather [hbm4b:s6+s26], $0x80, s3, s26, $0xb8;
	[tilespmem:$0x1BA80] =	vst v63  }
0x21: {  	_ =	swait.ge [sflag:s29], $0x4000  }
0x22: {  	[sflag:s29] =	ssyncset.done $0x0  }
0x23: {  	[sflag:s29] =	ssyncadd.s32 $0xFFFFC000  }
0x24: {  	[tilespmem:s3], [sflag:$0x5] =	stream.linear.gather [hbm4b:s15+s3], $0x80, $0x38;
	[tilespmem:$0x1BA80] =	vst v63  }
0x25: {  	_ =	swait.ge [sflag:s24], $0x80  }
0x26: {  	[sflag:s24] =	ssyncset.done $0x0  }
0x27: {  	[sflag:s24] =	ssyncadd.s32 $0xFFFFFF80  }
0x28: {  	[spmem:s2] =	stream.indirect.scatter [tilespmem:s28], [sflag:$0x5], $0x80, s3, s26, $0xb8;
	[tilespmem:$0x1BA80] =	vst v63  }
0x29: {  	_ =	swait.ge [sflag:s24], $0x4000  }
0x2a: {  	[sflag:s24] =	ssyncset.done $0x0  }
0x2b: {  	[sflag:s24] =	ssyncadd.s32 $0xFFFFC000  }
0x2c: {  	[tilespmem:s3], [sflag:$0x5] =	stream.linear.gather [hbm4b:s16+s3], $0x80, $0x38;
	[tilespmem:$0x1BA80] =	vst v63  }
0x2d: {  	_ =	swait.ge [sflag:s24], $0x80  }
0x2e: {  	[sflag:s24] =	ssyncset.done $0x0  }
0x2f: {  	[sflag:s24] =	ssyncadd.s32 $0xFFFFFF80  }
0x30: {  	[spmem:s2] =	stream.indirect.scatter [tilespmem:s28], [sflag:$0x5], $0x80, s3, s26, $0xb8;
	[tilespmem:$0x1BA80] =	vst v63  }
0x31: {  	_ =	swait.ge [sflag:s24], $0x4000  }
0x32: {  	[sflag:s24] =	ssyncset.done $0x0  }
0x33: {  	[sflag:s24] =	ssyncadd.s32 $0xFFFFC000  }
0x34: {  	[tilespmem:s3], [sflag:$0x5] =	stream.linear.gather [hbm4b:s17+s3], $0x80, $0x38;
	[tilespmem:$0x1BA80] =	vst v63  }
0x35: {  	_ =	swait.ge [sflag:s24], $0x80  }
0x36: {  	[sflag:s24] =	ssyncset.done $0x0  }
0x37: {  	[sflag:s24] =	ssyncadd.s32 $0xFFFFFF80  }
0x38: {  	[spmem:s2] =	stream.indirect.scatter [tilespmem:s28], [sflag:$0x5], $0x80, s3, s26, $0xb8;
	[tilespmem:$0x1BA80] =	vst v63  }
0x39: {  	_ =	swait.ge [sflag:s24], $0x4000  }
0x3a: {  	[sflag:s24] =	ssyncset.done $0x0  }
0x3b: {  	[sflag:s24] =	ssyncadd.s32 $0xFFFFC000  }
0x3c: {  	[tilespmem:s3], [sflag:$0x5] =	stream.linear.gather [hbm4b:s18+s3], $0x80, $0x38;
	[tilespmem:$0x1BA80] =	vst v63  }
0x3d: {  	_ =	swait.ge [sflag:s24], $0x80  }
0x3e: {  	[sflag:s24] =	ssyncset.done $0x0  }
0x3f: {  	[sflag:s24] =	ssyncadd.s32 $0xFFFFFF80  }
0x40: {  	[spmem:s2] =	stream.indirect.scatter [tilespmem:s28], [sflag:$0x5], $0x80, s3, s26, $0xb8;
	[tilespmem:$0x1BA80] =	vst v63  }
0x41: {  	_ =	swait.ge [sflag:s24], $0x4000  }
0x42: {  	[sflag:s24] =	ssyncset.done $0x0  }
0x43: {  	[sflag:s24] =	ssyncadd.s32 $0xFFFFC000  }
0x44: {  	[tilespmem:s3], [sflag:$0x5] =	stream.linear.gather [hbm4b:s19+s3], $0x80, $0x38;
	[tilespmem:$0x1BA80] =	vst v63  }
0x45: {  	_ =	swait.ge [sflag:s24], $0x80  }
0x46: {  	[sflag:s24] =	ssyncset.done $0x0  }
0x47: {  	[sflag:s24] =	ssyncadd.s32 $0xFFFFFF80  }
0x48: {  	[spmem:s2] =	stream.indirect.scatter [tilespmem:s28], [sflag:$0x5], $0x80, s3, s26, $0xb8;
	[tilespmem:$0x1BA80] =	vst v63  }
0x49: {  	_ =	swait.ge [sflag:s24], $0x4000  }
0x4a: {  	[sflag:s24] =	ssyncset.done $0x0  }
0x4b: {  	[sflag:s24] =	ssyncadd.s32 $0xFFFFC000  }
0x4c: {  	[bflag:$0x0] =	sbarrier.arrive $0xFFFF  }
0x4d: {  	s7 =	rddreg [dreg:$0x5]  }
0x4e: {  	[tilespmem:s3], [sflag:$0x5] =	stream.linear.gather [hbm4b:s7+s3], $0x80, $0x38;
	[tilespmem:$0x1BA80] =	vst v63  }
0x4f: {  	_ =	swait.ge [sflag:s24], $0x80  }
0x50: {  	[sflag:s24] =	ssyncset.done $0x0  }
0x51: {  	s8 =	rddreg [dreg:$0x6];
	[sflag:s24] =	ssyncadd.s32 $0xFFFFFF80  }
0x52: {  	[tilespmem:s26], [sflag:$0x5] =	stream.linear.gather [hbm4b:s8+s3], $0x80, $0x38;
	[tilespmem:$0x1BA80] =	vst v63  }
0x53: {  	_ =	swait.ge [sflag:s24], $0x80  }
0x54: {  	[sflag:s24] =	ssyncset.done $0x0  }
0x55: {  	[sflag:s24] =	ssyncadd.s32 $0xFFFFFF80  }
0x56: {  	[tilespmem:s28], [sflag:$0x1] =	stream.indirect.gather [hbm4b:s4+s26], $0x80, s3, s26, $0xb8;
	[tilespmem:$0x1BA80] =	vst v63  }
0x57: {  	s9 =	rddreg [dreg:$0x7]  }
0x58: {  	[tilespmem:s30], [sflag:$0x5] =	stream.linear.gather [hbm4b:s9+s3], $0x80, $0x38;
	[tilespmem:$0x1BA80] =	vst v63  }
0x59: {  	_ =	swait.ge [sflag:s24], $0x80  }
0x5a: {  	[sflag:s24] =	ssyncset.done $0x0  }
0x5b: {  	s6 =	simm.s32 $0x180;
	s10 =	rddreg [dreg:$0x8];
	[sflag:s24] =	ssyncadd.s32 $0xFFFFFF80  }
0x5c: {  	[tilespmem:s6], [sflag:$0x5] =	stream.linear.gather [hbm4b:s10+s3], $0x80, $0x38;
	[tilespmem:$0x1BA80] =	vst v63  }
0x5d: {  	_ =	swait.ge [sflag:s24], $0x80  }
0x5e: {  	[sflag:s24] =	ssyncset.done $0x0  }
0x5f: {  	s22 =	simm.s32 $0x4200;
	[sflag:s24] =	ssyncadd.s32 $0xFFFFFF80  }
0x60: {  	[tilespmem:s22], [sflag:$0x2] =	stream.indirect.gather [hbm4b:s4+s26], $0x80, s30, s26, $0xb8;
	[tilespmem:$0x1BA80] =	vst v63  }
0x61: {  	_ =	swait.ge [sflag:s29], $0x4000  }
0x62: {  	[sflag:s29] =	ssyncset.done $0x0  }
0x63: {  	[sflag:s29] =	ssyncadd.s32 $0xFFFFC000  }
0x64: {  	[spmem:s2] =	stream.indirect.scatter.add.f32 [tilespmem:s28], [sflag:$0x5], $0x80, s26, s26, $0xb8;
	[tilespmem:$0x1BA80] =	vst v63  }
0x65: {  	_ =	swait.ge [sflag:s24], $0x4000  }
0x66: {  	p0 =	sle.u32 s20, $0x0;
	[sflag:s24] =	ssyncset.done $0x0  }
0x67: {  	s0 =	sadd.s32 @!p0 $0xFFFFFFF0, s23;
	s6 =	simm.s32 @!p0 $0x0;
	[sflag:s24] =	ssyncadd.s32 $0xFFFFC000  }
0x68: {  	[tilespmem:s6], [sflag:$0x3] =	stream.linear.gather @!p0 [hbm4b:s0+s6], $0x80, $0x38;
	[tilespmem:$0x1BA80] =	vst v63  }
0x69: {  	s7 =	simm.s32 @!p0 $0x80;
	s8 =	simm.s32 @!p0 $0x3;
	s0 =	sadd.s32 @!p0 $0xFFFFFFF0, s5  }
0x6a: {  	[tilespmem:s7], [sflag:$0x3] =	stream.linear.gather @!p0 [hbm4b:s0+s6], $0x80, $0x38;
	[tilespmem:$0x1BA80] =	vst v63  }
0x6b: {  	_ =	swait.ge @!p0 [sflag:s8], $0x80  }
0x6c: {  	[sflag:s8] =	ssyncset.done @!p0 $0x0  }
0x6d: {  	[sflag:s8] =	ssyncadd.s32 @!p0 $0xFFFFFF80  }
0x6e: {  	_ =	swait.ge @!p0 [sflag:s8], $0x80  }
0x6f: {  	p2 =	sle.u32 s12, $0x0;
	[sflag:s8] =	ssyncset.done @!p0 $0x0  }
0x70: {  	s0 =	simm.s32 @!p0 $0x200;
	[sflag:s8] =	ssyncadd.s32 @!p0 $0xFFFFFF80;
	s8 =	simm.s32 @!p2 $0x2  }
0x71: {  	[tilespmem:s0], [sflag:$0x1] =	stream.indirect.gather @!p0 [hbm4b:s4+s7], $0x80, s6, s7, $0xb8;
	[tilespmem:$0x1BA80] =	vst v63  }
0x72: {  	_ =	swait.ge @!p2 [sflag:s8], $0x4000  }
0x73: {  	s0 =	simm.s32 @!p2 $0x4200;
	s6 =	simm.s32 @!p2 $0x80;
	[sflag:s8] =	ssyncset.done @!p2 $0x0  }
0x74: {  	s7 =	simm.s32 @!p2 $0x180;
	[sflag:s8] =	ssyncadd.s32 @!p2 $0xFFFFC000;
	s8 =	simm.s32 @!p2 $0x5  }
0x75: {  	[spmem:s2] =	stream.indirect.scatter.add.f32 @!p2 [tilespmem:s0], [sflag:$0x5], $0x80, s7, s6, $0xb8;
	[tilespmem:$0x1BA80] =	vst v63  }
0x76: {  	p0 =	sle.u32 @!p2 s21, $0x0;
	_ =	swait.ge @!p2 [sflag:s8], $0x4000  }
0x77: {  	p1 =	por p0, p2;
	[sflag:s8] =	ssyncset.done @!p2 $0x0  }
0x78: {  	s0 =	simm.s32 @!p1 $0x0;
	s6 =	simm.s32 @!p1 $0x100;
	[sflag:s8] =	ssyncadd.s32 @!p2 $0xFFFFC000  }
0x79: {  	[tilespmem:s6], [sflag:$0x4] =	stream.linear.gather @!p1 [hbm4b:s23+s0], $0x80, $0x38;
	[tilespmem:$0x1BA80] =	vst v63  }
0x7a: {  	p0 =	sne.s32 s11, $0x2;
	s7 =	simm.s32 @!p1 $0x4;
	s8 =	simm.s32 @!p1 $0x180  }
0x7b: {  	[tilespmem:s8], [sflag:$0x4] =	stream.linear.gather @!p1 [hbm4b:s5+s0], $0x80, $0x38;
	[tilespmem:$0x1BA80] =	vst v63  }
.Ltmp0:
0x7c: {  	_ =	swait.ge @!p1 [sflag:s7], $0x80;
	(pc) =	sbr.rel @!p0 .LBB2_3-.Ltmp0, $4  }
0x7d: {  	[sflag:s7] =	ssyncset.done @!p1 $0x0  }
0x7e: {  	s31 =	simm.s32 $0x2;
	[sflag:s7] =	ssyncadd.s32 @!p1 $0xFFFFFF80  }
0x7f: {  	s22 =	smov.u32 s5;
	s9 =	simm.s32 @!p1 $0x4200;
	_ =	swait.ge @!p1 [sflag:s7], $0x80  }
0x80: {  	s0 =	sadd.s32 $0x20, s23;
	s8 =	simm.s32 @!p1 $0x80;
	[sflag:s7] =	ssyncset.done @!p1 $0x0  }
.LBB2_2:
0x81: {  	[sflag:s7] =	ssyncadd.s32 @!p1 $0xFFFFFF80  }
0x82: {  	s22 =	sadd.s32 $0x20, s22;
	s7 =	smov.u32 s31;
	s31 =	sadd.s32 $0x2, s31  }
0x83: {  	[tilespmem:s9], [sflag:$0x2] =	stream.indirect.gather @!p1 [hbm4b:s4+s8], $0x80, s6, s8, $0xb8;
	[tilespmem:$0x1BA80] =	vst v63  }
0x84: {  	p0 =	sne.s32 s11, s31;
	_ =	swait.ge [sflag:s29], $0x4000  }
0x85: {  	[sflag:s29] =	ssyncset.done $0x0  }
0x86: {  	[sflag:s29] =	ssyncadd.s32 $0xFFFFC000  }
0x87: {  	[spmem:s2] =	stream.indirect.scatter.add.f32 [tilespmem:s28], [sflag:$0x5], $0x80, s26, s26, $0xb8;
	[tilespmem:$0x1BA80] =	vst v63  }
0x88: {  	p1 =	sge.u32 s7, s20;
	_ =	swait.ge [sflag:s24], $0x4000  }
0x89: {  	s6 =	sadd.s32 @!p1 $0xFFFFFFF0, s0;
	s8 =	simm.s32 @!p1 $0x0;
	[sflag:s24] =	ssyncset.done $0x0  }
0x8a: {  	[sflag:s24] =	ssyncadd.s32 $0xFFFFC000  }
0x8b: {  	[tilespmem:s8], [sflag:$0x3] =	stream.linear.gather @!p1 [hbm4b:s6+s8], $0x80, $0x38;
	[tilespmem:$0x1BA80] =	vst v63  }
0x8c: {  	s9 =	simm.s32 @!p1 $0x80;
	s10 =	simm.s32 @!p1 $0x3;
	s6 =	sadd.s32 @!p1 $0xFFFFFFF0, s22  }
0x8d: {  	[tilespmem:s9], [sflag:$0x3] =	stream.linear.gather @!p1 [hbm4b:s6+s8], $0x80, $0x38;
	[tilespmem:$0x1BA80] =	vst v63  }
0x8e: {  	_ =	swait.ge @!p1 [sflag:s10], $0x80  }
0x8f: {  	[sflag:s10] =	ssyncset.done @!p1 $0x0  }
0x90: {  	[sflag:s10] =	ssyncadd.s32 @!p1 $0xFFFFFF80  }
0x91: {  	_ =	swait.ge @!p1 [sflag:s10], $0x80  }
0x92: {  	p2 =	sge.u32 s7, s12;
	s6 =	simm.s32 @!p1 $0x200;
	[sflag:s10] =	ssyncset.done @!p1 $0x0  }
0x93: {  	p3 =	sge.u32 @!p2 s7, s21;
	[sflag:s10] =	ssyncadd.s32 @!p1 $0xFFFFFF80;
	s10 =	simm.s32 @!p2 $0x2  }
0x94: {  	[tilespmem:s6], [sflag:$0x1] =	stream.indirect.gather @!p1 [hbm4b:s4+s9], $0x80, s8, s9, $0xb8;
	[tilespmem:$0x1BA80] =	vst v63  }
0x95: {  	s6 =	simm.s32 @!p2 $0x4200;
	_ =	swait.ge @!p2 [sflag:s10], $0x4000  }
0x96: {  	s7 =	simm.s32 @!p2 $0x80;
	s8 =	simm.s32 @!p2 $0x180;
	[sflag:s10] =	ssyncset.done @!p2 $0x0  }
0x97: {  	s9 =	simm.s32 @!p2 $0x5;
	[sflag:s10] =	ssyncadd.s32 @!p2 $0xFFFFC000  }
0x98: {  	[spmem:s2] =	stream.indirect.scatter.add.f32 @!p2 [tilespmem:s6], [sflag:$0x5], $0x80, s8, s7, $0xb8;
	[tilespmem:$0x1BA80] =	vst v63  }
0x99: {  	p1 =	por p3, p2;
	_ =	swait.ge @!p2 [sflag:s9], $0x4000  }
0x9a: {  	s8 =	simm.s32 @!p1 $0x0;
	s6 =	simm.s32 @!p1 $0x100;
	[sflag:s9] =	ssyncset.done @!p2 $0x0  }
0x9b: {  	[sflag:s9] =	ssyncadd.s32 @!p2 $0xFFFFC000;
	s9 =	simm.s32 @!p1 $0x180  }
0x9c: {  	[tilespmem:s6], [sflag:$0x4] =	stream.linear.gather @!p1 [hbm4b:s0+s8], $0x80, $0x38;
	[tilespmem:$0x1BA80] =	vst v63  }
0x9d: {  	s7 =	simm.s32 @!p1 $0x4  }
0x9e: {  	[tilespmem:s9], [sflag:$0x4] =	stream.linear.gather @!p1 [hbm4b:s22+s8], $0x80, $0x38;
	[tilespmem:$0x1BA80] =	vst v63  }
.Ltmp1:
0x9f: {  	_ =	swait.ge @!p1 [sflag:s7], $0x80;
	(pc) =	sbr.rel @p0 .LBB2_2-.Ltmp1, $4  }
0xa0: {  	[sflag:s7] =	ssyncset.done @!p1 $0x0  }
0xa1: {  	[sflag:s7] =	ssyncadd.s32 @!p1 $0xFFFFFF80  }
0xa2: {  	s0 =	sadd.s32 $0x20, s0;
	_ =	swait.ge @!p1 [sflag:s7], $0x80  }
0xa3: {  	s8 =	simm.s32 @!p1 $0x80;
	s9 =	simm.s32 @!p1 $0x4200;
	[sflag:s7] =	ssyncset.done @!p1 $0x0  }
.LBB2_3:
0xa4: {  	[sflag:s7] =	ssyncadd.s32 @!p1 $0xFFFFFF80;
	s0 =	stileid.u32;
	s1 =	sadd.s32 $0x1, s1  }
0xa5: {  	[tilespmem:s9], [sflag:$0x2] =	stream.indirect.gather @!p1 [hbm4b:s4+s8], $0x80, s6, s8, $0xb8;
	[tilespmem:$0x1BA80] =	vst v63  }
0xa6: {  	s0 =	sshll.u32 s0, $0x6;
	p0 =	sne.s32 s1, s14  }
.Ltmp2:
0xa7: {  	[bflag:$0x0] =	sbarrier.arrive $0xFFFF;
	s0 =	sor.u32 $0x1C05, s0;
	(pc) =	sbr.rel @p0 .LBB2_1-.Ltmp2, $4  }
0xa8: {  	[hbm:s13], [sflag:s0] =	dma.local [spmem:s25], $0x2800  }
0xa9: {  	_ =	swait.ge [sflag:s24], $0x2800  }
0xaa: {  	[sflag:s24] =	ssyncset.done $0x0  }
0xab: {  	[sflag:s24] =	ssyncadd.s32 $0xFFFFD800  }
0xac: {  	_ =	sfence.sel $0x180000  }
0xad: {  	[bflag:$0x0] =	sbarrier.arrive $0xFFFF  }
0xae: {  	_ =	strace $0x9000004A  }
0xaf: {  	s0 =	stileid.u32;
	[bflag:$0x2] =	sbarrier.arrive $0xFFFF  }
0xb0: {  	p0 =	sne.s32 s0, $0x0;
	s0 =	rddreg [dreg:$0x2]  }
0xb1: {  	s0 =	sadd.s32 @!p0 $0x100000, s0  }
0xb2: {  	[sflag:s0] =	ssyncadd.tile.s32 @!p0 $0x1;
	_ =	shalt  }
.Lfunc_end2:
_tile_overlayer_lowered:
.L_overlay_start_2:
0xb3: {  	(tag) =	ssettag $0x2  }
0xb4: {  	s0 =	rddreg [dreg:$0x0];
	s2 =	stileid.u32  }
0xb5: {  	s1 =	rddreg [dreg:$0x1];
	p0 =	sne.s32 s2, $0x0  }
0xb6: {  	s3 =	rddreg [dreg:$0x2];
	[bflag:$0x3] =	sbarrier.arrive $0xFFFF;
	s2 =	simm.s32 @!p0 $0x1C05  }
0xb7: {  	[timem:s3], [sflag:s2] =	dma.local @!p0 [hbm:s0], s1  }
0xb8: {  	s0 =	simm.s32 @!p0 $0x5  }
0xb9: {  	_ =	swait.ge @!p0 [sflag:s0], s1  }
0xba: {  	s1 =	ssub.s32 @!p0 $0x0, s1;
	[sflag:s0] =	ssyncset.done @!p0 $0x0  }
0xbb: {  	[sflag:s0] =	ssyncadd.s32 @!p0 s1  }
0xbc: {  	[bflag:$0x3] =	sbarrier.arrive $0xFFFF  }
0xbd: {  	_ =	shalt  }

// kernel: kernel.14.cloned.1.call-start
scs
__scs_entry_jumppad:
0x0: {  	(pc) =	sbr.rel $0x88, $3  }
0x1: {  	(tag) =	ssettag $0x0;
	lr =	simm.s32 $0x1  }
0x2: {  	[smem:$0x3F99] =	sst lr;
	_ =	strace $0xD0000000  }
0x3: {  	_ = 	snop  }
0x4: {  	_ = 	snop  }
0x5: {  	_ = 	snop  }
0x6: {  	_ = 	snop  }
0x7: {  	_ = 	snop  }
__scs_overlays_trampoline_lowered:
0x8: {  	[smem:$0x3FA8] =	sst s0  }
0x9: {  	[smem:$0x3FA9] =	sst s1  }
0xa: {  	[smem:$0x3FAA] =	sst s2  }
0xb: {  	[smem:$0x3FAB] =	sst s3  }
0xc: {  	[smem:$0x3FAC] =	sst s4  }
0xd: {  	[smem:$0x3FAD] =	sst s5  }
0xe: {  	[smem:$0x3FAE] =	sst s6  }
0xf: {  	[smem:$0x3FAF] =	sst s7  }
0x10: {  	[smem:$0x3FB0] =	sst s8  }
0x11: {  	[smem:$0x3FB1] =	sst s9;
	s0 =	simm.s32 @!p0 $0x0  }
0x12: {  	s1 =	sld [smem:$0x3F97];
	s0 =	simm.s32 @p0 $0x1  }
0x13: {  	[smem:$0x3FB2] =	sst s0;
	s0 =	simm.s32 @!p1 $0x0  }
0x14: {  	s2 =	sld [smem:$0x3F96];
	s0 =	simm.s32 @p1 $0x1  }
0x15: {  	[smem:$0x3FB3] =	sst s0;
	s0 =	simm.s32 @!p2 $0x0  }
0x16: {  	s3 =	sld [smem:$0x3FDB];
	s0 =	simm.s32 @p2 $0x1  }
0x17: {  	s4 =	simm.s32 $0x1BF5;
	[smem:$0x3FB5] =	sst s0  }
0x18: {  	s0 =	sld [smem:$0x3F98];
	_ =	swait.ge [sflag:s4], $0x0  }
0x19: {  	s7 =	sld [smem:$0x3F99]  }
0x1a: {  	s8 =	sadd.s32 $0xFFFFE003, lr  }
0x1b: {  	s9 =	sadd.s32 $0xFFFFFEF7, lr;
	s5 =	simm.s32 $0xFFFFFFFF;
	p2 =	slt.u32 s8, $0xFFFFF086  }
0x1c: {  	p1 =	slt.u32 s9, $0xF7A;
	s5 =	simm.s32 @!p2 $0x0  }
0x1d: {  	s5 =	simm.s32 @p1 $0x1;
	p0 =	seq.s32 s7, s2  }
0x1e: {  	s7 =	smul.u32 @!p0 $0xF7A, s2;
	p2 =	seq.s32 @!p0 s5, $0x0  }
0x1f: {  	s9 =	smul.u32 $0xF7A, s1;
	s8 =	simm.s32 @!p0 $0x1BF5;
	p2 =	por !p2, p0  }
0x20: {  	[sflag:s8] =	ssyncset.s32 @!p0 $0xFFFFF086;
	s6 =	sadd.s32 @!p0 s3, s7;
	s7 =	simm.s32 @!p0 $0x108  }
0x21: {  	s3 =	sadd.s32 s3, s9;
	s6 =	sadd.s32 @!p0 $0x88, s6;
	s7 =	simm.s32 @p2 $0x1082  }
0x22: {  	[simem:s7], [sflag:s8] =	dma.local @!p0 [hbm:s6], $0xF7A  }
0x23: {  	s9 =	sor.u32 $0xD0000000, s2;
	s6 =	simm.s32 $0x108;
	_ =	swait.ge @!p0 [sflag:s8], $0x0  }
0x24: {  	s3 =	sadd.s32 $0x88, s3;
	s6 =	simm.s32 @!p1 $0x1082;
	[sflag:s4] =	ssyncset.s32 $0xFFFFF086  }
0x25: {  	[simem:s6], [sflag:s4] =	dma.local [hbm:s3], $0xF7A  }
0x26: {  	[smem:$0x3F99] =	sst s1;
	(tag) =	ssettag s2;
	_ =	strace s9  }
0x27: {  	s1 =	sld [smem:$0x3FA9]  }
0x28: {  	s2 =	sld [smem:$0x3FAA]  }
0x29: {  	s4 =	sld [smem:$0x3FAC]  }
0x2a: {  	p0 =	seq.s32 s5, $0x0;
	s5 =	sld [smem:$0x3FAD]  }
0x2b: {  	s6 =	sld [smem:$0x3FAE]  }
0x2c: {  	s7 =	sld [smem:$0x3FAF]  }
0x2d: {  	s3 =	simm.s32 $0x108;
	s8 =	sld [smem:$0x3FB0]  }
0x2e: {  	s3 =	simm.s32 @!p0 $0x1082;
	s9 =	sld [smem:$0x3FB1]  }
0x2f: {  	lr =	sadd.s32 s0, s3;
	s0 =	sld [smem:$0x3FA8]  }
0x30: {  	s3 =	sld [smem:$0x3FAB]  }
0x31: {  	[smem:$0x3FB4] =	sst s10  }
0x32: {  	s10 =	sld [smem:$0x3FB2];
	_ =	sdelay $0x3  }
0x33: {  	p0 =	seq.s32 s10, $0x1;
	s10 =	sld [smem:$0x3FB4];
	_ =	sdelay $0x3  }
0x34: {  	[smem:$0x3FB4] =	sst s10  }
0x35: {  	s10 =	sld [smem:$0x3FB3];
	_ =	sdelay $0x3  }
0x36: {  	p1 =	seq.s32 s10, $0x1;
	s10 =	sld [smem:$0x3FB4];
	_ =	sdelay $0x3  }
0x37: {  	[smem:$0x3FB4] =	sst s10  }
0x38: {  	s10 =	sld [smem:$0x3FB5]  }
0x39: {  	_ = 	snop;
	(pc) =	sbr.ind lr, $3  }
0x3a: {  	_ = 	snop  }
0x3b: {  	_ = 	snop  }
0x3c: {  	p2 =	seq.s32 s10, $0x1;
	s10 =	sld [smem:$0x3FB4]  }
0x3d: {  	_ =	shalt  }
0x3e: {  	_ =	shalt  }
0x3f: {  	_ =	shalt  }
0x40: {  	_ =	shalt  }
0x41: {  	_ =	shalt  }
0x42: {  	_ =	shalt  }
0x43: {  	_ =	shalt  }
0x44: {  	_ =	shalt  }
0x45: {  	_ =	shalt  }
0x46: {  	_ =	shalt  }
0x47: {  	_ =	shalt  }
0x48: {  	_ =	shalt  }
0x49: {  	_ =	shalt  }
0x4a: {  	_ =	shalt  }
0x4b: {  	_ =	shalt  }
0x4c: {  	_ =	shalt  }
0x4d: {  	_ =	shalt  }
0x4e: {  	_ =	shalt  }
0x4f: {  	_ =	shalt  }
0x50: {  	_ =	shalt  }
0x51: {  	_ =	shalt  }
0x52: {  	_ =	shalt  }
0x53: {  	_ =	shalt  }
0x54: {  	_ =	shalt  }
0x55: {  	_ =	shalt  }
0x56: {  	_ =	shalt  }
0x57: {  	_ =	shalt  }
0x58: {  	_ =	shalt  }
0x59: {  	_ =	shalt  }
0x5a: {  	_ =	shalt  }
0x5b: {  	_ =	shalt  }
0x5c: {  	_ =	shalt  }
0x5d: {  	_ =	shalt  }
0x5e: {  	_ =	shalt  }
0x5f: {  	_ =	shalt  }
0x60: {  	_ =	shalt  }
0x61: {  	_ =	shalt  }
0x62: {  	_ =	shalt  }
0x63: {  	_ =	shalt  }
0x64: {  	_ =	shalt  }
0x65: {  	_ =	shalt  }
0x66: {  	_ =	shalt  }
0x67: {  	_ =	shalt  }
0x68: {  	_ =	shalt  }
0x69: {  	_ =	shalt  }
0x6a: {  	_ =	shalt  }
0x6b: {  	_ =	shalt  }
0x6c: {  	_ =	shalt  }
0x6d: {  	_ =	shalt  }
0x6e: {  	_ =	shalt  }
0x6f: {  	_ =	shalt  }
0x70: {  	_ =	shalt  }
0x71: {  	_ =	shalt  }
0x72: {  	_ =	shalt  }
0x73: {  	_ =	shalt  }
0x74: {  	_ =	shalt  }
0x75: {  	_ =	shalt  }
0x76: {  	_ =	shalt  }
0x77: {  	_ =	shalt  }
0x78: {  	_ =	shalt  }
0x79: {  	_ =	shalt  }
0x7a: {  	_ =	shalt  }
0x7b: {  	_ =	shalt  }
0x7c: {  	_ =	shalt  }
0x7d: {  	_ =	shalt  }
0x7e: {  	_ =	shalt  }
0x7f: {  	_ =	shalt  }
0x80: {  	_ =	shalt  }
0x81: {  	_ =	shalt  }
0x82: {  	_ =	shalt  }
0x83: {  	_ =	shalt  }
0x84: {  	_ =	shalt  }
0x85: {  	_ =	shalt  }
0x86: {  	_ =	shalt  }
0x87: {  	_ =	shalt  }
.Lfunc_end0:
.L_simem_size_0:
called_computation.2_lowered:
.L_overlay_start_0:
0x88: {  	s2 =	sld [smem:$0x3FD9]  }
0x89: {  	s3 =	sld [smem:$0x3FFE];
	_ =	sdelay $0x1  }
0x8a: {  	s1 =	srdreg.scid  }
0x8b: {  	s0 =	sand.u32 $0x1, s1  }
0x8c: {  	s17 =	sshll.u32 s0, $0xA;
	s2 =	sadd.s32 s3, s2  }
0x8d: {  	s2 =	sadd.s32 s2, s17  }
0x8e: {  	[smem:$0x3FC0] =	sst s2  }
0x8f: {  	_ = 	snop  }
0x90: {  	s2 =	sld [smem:$0x3FC7]  }
0x91: {  	s18 =	sld [smem:$0x3FD0];
	(tm) =	ssettm $0x1  }
0x92: {  	s4 =	sld [smem:$0x3FFB];
	_ =	sdelay $0x3  }
0x93: {  	_ =	strace s4  }
0x94: {  	s4 =	sld [smem:$0x3FFC];
	_ =	sdelay $0x3  }
0x95: {  	_ =	strace s4  }
0x96: {  	s4 =	sld [smem:$0x3FFD];
	_ =	sdelay $0x3  }
0x97: {  	_ =	strace s4  }
0x98: {  	_ =	strace $0x8FFFFFFF  }
0x99: {  	s19 =	sld [smem:$0x3FDB];
	_ =	sdelay $0x1  }
0x9a: {  	s5 =	simm.s32 $_scs_section_size  }
0x9b: {  	s6 =	simm.s32 $_size__tile_overlayer_lowered;
	s7 =	simm.s32 $_tile_overlayer_lowered  }
0x9c: {  	s22 =	simm.s32 $0x1BFF;
	s21 =	sshll.u32 s7, $0x1;
	s4 =	sadd.s32 s5, s19  }
0x9d: {  	s8 =	simm.s32 $0x0;
	s20 =	sshll.u32 s6, $0x1;
	s6 =	sadd.s32 s21, s4  }
0x9e: {  	[timem:s8], [sflag:s22] =	dma.local [hbm:s6], s20  }
0x9f: {  	_ =	swait.ge [sflag:s22], s20  }
0xa0: {  	s5 =	ssub.s32 $0x0, s20;
	[sflag:s22] =	ssyncset.done $0x0  }
0xa1: {  	[sflag:s22] =	ssyncadd.s32 s5;
	_ =	sdelay $0x1  }
0xa2: {  	s23 =	simm.s32 $0x1B8B  }
0xa3: {  	_ =	swait.ge [sflag:s23], $0x1  }
0xa4: {  	[sflag:s23] =	ssyncset.done $0x0  }
0xa5: {  	s25 =	simm.s32 $0x1B8E;
	s24 =	sld [smem:$0x3FFE];
	[sflag:s23] =	ssyncadd.s32 $0xFFFFFFFF  }
0xa6: {  	s26 =	simm.s32 $execute0_lowered;
	[smem:$0x3FD2] =	sst s25  }
0xa7: {  	s6 =	sshll.u32 s26, $0x1;
	_ =	strace $0x8000004C;
	[dreg:$0x1] =	wrdreg $0xFFFFFFFF  }
0xa8: {  	s28 =	simm.s32 $_size_execute0_lowered;
	s4 =	sadd.s32 s4, s6;
	[dreg:$0x0] =	wrdreg $0x0  }
0xa9: {  	s6 =	sshll.u32 s28, $0x1;
	[dreg:$0x2] =	wrdreg s4  }
0xaa: {  	[dreg:$0x3] =	wrdreg s6  }
0xab: {  	[dreg:$0x4] =	wrdreg $0xC0  }
0xac: {  	_ =	task [dreg:s8], $0x5FFFF  }
0xad: {  	[dreg:$0x1] =	wrdreg $0xFFFFFFFF  }
0xae: {  	[dreg:$0x0] =	wrdreg $0x60  }
0xaf: {  	[dreg:$0x2] =	wrdreg s2  }
0xb0: {  	[dreg:$0x3] =	wrdreg s24  }
0xb1: {  	[dreg:$0x4] =	wrdreg s18  }
0xb2: {  	[dreg:$0x5] =	wrdreg $0x9  }
0xb3: {  	_ =	task.clear_ibuf [dreg:s8], $0x6FFFF;
	_ =	strace $0x9000004C  }
0xb4: {  	s29 =	simm.s32 $0x9;
	_ =	strace $0x8000004E  }
0xb5: {  	_ =	swait.ge [sflag:s29], $0x1  }
0xb6: {  	[sflag:s29] =	ssyncadd.s32 $0xFFFFFFFF  }
0xb7: {  	_ =	strace $0x9000004E  }
0xb8: {  	_ =	sfence  }
0xb9: {  	s30 =	sld [smem:$0x0];
	_ =	sdelay $0x2  }
0xba: {  	s31 =	sshll.u32 s1, $0xD;
	s1 =	sshrl.u32 s1, $0x2  }
0xbb: {  	s3 =	sand.u32 $0x4000, s31;
	s1 =	sadd.s32 s1, s30  }
0xbc: {  	s0 =	sor.u32 s3, s0;
	s1 =	sshll.u32 s1, $0x11  }
0xbd: {  	s0 =	sor.u32 s1, s0  }
0xbe: {  	s0 =	sadd.s32 $0x8F2B, s0  }
0xbf: {  	[sflag:s0] =	ssyncadd.remote.s32 $0x1  }
0xc0: {  	_ =	sfence.sel $0xFFFF  }
0xc1: {  	[dreg:$0x0] =	wrdreg $0xFFFFFFFF;
	(pc) =	sbr.abs _section_cstart, $3  }
0xc2: {  	[dreg:$0x1] =	wrdreg $0xFFFFFFFF  }
0xc3: {  	_ =	task.clear_ibuf [dreg:s8], $0x2FFFF;
	_ =	strace $0x9FFFFFFF  }
0xc4: {  	(tm) =	ssettm $0x7FFFFFFF  }
0xc5: {  	_ =	shalt  }
tec
execute0_lowered:
.L_overlay_start_1:
0x0: {  	(tag) =	ssettag $0x1  }
0x1: {  	s0 =	rddreg [dreg:$0x1]  }
0x2: {  	s3 =	rddreg [dreg:$0x2];
	s2 =	simm.s32 $0x0  }
0x3: {  	s6 =	srdreg.scid;
	s1 =	stileid.u32;
	s13 =	simm.s32 $0x2  }
0x4: {  	s14 =	simm.s32 $0x2780;
	s15 =	simm.s32 $0x4E90;
	s16 =	simm.s32 $0x1  }
0x5: {  	s17 =	simm.s32 $0xB700;
	s18 =	simm.s32 $0x7680;
	s19 =	simm.s32 $0x80  }
0x6: {  	s20 =	simm.s32 $0x7700;
	s21 =	simm.s32 $0x0;
	[smem:$0x7FF] =	sst s2  }
0x7: {  	s4 =	sadd.s32 $0x1A00, s0;
	s5 =	sadd.s32 $0x15E00, s0;
	s7 =	sand.u32 $0x1, s6  }
.Ltmp0:
0x8: {  	s8 =	sshll.u32 s1, $0x1;
	s6 =	sadd.s32 $0x15600, s0;
	(pc) =	sbr.rel .LBB2_1-.Ltmp0, $4  }
0x9: {  	_ =	strace $0x8000004D;
	s9 =	ssub.s32 $0x2, s7;
	s8 =	sor.u32 s7, s8  }
0xa: {  	s7 =	sadd.s32 $0x15C00, s0;
	s31 =	sshrl.u32 s9, $0x1;
	s10 =	sshll.u32 s8, $0x5  }
0xb: {  	s8 =	sshll.u32 s8, $0x1;
	s0 =	ssub.s32 s9, s31;
	s9 =	sadd.s32 s3, s10  }
0xc: {  	v0 =	vimm.s32 $0x40;
	v1 =	vlaneseq.u32;
	v2 =	vimm.s32 $0x0;
	s10 =	sadd.s32 $0x2, s8;
	s11 =	sadd.s32 $0x10, s9;
	s12 =	smax.u32 s0, $0x1  }
.LBB2_45:
0xd: {  	s21 =	sadd.s32 $0x1, s21  }
0xe: {  	p0 =	sne.s32 s21, s12  }
.Ltmp1:
0xf: {  	_ = 	snop;
	(pc) =	sbr.rel @!p0 .LBB2_46-.Ltmp1, $4  }
0x10: {  	[hbm4b:s11+s2] =	stream.linear.scatter [tilespmem:s17], [sflag:$0x2], $0x80, $0x38;
	[tilespmem:$0xB780] =	vst v63  }
0x11: {  	_ =	swait.ge [sflag:s13], $0x80  }
0x12: {  	[sflag:s13] =	ssyncset.done $0x0  }
0x13: {  	[sflag:s13] =	ssyncadd.s32 $0xFFFFFF80  }
.LBB2_1:
0x14: {  	s0 =	rddreg [dreg:$0x0]  }
0x15: {  	[tilespmem:s2], [sflag:$0x2] =	stream.linear.gather [hbm4b:s0+s2], $0x2710, $0x38;
	[tilespmem:$0xB780] =	vst v63  }
0x16: {  	_ =	swait.ge [sflag:s13], $0x2710  }
0x17: {  	[sflag:s13] =	ssyncset.done $0x0  }
0x18: {  	[sflag:s13] =	ssyncadd.s32 $0xFFFFD8F0  }
0x19: {  	[tilespmem:s14], [sflag:$0x2] =	stream.linear.gather [hbm4b:s4+s2], $0x2710, $0x38;
	[tilespmem:$0xB780] =	vst v63  }
0x1a: {  	_ =	swait.ge [sflag:s13], $0x2710  }
0x1b: {  	[sflag:s13] =	ssyncset.done $0x0  }
0x1c: {  	[sflag:s13] =	ssyncadd.s32 $0xFFFFD8F0  }
0x1d: {  	[tilespmem:$0x2710] =	vst v0  }
0x1e: {  	[tilespmem:s15], [sflag:$0x2] =	stream.linear.gather [hbm4b:s7+s2], $0x10, $0x38;
	[tilespmem:$0xB780] =	vst v63  }
0x1f: {  	s23 =	simm.s32 $0x2710;
	_ =	swait.ge [sflag:s13], $0x10  }
0x20: {  	s3 =	simm.s32 $0x2710;
	s24 =	simm.s32 $0xD;
	[sflag:s13] =	ssyncset.done $0x0  }
0x21: {  	s22 =	simm.s32 $0x0;
	s0 =	simm.s32 $0x2710;
	[sflag:s13] =	ssyncadd.s32 $0xFFFFFFF0  }
.LBB2_2:
0x22: {  	s25 =	smov.u32 s0  }
0x23: {  	p0 =	sne.s32 s24, $0x1;
	s0 =	sand.u32 $0x1, s3  }
0x24: {  	p1 =	slt.s32 s3, $0x1;
	p2 =	seq.s32 s0, $0x1  }
0x25: {  	s0 =	sshrl.u32 s3, $0x1F;
	p1 =	por !p1, !p2  }
0x26: {  	s0 =	sadd.s32 s0, s3;
	s3 =	simm.s32 $0x1;
	p1 =	por !p1, !p1  }
0x27: {  	s0 =	sshra.s32 s0, $0x1;
	s3 =	simm.s32 @!p1 $0x0  }
0x28: {  	s0 =	ssub.s32 s0, s3  }
0x29: {  	v3 =	vld [tilespmem:s0+$0x0];
	_ =	sdelay $0x4  }
0x2a: {  	(v2sf) =	vpush v3, $0x0;
	_ =	sdelay $0xd  }
.Ltmp2:
0x2b: {  	(pc) =	sbr.rel @p0 .LBB2_2-.Ltmp2, $4  }
0x2c: {  	s3 =	spop (v2sf)  }
0x2d: {  	p1 =	slt.s32 s3, s8;
	s3 =	sadd.s32 $0x1, s0  }
0x2e: {  	s22 =	smov.u32 @p1 s3;
	s0 =	smov.u32 @p1 s25  }
0x2f: {  	s24 =	sadd.s32 $0xFFFFFFFF, s24;
	s3 =	sadd.s32 s22, s0  }
0x30: {  	s0 =	sand.u32 $0x1, s3  }
0x31: {  	p0 =	slt.s32 s3, $0x1;
	p1 =	seq.s32 s0, $0x1  }
0x32: {  	s30 =	sshrl.u32 s3, $0x1F;
	p0 =	por !p0, !p1  }
0x33: {  	s0 =	sadd.s32 s30, s3;
	s3 =	simm.s32 $0x1;
	p0 =	por !p0, !p0  }
0x34: {  	s0 =	sshra.s32 s0, $0x1;
	s3 =	simm.s32 @!p0 $0x0  }
0x35: {  	s0 =	ssub.s32 s0, s3  }
0x36: {  	v3 =	vld [tilespmem:s0+$0x0];
	_ =	sdelay $0x4  }
0x37: {  	(v2sf) =	vpush v3, $0x0;
	_ =	sdelay $0xe  }
0x38: {  	s31 =	spop (v2sf)  }
0x39: {  	s24 =	simm.s32 $0xD;
	s0 =	sadd.s32 $0x1, s0;
	p0 =	slt.s32 s31, s8  }
0x3a: {  	s3 =	simm.s32 $0x2710;
	s22 =	smov.u32 @p0 s0;
	s0 =	simm.s32 $0x0  }
.LBB2_4:
0x3b: {  	s25 =	smov.u32 s0  }
0x3c: {  	p0 =	sne.s32 s24, $0x1;
	s0 =	sand.u32 $0x1, s3  }
0x3d: {  	p1 =	slt.s32 s3, $0x1;
	p2 =	seq.s32 s0, $0x1  }
0x3e: {  	s0 =	sshrl.u32 s3, $0x1F;
	p1 =	por !p1, !p2  }
0x3f: {  	s0 =	sadd.s32 s0, s3;
	s3 =	simm.s32 $0x1;
	p1 =	por !p1, !p1  }
0x40: {  	s0 =	sshra.s32 s0, $0x1;
	s3 =	simm.s32 @!p1 $0x0  }
0x41: {  	s3 =	ssub.s32 s0, s3  }
0x42: {  	v3 =	vld [tilespmem:s3+$0x0];
	_ =	sdelay $0x4  }
0x43: {  	(v2sf) =	vpush v3, $0x0;
	_ =	sdelay $0xd  }
.Ltmp3:
0x44: {  	(pc) =	sbr.rel @p0 .LBB2_4-.Ltmp3, $4  }
0x45: {  	s0 =	spop (v2sf)  }
0x46: {  	p1 =	sgt.s32 s0, s8;
	s0 =	sadd.s32 $0x1, s3  }
0x47: {  	s0 =	smov.u32 @p1 s25;
	s23 =	smov.u32 @p1 s3  }
0x48: {  	s24 =	sadd.s32 $0xFFFFFFFF, s24;
	s3 =	sadd.s32 s0, s23  }
0x49: {  	s23 =	sand.u32 $0x1, s3  }
0x4a: {  	p0 =	slt.s32 s3, $0x1;
	p1 =	seq.s32 s23, $0x1  }
0x4b: {  	s30 =	sshrl.u32 s3, $0x1F;
	p0 =	por !p0, !p1  }
0x4c: {  	s3 =	sadd.s32 s30, s3;
	s23 =	simm.s32 $0x1;
	p0 =	por !p0, !p0  }
0x4d: {  	s3 =	sshra.s32 s3, $0x1;
	s23 =	simm.s32 @!p0 $0x0  }
0x4e: {  	s3 =	ssub.s32 s3, s23  }
0x4f: {  	v3 =	vld [tilespmem:s3+$0x0];
	_ =	sdelay $0x4  }
0x50: {  	(v2sf) =	vpush v3, $0x0;
	_ =	sdelay $0xe  }
0x51: {  	s31 =	spop (v2sf)  }
0x52: {  	s23 =	sadd.s32 $0x1, s3;
	p0 =	sgt.s32 s31, s8  }
0x53: {  	s23 =	smov.u32 @p0 s0  }
0x54: {  	s0 =	ssub.s32 s23, s22  }
0x55: {  	p0 =	slt.s32 s0, $0x1  }
.Ltmp4:
0x56: {  	_ = 	snop;
	(pc) =	sbr.rel @p0 .LBB2_23-.Ltmp4, $4  }
0x57: {  	[tilespmem:s17], [sflag:$0x2] =	stream.linear.gather [hbm4b:s7+s2], $0x80, $0x38;
	[tilespmem:$0xB780] =	vst v63  }
0x58: {  	_ =	swait.ge [sflag:s13], $0x80  }
0x59: {  	[sflag:s13] =	ssyncset.done $0x0  }
0x5a: {  	[sflag:s13] =	ssyncadd.s32 $0xFFFFFF80  }
0x5b: {  	s3 =	sadd.s32 $0xF, s0  }
0x5c: {  	s24 =	sand.u32 $0xF, s3  }
0x5d: {  	s25 =	sshra.s32 s3, $0x1F;
	p0 =	slt.s32 s3, $0x0;
	p1 =	sne.s32 s24, $0x0  }
0x5e: {  	s31 =	sshrl.u32 s25, $0x1C;
	p0 =	por !p0, !p1  }
0x5f: {  	s24 =	simm.s32 $0x1;
	s3 =	sadd.s32 s31, s3;
	p0 =	por !p0, !p0  }
0x60: {  	s3 =	sshra.s32 s3, $0x4;
	s24 =	simm.s32 @!p0 $0x0  }
0x61: {  	s25 =	ssub.s32 s3, s24  }
0x62: {  	p0 =	slt.s32 s25, $0x1  }
.Ltmp5:
0x63: {  	_ = 	snop;
	(pc) =	sbr.rel @p0 .LBB2_16-.Ltmp5, $2  }
0x64: {  	_ =	sdelay $0x2  }
0x65: {  	s24 =	sshll.u32 s22, $0x2  }
0x66: {  	s3 =	sadd.s32 $0x1, s0;
	p0 =	slt.u32 s0, $0x7FFFFFFF;
	s0 =	simm.s32 $0x1  }
0x67: {  	s0 =	simm.s32 @!p0 $0x0;
	s26 =	sshra.s32 s3, $0x1F  }
0x68: {  	s29 =	sand.u32 $0x1, s3;
	s0 =	sadd.s32 s0, s26  }
0x69: {  	p1 =	seq.s32 s29, $0x1;
	p6 =	sne.s32 s0, $0x1  }
.Ltmp6:
0x6a: {  	s30 =	sshrl.u32 s3, $0x1F;
	p0 =	por !p6, !p1;
	(pc) =	sbr.rel .LBB2_8-.Ltmp6, $4  }
0x6b: {  	s0 =	sadd.s32 s30, s3;
	s3 =	simm.s32 $0x1;
	p0 =	por !p0, !p0  }
0x6c: {  	s0 =	sshra.s32 s0, $0x1;
	s3 =	simm.s32 @!p0 $0x0  }
0x6d: {  	s31 =	sshra.s32 s24, $0x2;
	s0 =	ssub.s32 s0, s3  }
0x6e: {  	v4 =	vmov s23;
	s28 =	simm.s32 $0x0;
	s26 =	sadd.s32 $0x2780, s31;
	p0 =	sle.s32 s23, s22;
	v3 =	vmov s0  }
.LBB2_10:
0x6f: {  	v8 =	vimm.s32 $0x0;
	s0 =	smov.u32 s22  }
.LBB2_14:
0x70: {  	v11 =	vmov s0  }
0x71: {  	vm0 =	veq.f32 v9, v7;
	vm1 =	vlt.s32 v11, v5  }
0x72: {  	vm2 =	vgt.f32 v9, v7;
	vm0 =	vmand vm1, vm0  }
0x73: {  	v7 =	vadd.s32 @p1 v10, v8;
	vm0 =	vmor vm2, vm0  }
0x74: {  	v6 =	vpsel p1, v7, v6;
	v8 =	vsel vm0, $0x1, v2  }
0x75: {  	v6 =	vadd.s32 v8, v6  }
.LBB2_15:
0x76: {  	s28 =	sadd.s32 $0x1, s28  }
0x77: {  	p1 =	sne.s32 s28, s25  }
.Ltmp7:
0x78: {  	_ = 	snop;
	(pc) =	sbr.rel @!p1 .LBB2_16-.Ltmp7, $4  }
0x79: {  	vm0 =	vlt.s32 v6, v3;
	vm1 =	vlt.s32 v5, v4  }
0x7a: {  	vm0 =	vmand vm1, vm0  }
0x7b: {  	v5 =	vsel vm0, $0x1, v2  }
0x7c: {  	[tilespmem:s29+$0x4F00] =	vst v5  }
.LBB2_8:
.Ltmp8:
0x7d: {  	(pc) =	sbr.rel @p0 .LBB2_15-.Ltmp8, $4  }
0x7e: {  	_ = 	snop  }
0x7f: {  	s29 =	sshll.u32 s28, $0x4  }
0x80: {  	s3 =	sadd.s32 s22, s29  }
0x81: {  	v6 =	vimm.s32 $0x0;
	v5 =	vadd.s32 s3, v1  }
0x82: {  	s0 =	sadd.s32 $0x1, s22  }
0x83: {  	p2 =	sne.s32 s23, s0  }
.Ltmp9:
0x84: {  	v7 =	vld [tilespmem:s3+$0x2780];
	(pc) =	sbr.rel @!p2 .LBB2_10-.Ltmp9, $2  }
0x85: {  	v9 =	vld.msk [tilespmem:s26+$0x0 ss:$0x0], $0xffff;
	_ =	sdelay $0x2  }
0x86: {  	p1 =	por $0x0, $0x0  }
0x87: {  	s3 =	sadd.s32 $0x1, s0  }
0x88: {  	p2 =	sne.s32 s23, s3  }
.Ltmp10:
0x89: {  	v8 =	vmov s22;
	s30 =	sadd.s32 $0x1, s26;
	(pc) =	sbr.rel @!p2 .LBB2_12-.Ltmp10, $4  }
0x8a: {  	vm0 =	veq.f32 v9, v7;
	vm1 =	vlt.s32 v8, v5;
	vm2 =	vgt.f32 v9, v7;
	v9 =	vld.msk [tilespmem:s30+$0x0 ss:$0x0], $0xffff  }
0x8b: {  	vm0 =	vmand vm1, vm0  }
0x8c: {  	vm0 =	vmor vm2, vm0  }
0x8d: {  	p1 =	por $0x1, $0x1;
	v8 =	vimm.s32 $0x0;
	v10 =	vsel vm0, $0x1, v2  }
.LBB2_13:
0x8e: {  	s31 =	smov.u32 s3;
	s3 =	sadd.s32 $0x1, s3  }
0x8f: {  	v8 =	vadd.s32 v10, v8;
	p2 =	sne.s32 s23, s3  }
.Ltmp11:
0x90: {  	v11 =	vmov s0;
	s30 =	sadd.s32 $0x1, s30;
	(pc) =	sbr.rel @p2 .LBB2_13-.Ltmp11, $4  }
0x91: {  	vm0 =	veq.f32 v9, v7;
	v10 =	vmov v9;
	vm1 =	vlt.s32 v11, v5;
	s0 =	smov.u32 s31;
	v9 =	vld.msk [tilespmem:s30+$0x0 ss:$0x0], $0xffff  }
0x92: {  	vm2 =	vgt.f32 v10, v7;
	vm0 =	vmand vm1, vm0  }
0x93: {  	vm0 =	vmor vm2, vm0  }
0x94: {  	v10 =	vsel vm0, $0x1, v2  }
.Ltmp12:
0x95: {  	_ = 	snop;
	(pc) =	sbr.rel .LBB2_14-.Ltmp12, $1  }
0x96: {  	_ =	sdelay $0x3  }
.LBB2_12:
.Ltmp13:
0x97: {  	(pc) =	sbr.rel .LBB2_14-.Ltmp13, $2  }
0x98: {  	_ =	sdelay $0x2  }
0x99: {  	v8 =	vimm.s32 $0x0  }
.LBB2_16:
0x9a: {  	s0 =	sand.u32 $0x7F, s22  }
0x9b: {  	s3 =	sshra.s32 s22, $0x1F;
	p0 =	slt.s32 s22, $0x1;
	p1 =	sne.s32 s0, $0x0  }
0x9c: {  	s31 =	sshrl.u32 s3, $0x19;
	p0 =	por !p0, !p1  }
0x9d: {  	s25 =	simm.s32 $0x1;
	s0 =	sadd.s32 s31, s22;
	p0 =	por !p0, !p0  }
0x9e: {  	s3 =	sshra.s32 s0, $0x7;
	s25 =	simm.s32 @!p0 $0x0  }
0x9f: {  	s25 =	ssub.s32 s3, s25  }
0xa0: {  	s0 =	sshll.u32 s25, $0x7  }
0xa1: {  	s26 =	ssub.s32 s23, s0  }
0xa2: {  	s26 =	sadd.s32 $0x7F, s26  }
0xa3: {  	s28 =	sand.u32 $0x7F, s26  }
0xa4: {  	p2 =	slt.s32 s26, $0x1;
	p6 =	sne.s32 s28, $0x0;
	s28 =	sshra.s32 s26, $0x1F  }
0xa5: {  	s28 =	sshrl.u32 s28, $0x19;
	p1 =	por !p2, !p6  }
0xa6: {  	s26 =	sadd.s32 s28, s26;
	p1 =	por !p1, !p1;
	s28 =	simm.s32 $0x1  }
0xa7: {  	s26 =	sshra.s32 s26, $0x7;
	s28 =	simm.s32 @!p1 $0x0  }
0xa8: {  	s28 =	ssub.s32 s26, s28  }
0xa9: {  	p1 =	slt.s32 s28, $0x1  }
.Ltmp14:
0xaa: {  	_ = 	snop;
	(pc) =	sbr.rel @p1 .LBB2_23-.Ltmp14, $1  }
0xab: {  	_ =	sdelay $0x3  }
0xac: {  	s26 =	simm.s32 $0xFFFFFFFF  }
0xad: {  	s26 =	simm.s32 @!p0 $0x0  }
.Ltmp15:
0xae: {  	s3 =	sshll.u32 s3, $0x9;
	s26 =	sshll.u32 s26, $0x9;
	(pc) =	sbr.rel .LBB2_18-.Ltmp15, $4  }
0xaf: {  	s24 =	ssub.s32 $0x0, s24;
	s3 =	sadd.s32 s26, s3  }
0xb0: {  	s24 =	sshra.s32 s24, $0x2;
	s3 =	sshra.s32 s3, $0x2  }
0xb1: {  	s3 =	sadd.s32 s24, s3  }
0xb2: {  	s29 =	simm.s32 $0x0;
	s30 =	simm.s32 $0x0;
	s24 =	sadd.s32 $0x4F00, s3  }
.LBB2_22:
0xb3: {  	s30 =	sadd.s32 $0x1, s30  }
0xb4: {  	p0 =	sne.s32 s30, s28  }
.Ltmp16:
0xb5: {  	_ = 	snop;
	(pc) =	sbr.rel @!p0 .LBB2_23-.Ltmp16, $2  }
0xb6: {  	_ =	sdelay $0x2  }
0xb7: {  	s24 =	sadd.s32 $0x80, s24;
	s0 =	sadd.s32 $0x80, s0  }
.LBB2_18:
0xb8: {  	s3 =	sadd.s32 s25, s30  }
0xb9: {  	s3 =	sshll.u32 s3, $0x4  }
0xba: {  	s3 =	sand.u32 $0x1FFFFFF0, s3  }
0xbb: {  	s3 =	sadd.s32 s6, s3  }
0xbc: {  	[tilespmem:s18], [sflag:$0x2] =	stream.linear.gather [hbm4b:s3+s29], $0x80, $0x38;
	[tilespmem:$0xB780] =	vst v63  }
0xbd: {  	_ =	swait.ge [sflag:s13], $0x80  }
0xbe: {  	[sflag:s13] =	ssyncset.done $0x0  }
.Ltmp17:
0xbf: {  	[sflag:s13] =	ssyncadd.s32 $0xFFFFFF80;
	(pc) =	sbr.rel .LBB2_19-.Ltmp17, $4  }
0xc0: {  	[tilespmem:s20], [sflag:$0x1] =	stream.indirect.gather [hbm4b:s5+s19], $0x80, s18, s19, $0xb8;
	[tilespmem:$0xB780] =	vst v63  }
0xc1: {  	_ =	swait.ge [sflag:s16], $0x4000  }
0xc2: {  	s31 =	simm.s32 $0x7740;
	[sflag:s16] =	ssyncset.done $0x0  }
0xc3: {  	v3 =	vmov s24;
	s26 =	smov.u32 s0;
	s3 =	simm.s32 $0x0;
	[sflag:s16] =	ssyncadd.s32 $0xFFFFC000  }
.LBB2_21:
0xc4: {  	s3 =	sadd.s32 $0x4, s3  }
0xc5: {  	p0 =	sne.s32 s3, $0x200  }
.Ltmp18:
0xc6: {  	_ = 	snop;
	(pc) =	sbr.rel @!p0 .LBB2_22-.Ltmp18, $2  }
0xc7: {  	_ =	sdelay $0x2  }
0xc8: {  	s26 =	sadd.s32 $0x1, s26;
	s31 =	sadd.s32 $0x80, s31  }
.LBB2_19:
0xc9: {  	p0 =	slt.s32 s26, s22  }
.Ltmp19:
0xca: {  	_ = 	snop;
	(pc) =	sbr.rel @p0 .LBB2_21-.Ltmp19, $1  }
0xcb: {  	_ =	sdelay $0x3  }
0xcc: {  	_ =	sdelay $0x1  }
0xcd: {  	p0 =	sge.s32 s26, s23  }
0xce: {  	s1 =	sshra.s32 @!p0 s3, $0x2  }
0xcf: {  	v4 =	vld.idx.msk @!p0 [tilespmem:v3+s1+$0x0 ss:$0x1], $0xffff;
	_ =	sdelay $0x4  }
0xd0: {  	(v2sf) =	vpush @!p0 v4, $0x0;
	_ =	sdelay $0xe  }
0xd1: {  	s1 =	spop @!p0 (v2sf)  }
0xd2: {  	p1 =	slt.s32 @!p0 s1, $0x1  }
0xd3: {  	p0 =	por p1, p0  }
0xd4: {  	v4 =	vld @!p0 [tilespmem:$0xB700]  }
0xd5: {  	v5 =	vld @!p0 [tilespmem:s31+$0xFFFFFFC0];
	_ =	sdelay $0x4  }
0xd6: {  	v4 =	vmax.f32 @!p0 v4, v5  }
0xd7: {  	[tilespmem:$0xB700] =	vst @!p0 v4;
	v4 =	vld @!p0 [tilespmem:$0xB710]  }
0xd8: {  	v5 =	vld @!p0 [tilespmem:s31+$0xFFFFFFD0];
	_ =	sdelay $0x4  }
0xd9: {  	v4 =	vmax.f32 @!p0 v4, v5  }
0xda: {  	[tilespmem:$0xB710] =	vst @!p0 v4;
	v4 =	vld @!p0 [tilespmem:$0xB720]  }
0xdb: {  	v5 =	vld @!p0 [tilespmem:s31+$0xFFFFFFE0];
	_ =	sdelay $0x4  }
0xdc: {  	v4 =	vmax.f32 @!p0 v4, v5  }
0xdd: {  	[tilespmem:$0xB720] =	vst @!p0 v4;
	v4 =	vld @!p0 [tilespmem:$0xB730]  }
0xde: {  	v5 =	vld @!p0 [tilespmem:s31+$0xFFFFFFF0];
	_ =	sdelay $0x4  }
0xdf: {  	v4 =	vmax.f32 @!p0 v4, v5  }
0xe0: {  	[tilespmem:$0xB730] =	vst @!p0 v4;
	v4 =	vld @!p0 [tilespmem:$0xB740]  }
0xe1: {  	v5 =	vld @!p0 [tilespmem:s31+$0x0];
	_ =	sdelay $0x4  }
0xe2: {  	v4 =	vmax.f32 @!p0 v4, v5  }
0xe3: {  	[tilespmem:$0xB740] =	vst @!p0 v4;
	v4 =	vld @!p0 [tilespmem:$0xB750]  }
0xe4: {  	v5 =	vld @!p0 [tilespmem:s31+$0x10];
	_ =	sdelay $0x4  }
0xe5: {  	v4 =	vmax.f32 @!p0 v4, v5  }
0xe6: {  	[tilespmem:$0xB750] =	vst @!p0 v4;
	v4 =	vld @!p0 [tilespmem:$0xB760]  }
0xe7: {  	v5 =	vld @!p0 [tilespmem:s31+$0x20];
	_ =	sdelay $0x4  }
0xe8: {  	v4 =	vmax.f32 @!p0 v4, v5  }
0xe9: {  	[tilespmem:$0xB760] =	vst @!p0 v4;
	v4 =	vld @!p0 [tilespmem:$0xB770]  }
0xea: {  	v5 =	vld @!p0 [tilespmem:s31+$0x30];
	_ =	sdelay $0x1  }
.Ltmp20:
0xeb: {  	_ = 	snop;
	(pc) =	sbr.rel .LBB2_21-.Ltmp20, $3  }
0xec: {  	_ =	sdelay $0x1  }
0xed: {  	v4 =	vmax.f32 @!p0 v4, v5  }
0xee: {  	[tilespmem:$0xB770] =	vst @!p0 v4  }
.LBB2_23:
0xef: {  	s22 =	simm.s32 $0x0  }
0xf0: {  	[hbm4b:s9+s22] =	stream.linear.scatter [tilespmem:s17], [sflag:$0x2], $0x80, $0x38;
	[tilespmem:$0xB780] =	vst v63  }
0xf1: {  	s24 =	simm.s32 $0x2710;
	_ =	swait.ge [sflag:s13], $0x80  }
0xf2: {  	s3 =	simm.s32 $0x2710;
	s23 =	simm.s32 $0xD;
	[sflag:s13] =	ssyncset.done $0x0  }
0xf3: {  	s0 =	simm.s32 $0x0;
	s25 =	simm.s32 $0x2710;
	[sflag:s13] =	ssyncadd.s32 $0xFFFFFF80  }
.LBB2_24:
0xf4: {  	s1 =	smov.u32 s0  }
0xf5: {  	p0 =	sne.s32 s23, $0x1;
	s0 =	sand.u32 $0x1, s3  }
0xf6: {  	p1 =	slt.s32 s3, $0x1;
	p2 =	seq.s32 s0, $0x1  }
0xf7: {  	s0 =	sshrl.u32 s3, $0x1F;
	p1 =	por !p1, !p2  }
0xf8: {  	s0 =	sadd.s32 s0, s3;
	s3 =	simm.s32 $0x1;
	p1 =	por !p1, !p1  }
0xf9: {  	s0 =	sshra.s32 s0, $0x1;
	s3 =	simm.s32 @!p1 $0x0  }
0xfa: {  	s3 =	ssub.s32 s0, s3  }
0xfb: {  	v3 =	vld [tilespmem:s3+$0x0];
	_ =	sdelay $0x4  }
0xfc: {  	(v2sf) =	vpush v3, $0x0;
	_ =	sdelay $0xd  }
.Ltmp21:
0xfd: {  	(pc) =	sbr.rel @p0 .LBB2_24-.Ltmp21, $4  }
0xfe: {  	s0 =	spop (v2sf)  }
0xff: {  	p1 =	sgt.s32 s0, s8;
	s0 =	sadd.s32 $0x1, s3  }
0x100: {  	s0 =	smov.u32 @p1 s1;
	s25 =	smov.u32 @p1 s3  }
0x101: {  	s23 =	sadd.s32 $0xFFFFFFFF, s23;
	s3 =	sadd.s32 s0, s25  }
0x102: {  	s1 =	sand.u32 $0x1, s3  }
0x103: {  	p0 =	slt.s32 s3, $0x1;
	p1 =	seq.s32 s1, $0x1  }
0x104: {  	s30 =	sshrl.u32 s3, $0x1F;
	p0 =	por !p0, !p1  }
0x105: {  	s1 =	sadd.s32 s30, s3;
	s3 =	simm.s32 $0x1;
	p0 =	por !p0, !p0  }
0x106: {  	s1 =	sshra.s32 s1, $0x1;
	s3 =	simm.s32 @!p0 $0x0  }
0x107: {  	s1 =	ssub.s32 s1, s3  }
0x108: {  	v3 =	vld [tilespmem:s1+$0x0];
	_ =	sdelay $0x4  }
0x109: {  	(v2sf) =	vpush v3, $0x0;
	_ =	sdelay $0xe  }
0x10a: {  	s31 =	spop (v2sf)  }
0x10b: {  	s23 =	sadd.s32 $0x1, s1;
	p0 =	sgt.s32 s31, s8  }
0x10c: {  	s25 =	simm.s32 $0xD;
	s23 =	smov.u32 @p0 s0;
	s0 =	simm.s32 $0x2710  }
.LBB2_26:
0x10d: {  	s1 =	smov.u32 s24  }
0x10e: {  	p0 =	sne.s32 s25, $0x1;
	s3 =	sand.u32 $0x1, s0  }
0x10f: {  	p1 =	slt.s32 s0, $0x1;
	p2 =	seq.s32 s3, $0x1  }
0x110: {  	s3 =	sshrl.u32 s0, $0x1F;
	p1 =	por !p1, !p2  }
0x111: {  	s0 =	sadd.s32 s3, s0;
	s3 =	simm.s32 $0x1;
	p1 =	por !p1, !p1  }
0x112: {  	s0 =	sshra.s32 s0, $0x1;
	s3 =	simm.s32 @!p1 $0x0  }
0x113: {  	s24 =	ssub.s32 s0, s3  }
0x114: {  	v3 =	vld [tilespmem:s24+$0x0];
	_ =	sdelay $0x4  }
0x115: {  	(v2sf) =	vpush v3, $0x0;
	_ =	sdelay $0xd  }
.Ltmp22:
0x116: {  	(pc) =	sbr.rel @p0 .LBB2_26-.Ltmp22, $4  }
0x117: {  	s0 =	spop (v2sf)  }
0x118: {  	p1 =	slt.s32 s0, s10;
	s0 =	sadd.s32 $0x1, s24  }
0x119: {  	s22 =	smov.u32 @p1 s0;
	s24 =	smov.u32 @p1 s1  }
0x11a: {  	s25 =	sadd.s32 $0xFFFFFFFF, s25;
	s0 =	sadd.s32 s22, s24  }
0x11b: {  	s1 =	sand.u32 $0x1, s0  }
0x11c: {  	p0 =	slt.s32 s0, $0x1;
	p1 =	seq.s32 s1, $0x1  }
0x11d: {  	s30 =	sshrl.u32 s0, $0x1F;
	p0 =	por !p0, !p1  }
0x11e: {  	s0 =	sadd.s32 s30, s0;
	s1 =	simm.s32 $0x1;
	p0 =	por !p0, !p0  }
0x11f: {  	s0 =	sshra.s32 s0, $0x1;
	s1 =	simm.s32 @!p0 $0x0  }
0x120: {  	s0 =	ssub.s32 s0, s1  }
0x121: {  	v3 =	vld [tilespmem:s0+$0x0];
	_ =	sdelay $0x4  }
0x122: {  	(v2sf) =	vpush v3, $0x0;
	_ =	sdelay $0xe  }
0x123: {  	s31 =	spop (v2sf)  }
0x124: {  	s0 =	sadd.s32 $0x1, s0;
	p0 =	slt.s32 s31, s10  }
0x125: {  	s22 =	smov.u32 @p0 s0  }
0x126: {  	s0 =	ssub.s32 s22, s23  }
0x127: {  	p0 =	slt.s32 s0, $0x1  }
.Ltmp23:
0x128: {  	_ = 	snop;
	(pc) =	sbr.rel @p0 .LBB2_45-.Ltmp23, $4  }
0x129: {  	[tilespmem:s17], [sflag:$0x2] =	stream.linear.gather [hbm4b:s7+s2], $0x80, $0x38;
	[tilespmem:$0xB780] =	vst v63  }
0x12a: {  	_ =	swait.ge [sflag:s13], $0x80  }
0x12b: {  	[sflag:s13] =	ssyncset.done $0x0  }
0x12c: {  	[sflag:s13] =	ssyncadd.s32 $0xFFFFFF80  }
0x12d: {  	s1 =	sadd.s32 $0xF, s0  }
0x12e: {  	s3 =	sand.u32 $0xF, s1  }
0x12f: {  	s24 =	sshra.s32 s1, $0x1F;
	p0 =	slt.s32 s1, $0x0;
	p1 =	sne.s32 s3, $0x0  }
0x130: {  	s31 =	sshrl.u32 s24, $0x1C;
	p0 =	por !p0, !p1  }
0x131: {  	s3 =	simm.s32 $0x1;
	s1 =	sadd.s32 s31, s1;
	p0 =	por !p0, !p0  }
0x132: {  	s1 =	sshra.s32 s1, $0x4;
	s3 =	simm.s32 @!p0 $0x0  }
0x133: {  	s25 =	ssub.s32 s1, s3  }
0x134: {  	p0 =	slt.s32 s25, $0x1  }
.Ltmp24:
0x135: {  	_ = 	snop;
	(pc) =	sbr.rel @p0 .LBB2_38-.Ltmp24, $2  }
0x136: {  	_ =	sdelay $0x2  }
0x137: {  	s24 =	sshll.u32 s23, $0x2  }
0x138: {  	s1 =	sadd.s32 $0x1, s0;
	p0 =	slt.u32 s0, $0x7FFFFFFF;
	s0 =	simm.s32 $0x1  }
0x139: {  	s0 =	simm.s32 @!p0 $0x0;
	s3 =	sshra.s32 s1, $0x1F  }
0x13a: {  	s29 =	sand.u32 $0x1, s1;
	s0 =	sadd.s32 s0, s3  }
0x13b: {  	p1 =	seq.s32 s29, $0x1;
	p6 =	sne.s32 s0, $0x1  }
.Ltmp25:
0x13c: {  	s30 =	sshrl.u32 s1, $0x1F;
	p0 =	por !p6, !p1;
	(pc) =	sbr.rel .LBB2_30-.Ltmp25, $4  }
0x13d: {  	s0 =	sadd.s32 s30, s1;
	s1 =	simm.s32 $0x1;
	p0 =	por !p0, !p0  }
0x13e: {  	s0 =	sshra.s32 s0, $0x1;
	s1 =	simm.s32 @!p0 $0x0  }
0x13f: {  	s31 =	sshra.s32 s24, $0x2;
	s0 =	ssub.s32 s0, s1  }
0x140: {  	v4 =	vmov s22;
	s28 =	simm.s32 $0x0;
	s26 =	sadd.s32 $0x2780, s31;
	p0 =	sle.s32 s22, s23;
	v3 =	vmov s0  }
.LBB2_32:
0x141: {  	v8 =	vimm.s32 $0x0;
	s0 =	smov.u32 s23  }
.LBB2_36:
0x142: {  	v11 =	vmov s0  }
0x143: {  	vm0 =	veq.f32 v9, v7;
	vm1 =	vlt.s32 v11, v5  }
0x144: {  	vm2 =	vgt.f32 v9, v7;
	vm0 =	vmand vm1, vm0  }
0x145: {  	v7 =	vadd.s32 @p1 v10, v8;
	vm0 =	vmor vm2, vm0  }
0x146: {  	v6 =	vpsel p1, v7, v6;
	v8 =	vsel vm0, $0x1, v2  }
0x147: {  	v6 =	vadd.s32 v8, v6  }
.LBB2_37:
0x148: {  	s28 =	sadd.s32 $0x1, s28  }
0x149: {  	p1 =	sne.s32 s28, s25  }
.Ltmp26:
0x14a: {  	_ = 	snop;
	(pc) =	sbr.rel @!p1 .LBB2_38-.Ltmp26, $4  }
0x14b: {  	vm0 =	vlt.s32 v6, v3;
	vm1 =	vlt.s32 v5, v4  }
0x14c: {  	vm0 =	vmand vm1, vm0  }
0x14d: {  	v5 =	vsel vm0, $0x1, v2  }
0x14e: {  	[tilespmem:s29+$0x4F00] =	vst v5  }
.LBB2_30:
.Ltmp27:
0x14f: {  	(pc) =	sbr.rel @p0 .LBB2_37-.Ltmp27, $4  }
0x150: {  	_ = 	snop  }
0x151: {  	s29 =	sshll.u32 s28, $0x4  }
0x152: {  	s3 =	sadd.s32 s23, s29  }
0x153: {  	v6 =	vimm.s32 $0x0;
	v5 =	vadd.s32 s3, v1  }
0x154: {  	s0 =	sadd.s32 $0x1, s23  }
0x155: {  	p2 =	sne.s32 s22, s0  }
.Ltmp28:
0x156: {  	v7 =	vld [tilespmem:s3+$0x2780];
	(pc) =	sbr.rel @!p2 .LBB2_32-.Ltmp28, $2  }
0x157: {  	v9 =	vld.msk [tilespmem:s26+$0x0 ss:$0x0], $0xffff;
	_ =	sdelay $0x2  }
0x158: {  	p1 =	por $0x0, $0x0  }
0x159: {  	s3 =	sadd.s32 $0x1, s0  }
0x15a: {  	p2 =	sne.s32 s22, s3  }
.Ltmp29:
0x15b: {  	v8 =	vmov s23;
	s30 =	sadd.s32 $0x1, s26;
	(pc) =	sbr.rel @!p2 .LBB2_34-.Ltmp29, $4  }
0x15c: {  	vm0 =	veq.f32 v9, v7;
	vm1 =	vlt.s32 v8, v5;
	vm2 =	vgt.f32 v9, v7;
	v9 =	vld.msk [tilespmem:s30+$0x0 ss:$0x0], $0xffff  }
0x15d: {  	vm0 =	vmand vm1, vm0  }
0x15e: {  	vm0 =	vmor vm2, vm0  }
0x15f: {  	p1 =	por $0x1, $0x1;
	v8 =	vimm.s32 $0x0;
	v10 =	vsel vm0, $0x1, v2  }
.LBB2_35:
0x160: {  	s1 =	smov.u32 s3;
	s3 =	sadd.s32 $0x1, s3  }
0x161: {  	v8 =	vadd.s32 v10, v8;
	p2 =	sne.s32 s22, s3  }
.Ltmp30:
0x162: {  	v11 =	vmov s0;
	s30 =	sadd.s32 $0x1, s30;
	(pc) =	sbr.rel @p2 .LBB2_35-.Ltmp30, $4  }
0x163: {  	vm0 =	veq.f32 v9, v7;
	v10 =	vmov v9;
	vm1 =	vlt.s32 v11, v5;
	s0 =	smov.u32 s1;
	v9 =	vld.msk [tilespmem:s30+$0x0 ss:$0x0], $0xffff  }
0x164: {  	vm2 =	vgt.f32 v10, v7;
	vm0 =	vmand vm1, vm0  }
0x165: {  	vm0 =	vmor vm2, vm0  }
0x166: {  	v10 =	vsel vm0, $0x1, v2  }
.Ltmp31:
0x167: {  	_ = 	snop;
	(pc) =	sbr.rel .LBB2_36-.Ltmp31, $1  }
0x168: {  	_ =	sdelay $0x3  }
.LBB2_34:
.Ltmp32:
0x169: {  	(pc) =	sbr.rel .LBB2_36-.Ltmp32, $2  }
0x16a: {  	_ =	sdelay $0x2  }
0x16b: {  	v8 =	vimm.s32 $0x0  }
.LBB2_38:
0x16c: {  	s0 =	sand.u32 $0x7F, s23  }
0x16d: {  	s1 =	sshra.s32 s23, $0x1F;
	p0 =	slt.s32 s23, $0x1;
	p1 =	sne.s32 s0, $0x0  }
0x16e: {  	s29 =	sshrl.u32 s1, $0x19;
	p0 =	por !p0, !p1  }
0x16f: {  	s1 =	simm.s32 $0x1;
	s0 =	sadd.s32 s29, s23;
	p0 =	por !p0, !p0  }
0x170: {  	s0 =	sshra.s32 s0, $0x7;
	s1 =	simm.s32 @!p0 $0x0  }
0x171: {  	s25 =	ssub.s32 s0, s1  }
0x172: {  	s26 =	sshll.u32 s25, $0x7  }
0x173: {  	s30 =	ssub.s32 s22, s26  }
0x174: {  	s1 =	sadd.s32 $0x7F, s30  }
0x175: {  	s3 =	sand.u32 $0x7F, s1  }
0x176: {  	s31 =	sshra.s32 s1, $0x1F;
	p2 =	slt.s32 s1, $0x1;
	p6 =	sne.s32 s3, $0x0  }
0x177: {  	s3 =	sshrl.u32 s31, $0x19;
	p1 =	por !p2, !p6  }
0x178: {  	s1 =	sadd.s32 s3, s1;
	s3 =	simm.s32 $0x1;
	p1 =	por !p1, !p1  }
0x179: {  	s1 =	sshra.s32 s1, $0x7;
	s3 =	simm.s32 @!p1 $0x0  }
0x17a: {  	s28 =	ssub.s32 s1, s3  }
0x17b: {  	p1 =	slt.s32 s28, $0x1  }
.Ltmp33:
0x17c: {  	_ = 	snop;
	(pc) =	sbr.rel @p1 .LBB2_45-.Ltmp33, $1  }
0x17d: {  	_ =	sdelay $0x3  }
0x17e: {  	s1 =	simm.s32 $0xFFFFFFFF  }
0x17f: {  	s1 =	simm.s32 @!p0 $0x0  }
.Ltmp34:
0x180: {  	s0 =	sshll.u32 s0, $0x9;
	s1 =	sshll.u32 s1, $0x9;
	(pc) =	sbr.rel .LBB2_40-.Ltmp34, $4  }
0x181: {  	s31 =	ssub.s32 $0x0, s24;
	s0 =	sadd.s32 s1, s0  }
0x182: {  	s1 =	sshra.s32 s31, $0x2;
	s0 =	sshra.s32 s0, $0x2  }
0x183: {  	s0 =	sadd.s32 s1, s0  }
0x184: {  	s29 =	simm.s32 $0x0;
	s30 =	simm.s32 $0x0;
	s24 =	sadd.s32 $0x4F00, s0  }
.LBB2_44:
0x185: {  	s30 =	sadd.s32 $0x1, s30  }
0x186: {  	p0 =	sne.s32 s30, s28  }
.Ltmp35:
0x187: {  	_ = 	snop;
	(pc) =	sbr.rel @!p0 .LBB2_45-.Ltmp35, $2  }
0x188: {  	_ =	sdelay $0x2  }
0x189: {  	s24 =	sadd.s32 $0x80, s24;
	s26 =	sadd.s32 $0x80, s26  }
.LBB2_40:
0x18a: {  	s0 =	sadd.s32 s25, s30  }
0x18b: {  	s0 =	sshll.u32 s0, $0x4  }
0x18c: {  	s0 =	sand.u32 $0x1FFFFFF0, s0  }
0x18d: {  	s0 =	sadd.s32 s6, s0  }
0x18e: {  	[tilespmem:s18], [sflag:$0x2] =	stream.linear.gather [hbm4b:s0+s29], $0x80, $0x38;
	[tilespmem:$0xB780] =	vst v63  }
0x18f: {  	_ =	swait.ge [sflag:s13], $0x80  }
0x190: {  	[sflag:s13] =	ssyncset.done $0x0  }
.Ltmp36:
0x191: {  	[sflag:s13] =	ssyncadd.s32 $0xFFFFFF80;
	(pc) =	sbr.rel .LBB2_41-.Ltmp36, $4  }
0x192: {  	[tilespmem:s20], [sflag:$0x1] =	stream.indirect.gather [hbm4b:s5+s19], $0x80, s18, s19, $0xb8;
	[tilespmem:$0xB780] =	vst v63  }
0x193: {  	_ =	swait.ge [sflag:s16], $0x4000  }
0x194: {  	s31 =	simm.s32 $0x7740;
	[sflag:s16] =	ssyncset.done $0x0  }
0x195: {  	v3 =	vmov s24;
	s3 =	simm.s32 $0x0;
	s0 =	smov.u32 s26;
	[sflag:s16] =	ssyncadd.s32 $0xFFFFC000  }
.LBB2_43:
0x196: {  	s3 =	sadd.s32 $0x4, s3  }
0x197: {  	p0 =	sne.s32 s3, $0x200  }
.Ltmp37:
0x198: {  	_ = 	snop;
	(pc) =	sbr.rel @!p0 .LBB2_44-.Ltmp37, $2  }
0x199: {  	_ =	sdelay $0x2  }
0x19a: {  	s0 =	sadd.s32 $0x1, s0;
	s31 =	sadd.s32 $0x80, s31  }
.LBB2_41:
0x19b: {  	p0 =	slt.s32 s0, s23  }
.Ltmp38:
0x19c: {  	_ = 	snop;
	(pc) =	sbr.rel @p0 .LBB2_43-.Ltmp38, $1  }
0x19d: {  	_ =	sdelay $0x3  }
0x19e: {  	_ =	sdelay $0x1  }
0x19f: {  	p0 =	sge.s32 s0, s22  }
0x1a0: {  	s1 =	sshra.s32 @!p0 s3, $0x2  }
0x1a1: {  	v4 =	vld.idx.msk @!p0 [tilespmem:v3+s1+$0x0 ss:$0x1], $0xffff;
	_ =	sdelay $0x4  }
0x1a2: {  	(v2sf) =	vpush @!p0 v4, $0x0;
	_ =	sdelay $0xe  }
0x1a3: {  	s1 =	spop @!p0 (v2sf)  }
0x1a4: {  	p1 =	slt.s32 @!p0 s1, $0x1  }
0x1a5: {  	p0 =	por p1, p0  }
0x1a6: {  	v4 =	vld @!p0 [tilespmem:$0xB700]  }
0x1a7: {  	v5 =	vld @!p0 [tilespmem:s31+$0xFFFFFFC0];
	_ =	sdelay $0x4  }
0x1a8: {  	v4 =	vmax.f32 @!p0 v4, v5  }
0x1a9: {  	[tilespmem:$0xB700] =	vst @!p0 v4;
	v4 =	vld @!p0 [tilespmem:$0xB710]  }
0x1aa: {  	v5 =	vld @!p0 [tilespmem:s31+$0xFFFFFFD0];
	_ =	sdelay $0x4  }
0x1ab: {  	v4 =	vmax.f32 @!p0 v4, v5  }
0x1ac: {  	[tilespmem:$0xB710] =	vst @!p0 v4;
	v4 =	vld @!p0 [tilespmem:$0xB720]  }
0x1ad: {  	v5 =	vld @!p0 [tilespmem:s31+$0xFFFFFFE0];
	_ =	sdelay $0x4  }
0x1ae: {  	v4 =	vmax.f32 @!p0 v4, v5  }
0x1af: {  	[tilespmem:$0xB720] =	vst @!p0 v4;
	v4 =	vld @!p0 [tilespmem:$0xB730]  }
0x1b0: {  	v5 =	vld @!p0 [tilespmem:s31+$0xFFFFFFF0];
	_ =	sdelay $0x4  }
0x1b1: {  	v4 =	vmax.f32 @!p0 v4, v5  }
0x1b2: {  	[tilespmem:$0xB730] =	vst @!p0 v4;
	v4 =	vld @!p0 [tilespmem:$0xB740]  }
0x1b3: {  	v5 =	vld @!p0 [tilespmem:s31+$0x0];
	_ =	sdelay $0x4  }
0x1b4: {  	v4 =	vmax.f32 @!p0 v4, v5  }
0x1b5: {  	[tilespmem:$0xB740] =	vst @!p0 v4;
	v4 =	vld @!p0 [tilespmem:$0xB750]  }
0x1b6: {  	v5 =	vld @!p0 [tilespmem:s31+$0x10];
	_ =	sdelay $0x4  }
0x1b7: {  	v4 =	vmax.f32 @!p0 v4, v5  }
0x1b8: {  	[tilespmem:$0xB750] =	vst @!p0 v4;
	v4 =	vld @!p0 [tilespmem:$0xB760]  }
0x1b9: {  	v5 =	vld @!p0 [tilespmem:s31+$0x20];
	_ =	sdelay $0x4  }
0x1ba: {  	v4 =	vmax.f32 @!p0 v4, v5  }
0x1bb: {  	[tilespmem:$0xB760] =	vst @!p0 v4;
	v4 =	vld @!p0 [tilespmem:$0xB770]  }
0x1bc: {  	v5 =	vld @!p0 [tilespmem:s31+$0x30];
	_ =	sdelay $0x1  }
.Ltmp39:
0x1bd: {  	_ = 	snop;
	(pc) =	sbr.rel .LBB2_43-.Ltmp39, $3  }
0x1be: {  	_ =	sdelay $0x1  }
0x1bf: {  	v4 =	vmax.f32 @!p0 v4, v5  }
0x1c0: {  	[tilespmem:$0xB770] =	vst @!p0 v4  }
.LBB2_46:
0x1c1: {  	_ =	sfence.sel $0x180000  }
0x1c2: {  	[bflag:$0x0] =	sbarrier.arrive $0xFFFF  }
0x1c3: {  	_ =	strace $0x9000004D  }
0x1c4: {  	s0 =	stileid.u32;
	[bflag:$0x2] =	sbarrier.arrive $0xFFFF  }
0x1c5: {  	p0 =	sne.s32 s0, $0x0;
	s0 =	rddreg [dreg:$0x3]  }
0x1c6: {  	s0 =	sadd.s32 @!p0 $0x100000, s0  }
0x1c7: {  	[sflag:s0] =	ssyncadd.tile.s32 @!p0 $0x1;
	_ =	shalt  }
.Lfunc_end2:
_tile_overlayer_lowered:
.L_overlay_start_2:
0x1c8: {  	(tag) =	ssettag $0x2  }
0x1c9: {  	s0 =	rddreg [dreg:$0x0];
	s2 =	stileid.u32  }
0x1ca: {  	s1 =	rddreg [dreg:$0x1];
	p0 =	sne.s32 s2, $0x0  }
0x1cb: {  	s3 =	rddreg [dreg:$0x2];
	[bflag:$0x3] =	sbarrier.arrive $0xFFFF;
	s2 =	simm.s32 @!p0 $0x1C02  }
0x1cc: {  	[timem:s3], [sflag:s2] =	dma.local @!p0 [hbm:s0], s1  }
0x1cd: {  	s0 =	simm.s32 @!p0 $0x2  }
0x1ce: {  	_ =	swait.ge @!p0 [sflag:s0], s1  }
0x1cf: {  	s1 =	ssub.s32 @!p0 $0x0, s1;
	[sflag:s0] =	ssyncset.done @!p0 $0x0  }
0x1d0: {  	[sflag:s0] =	ssyncadd.s32 @!p0 s1  }
0x1d1: {  	[bflag:$0x3] =	sbarrier.arrive $0xFFFF  }
0x1d2: {  	_ =	shalt  }

// kernel: kernel.8.cloned.1.call-start
scs
__scs_entry_jumppad:
0x0: {  	(pc) =	sbr.rel $0x88, $3  }
0x1: {  	(tag) =	ssettag $0x0;
	lr =	simm.s32 $0x1  }
0x2: {  	[smem:$0x3F99] =	sst lr;
	_ =	strace $0xD0000000  }
0x3: {  	_ = 	snop  }
0x4: {  	_ = 	snop  }
0x5: {  	_ = 	snop  }
0x6: {  	_ = 	snop  }
0x7: {  	_ = 	snop  }
__scs_overlays_trampoline_lowered:
0x8: {  	[smem:$0x3FA8] =	sst s0  }
0x9: {  	[smem:$0x3FA9] =	sst s1  }
0xa: {  	[smem:$0x3FAA] =	sst s2  }
0xb: {  	[smem:$0x3FAB] =	sst s3  }
0xc: {  	[smem:$0x3FAC] =	sst s4  }
0xd: {  	[smem:$0x3FAD] =	sst s5  }
0xe: {  	[smem:$0x3FAE] =	sst s6  }
0xf: {  	[smem:$0x3FAF] =	sst s7  }
0x10: {  	[smem:$0x3FB0] =	sst s8  }
0x11: {  	[smem:$0x3FB1] =	sst s9;
	s0 =	simm.s32 @!p0 $0x0  }
0x12: {  	s1 =	sld [smem:$0x3F97];
	s0 =	simm.s32 @p0 $0x1  }
0x13: {  	[smem:$0x3FB2] =	sst s0;
	s0 =	simm.s32 @!p1 $0x0  }
0x14: {  	s2 =	sld [smem:$0x3F96];
	s0 =	simm.s32 @p1 $0x1  }
0x15: {  	[smem:$0x3FB3] =	sst s0;
	s0 =	simm.s32 @!p2 $0x0  }
0x16: {  	s3 =	sld [smem:$0x3FDB];
	s0 =	simm.s32 @p2 $0x1  }
0x17: {  	s4 =	simm.s32 $0x1BF5;
	[smem:$0x3FB5] =	sst s0  }
0x18: {  	s0 =	sld [smem:$0x3F98];
	_ =	swait.ge [sflag:s4], $0x0  }
0x19: {  	s7 =	sld [smem:$0x3F99]  }
0x1a: {  	s8 =	sadd.s32 $0xFFFFE003, lr  }
0x1b: {  	s9 =	sadd.s32 $0xFFFFFEF7, lr;
	s5 =	simm.s32 $0xFFFFFFFF;
	p2 =	slt.u32 s8, $0xFFFFF086  }
0x1c: {  	p1 =	slt.u32 s9, $0xF7A;
	s5 =	simm.s32 @!p2 $0x0  }
0x1d: {  	s5 =	simm.s32 @p1 $0x1;
	p0 =	seq.s32 s7, s2  }
0x1e: {  	s7 =	smul.u32 @!p0 $0xF7A, s2;
	p2 =	seq.s32 @!p0 s5, $0x0  }
0x1f: {  	s9 =	smul.u32 $0xF7A, s1;
	s8 =	simm.s32 @!p0 $0x1BF5;
	p2 =	por !p2, p0  }
0x20: {  	[sflag:s8] =	ssyncset.s32 @!p0 $0xFFFFF086;
	s6 =	sadd.s32 @!p0 s3, s7;
	s7 =	simm.s32 @!p0 $0x108  }
0x21: {  	s3 =	sadd.s32 s3, s9;
	s6 =	sadd.s32 @!p0 $0x88, s6;
	s7 =	simm.s32 @p2 $0x1082  }
0x22: {  	[simem:s7], [sflag:s8] =	dma.local @!p0 [hbm:s6], $0xF7A  }
0x23: {  	s9 =	sor.u32 $0xD0000000, s2;
	s6 =	simm.s32 $0x108;
	_ =	swait.ge @!p0 [sflag:s8], $0x0  }
0x24: {  	s3 =	sadd.s32 $0x88, s3;
	s6 =	simm.s32 @!p1 $0x1082;
	[sflag:s4] =	ssyncset.s32 $0xFFFFF086  }
0x25: {  	[simem:s6], [sflag:s4] =	dma.local [hbm:s3], $0xF7A  }
0x26: {  	[smem:$0x3F99] =	sst s1;
	(tag) =	ssettag s2;
	_ =	strace s9  }
0x27: {  	s1 =	sld [smem:$0x3FA9]  }
0x28: {  	s2 =	sld [smem:$0x3FAA]  }
0x29: {  	s4 =	sld [smem:$0x3FAC]  }
0x2a: {  	p0 =	seq.s32 s5, $0x0;
	s5 =	sld [smem:$0x3FAD]  }
0x2b: {  	s6 =	sld [smem:$0x3FAE]  }
0x2c: {  	s7 =	sld [smem:$0x3FAF]  }
0x2d: {  	s3 =	simm.s32 $0x108;
	s8 =	sld [smem:$0x3FB0]  }
0x2e: {  	s3 =	simm.s32 @!p0 $0x1082;
	s9 =	sld [smem:$0x3FB1]  }
0x2f: {  	lr =	sadd.s32 s0, s3;
	s0 =	sld [smem:$0x3FA8]  }
0x30: {  	s3 =	sld [smem:$0x3FAB]  }
0x31: {  	[smem:$0x3FB4] =	sst s10  }
0x32: {  	s10 =	sld [smem:$0x3FB2];
	_ =	sdelay $0x3  }
0x33: {  	p0 =	seq.s32 s10, $0x1;
	s10 =	sld [smem:$0x3FB4];
	_ =	sdelay $0x3  }
0x34: {  	[smem:$0x3FB4] =	sst s10  }
0x35: {  	s10 =	sld [smem:$0x3FB3];
	_ =	sdelay $0x3  }
0x36: {  	p1 =	seq.s32 s10, $0x1;
	s10 =	sld [smem:$0x3FB4];
	_ =	sdelay $0x3  }
0x37: {  	[smem:$0x3FB4] =	sst s10  }
0x38: {  	s10 =	sld [smem:$0x3FB5]  }
0x39: {  	_ = 	snop;
	(pc) =	sbr.ind lr, $3  }
0x3a: {  	_ = 	snop  }
0x3b: {  	_ = 	snop  }
0x3c: {  	p2 =	seq.s32 s10, $0x1;
	s10 =	sld [smem:$0x3FB4]  }
0x3d: {  	_ =	shalt  }
0x3e: {  	_ =	shalt  }
0x3f: {  	_ =	shalt  }
0x40: {  	_ =	shalt  }
0x41: {  	_ =	shalt  }
0x42: {  	_ =	shalt  }
0x43: {  	_ =	shalt  }
0x44: {  	_ =	shalt  }
0x45: {  	_ =	shalt  }
0x46: {  	_ =	shalt  }
0x47: {  	_ =	shalt  }
0x48: {  	_ =	shalt  }
0x49: {  	_ =	shalt  }
0x4a: {  	_ =	shalt  }
0x4b: {  	_ =	shalt  }
0x4c: {  	_ =	shalt  }
0x4d: {  	_ =	shalt  }
0x4e: {  	_ =	shalt  }
0x4f: {  	_ =	shalt  }
0x50: {  	_ =	shalt  }
0x51: {  	_ =	shalt  }
0x52: {  	_ =	shalt  }
0x53: {  	_ =	shalt  }
0x54: {  	_ =	shalt  }
0x55: {  	_ =	shalt  }
0x56: {  	_ =	shalt  }
0x57: {  	_ =	shalt  }
0x58: {  	_ =	shalt  }
0x59: {  	_ =	shalt  }
0x5a: {  	_ =	shalt  }
0x5b: {  	_ =	shalt  }
0x5c: {  	_ =	shalt  }
0x5d: {  	_ =	shalt  }
0x5e: {  	_ =	shalt  }
0x5f: {  	_ =	shalt  }
0x60: {  	_ =	shalt  }
0x61: {  	_ =	shalt  }
0x62: {  	_ =	shalt  }
0x63: {  	_ =	shalt  }
0x64: {  	_ =	shalt  }
0x65: {  	_ =	shalt  }
0x66: {  	_ =	shalt  }
0x67: {  	_ =	shalt  }
0x68: {  	_ =	shalt  }
0x69: {  	_ =	shalt  }
0x6a: {  	_ =	shalt  }
0x6b: {  	_ =	shalt  }
0x6c: {  	_ =	shalt  }
0x6d: {  	_ =	shalt  }
0x6e: {  	_ =	shalt  }
0x6f: {  	_ =	shalt  }
0x70: {  	_ =	shalt  }
0x71: {  	_ =	shalt  }
0x72: {  	_ =	shalt  }
0x73: {  	_ =	shalt  }
0x74: {  	_ =	shalt  }
0x75: {  	_ =	shalt  }
0x76: {  	_ =	shalt  }
0x77: {  	_ =	shalt  }
0x78: {  	_ =	shalt  }
0x79: {  	_ =	shalt  }
0x7a: {  	_ =	shalt  }
0x7b: {  	_ =	shalt  }
0x7c: {  	_ =	shalt  }
0x7d: {  	_ =	shalt  }
0x7e: {  	_ =	shalt  }
0x7f: {  	_ =	shalt  }
0x80: {  	_ =	shalt  }
0x81: {  	_ =	shalt  }
0x82: {  	_ =	shalt  }
0x83: {  	_ =	shalt  }
0x84: {  	_ =	shalt  }
0x85: {  	_ =	shalt  }
0x86: {  	_ =	shalt  }
0x87: {  	_ =	shalt  }
.Lfunc_end0:
.L_simem_size_0:
called_computation_lowered:
.L_overlay_start_0:
0x88: {  	s2 =	sld [smem:$0x3FD9]  }
0x89: {  	s3 =	sld [smem:$0x3FFE];
	_ =	sdelay $0x1  }
0x8a: {  	s1 =	srdreg.scid  }
0x8b: {  	s0 =	sand.u32 $0x1, s1  }
0x8c: {  	s17 =	sshll.u32 s0, $0xA;
	s2 =	sadd.s32 s3, s2  }
0x8d: {  	s2 =	sadd.s32 s2, s17  }
0x8e: {  	[smem:$0x3FC0] =	sst s2  }
0x8f: {  	_ = 	snop  }
0x90: {  	s2 =	sld [smem:$0x3FD0];
	(tm) =	ssettm $0x1  }
0x91: {  	s18 =	sld [smem:$0x3FFB];
	_ =	sdelay $0x3  }
0x92: {  	_ =	strace s18  }
0x93: {  	s3 =	sld [smem:$0x3FFC];
	_ =	sdelay $0x3  }
0x94: {  	_ =	strace s3  }
0x95: {  	s3 =	sld [smem:$0x3FFD];
	_ =	sdelay $0x3  }
0x96: {  	_ =	strace s3  }
0x97: {  	_ =	strace $0x8FFFFFFF  }
0x98: {  	s19 =	sld [smem:$0x3FDB];
	_ =	sdelay $0x1  }
0x99: {  	s4 =	simm.s32 $_scs_section_size  }
0x9a: {  	s5 =	simm.s32 $_size__tile_overlayer_lowered;
	s6 =	simm.s32 $_tile_overlayer_lowered  }
0x9b: {  	s22 =	simm.s32 $0x1BFF;
	s21 =	sshll.u32 s6, $0x1;
	s3 =	sadd.s32 s4, s19  }
0x9c: {  	s7 =	simm.s32 $0x0;
	s20 =	sshll.u32 s5, $0x1;
	s5 =	sadd.s32 s21, s3  }
0x9d: {  	[timem:s7], [sflag:s22] =	dma.local [hbm:s5], s20  }
0x9e: {  	_ =	swait.ge [sflag:s22], s20  }
0x9f: {  	s4 =	ssub.s32 $0x0, s20;
	[sflag:s22] =	ssyncset.done $0x0  }
0xa0: {  	[sflag:s22] =	ssyncadd.s32 s4;
	_ =	sdelay $0x1  }
0xa1: {  	s23 =	simm.s32 $0x1B8B  }
0xa2: {  	_ =	swait.ge [sflag:s23], $0x1  }
0xa3: {  	[sflag:s23] =	ssyncset.done $0x0  }
0xa4: {  	s25 =	simm.s32 $0x1B8E;
	s24 =	sld [smem:$0x3FFE];
	[sflag:s23] =	ssyncadd.s32 $0xFFFFFFFF  }
0xa5: {  	s26 =	simm.s32 $execute0_lowered;
	[smem:$0x3FD2] =	sst s25  }
0xa6: {  	s5 =	sshll.u32 s26, $0x1;
	_ =	strace $0x80000046;
	[dreg:$0x1] =	wrdreg $0xFFFFFFFF  }
0xa7: {  	s28 =	simm.s32 $_size_execute0_lowered;
	s3 =	sadd.s32 s3, s5;
	[dreg:$0x0] =	wrdreg $0x0  }
0xa8: {  	s5 =	sshll.u32 s28, $0x1;
	[dreg:$0x2] =	wrdreg s3  }
0xa9: {  	[dreg:$0x3] =	wrdreg s5  }
0xaa: {  	[dreg:$0x4] =	wrdreg $0xC0  }
0xab: {  	_ =	task [dreg:s7], $0x5FFFF  }
0xac: {  	[dreg:$0x1] =	wrdreg $0xFFFFFFFF  }
0xad: {  	[dreg:$0x0] =	wrdreg $0x60  }
0xae: {  	[dreg:$0x2] =	wrdreg s24  }
0xaf: {  	[dreg:$0x3] =	wrdreg s2  }
0xb0: {  	[dreg:$0x4] =	wrdreg $0x4800  }
0xb1: {  	[dreg:$0x5] =	wrdreg $0x9  }
0xb2: {  	_ =	task.clear_ibuf [dreg:s7], $0x6FFFF;
	_ =	strace $0x90000046  }
0xb3: {  	s29 =	simm.s32 $0x9;
	_ =	strace $0x80000048  }
0xb4: {  	_ =	swait.ge [sflag:s29], $0x1  }
0xb5: {  	[sflag:s29] =	ssyncadd.s32 $0xFFFFFFFF  }
0xb6: {  	_ =	strace $0x90000048  }
0xb7: {  	_ =	sfence  }
0xb8: {  	s30 =	sld [smem:$0x0];
	_ =	sdelay $0x2  }
0xb9: {  	s31 =	sshll.u32 s1, $0xD;
	s1 =	sshrl.u32 s1, $0x2  }
0xba: {  	s3 =	sand.u32 $0x4000, s31;
	s1 =	sadd.s32 s1, s30  }
0xbb: {  	s0 =	sor.u32 s3, s0;
	s1 =	sshll.u32 s1, $0x11  }
0xbc: {  	s0 =	sor.u32 s1, s0  }
0xbd: {  	s0 =	sadd.s32 $0x8F2B, s0  }
0xbe: {  	[sflag:s0] =	ssyncadd.remote.s32 $0x1  }
0xbf: {  	_ =	sfence.sel $0xFFFF  }
0xc0: {  	[dreg:$0x0] =	wrdreg $0xFFFFFFFF;
	(pc) =	sbr.abs _section_cstart, $3  }
0xc1: {  	[dreg:$0x1] =	wrdreg $0xFFFFFFFF  }
0xc2: {  	_ =	task.clear_ibuf [dreg:s7], $0x2FFFF;
	_ =	strace $0x9FFFFFFF  }
0xc3: {  	(tm) =	ssettm $0x7FFFFFFF  }
tec
execute0_lowered:
.L_overlay_start_1:
0x0: {  	(tag) =	ssettag $0x1  }
0x1: {  	s6 =	rddreg [dreg:$0x0]  }
0x2: {  	s1 =	rddreg [dreg:$0x1]  }
0x3: {  	s3 =	rddreg [dreg:$0x2];
	s4 =	simm.s32 $0x0;
	s0 =	stileid.u32  }
0x4: {  	s7 =	srdreg.scid;
	s19 =	simm.s32 $0x4F;
	s21 =	simm.s32 $0x100  }
0x5: {  	s22 =	simm.s32 $0x3;
	s23 =	simm.s32 $0x180;
	s24 =	simm.s32 $0x80  }
0x6: {  	s25 =	simm.s32 $0x200;
	s26 =	simm.s32 $0x0;
	s5 =	smul.u32 $0x50, s0  }
0x7: {  	[smem:$0x7FF] =	sst s4;
	s10 =	sand.u32 $0x1, s7;
	s28 =	smul.u32 $0x280, s0  }
0x8: {  	s18 =	sadd.s32 $0xB800, s6;
	s9 =	sshll.u32 s0, $0x1;
	s15 =	smul.u32 $0x9C, s0  }
0x9: {  	p0 =	slt.u32 s0, $0x2;
	_ =	strace $0x80000047;
	s8 =	smul.u32 $0x2710, s10  }
0xa: {  	s29 =	sor.u32 s10, s9;
	s12 =	ssub.s32 $0x2, s10;
	s19 =	simm.s32 @!p0 $0x4E  }
0xb: {  	s16 =	smul.u32 $0x4E, s10;
	s17 =	sadd.s32 s5, s6;
	s11 =	smin.u32 s28, $0x2490  }
0xc: {  	s5 =	sadd.s32 $0x15C00, s6;
	s9 =	smul.u32 $0x4E, s29;
	s30 =	sshrl.u32 s12, $0x1  }
0xd: {  	s13 =	smin.u32 s29, $0x4;
	s8 =	sadd.s32 s8, s11;
	s12 =	ssub.s32 s12, s30  }
0xe: {  	s10 =	sadd.s32 s11, s3;
	s31 =	sadd.s32 s15, s13;
	s15 =	sadd.s32 $0x15620, s17  }
0xf: {  	s8 =	sshrl.u32 s8, $0x3;
	s7 =	sadd.s32 s13, s9;
	s9 =	sadd.s32 $0xFFFFFFFF, s19  }
0x10: {  	s12 =	smax.u32 s12, $0x1;
	s13 =	sadd.s32 $0x15600, s17;
	s16 =	sadd.s32 s16, s31  }
0x11: {  	s14 =	sadd.s32 s8, s6;
	s7 =	sshll.u32 s7, $0x4;
	s8 =	simm.s32 $0x50  }
0x12: {  	s20 =	sshll.u32 s16, $0x4;
	s16 =	sadd.s32 $0x15630, s17;
	s6 =	sadd.s32 s18, s7  }
0x13: {  	s8 =	simm.s32 @!p0 $0x4E;
	s11 =	sadd.s32 $0x15E00, s14;
	s14 =	sadd.s32 $0x15610, s17  }
0x14: {  	s17 =	sadd.s32 $0x15640, s17;
	s20 =	sadd.s32 s20, s18;
	s18 =	sadd.s32 $0xFFFFFFFE, s19  }
0x15: {  	s19 =	sadd.s32 $0xFFFFFFFD, s19;
	s7 =	sadd.s32 $0x10, s6;
	s20 =	sadd.s32 $0x30, s20  }
.LBB2_1:
0x16: {  	[tilespmem:s21], [sflag:$0x3] =	stream.linear.gather [hbm4b:s1+s4], $0x80, $0x38;
	[tilespmem:$0x6F8] =	vst v63  }
0x17: {  	_ =	swait.ge [sflag:s22], $0x80  }
0x18: {  	[sflag:s22] =	ssyncset.done $0x0  }
0x19: {  	[sflag:s22] =	ssyncadd.s32 $0xFFFFFF80  }
0x1a: {  	[tilespmem:s23], [sflag:$0x3] =	stream.linear.gather [hbm4b:s5+s4], $0x80, $0x38;
	[tilespmem:$0x6F8] =	vst v63  }
0x1b: {  	_ =	swait.ge [sflag:s22], $0x80  }
0x1c: {  	[sflag:s22] =	ssyncset.done $0x0  }
0x1d: {  	[sflag:s22] =	ssyncadd.s32 $0xFFFFFF80  }
0x1e: {  	[tilespmem:s4], [sflag:$0x3] =	stream.linear.gather [hbm4b:s13+s4], $0x80, $0x38;
	[tilespmem:$0x6F8] =	vst v63  }
0x1f: {  	_ =	swait.ge [sflag:s22], $0x80  }
0x20: {  	[sflag:s22] =	ssyncset.done $0x0  }
0x21: {  	[sflag:s22] =	ssyncadd.s32 $0xFFFFFF80  }
0x22: {  	[spmem:s3] =	stream.indirect.scatter [tilespmem:s23], [sflag:$0x3], $0x1, s4, s24, $0xb8;
	[tilespmem:$0x6F8] =	vst v63  }
0x23: {  	_ =	swait.ge [sflag:s22], $0x80  }
0x24: {  	[sflag:s22] =	ssyncset.done $0x0  }
0x25: {  	[sflag:s22] =	ssyncadd.s32 $0xFFFFFF80  }
0x26: {  	[tilespmem:s4], [sflag:$0x3] =	stream.linear.gather [hbm4b:s14+s4], $0x80, $0x38;
	[tilespmem:$0x6F8] =	vst v63  }
0x27: {  	_ =	swait.ge [sflag:s22], $0x80  }
0x28: {  	[sflag:s22] =	ssyncset.done $0x0  }
0x29: {  	[sflag:s22] =	ssyncadd.s32 $0xFFFFFF80  }
0x2a: {  	[spmem:s3] =	stream.indirect.scatter [tilespmem:s23], [sflag:$0x3], $0x1, s4, s24, $0xb8;
	[tilespmem:$0x6F8] =	vst v63  }
0x2b: {  	_ =	swait.ge [sflag:s22], $0x80  }
0x2c: {  	[sflag:s22] =	ssyncset.done $0x0  }
0x2d: {  	[sflag:s22] =	ssyncadd.s32 $0xFFFFFF80  }
0x2e: {  	[tilespmem:s4], [sflag:$0x3] =	stream.linear.gather [hbm4b:s15+s4], $0x80, $0x38;
	[tilespmem:$0x6F8] =	vst v63  }
0x2f: {  	_ =	swait.ge [sflag:s22], $0x80  }
0x30: {  	[sflag:s22] =	ssyncset.done $0x0  }
0x31: {  	[sflag:s22] =	ssyncadd.s32 $0xFFFFFF80  }
0x32: {  	[spmem:s3] =	stream.indirect.scatter [tilespmem:s23], [sflag:$0x3], $0x1, s4, s24, $0xb8;
	[tilespmem:$0x6F8] =	vst v63  }
0x33: {  	_ =	swait.ge [sflag:s22], $0x80  }
0x34: {  	[sflag:s22] =	ssyncset.done $0x0  }
0x35: {  	[sflag:s22] =	ssyncadd.s32 $0xFFFFFF80  }
0x36: {  	[tilespmem:s4], [sflag:$0x3] =	stream.linear.gather [hbm4b:s16+s4], $0x80, $0x38;
	[tilespmem:$0x6F8] =	vst v63  }
0x37: {  	_ =	swait.ge [sflag:s22], $0x80  }
0x38: {  	[sflag:s22] =	ssyncset.done $0x0  }
0x39: {  	[sflag:s22] =	ssyncadd.s32 $0xFFFFFF80  }
0x3a: {  	[spmem:s3] =	stream.indirect.scatter [tilespmem:s23], [sflag:$0x3], $0x1, s4, s24, $0xb8;
	[tilespmem:$0x6F8] =	vst v63  }
0x3b: {  	_ =	swait.ge [sflag:s22], $0x80  }
0x3c: {  	[sflag:s22] =	ssyncset.done $0x0  }
0x3d: {  	[sflag:s22] =	ssyncadd.s32 $0xFFFFFF80  }
0x3e: {  	[tilespmem:s4], [sflag:$0x3] =	stream.linear.gather [hbm4b:s17+s4], $0x80, $0x38;
	[tilespmem:$0x6F8] =	vst v63  }
0x3f: {  	_ =	swait.ge [sflag:s22], $0x80  }
0x40: {  	[sflag:s22] =	ssyncset.done $0x0  }
0x41: {  	[sflag:s22] =	ssyncadd.s32 $0xFFFFFF80  }
0x42: {  	[spmem:s3] =	stream.indirect.scatter [tilespmem:s23], [sflag:$0x3], $0x1, s4, s24, $0xb8;
	[tilespmem:$0x6F8] =	vst v63  }
0x43: {  	_ =	swait.ge [sflag:s22], $0x80  }
0x44: {  	[sflag:s22] =	ssyncset.done $0x0  }
0x45: {  	[sflag:s22] =	ssyncadd.s32 $0xFFFFFF80  }
0x46: {  	[bflag:$0x0] =	sbarrier.arrive $0xFFFF  }
0x47: {  	[tilespmem:s4], [sflag:$0x3] =	stream.linear.gather [hbm4b:s6+s4], $0x80, $0x38;
	[tilespmem:$0x6F8] =	vst v63  }
0x48: {  	_ =	swait.ge [sflag:s22], $0x80  }
0x49: {  	[sflag:s22] =	ssyncset.done $0x0  }
0x4a: {  	[sflag:s22] =	ssyncadd.s32 $0xFFFFFF80  }
0x4b: {  	[tilespmem:s24], [sflag:$0x2] =	stream.linear.gather [hbm4b:s7+s4], $0x80, $0x38;
	[tilespmem:$0x6F8] =	vst v63  }
0x4c: {  	_ = 	snop  }
0x4d: {  	[spmem:s3] =	stream.indirect.scatter.add.f32 [tilespmem:s21], [sflag:$0x3], $0x1, s4, s24, $0xb8;
	[tilespmem:$0x6F8] =	vst v63  }
0x4e: {  	p0 =	sle.u32 s18, $0x0;
	_ =	swait.ge [sflag:s22], $0x80  }
0x4f: {  	p1 =	sle.u32 s9, $0x0;
	s28 =	sadd.s32 @!p0 $0xFFFFFFF0, s20;
	[sflag:s22] =	ssyncset.done $0x0  }
0x50: {  	s29 =	simm.s32 @!p0 $0x0;
	s30 =	simm.s32 @!p1 $0x2;
	[sflag:s22] =	ssyncadd.s32 $0xFFFFFF80  }
0x51: {  	[tilespmem:s29], [sflag:$0x1] =	stream.linear.gather @!p0 [hbm4b:s28+s29], $0x80, $0x38;
	[tilespmem:$0x6F8] =	vst v63  }
0x52: {  	_ =	swait.ge @!p1 [sflag:s30], $0x80  }
0x53: {  	s28 =	simm.s32 @!p1 $0x80;
	[sflag:s30] =	ssyncset.done @!p1 $0x0  }
0x54: {  	s29 =	simm.s32 @!p1 $0x100;
	[sflag:s30] =	ssyncadd.s32 @!p1 $0xFFFFFF80;
	s30 =	simm.s32 @!p1 $0x3  }
0x55: {  	[spmem:s3] =	stream.indirect.scatter.add.f32 @!p1 [tilespmem:s29], [sflag:$0x3], $0x1, s28, s28, $0xb8;
	[tilespmem:$0x6F8] =	vst v63  }
0x56: {  	_ =	swait.ge @!p1 [sflag:s30], $0x80  }
0x57: {  	p2 =	sle.u32 @!p1 s19, $0x0;
	[sflag:s30] =	ssyncset.done @!p1 $0x0  }
0x58: {  	p2 =	por p2, p1;
	[sflag:s30] =	ssyncadd.s32 @!p1 $0xFFFFFF80;
	p1 =	sne.s32 s8, $0x2  }
.Ltmp0:
0x59: {  	_ = 	snop;
	(pc) =	sbr.rel @!p1 .LBB2_3-.Ltmp0, $4  }
0x5a: {  	_ = 	snop  }
0x5b: {  	s28 =	simm.s32 @!p2 $0x0;
	s29 =	simm.s32 @!p2 $0x80;
	s30 =	simm.s32 @!p0 $0x1  }
0x5c: {  	[tilespmem:s29], [sflag:$0x2] =	stream.linear.gather @!p2 [hbm4b:s20+s28], $0x80, $0x38;
	[tilespmem:$0x6F8] =	vst v63  }
0x5d: {  	s28 =	simm.s32 $0x2;
	s29 =	smov.u32 s20;
	_ =	swait.ge @!p0 [sflag:s30], $0x80  }
.LBB2_2:
0x5e: {  	[sflag:s30] =	ssyncset.done @!p0 $0x0  }
0x5f: {  	s29 =	sadd.s32 $0x20, s29;
	s31 =	smov.u32 s28;
	s28 =	sadd.s32 $0x2, s28  }
0x60: {  	p1 =	sne.s32 s8, s28;
	[sflag:s30] =	ssyncadd.s32 @!p0 $0xFFFFFF80  }
0x61: {  	[spmem:s3] =	stream.indirect.scatter.add.f32 [tilespmem:s21], [sflag:$0x3], $0x1, s4, s24, $0xb8;
	[tilespmem:$0x6F8] =	vst v63  }
0x62: {  	p0 =	sge.u32 s31, s18;
	p2 =	sge.u32 s31, s9;
	_ =	swait.ge [sflag:s22], $0x80  }
0x63: {  	s30 =	sadd.s32 @!p0 $0xFFFFFFF0, s29;
	s0 =	simm.s32 @!p0 $0x0;
	[sflag:s22] =	ssyncset.done $0x0  }
0x64: {  	s2 =	simm.s32 @!p2 $0x2;
	p3 =	sge.u32 @!p2 s31, s19;
	[sflag:s22] =	ssyncadd.s32 $0xFFFFFF80  }
0x65: {  	[tilespmem:s0], [sflag:$0x1] =	stream.linear.gather @!p0 [hbm4b:s30+s0], $0x80, $0x38;
	[tilespmem:$0x6F8] =	vst v63  }
0x66: {  	p3 =	por p3, p2;
	_ =	swait.ge @!p2 [sflag:s2], $0x80  }
0x67: {  	s0 =	simm.s32 @!p2 $0x80;
	s30 =	simm.s32 @!p2 $0x100;
	[sflag:s2] =	ssyncset.done @!p2 $0x0  }
0x68: {  	[sflag:s2] =	ssyncadd.s32 @!p2 $0xFFFFFF80;
	s2 =	simm.s32 @!p2 $0x3  }
0x69: {  	[spmem:s3] =	stream.indirect.scatter.add.f32 @!p2 [tilespmem:s30], [sflag:$0x3], $0x1, s0, s0, $0xb8;
	[tilespmem:$0x6F8] =	vst v63  }
.Ltmp1:
0x6a: {  	_ =	swait.ge @!p2 [sflag:s2], $0x80;
	(pc) =	sbr.rel @p1 .LBB2_2-.Ltmp1, $4  }
0x6b: {  	s31 =	simm.s32 @!p3 $0x80;
	s0 =	simm.s32 @!p3 $0x0;
	[sflag:s2] =	ssyncset.done @!p2 $0x0  }
0x6c: {  	s30 =	simm.s32 @!p0 $0x1;
	[sflag:s2] =	ssyncadd.s32 @!p2 $0xFFFFFF80  }
0x6d: {  	[tilespmem:s31], [sflag:$0x2] =	stream.linear.gather @!p3 [hbm4b:s29+s0], $0x80, $0x38;
	[tilespmem:$0x6F8] =	vst v63  }
0x6e: {  	_ =	swait.ge @!p0 [sflag:s30], $0x80  }
.LBB2_3:
0x6f: {  	[sflag:s30] =	ssyncset.done @!p0 $0x0  }
0x70: {  	[sflag:s30] =	ssyncadd.s32 @!p0 $0xFFFFFF80  }
0x71: {  	[bflag:$0x0] =	sbarrier.arrive $0xFFFF  }
0x72: {  	[tilespmem:s25], [sflag:$0x3] =	stream.linear.gather [spmem:s10], $0x280, $0x38;
	[tilespmem:$0x6F8] =	vst v63  }
0x73: {  	s26 =	sadd.s32 $0x1, s26;
	_ =	swait.ge [sflag:s22], $0x280  }
0x74: {  	p0 =	sne.s32 s26, s12;
	[sflag:s22] =	ssyncset.done $0x0  }
.Ltmp2:
0x75: {  	[sflag:s22] =	ssyncadd.s32 $0xFFFFFD80;
	(pc) =	sbr.rel @p0 .LBB2_1-.Ltmp2, $4  }
0x76: {  	[hbm4b:s11+s4] =	stream.linear.scatter [tilespmem:s25], [sflag:$0x3], $0x280, $0x38;
	[tilespmem:$0x6F8] =	vst v63  }
0x77: {  	_ =	swait.ge [sflag:s22], $0x280  }
0x78: {  	[sflag:s22] =	ssyncset.done $0x0  }
0x79: {  	[sflag:s22] =	ssyncadd.s32 $0xFFFFFD80  }
0x7a: {  	_ =	sfence.sel $0x180000  }
0x7b: {  	[bflag:$0x0] =	sbarrier.arrive $0xFFFF  }
0x7c: {  	_ =	strace $0x90000047  }
0x7d: {  	s0 =	stileid.u32;
	[bflag:$0x2] =	sbarrier.arrive $0xFFFF  }
0x7e: {  	p0 =	sne.s32 s0, $0x0;
	s0 =	rddreg [dreg:$0x3]  }
0x7f: {  	s0 =	sadd.s32 @!p0 $0x100000, s0  }
0x80: {  	[sflag:s0] =	ssyncadd.tile.s32 @!p0 $0x1;
	_ =	shalt  }
.Lfunc_end2:
_tile_overlayer_lowered:
.L_overlay_start_2:
0x81: {  	(tag) =	ssettag $0x2  }
0x82: {  	s0 =	rddreg [dreg:$0x0];
	s2 =	stileid.u32  }
0x83: {  	s1 =	rddreg [dreg:$0x1];
	p0 =	sne.s32 s2, $0x0  }
0x84: {  	s3 =	rddreg [dreg:$0x2];
	[bflag:$0x3] =	sbarrier.arrive $0xFFFF;
	s2 =	simm.s32 @!p0 $0x1C03  }
0x85: {  	[timem:s3], [sflag:s2] =	dma.local @!p0 [hbm:s0], s1  }
0x86: {  	s0 =	simm.s32 @!p0 $0x3  }
0x87: {  	_ =	swait.ge @!p0 [sflag:s0], s1  }
0x88: {  	s1 =	ssub.s32 @!p0 $0x0, s1;
	[sflag:s0] =	ssyncset.done @!p0 $0x0  }
0x89: {  	[sflag:s0] =	ssyncadd.s32 @!p0 s1  }
0x8a: {  	[bflag:$0x3] =	sbarrier.arrive $0xFFFF  }
0x8b: {  	_ =	shalt  }

</sc_bundles>
